<compile_context>
chip_gen: v7x
topology: tpu7x:2x2x1
jax: 0.10.2.dev20260603
libtpu: 0.0.44.dev20260713+nightly
codegen_flags: <defaults>
</compile_context>

<pallas_src>
import functools

import jax
import jax.numpy as jnp
from jax import lax
from jax.experimental import pallas as pl
from jax.experimental.pallas import tpu as pltpu
from jax.experimental.pallas import tpu_sc as plsc

N = 10000
CIN = 128
NPAD = 10240
E = 320000
NC = 2
NS = 16
NW = NC * NS
CHUNK = 128
CH = 80
EPT = CH * CHUNK
EPAD = NW * EPT
ROWS_PER_TILE = NPAD // NS

_mesh = plsc.VectorSubcoreMesh(
    core_axis_name="c", subcore_axis_name="s", num_cores=NC, num_subcores=NS)


def _fill_rows(ref, nrows, ncolblk, value):
    v = jnp.full((16,), value, dtype=jnp.float32)

    def row(i, carry):
        for cb in range(ncolblk):
            ref[i, pl.ds(cb * 16, 16)] = v
        return carry

    lax.fori_loop(0, nrows, row, 0)



def _copy_out_rows(acc_sh, out_hbm, c, s):
    base = pl.multiple_of(s * 624, 8)

    @pl.when(s < NS - 1)
    def _():
        pltpu.sync_copy(acc_sh.at[pl.ds(base, 624)],
                        out_hbm.at[c, pl.ds(base, 624)])

    @pl.when(s == NS - 1)
    def _():
        pltpu.sync_copy(acc_sh.at[pl.ds(15 * 624, N - 15 * 624)],
                        out_hbm.at[c, pl.ds(15 * 624, N - 15 * 624)])


@functools.partial(
    pl.kernel,
    mesh=_mesh,
    out_type=jax.ShapeDtypeStruct((NC, N, CIN), jnp.float32),
    scratch_types=[
        pltpu.VMEM((CH, CHUNK), jnp.int32),
        pltpu.VMEM((CHUNK, CIN), jnp.float32),
        pltpu.VMEM((CHUNK, CIN), jnp.float32),
        pltpu.VMEM_SHARED((NPAD, CIN), jnp.float32),
        pltpu.SemaphoreType.DMA,
    ],
)
def _deg_kernel(dst_hbm, deg_hbm, dstv, ones_v, zeros_v, acc_sh, semz):
    c = lax.axis_index("c")
    s = lax.axis_index("s")
    w = c * NS + s

    _fill_rows(ones_v, CHUNK, CIN // 16, 1.0)
    _fill_rows(zeros_v, CHUNK, CIN // 16, 0.0)
    for k in range(ROWS_PER_TILE // CHUNK):
        pltpu.async_copy(
            zeros_v, acc_sh.at[pl.ds(s * ROWS_PER_TILE + k * CHUNK, CHUNK)],
            semz)
    pltpu.sync_copy(dst_hbm.at[w], dstv)
    for k in range(ROWS_PER_TILE // CHUNK):
        pltpu.make_async_copy(
            zeros_v, acc_sh.at[pl.ds(s * ROWS_PER_TILE + k * CHUNK, CHUNK)],
            semz).wait()
    plsc.subcore_barrier()

    def body(j, carry):
        pltpu.async_copy(ones_v, acc_sh.at[dstv.at[j]], semz, add=True)
        return carry

    lax.fori_loop(0, CH, body, 0)

    def drain(j, carry):
        pltpu.make_async_copy(ones_v, acc_sh.at[dstv.at[j]], semz).wait()
        return carry

    lax.fori_loop(0, CH, drain, 0)
    plsc.subcore_barrier()

    _copy_out_rows(acc_sh, deg_hbm, c, s)


GRP = 8
NGRP = CH // GRP


@functools.partial(
    pl.kernel,
    mesh=_mesh,
    out_type=jax.ShapeDtypeStruct((NC, N, CIN), jnp.float32),
    scratch_types=[
        pltpu.VMEM((GRP, CHUNK), jnp.int32),
        pltpu.VMEM((GRP, CHUNK), jnp.int32),
        pltpu.VMEM((GRP, CHUNK), jnp.int32),
        pltpu.VMEM((GRP, CHUNK), jnp.int32),
        pltpu.VMEM((CHUNK, CIN), jnp.float32),
        pltpu.VMEM((CHUNK, CIN), jnp.float32),
        pltpu.VMEM_SHARED((NPAD, CIN), jnp.float32),
        pltpu.SemaphoreType.DMA,
        pltpu.SemaphoreType.DMA,
        pltpu.SemaphoreType.DMA,
        pltpu.SemaphoreType.DMA,
    ],
)
def _spmm_kernel(y_hbm, src_hbm, dst_hbm, out_hbm, srcA, dstA, srcB, dstB,
                 rows0, rows1, acc_sh, sem0, sem1, semA, semB):
    c = lax.axis_index("c")
    s = lax.axis_index("s")
    w = c * NS + s

    _fill_rows(rows0, CHUNK, CIN // 16, 0.0)
    for k in range(ROWS_PER_TILE // CHUNK):
        pltpu.async_copy(
            rows0, acc_sh.at[pl.ds(s * ROWS_PER_TILE + k * CHUNK, CHUNK)],
            semA)
    pltpu.sync_copy(src_hbm.at[w, pl.ds(0, GRP)], srcA)
    pltpu.sync_copy(dst_hbm.at[w, pl.ds(0, GRP)], dstA)
    pltpu.async_copy(src_hbm.at[w, pl.ds(GRP, GRP)], srcB, semB)
    pltpu.async_copy(dst_hbm.at[w, pl.ds(GRP, GRP)], dstB, semB)
    for k in range(ROWS_PER_TILE // CHUNK):
        pltpu.make_async_copy(
            rows0, acc_sh.at[pl.ds(s * ROWS_PER_TILE + k * CHUNK, CHUNK)],
            semA).wait()
    pltpu.async_copy(y_hbm.at[srcA.at[0]], rows0, sem0)
    plsc.subcore_barrier()

    def _wait_idx(sC, dC, g, sem):
        pltpu.make_async_copy(src_hbm.at[w, pl.ds(g * GRP, GRP)], sC, sem).wait()
        pltpu.make_async_copy(dst_hbm.at[w, pl.ds(g * GRP, GRP)], dC, sem).wait()

    def _group(i, sC, dC, sN, dN, semN, last):
        for k in range(0, GRP, 2):
            pltpu.async_copy(y_hbm.at[sC.at[k + 1]], rows1, sem1)
            pltpu.make_async_copy(y_hbm.at[sC.at[k]], rows0, sem0).wait()
            pltpu.sync_copy(rows0, acc_sh.at[dC.at[k]], add=True)
            if k + 2 < GRP:
                pltpu.async_copy(y_hbm.at[sC.at[k + 2]], rows0, sem0)
            elif last is None:
                _wait_idx(sN, dN, 0, semN)
                pltpu.async_copy(y_hbm.at[sN.at[0]], rows0, sem0)
            else:

                @pl.when(i < last)
                def _():
                    _wait_idx(sN, dN, 0, semN)
                    pltpu.async_copy(y_hbm.at[sN.at[0]], rows0, sem0)

            pltpu.make_async_copy(y_hbm.at[sC.at[k + 1]], rows1, sem1).wait()
            pltpu.sync_copy(rows1, acc_sh.at[dC.at[k + 1]], add=True)

    def body(i, carry):
        _group(i, srcA, dstA, srcB, dstB, semB, None)

        @pl.when(i < NGRP // 2 - 1)
        def _():
            g = (i + 1) * 2
            pltpu.async_copy(src_hbm.at[w, pl.ds(g * GRP, GRP)], srcA, semA)
            pltpu.async_copy(dst_hbm.at[w, pl.ds(g * GRP, GRP)], dstA, semA)

        _group(i, srcB, dstB, srcA, dstA, semA, NGRP // 2 - 1)

        @pl.when(i < NGRP // 2 - 1)
        def _():
            g = (i + 1) * 2 + 1
            pltpu.async_copy(src_hbm.at[w, pl.ds(g * GRP, GRP)], srcB, semB)
            pltpu.async_copy(dst_hbm.at[w, pl.ds(g * GRP, GRP)], dstB, semB)

        return carry

    lax.fori_loop(0, NGRP // 2, body, 0)
    plsc.subcore_barrier()

    _copy_out_rows(acc_sh, out_hbm, c, s)


def _prescale_body(degp_ref, x_ref, dis_ref, y_ref):
    deg = degp_ref[0, :, 0:1] + degp_ref[1, :, 0:1] + 1.0
    dis = lax.rsqrt(deg)
    dis_ref[...] = dis
    y_ref[...] = x_ref[...] * dis


def _layer1_body(parts_ref, y_ref, dis_ref, w_ref, b_ref, y2_ref):
    dis = dis_ref[...]
    z = (parts_ref[0] + parts_ref[1] + y_ref[...]) * dis
    h = jnp.dot(z, w_ref[...], preferred_element_type=jnp.float32) + b_ref[...]
    y2_ref[...] = jnp.maximum(h, 0.0) * dis


def _layer2_body(parts_ref, y_ref, dis_ref, w_ref, b_ref, wl_ref, bl_ref,
                 out_ref):
    dis = dis_ref[...]
    z = (parts_ref[0] + parts_ref[1] + y_ref[...]) * dis
    h = jnp.dot(z, w_ref[...], preferred_element_type=jnp.float32) + b_ref[...]
    h = jnp.maximum(h, 0.0)
    out_ref[...] = (jnp.dot(h, wl_ref[...], preferred_element_type=jnp.float32)
                    + bl_ref[...])


_BM = 1000
_GRID = N // _BM


def _tc_prescale(degp, xpad):
    return pl.pallas_call(
        _prescale_body,
        grid=(_GRID,),
        in_specs=[
            pl.BlockSpec((NC, _BM, CIN), lambda i: (0, i, 0)),
            pl.BlockSpec((_BM, CIN), lambda i: (i, 0)),
        ],
        out_specs=[
            pl.BlockSpec((_BM, 1), lambda i: (i, 0)),
            pl.BlockSpec((_BM, CIN), lambda i: (i, 0)),
        ],
        out_shape=[
            jax.ShapeDtypeStruct((N, 1), jnp.float32),
            jax.ShapeDtypeStruct((N, CIN), jnp.float32),
        ],
    )(degp, xpad)


def _tc_layer1(parts, y, dis, W, b):
    return pl.pallas_call(
        _layer1_body,
        grid=(_GRID,),
        in_specs=[
            pl.BlockSpec((NC, _BM, CIN), lambda i: (0, i, 0)),
            pl.BlockSpec((_BM, CIN), lambda i: (i, 0)),
            pl.BlockSpec((_BM, 1), lambda i: (i, 0)),
            pl.BlockSpec((CIN, CIN), lambda i: (0, 0)),
            pl.BlockSpec((1, CIN), lambda i: (0, 0)),
        ],
        out_specs=pl.BlockSpec((_BM, CIN), lambda i: (i, 0)),
        out_shape=jax.ShapeDtypeStruct((N, CIN), jnp.float32),
    )(parts, y, dis, W, b)


def _tc_layer2(parts, y, dis, W, b, Wl, bl):
    return pl.pallas_call(
        _layer2_body,
        grid=(_GRID,),
        in_specs=[
            pl.BlockSpec((NC, _BM, CIN), lambda i: (0, i, 0)),
            pl.BlockSpec((_BM, CIN), lambda i: (i, 0)),
            pl.BlockSpec((_BM, 1), lambda i: (i, 0)),
            pl.BlockSpec((CIN, CIN), lambda i: (0, 0)),
            pl.BlockSpec((1, CIN), lambda i: (0, 0)),
            pl.BlockSpec((CIN, CIN), lambda i: (0, 0)),
            pl.BlockSpec((1, CIN), lambda i: (0, 0)),
        ],
        out_specs=pl.BlockSpec((_BM, CIN), lambda i: (i, 0)),
        out_shape=jax.ShapeDtypeStruct((N, CIN), jnp.float32),
    )(parts, y, dis, W, b, Wl, bl)


def kernel(x, edge_index, W1, b1, W2, b2, Wl, bl):
    ei = edge_index.astype(jnp.int32)
    npad = EPAD - E
    pad_src = jnp.arange(npad, dtype=jnp.int32) % N
    pad_dst = N + (jnp.arange(npad, dtype=jnp.int32) % (NPAD - N))
    src3 = jnp.concatenate([ei[0], pad_src]).reshape(NW, CH, CHUNK)
    dst3 = jnp.concatenate([ei[1], pad_dst]).reshape(NW, CH, CHUNK)

    degp = _deg_kernel(dst3)
    dis, y1 = _tc_prescale(degp, x)
    p1 = _spmm_kernel(y1, src3, dst3)
    y2 = _tc_layer1(p1, y1, dis, W1, b1.reshape(1, CIN))
    p2 = _spmm_kernel(y2, src3, dst3)
    return _tc_layer2(p2, y2, dis, W2, b2.reshape(1, CIN), Wl,
                      bl.reshape(1, CIN))

# --- scband reference (transcript-rebuilt; emitter-appended) ---
"""Pipeline reference for scband-play-gnn-46583215292453 (READ-ONLY COPY).

The authoritative reference and input builder live on the scoring server;
editing this copy changes nothing except your own understanding.
"""

import jax, jax.numpy as jnp
import numpy as np

N_NODES = 10000
N_EDGES = 320000
IN_CH = 128
HID_CH = 128
OUT_CH = 128


def gcn_conv(x, edge_index, W, b, num_nodes):
    # x' = D^{-1/2} (A + I) D^{-1/2} (X W) + b   (PyG GCNConv semantics)
    xw = x @ W
    src = edge_index[0]
    dst = edge_index[1]
    loop = jnp.arange(num_nodes, dtype=edge_index.dtype)
    src = jnp.concatenate([src, loop])
    dst = jnp.concatenate([dst, loop])
    ones = jnp.ones(src.shape[0], dtype=xw.dtype)
    deg = jax.ops.segment_sum(ones, dst, num_segments=num_nodes)
    deg_inv_sqrt = jnp.where(deg > 0, jax.lax.rsqrt(deg), 0.0)
    norm = deg_inv_sqrt[src] * deg_inv_sqrt[dst]
    msg = xw[src] * norm[:, None]
    out = jax.ops.segment_sum(msg, dst, num_segments=num_nodes)
    return out + b


def setup_inputs(seed: int = 0) -> dict:
    key = jax.random.key(seed)
    ks = jax.random.split(key, 8)
    x = jax.random.normal(ks[0], (N_NODES, IN_CH), dtype=jnp.float32)
    edge_index = jax.random.randint(ks[1], (2, N_EDGES), 0, N_NODES, dtype=jnp.int64)
    s1 = 1.0 / np.sqrt(IN_CH)
    s2 = 1.0 / np.sqrt(HID_CH)
    W1 = jax.random.uniform(ks[2], (IN_CH, HID_CH), jnp.float32, -s1, s1)
    b1 = jnp.zeros((HID_CH,), dtype=jnp.float32)
    W2 = jax.random.uniform(ks[3], (HID_CH, HID_CH), jnp.float32, -s2, s2)
    b2 = jnp.zeros((HID_CH,), dtype=jnp.float32)
    Wl = jax.random.uniform(ks[4], (HID_CH, OUT_CH), jnp.float32, -s2, s2)
    bl = jax.random.uniform(ks[5], (OUT_CH,), jnp.float32, -s2, s2)
    return {"x": x, "edge_index": edge_index, "W1": W1, "b1": b1, "W2": W2, "b2": b2, "Wl": Wl, "bl": bl}


def reference(x, edge_index, W1, b1, W2, b2, Wl, bl):
    num_nodes = x.shape[0]
    h = jax.nn.relu(gcn_conv(x, edge_index, W1, b1, num_nodes))
    h = jax.nn.relu(gcn_conv(h, edge_index, W2, b2, num_nodes))
    return h @ Wl + bl

if __name__ == "__main__":
    import jax
    _d = setup_inputs()
    print(jax.jit(kernel)(*tuple(_d.values())))

</pallas_src>

<mosaic_0001>
#map = affine_map<(d0, d1) -> (0, 0, 0)>
module attributes {stable_mosaic.version = 14 : i64} {
  func.func @_deg_kernel(%arg0: i32, %arg1: i32, %arg2: memref<32x80x128xi32, #tpu.memory_space<hbm>>, %arg3: memref<2x10000x128xf32, #tpu.memory_space<hbm>>, %arg4: memref<80x128xi32, #tpu.memory_space<vmem>>, %arg5: memref<128x128xf32, #tpu.memory_space<vmem>>, %arg6: memref<128x128xf32, #tpu.memory_space<vmem>>, %arg7: memref<10240x128xf32, #tpu.memory_space<vmem_shared>>, %arg8: memref<!tpu.dma_semaphore, #tpu.memory_space<semaphore_mem>>) attributes {dimension_semantics = [#tpu.dimension_semantics<core_parallel>, #tpu.dimension_semantics<subcore_parallel>], iteration_bounds = array<i64: 2, 16>, scalar_prefetch = 0 : i64, scratch_operands = 5 : i64, tpu.core_type = #tpu.core_type<sc_vector_subcore>, window_params = [{transform_indices = #map}, {transform_indices = #map}]} {
    %mul3A = arith.constant 16 : i32
    %mul3A_0 = arith.muli %arg0, %mul3A : i32
    %add3A = arith.addi %mul3A_0, %arg1 : i32
    %broadcast_in_dim3A = arith.constant 1.000000e+00 : f32
    %broadcast_in_dim3A_1 = vector.broadcast %broadcast_in_dim3A : f32 to vector<16xf32>
    %scan3A = arith.constant 0 : i32
    %scan3A_2 = arith.constant 0 : i32
    %scan3A_3 = arith.constant 128 : i32
    %scan3A_4 = arith.addi %scan3A_2, %scan3A_3 : i32
    %scan3A_5 = arith.constant 1 : i32
    scf.for %scan3A_114 = %scan3A_2 to %scan3A_4 step %scan3A_5  : i32 {
      %swap3A = arith.index_cast %scan3A_114 : i32 to index
      %swap3A_115 = arith.constant 0 : index
      %swap3A_116 = tpu.vector_load %arg5[%swap3A, %swap3A_115] {strides = array<i32>} : memref<128x128xf32, #tpu.memory_space<vmem>>, vector<1x16xf32>,
      %swap3A_117 = vector.shape_cast %swap3A_116 : vector<1x16xf32> to vector<16xf32>
      %swap3A_118 = vector.shape_cast %broadcast_in_dim3A_1 : vector<16xf32> to vector<1x16xf32>
      tpu.vector_store %arg5[%swap3A, %swap3A_115], %swap3A_118 {strides = array<i32>} : memref<128x128xf32, #tpu.memory_space<vmem>>, vector<1x16xf32>,
      %swap3A_119 = arith.index_cast %scan3A_114 : i32 to index
      %swap3A_120 = arith.constant 16 : index
      %swap3A_121 = tpu.vector_load %arg5[%swap3A_119, %swap3A_120] {strides = array<i32>} : memref<128x128xf32, #tpu.memory_space<vmem>>, vector<1x16xf32>,
      %swap3A_122 = vector.shape_cast %swap3A_121 : vector<1x16xf32> to vector<16xf32>
      %swap3A_123 = vector.shape_cast %broadcast_in_dim3A_1 : vector<16xf32> to vector<1x16xf32>
      tpu.vector_store %arg5[%swap3A_119, %swap3A_120], %swap3A_123 {strides = array<i32>} : memref<128x128xf32, #tpu.memory_space<vmem>>, vector<1x16xf32>,
      %swap3A_124 = arith.index_cast %scan3A_114 : i32 to index
      %swap3A_125 = arith.constant 32 : index
      %swap3A_126 = tpu.vector_load %arg5[%swap3A_124, %swap3A_125] {strides = array<i32>} : memref<128x128xf32, #tpu.memory_space<vmem>>, vector<1x16xf32>,
      %swap3A_127 = vector.shape_cast %swap3A_126 : vector<1x16xf32> to vector<16xf32>
      %swap3A_128 = vector.shape_cast %broadcast_in_dim3A_1 : vector<16xf32> to vector<1x16xf32>
      tpu.vector_store %arg5[%swap3A_124, %swap3A_125], %swap3A_128 {strides = array<i32>} : memref<128x128xf32, #tpu.memory_space<vmem>>, vector<1x16xf32>,
      %swap3A_129 = arith.index_cast %scan3A_114 : i32 to index
      %swap3A_130 = arith.constant 48 : index
      %swap3A_131 = tpu.vector_load %arg5[%swap3A_129, %swap3A_130] {strides = array<i32>} : memref<128x128xf32, #tpu.memory_space<vmem>>, vector<1x16xf32>,
      %swap3A_132 = vector.shape_cast %swap3A_131 : vector<1x16xf32> to vector<16xf32>
      %swap3A_133 = vector.shape_cast %broadcast_in_dim3A_1 : vector<16xf32> to vector<1x16xf32>
      tpu.vector_store %arg5[%swap3A_129, %swap3A_130], %swap3A_133 {strides = array<i32>} : memref<128x128xf32, #tpu.memory_space<vmem>>, vector<1x16xf32>,
      %swap3A_134 = arith.index_cast %scan3A_114 : i32 to index
      %swap3A_135 = arith.constant 64 : index
      %swap3A_136 = tpu.vector_load %arg5[%swap3A_134, %swap3A_135] {strides = array<i32>} : memref<128x128xf32, #tpu.memory_space<vmem>>, vector<1x16xf32>,
      %swap3A_137 = vector.shape_cast %swap3A_136 : vector<1x16xf32> to vector<16xf32>
      %swap3A_138 = vector.shape_cast %broadcast_in_dim3A_1 : vector<16xf32> to vector<1x16xf32>
      tpu.vector_store %arg5[%swap3A_134, %swap3A_135], %swap3A_138 {strides = array<i32>} : memref<128x128xf32, #tpu.memory_space<vmem>>, vector<1x16xf32>,
      %swap3A_139 = arith.index_cast %scan3A_114 : i32 to index
      %swap3A_140 = arith.constant 80 : index
      %swap3A_141 = tpu.vector_load %arg5[%swap3A_139, %swap3A_140] {strides = array<i32>} : memref<128x128xf32, #tpu.memory_space<vmem>>, vector<1x16xf32>,
      %swap3A_142 = vector.shape_cast %swap3A_141 : vector<1x16xf32> to vector<16xf32>
      %swap3A_143 = vector.shape_cast %broadcast_in_dim3A_1 : vector<16xf32> to vector<1x16xf32>
      tpu.vector_store %arg5[%swap3A_139, %swap3A_140], %swap3A_143 {strides = array<i32>} : memref<128x128xf32, #tpu.memory_space<vmem>>, vector<1x16xf32>,
      %swap3A_144 = arith.index_cast %scan3A_114 : i32 to index
      %swap3A_145 = arith.constant 96 : index
      %swap3A_146 = tpu.vector_load %arg5[%swap3A_144, %swap3A_145] {strides = array<i32>} : memref<128x128xf32, #tpu.memory_space<vmem>>, vector<1x16xf32>,
      %swap3A_147 = vector.shape_cast %swap3A_146 : vector<1x16xf32> to vector<16xf32>
      %swap3A_148 = vector.shape_cast %broadcast_in_dim3A_1 : vector<16xf32> to vector<1x16xf32>
      tpu.vector_store %arg5[%swap3A_144, %swap3A_145], %swap3A_148 {strides = array<i32>} : memref<128x128xf32, #tpu.memory_space<vmem>>, vector<1x16xf32>,
      %swap3A_149 = arith.index_cast %scan3A_114 : i32 to index
      %swap3A_150 = arith.constant 112 : index
      %swap3A_151 = tpu.vector_load %arg5[%swap3A_149, %swap3A_150] {strides = array<i32>} : memref<128x128xf32, #tpu.memory_space<vmem>>, vector<1x16xf32>,
      %swap3A_152 = vector.shape_cast %swap3A_151 : vector<1x16xf32> to vector<16xf32>
      %swap3A_153 = vector.shape_cast %broadcast_in_dim3A_1 : vector<16xf32> to vector<1x16xf32>
      tpu.vector_store %arg5[%swap3A_149, %swap3A_150], %swap3A_153 {strides = array<i32>} : memref<128x128xf32, #tpu.memory_space<vmem>>, vector<1x16xf32>,
    }
    %scan3A_6 = arith.constant 128 : i32
    %broadcast_in_dim3A_7 = arith.constant 0.000000e+00 : f32
    %broadcast_in_dim3A_8 = vector.broadcast %broadcast_in_dim3A_7 : f32 to vector<16xf32>
    %scan3A_9 = arith.constant 0 : i32
    %scan3A_10 = arith.constant 0 : i32
    %scan3A_11 = arith.constant 128 : i32
    %scan3A_12 = arith.addi %scan3A_10, %scan3A_11 : i32
    %scan3A_13 = arith.constant 1 : i32
    scf.for %scan3A_114 = %scan3A_10 to %scan3A_12 step %scan3A_13  : i32 {
      %swap3A = arith.index_cast %scan3A_114 : i32 to index
      %swap3A_115 = arith.constant 0 : index
      %swap3A_116 = tpu.vector_load %arg6[%swap3A, %swap3A_115] {strides = array<i32>} : memref<128x128xf32, #tpu.memory_space<vmem>>, vector<1x16xf32>,
      %swap3A_117 = vector.shape_cast %swap3A_116 : vector<1x16xf32> to vector<16xf32>
      %swap3A_118 = vector.shape_cast %broadcast_in_dim3A_8 : vector<16xf32> to vector<1x16xf32>
      tpu.vector_store %arg6[%swap3A, %swap3A_115], %swap3A_118 {strides = array<i32>} : memref<128x128xf32, #tpu.memory_space<vmem>>, vector<1x16xf32>,
      %swap3A_119 = arith.index_cast %scan3A_114 : i32 to index
      %swap3A_120 = arith.constant 16 : index
      %swap3A_121 = tpu.vector_load %arg6[%swap3A_119, %swap3A_120] {strides = array<i32>} : memref<128x128xf32, #tpu.memory_space<vmem>>, vector<1x16xf32>,
      %swap3A_122 = vector.shape_cast %swap3A_121 : vector<1x16xf32> to vector<16xf32>
      %swap3A_123 = vector.shape_cast %broadcast_in_dim3A_8 : vector<16xf32> to vector<1x16xf32>
      tpu.vector_store %arg6[%swap3A_119, %swap3A_120], %swap3A_123 {strides = array<i32>} : memref<128x128xf32, #tpu.memory_space<vmem>>, vector<1x16xf32>,
      %swap3A_124 = arith.index_cast %scan3A_114 : i32 to index
      %swap3A_125 = arith.constant 32 : index
      %swap3A_126 = tpu.vector_load %arg6[%swap3A_124, %swap3A_125] {strides = array<i32>} : memref<128x128xf32, #tpu.memory_space<vmem>>, vector<1x16xf32>,
      %swap3A_127 = vector.shape_cast %swap3A_126 : vector<1x16xf32> to vector<16xf32>
      %swap3A_128 = vector.shape_cast %broadcast_in_dim3A_8 : vector<16xf32> to vector<1x16xf32>
      tpu.vector_store %arg6[%swap3A_124, %swap3A_125], %swap3A_128 {strides = array<i32>} : memref<128x128xf32, #tpu.memory_space<vmem>>, vector<1x16xf32>,
      %swap3A_129 = arith.index_cast %scan3A_114 : i32 to index
      %swap3A_130 = arith.constant 48 : index
      %swap3A_131 = tpu.vector_load %arg6[%swap3A_129, %swap3A_130] {strides = array<i32>} : memref<128x128xf32, #tpu.memory_space<vmem>>, vector<1x16xf32>,
      %swap3A_132 = vector.shape_cast %swap3A_131 : vector<1x16xf32> to vector<16xf32>
      %swap3A_133 = vector.shape_cast %broadcast_in_dim3A_8 : vector<16xf32> to vector<1x16xf32>
      tpu.vector_store %arg6[%swap3A_129, %swap3A_130], %swap3A_133 {strides = array<i32>} : memref<128x128xf32, #tpu.memory_space<vmem>>, vector<1x16xf32>,
      %swap3A_134 = arith.index_cast %scan3A_114 : i32 to index
      %swap3A_135 = arith.constant 64 : index
      %swap3A_136 = tpu.vector_load %arg6[%swap3A_134, %swap3A_135] {strides = array<i32>} : memref<128x128xf32, #tpu.memory_space<vmem>>, vector<1x16xf32>,
      %swap3A_137 = vector.shape_cast %swap3A_136 : vector<1x16xf32> to vector<16xf32>
      %swap3A_138 = vector.shape_cast %broadcast_in_dim3A_8 : vector<16xf32> to vector<1x16xf32>
      tpu.vector_store %arg6[%swap3A_134, %swap3A_135], %swap3A_138 {strides = array<i32>} : memref<128x128xf32, #tpu.memory_space<vmem>>, vector<1x16xf32>,
      %swap3A_139 = arith.index_cast %scan3A_114 : i32 to index
      %swap3A_140 = arith.constant 80 : index
      %swap3A_141 = tpu.vector_load %arg6[%swap3A_139, %swap3A_140] {strides = array<i32>} : memref<128x128xf32, #tpu.memory_space<vmem>>, vector<1x16xf32>,
      %swap3A_142 = vector.shape_cast %swap3A_141 : vector<1x16xf32> to vector<16xf32>
      %swap3A_143 = vector.shape_cast %broadcast_in_dim3A_8 : vector<16xf32> to vector<1x16xf32>
      tpu.vector_store %arg6[%swap3A_139, %swap3A_140], %swap3A_143 {strides = array<i32>} : memref<128x128xf32, #tpu.memory_space<vmem>>, vector<1x16xf32>,
      %swap3A_144 = arith.index_cast %scan3A_114 : i32 to index
      %swap3A_145 = arith.constant 96 : index
      %swap3A_146 = tpu.vector_load %arg6[%swap3A_144, %swap3A_145] {strides = array<i32>} : memref<128x128xf32, #tpu.memory_space<vmem>>, vector<1x16xf32>,
      %swap3A_147 = vector.shape_cast %swap3A_146 : vector<1x16xf32> to vector<16xf32>
      %swap3A_148 = vector.shape_cast %broadcast_in_dim3A_8 : vector<16xf32> to vector<1x16xf32>
      tpu.vector_store %arg6[%swap3A_144, %swap3A_145], %swap3A_148 {strides = array<i32>} : memref<128x128xf32, #tpu.memory_space<vmem>>, vector<1x16xf32>,
      %swap3A_149 = arith.index_cast %scan3A_114 : i32 to index
      %swap3A_150 = arith.constant 112 : index
      %swap3A_151 = tpu.vector_load %arg6[%swap3A_149, %swap3A_150] {strides = array<i32>} : memref<128x128xf32, #tpu.memory_space<vmem>>, vector<1x16xf32>,
      %swap3A_152 = vector.shape_cast %swap3A_151 : vector<1x16xf32> to vector<16xf32>
      %swap3A_153 = vector.shape_cast %broadcast_in_dim3A_8 : vector<16xf32> to vector<1x16xf32>
      tpu.vector_store %arg6[%swap3A_149, %swap3A_150], %swap3A_153 {strides = array<i32>} : memref<128x128xf32, #tpu.memory_space<vmem>>, vector<1x16xf32>,
    }
    %scan3A_14 = arith.constant 128 : i32
    %mul3A_15 = arith.constant 640 : i32
    %mul3A_16 = arith.muli %arg1, %mul3A_15 : i32
    %add3A_17 = arith.constant 0 : i32
    %add3A_18 = arith.addi %mul3A_16, %add3A_17 : i32
    %dma_start3A = arith.constant 0 : i32
    %dma_start3A_19 = tpu.memref_slice %arg7[%add3A_18, %dma_start3A] : memref<10240x128xf32, #tpu.memory_space<vmem_shared>> -> memref<128x128xf32, #tpu.memory_space<vmem_shared>>
    %dma_start3A_20 = arith.constant 0 : i32
    %dma_start3A_21 = tpu.memref_slice %arg7[%add3A_18, %dma_start3A_20] : memref<10240x128xf32, #tpu.memory_space<vmem_shared>> -> memref<128x128xf32, #tpu.memory_space<vmem_shared>>
    tpu.enqueue_dma source(%arg6 : memref<128x128xf32, #tpu.memory_space<vmem>>) target(%dma_start3A_21 : memref<128x128xf32, #tpu.memory_space<vmem_shared>>) target_semaphore(%arg8 : memref<!tpu.dma_semaphore, #tpu.memory_space<semaphore_mem>>)
    %mul3A_22 = arith.constant 640 : i32
    %mul3A_23 = arith.muli %arg1, %mul3A_22 : i32
    %add3A_24 = arith.constant 128 : i32
    %add3A_25 = arith.addi %mul3A_23, %add3A_24 : i32
    %dma_start3A_26 = arith.constant 0 : i32
    %dma_start3A_27 = tpu.memref_slice %arg7[%add3A_25, %dma_start3A_26] : memref<10240x128xf32, #tpu.memory_space<vmem_shared>> -> memref<128x128xf32, #tpu.memory_space<vmem_shared>>
    %dma_start3A_28 = arith.constant 0 : i32
    %dma_start3A_29 = tpu.memref_slice %arg7[%add3A_25, %dma_start3A_28] : memref<10240x128xf32, #tpu.memory_space<vmem_shared>> -> memref<128x128xf32, #tpu.memory_space<vmem_shared>>
    tpu.enqueue_dma source(%arg6 : memref<128x128xf32, #tpu.memory_space<vmem>>) target(%dma_start3A_29 : memref<128x128xf32, #tpu.memory_space<vmem_shared>>) target_semaphore(%arg8 : memref<!tpu.dma_semaphore, #tpu.memory_space<semaphore_mem>>)
    %mul3A_30 = arith.constant 640 : i32
    %mul3A_31 = arith.muli %arg1, %mul3A_30 : i32
    %add3A_32 = arith.constant 256 : i32
    %add3A_33 = arith.addi %mul3A_31, %add3A_32 : i32
    %dma_start3A_34 = arith.constant 0 : i32
    %dma_start3A_35 = tpu.memref_slice %arg7[%add3A_33, %dma_start3A_34] : memref<10240x128xf32, #tpu.memory_space<vmem_shared>> -> memref<128x128xf32, #tpu.memory_space<vmem_shared>>
    %dma_start3A_36 = arith.constant 0 : i32
    %dma_start3A_37 = tpu.memref_slice %arg7[%add3A_33, %dma_start3A_36] : memref<10240x128xf32, #tpu.memory_space<vmem_shared>> -> memref<128x128xf32, #tpu.memory_space<vmem_shared>>
    tpu.enqueue_dma source(%arg6 : memref<128x128xf32, #tpu.memory_space<vmem>>) target(%dma_start3A_37 : memref<128x128xf32, #tpu.memory_space<vmem_shared>>) target_semaphore(%arg8 : memref<!tpu.dma_semaphore, #tpu.memory_space<semaphore_mem>>)
    %mul3A_38 = arith.constant 640 : i32
    %mul3A_39 = arith.muli %arg1, %mul3A_38 : i32
    %add3A_40 = arith.constant 384 : i32
    %add3A_41 = arith.addi %mul3A_39, %add3A_40 : i32
    %dma_start3A_42 = arith.constant 0 : i32
    %dma_start3A_43 = tpu.memref_slice %arg7[%add3A_41, %dma_start3A_42] : memref<10240x128xf32, #tpu.memory_space<vmem_shared>> -> memref<128x128xf32, #tpu.memory_space<vmem_shared>>
    %dma_start3A_44 = arith.constant 0 : i32
    %dma_start3A_45 = tpu.memref_slice %arg7[%add3A_41, %dma_start3A_44] : memref<10240x128xf32, #tpu.memory_space<vmem_shared>> -> memref<128x128xf32, #tpu.memory_space<vmem_shared>>
    tpu.enqueue_dma source(%arg6 : memref<128x128xf32, #tpu.memory_space<vmem>>) target(%dma_start3A_45 : memref<128x128xf32, #tpu.memory_space<vmem_shared>>) target_semaphore(%arg8 : memref<!tpu.dma_semaphore, #tpu.memory_space<semaphore_mem>>)
    %mul3A_46 = arith.constant 640 : i32
    %mul3A_47 = arith.muli %arg1, %mul3A_46 : i32
    %add3A_48 = arith.constant 512 : i32
    %add3A_49 = arith.addi %mul3A_47, %add3A_48 : i32
    %dma_start3A_50 = arith.constant 0 : i32
    %dma_start3A_51 = tpu.memref_slice %arg7[%add3A_49, %dma_start3A_50] : memref<10240x128xf32, #tpu.memory_space<vmem_shared>> -> memref<128x128xf32, #tpu.memory_space<vmem_shared>>
    %dma_start3A_52 = arith.constant 0 : i32
    %dma_start3A_53 = tpu.memref_slice %arg7[%add3A_49, %dma_start3A_52] : memref<10240x128xf32, #tpu.memory_space<vmem_shared>> -> memref<128x128xf32, #tpu.memory_space<vmem_shared>>
    tpu.enqueue_dma source(%arg6 : memref<128x128xf32, #tpu.memory_space<vmem>>) target(%dma_start3A_53 : memref<128x128xf32, #tpu.memory_space<vmem_shared>>) target_semaphore(%arg8 : memref<!tpu.dma_semaphore, #tpu.memory_space<semaphore_mem>>)
    "tpu.region"() ({
      %run_scoped3A = tpu.sem_alloc : memref<!tpu.dma_semaphore, #tpu.memory_space<semaphore_mem>>
      %dma_start3A_114 = arith.constant 0 : i32
      %dma_start3A_115 = arith.constant 0 : i32
      %dma_start3A_116 = tpu.memref_slice %arg2[%add3A, %dma_start3A_114, %dma_start3A_115] : memref<32x80x128xi32, #tpu.memory_space<hbm>> -> memref<1x80x128xi32, #tpu.memory_space<hbm>>
      %dma_start3A_117 = tpu.memref_squeeze %dma_start3A_116 : memref<1x80x128xi32, #tpu.memory_space<hbm>> -> memref<80x128xi32, #tpu.memory_space<hbm>>
      %dma_start3A_118 = arith.constant 0 : i32
      %dma_start3A_119 = arith.constant 0 : i32
      %dma_start3A_120 = tpu.memref_slice %arg2[%add3A, %dma_start3A_118, %dma_start3A_119] : memref<32x80x128xi32, #tpu.memory_space<hbm>> -> memref<1x80x128xi32, #tpu.memory_space<hbm>>
      %dma_start3A_121 = tpu.memref_squeeze %dma_start3A_120 : memref<1x80x128xi32, #tpu.memory_space<hbm>> -> memref<80x128xi32, #tpu.memory_space<hbm>>
      tpu.enqueue_dma source(%dma_start3A_121 : memref<80x128xi32, #tpu.memory_space<hbm>>) target(%arg4 : memref<80x128xi32, #tpu.memory_space<vmem>>) target_semaphore(%run_scoped3A : memref<!tpu.dma_semaphore, #tpu.memory_space<semaphore_mem>>)
      %dma_wait3A_122 = arith.constant 0 : i32
      %dma_wait3A_123 = arith.constant 0 : i32
      %dma_wait3A_124 = tpu.memref_slice %arg2[%add3A, %dma_wait3A_122, %dma_wait3A_123] : memref<32x80x128xi32, #tpu.memory_space<hbm>> -> memref<1x80x128xi32, #tpu.memory_space<hbm>>
      %dma_wait3A_125 = tpu.memref_squeeze %dma_wait3A_124 : memref<1x80x128xi32, #tpu.memory_space<hbm>> -> memref<80x128xi32, #tpu.memory_space<hbm>>
      %dma_wait3A_126 = arith.constant 0 : i32
      %dma_wait3A_127 = arith.constant 0 : i32
      %dma_wait3A_128 = tpu.memref_slice %arg2[%add3A, %dma_wait3A_126, %dma_wait3A_127] : memref<32x80x128xi32, #tpu.memory_space<hbm>> -> memref<1x80x128xi32, #tpu.memory_space<hbm>>
      %dma_wait3A_129 = tpu.memref_squeeze %dma_wait3A_128 : memref<1x80x128xi32, #tpu.memory_space<hbm>> -> memref<80x128xi32, #tpu.memory_space<hbm>>
      tpu.wait_dma2 semaphore(%run_scoped3A : memref<!tpu.dma_semaphore, #tpu.memory_space<semaphore_mem>>) src(%dma_wait3A_129 : memref<80x128xi32, #tpu.memory_space<hbm>>) dst(%arg4 : memref<80x128xi32, #tpu.memory_space<vmem>>)
      tpu.yield
    }) : () -> ()
    %mul3A_54 = arith.constant 640 : i32
    %mul3A_55 = arith.muli %arg1, %mul3A_54 : i32
    %add3A_56 = arith.constant 0 : i32
    %add3A_57 = arith.addi %mul3A_55, %add3A_56 : i32
    %dma_wait3A = arith.constant 0 : i32
    %dma_wait3A_58 = tpu.memref_slice %arg7[%add3A_57, %dma_wait3A] : memref<10240x128xf32, #tpu.memory_space<vmem_shared>> -> memref<128x128xf32, #tpu.memory_space<vmem_shared>>
    %dma_wait3A_59 = arith.constant 0 : i32
    %dma_wait3A_60 = tpu.memref_slice %arg7[%add3A_57, %dma_wait3A_59] : memref<10240x128xf32, #tpu.memory_space<vmem_shared>> -> memref<128x128xf32, #tpu.memory_space<vmem_shared>>
    tpu.wait_dma2 semaphore(%arg8 : memref<!tpu.dma_semaphore, #tpu.memory_space<semaphore_mem>>) src(%arg6 : memref<128x128xf32, #tpu.memory_space<vmem>>) dst(%dma_wait3A_60 : memref<128x128xf32, #tpu.memory_space<vmem_shared>>)
    %mul3A_61 = arith.constant 640 : i32
    %mul3A_62 = arith.muli %arg1, %mul3A_61 : i32
    %add3A_63 = arith.constant 128 : i32
    %add3A_64 = arith.addi %mul3A_62, %add3A_63 : i32
    %dma_wait3A_65 = arith.constant 0 : i32
    %dma_wait3A_66 = tpu.memref_slice %arg7[%add3A_64, %dma_wait3A_65] : memref<10240x128xf32, #tpu.memory_space<vmem_shared>> -> memref<128x128xf32, #tpu.memory_space<vmem_shared>>
    %dma_wait3A_67 = arith.constant 0 : i32
    %dma_wait3A_68 = tpu.memref_slice %arg7[%add3A_64, %dma_wait3A_67] : memref<10240x128xf32, #tpu.memory_space<vmem_shared>> -> memref<128x128xf32, #tpu.memory_space<vmem_shared>>
    tpu.wait_dma2 semaphore(%arg8 : memref<!tpu.dma_semaphore, #tpu.memory_space<semaphore_mem>>) src(%arg6 : memref<128x128xf32, #tpu.memory_space<vmem>>) dst(%dma_wait3A_68 : memref<128x128xf32, #tpu.memory_space<vmem_shared>>)
    %mul3A_69 = arith.constant 640 : i32
    %mul3A_70 = arith.muli %arg1, %mul3A_69 : i32
    %add3A_71 = arith.constant 256 : i32
    %add3A_72 = arith.addi %mul3A_70, %add3A_71 : i32
    %dma_wait3A_73 = arith.constant 0 : i32
    %dma_wait3A_74 = tpu.memref_slice %arg7[%add3A_72, %dma_wait3A_73] : memref<10240x128xf32, #tpu.memory_space<vmem_shared>> -> memref<128x128xf32, #tpu.memory_space<vmem_shared>>
    %dma_wait3A_75 = arith.constant 0 : i32
    %dma_wait3A_76 = tpu.memref_slice %arg7[%add3A_72, %dma_wait3A_75] : memref<10240x128xf32, #tpu.memory_space<vmem_shared>> -> memref<128x128xf32, #tpu.memory_space<vmem_shared>>
    tpu.wait_dma2 semaphore(%arg8 : memref<!tpu.dma_semaphore, #tpu.memory_space<semaphore_mem>>) src(%arg6 : memref<128x128xf32, #tpu.memory_space<vmem>>) dst(%dma_wait3A_76 : memref<128x128xf32, #tpu.memory_space<vmem_shared>>)
    %mul3A_77 = arith.constant 640 : i32
    %mul3A_78 = arith.muli %arg1, %mul3A_77 : i32
    %add3A_79 = arith.constant 384 : i32
    %add3A_80 = arith.addi %mul3A_78, %add3A_79 : i32
    %dma_wait3A_81 = arith.constant 0 : i32
    %dma_wait3A_82 = tpu.memref_slice %arg7[%add3A_80, %dma_wait3A_81] : memref<10240x128xf32, #tpu.memory_space<vmem_shared>> -> memref<128x128xf32, #tpu.memory_space<vmem_shared>>
    %dma_wait3A_83 = arith.constant 0 : i32
    %dma_wait3A_84 = tpu.memref_slice %arg7[%add3A_80, %dma_wait3A_83] : memref<10240x128xf32, #tpu.memory_space<vmem_shared>> -> memref<128x128xf32, #tpu.memory_space<vmem_shared>>
    tpu.wait_dma2 semaphore(%arg8 : memref<!tpu.dma_semaphore, #tpu.memory_space<semaphore_mem>>) src(%arg6 : memref<128x128xf32, #tpu.memory_space<vmem>>) dst(%dma_wait3A_84 : memref<128x128xf32, #tpu.memory_space<vmem_shared>>)
    %mul3A_85 = arith.constant 640 : i32
    %mul3A_86 = arith.muli %arg1, %mul3A_85 : i32
    %add3A_87 = arith.constant 512 : i32
    %add3A_88 = arith.addi %mul3A_86, %add3A_87 : i32
    %dma_wait3A_89 = arith.constant 0 : i32
    %dma_wait3A_90 = tpu.memref_slice %arg7[%add3A_88, %dma_wait3A_89] : memref<10240x128xf32, #tpu.memory_space<vmem_shared>> -> memref<128x128xf32, #tpu.memory_space<vmem_shared>>
    %dma_wait3A_91 = arith.constant 0 : i32
    %dma_wait3A_92 = tpu.memref_slice %arg7[%add3A_88, %dma_wait3A_91] : memref<10240x128xf32, #tpu.memory_space<vmem_shared>> -> memref<128x128xf32, #tpu.memory_space<vmem_shared>>
    tpu.wait_dma2 semaphore(%arg8 : memref<!tpu.dma_semaphore, #tpu.memory_space<semaphore_mem>>) src(%arg6 : memref<128x128xf32, #tpu.memory_space<vmem>>) dst(%dma_wait3A_92 : memref<128x128xf32, #tpu.memory_space<vmem_shared>>)
    %barrier3A = arith.constant 0 : index
    tpu.barrier barrier_id(%barrier3A)
    %scan3A_93 = arith.constant 0 : i32
    %scan3A_94 = arith.constant 0 : i32
    %scan3A_95 = arith.constant 80 : i32
    %scan3A_96 = arith.addi %scan3A_94, %scan3A_95 : i32
    %scan3A_97 = arith.constant 1 : i32
    scf.for %scan3A_114 = %scan3A_94 to %scan3A_96 step %scan3A_97  : i32 {
      %dma_start3A_115 = arith.constant 0 : i32
      %dma_start3A_116 = tpu.memref_slice %arg4[%scan3A_114, %dma_start3A_115] : memref<80x128xi32, #tpu.memory_space<vmem>> -> memref<1x128xi32, #tpu.memory_space<vmem>>
      %dma_start3A_117 = tpu.memref_squeeze %dma_start3A_116 : memref<1x128xi32, #tpu.memory_space<vmem>> -> memref<128xi32, #tpu.memory_space<vmem>>
      %dma_start3A_118 = arith.constant 0 : i32
      %dma_start3A_119 = arith.constant 0 : i32
      %dma_start3A_120 = tpu.memref_slice %arg7[%dma_start3A_118, %dma_start3A_119] : memref<10240x128xf32, #tpu.memory_space<vmem_shared>> -> memref<10240x128xf32, #tpu.memory_space<vmem_shared>>
      tpu.enqueue_indirect_dma source(%arg5 : memref<128x128xf32, #tpu.memory_space<vmem>>) target(%dma_start3A_120 : memref<10240x128xf32, #tpu.memory_space<vmem_shared>>) offsets(%dma_start3A_117 : memref<128xi32, #tpu.memory_space<vmem>>) semaphore(%arg8 : memref<!tpu.dma_semaphore, #tpu.memory_space<semaphore_mem>>) {add = true}
    }
    %scan3A_98 = arith.constant 80 : i32
    %scan3A_99 = arith.constant 0 : i32
    %scan3A_100 = arith.constant 0 : i32
    %scan3A_101 = arith.constant 80 : i32
    %scan3A_102 = arith.addi %scan3A_100, %scan3A_101 : i32
    %scan3A_103 = arith.constant 1 : i32
    scf.for %scan3A_114 = %scan3A_100 to %scan3A_102 step %scan3A_103  : i32 {
      %dma_wait3A_115 = arith.constant 0 : i32
      %dma_wait3A_116 = tpu.memref_slice %arg4[%scan3A_114, %dma_wait3A_115] : memref<80x128xi32, #tpu.memory_space<vmem>> -> memref<1x128xi32, #tpu.memory_space<vmem>>
      %dma_wait3A_117 = tpu.memref_squeeze %dma_wait3A_116 : memref<1x128xi32, #tpu.memory_space<vmem>> -> memref<128xi32, #tpu.memory_space<vmem>>
      %dma_wait3A_118 = arith.constant 0 : i32
      %dma_wait3A_119 = arith.constant 0 : i32
      %dma_wait3A_120 = tpu.memref_slice %arg7[%dma_wait3A_118, %dma_wait3A_119] : memref<10240x128xf32, #tpu.memory_space<vmem_shared>> -> memref<10240x128xf32, #tpu.memory_space<vmem_shared>>
      tpu.wait_indirect_dma semaphore(%arg8 : memref<!tpu.dma_semaphore, #tpu.memory_space<semaphore_mem>>) src(%arg5 : memref<128x128xf32, #tpu.memory_space<vmem>>) dst(%dma_wait3A_120 : memref<10240x128xf32, #tpu.memory_space<vmem_shared>>)
    }
    %scan3A_104 = arith.constant 80 : i32
    %barrier3A_105 = arith.constant 0 : index
    tpu.barrier barrier_id(%barrier3A_105)
    %mul3A_106 = arith.constant 624 : i32
    %mul3A_107 = arith.muli %arg1, %mul3A_106 : i32
    %multiple_of3A = tpu.assume_multiple %mul3A_107, 8 : i32
    %lt3A = arith.constant 15 : i32
    %lt3A_108 = arith.cmpi slt, %arg1, %lt3A : i32
    %convert_element_type3A = arith.extui %lt3A_108 : i1 to i32
    %cond3A = arith.constant 0 : i32
    %cond3A_109 = arith.cmpi ne, %convert_element_type3A, %cond3A : i32
    scf.if %cond3A_109 {
      "tpu.region"() ({
        %run_scoped3A = tpu.sem_alloc : memref<!tpu.dma_semaphore, #tpu.memory_space<semaphore_mem>>
        %dma_start3A_114 = arith.constant 0 : i32
        %dma_start3A_115 = tpu.memref_slice %arg3[%arg0, %multiple_of3A, %dma_start3A_114] : memref<2x10000x128xf32, #tpu.memory_space<hbm>> -> memref<1x624x128xf32, #tpu.memory_space<hbm>>
        %dma_start3A_116 = tpu.memref_squeeze %dma_start3A_115 : memref<1x624x128xf32, #tpu.memory_space<hbm>> -> memref<624x128xf32, #tpu.memory_space<hbm>>
        %dma_start3A_117 = arith.constant 0 : i32
        %dma_start3A_118 = tpu.memref_slice %arg7[%multiple_of3A, %dma_start3A_117] : memref<10240x128xf32, #tpu.memory_space<vmem_shared>> -> memref<624x128xf32, #tpu.memory_space<vmem_shared>>
        tpu.enqueue_dma source(%dma_start3A_118 : memref<624x128xf32, #tpu.memory_space<vmem_shared>>) target(%dma_start3A_116 : memref<624x128xf32, #tpu.memory_space<hbm>>) target_semaphore(%run_scoped3A : memref<!tpu.dma_semaphore, #tpu.memory_space<semaphore_mem>>)
        %dma_wait3A_119 = arith.constant 0 : i32
        %dma_wait3A_120 = tpu.memref_slice %arg3[%arg0, %multiple_of3A, %dma_wait3A_119] : memref<2x10000x128xf32, #tpu.memory_space<hbm>> -> memref<1x624x128xf32, #tpu.memory_space<hbm>>
        %dma_wait3A_121 = tpu.memref_squeeze %dma_wait3A_120 : memref<1x624x128xf32, #tpu.memory_space<hbm>> -> memref<624x128xf32, #tpu.memory_space<hbm>>
        %dma_wait3A_122 = arith.constant 0 : i32
        %dma_wait3A_123 = tpu.memref_slice %arg7[%multiple_of3A, %dma_wait3A_122] : memref<10240x128xf32, #tpu.memory_space<vmem_shared>> -> memref<624x128xf32, #tpu.memory_space<vmem_shared>>
        tpu.wait_dma2 semaphore(%run_scoped3A : memref<!tpu.dma_semaphore, #tpu.memory_space<semaphore_mem>>) src(%dma_wait3A_123 : memref<624x128xf32, #tpu.memory_space<vmem_shared>>) dst(%dma_wait3A_121 : memref<624x128xf32, #tpu.memory_space<hbm>>)
        tpu.yield
      }) : () -> ()
    } else {
    }
    %eq3A = arith.constant 15 : i32
    %eq3A_110 = arith.cmpi eq, %arg1, %eq3A : i32
    %convert_element_type3A_111 = arith.extui %eq3A_110 : i1 to i32
    %cond3A_112 = arith.constant 0 : i32
    %cond3A_113 = arith.cmpi ne, %convert_element_type3A_111, %cond3A_112 : i32
    scf.if %cond3A_113 {
      "tpu.region"() ({
        %run_scoped3A = tpu.sem_alloc : memref<!tpu.dma_semaphore, #tpu.memory_space<semaphore_mem>>
        %dma_start3A_114 = arith.constant 9360 : i32
        %dma_start3A_115 = arith.constant 0 : i32
        %dma_start3A_116 = tpu.memref_slice %arg3[%arg0, %dma_start3A_114, %dma_start3A_115] : memref<2x10000x128xf32, #tpu.memory_space<hbm>> -> memref<1x640x128xf32, #tpu.memory_space<hbm>>
        %dma_start3A_117 = tpu.memref_squeeze %dma_start3A_116 : memref<1x640x128xf32, #tpu.memory_space<hbm>> -> memref<640x128xf32, #tpu.memory_space<hbm>>
        %dma_start3A_118 = arith.constant 9360 : i32
        %dma_start3A_119 = arith.constant 0 : i32
        %dma_start3A_120 = tpu.memref_slice %arg7[%dma_start3A_118, %dma_start3A_119] : memref<10240x128xf32, #tpu.memory_space<vmem_shared>> -> memref<640x128xf32, #tpu.memory_space<vmem_shared>>
        tpu.enqueue_dma source(%dma_start3A_120 : memref<640x128xf32, #tpu.memory_space<vmem_shared>>) target(%dma_start3A_117 : memref<640x128xf32, #tpu.memory_space<hbm>>) target_semaphore(%run_scoped3A : memref<!tpu.dma_semaphore, #tpu.memory_space<semaphore_mem>>)
        %dma_wait3A_121 = arith.constant 9360 : i32
        %dma_wait3A_122 = arith.constant 0 : i32
        %dma_wait3A_123 = tpu.memref_slice %arg3[%arg0, %dma_wait3A_121, %dma_wait3A_122] : memref<2x10000x128xf32, #tpu.memory_space<hbm>> -> memref<1x640x128xf32, #tpu.memory_space<hbm>>
        %dma_wait3A_124 = tpu.memref_squeeze %dma_wait3A_123 : memref<1x640x128xf32, #tpu.memory_space<hbm>> -> memref<640x128xf32, #tpu.memory_space<hbm>>
        %dma_wait3A_125 = arith.constant 9360 : i32
        %dma_wait3A_126 = arith.constant 0 : i32
        %dma_wait3A_127 = tpu.memref_slice %arg7[%dma_wait3A_125, %dma_wait3A_126] : memref<10240x128xf32, #tpu.memory_space<vmem_shared>> -> memref<640x128xf32, #tpu.memory_space<vmem_shared>>
        tpu.wait_dma2 semaphore(%run_scoped3A : memref<!tpu.dma_semaphore, #tpu.memory_space<semaphore_mem>>) src(%dma_wait3A_127 : memref<640x128xf32, #tpu.memory_space<vmem_shared>>) dst(%dma_wait3A_124 : memref<640x128xf32, #tpu.memory_space<hbm>>)
        tpu.yield
      }) : () -> ()
    } else {
    }
    return
  }
}

#map = affine_map<(d0, d1) -> (0, 0)>
#map1 = affine_map<(d0, d1) -> (0, 0, 0)>
module attributes {stable_mosaic.version = 14 : i64} {
  func.func @_spmm_kernel(%arg0: i32, %arg1: i32, %arg2: memref<10000x128xf32, #tpu.memory_space<hbm>>, %arg3: memref<32x80x128xi32, #tpu.memory_space<hbm>>, %arg4: memref<32x80x128xi32, #tpu.memory_space<hbm>>, %arg5: memref<2x10000x128xf32, #tpu.memory_space<hbm>>, %arg6: memref<8x128xi32, #tpu.memory_space<vmem>>, %arg7: memref<8x128xi32, #tpu.memory_space<vmem>>, %arg8: memref<8x128xi32, #tpu.memory_space<vmem>>, %arg9: memref<8x128xi32, #tpu.memory_space<vmem>>, %arg10: memref<128x128xf32, #tpu.memory_space<vmem>>, %arg11: memref<128x128xf32, #tpu.memory_space<vmem>>, %arg12: memref<10240x128xf32, #tpu.memory_space<vmem_shared>>, %arg13: memref<!tpu.dma_semaphore, #tpu.memory_space<semaphore_mem>>, %arg14: memref<!tpu.dma_semaphore, #tpu.memory_space<semaphore_mem>>, %arg15: memref<!tpu.dma_semaphore, #tpu.memory_space<semaphore_mem>>, %arg16: memref<!tpu.dma_semaphore, #tpu.memory_space<semaphore_mem>>) attributes {dimension_semantics = [#tpu.dimension_semantics<core_parallel>, #tpu.dimension_semantics<subcore_parallel>], iteration_bounds = array<i64: 2, 16>, scalar_prefetch = 0 : i64, scratch_operands = 11 : i64, tpu.core_type = #tpu.core_type<sc_vector_subcore>, window_params = [{transform_indices = #map}, {transform_indices = #map1}, {transform_indices = #map1}, {transform_indices = #map1}]} {
    %mul3A = arith.constant 16 : i32
    %mul3A_0 = arith.muli %arg0, %mul3A : i32
    %add3A = arith.addi %mul3A_0, %arg1 : i32
    %broadcast_in_dim3A = arith.constant 0.000000e+00 : f32
    %broadcast_in_dim3A_1 = vector.broadcast %broadcast_in_dim3A : f32 to vector<16xf32>
    %scan3A = arith.constant 0 : i32
    %scan3A_2 = arith.constant 0 : i32
    %scan3A_3 = arith.constant 128 : i32
    %scan3A_4 = arith.addi %scan3A_2, %scan3A_3 : i32
    %scan3A_5 = arith.constant 1 : i32
    scf.for %scan3A_123 = %scan3A_2 to %scan3A_4 step %scan3A_5  : i32 {
      %swap3A = arith.index_cast %scan3A_123 : i32 to index
      %swap3A_124 = arith.constant 0 : index
      %swap3A_125 = tpu.vector_load %arg10[%swap3A, %swap3A_124] {strides = array<i32>} : memref<128x128xf32, #tpu.memory_space<vmem>>, vector<1x16xf32>,
      %swap3A_126 = vector.shape_cast %swap3A_125 : vector<1x16xf32> to vector<16xf32>
      %swap3A_127 = vector.shape_cast %broadcast_in_dim3A_1 : vector<16xf32> to vector<1x16xf32>
      tpu.vector_store %arg10[%swap3A, %swap3A_124], %swap3A_127 {strides = array<i32>} : memref<128x128xf32, #tpu.memory_space<vmem>>, vector<1x16xf32>,
      %swap3A_128 = arith.index_cast %scan3A_123 : i32 to index
      %swap3A_129 = arith.constant 16 : index
      %swap3A_130 = tpu.vector_load %arg10[%swap3A_128, %swap3A_129] {strides = array<i32>} : memref<128x128xf32, #tpu.memory_space<vmem>>, vector<1x16xf32>,
      %swap3A_131 = vector.shape_cast %swap3A_130 : vector<1x16xf32> to vector<16xf32>
      %swap3A_132 = vector.shape_cast %broadcast_in_dim3A_1 : vector<16xf32> to vector<1x16xf32>
      tpu.vector_store %arg10[%swap3A_128, %swap3A_129], %swap3A_132 {strides = array<i32>} : memref<128x128xf32, #tpu.memory_space<vmem>>, vector<1x16xf32>,
      %swap3A_133 = arith.index_cast %scan3A_123 : i32 to index
      %swap3A_134 = arith.constant 32 : index
      %swap3A_135 = tpu.vector_load %arg10[%swap3A_133, %swap3A_134] {strides = array<i32>} : memref<128x128xf32, #tpu.memory_space<vmem>>, vector<1x16xf32>,
      %swap3A_136 = vector.shape_cast %swap3A_135 : vector<1x16xf32> to vector<16xf32>
      %swap3A_137 = vector.shape_cast %broadcast_in_dim3A_1 : vector<16xf32> to vector<1x16xf32>
      tpu.vector_store %arg10[%swap3A_133, %swap3A_134], %swap3A_137 {strides = array<i32>} : memref<128x128xf32, #tpu.memory_space<vmem>>, vector<1x16xf32>,
      %swap3A_138 = arith.index_cast %scan3A_123 : i32 to index
      %swap3A_139 = arith.constant 48 : index
      %swap3A_140 = tpu.vector_load %arg10[%swap3A_138, %swap3A_139] {strides = array<i32>} : memref<128x128xf32, #tpu.memory_space<vmem>>, vector<1x16xf32>,
      %swap3A_141 = vector.shape_cast %swap3A_140 : vector<1x16xf32> to vector<16xf32>
      %swap3A_142 = vector.shape_cast %broadcast_in_dim3A_1 : vector<16xf32> to vector<1x16xf32>
      tpu.vector_store %arg10[%swap3A_138, %swap3A_139], %swap3A_142 {strides = array<i32>} : memref<128x128xf32, #tpu.memory_space<vmem>>, vector<1x16xf32>,
      %swap3A_143 = arith.index_cast %scan3A_123 : i32 to index
      %swap3A_144 = arith.constant 64 : index
      %swap3A_145 = tpu.vector_load %arg10[%swap3A_143, %swap3A_144] {strides = array<i32>} : memref<128x128xf32, #tpu.memory_space<vmem>>, vector<1x16xf32>,
      %swap3A_146 = vector.shape_cast %swap3A_145 : vector<1x16xf32> to vector<16xf32>
      %swap3A_147 = vector.shape_cast %broadcast_in_dim3A_1 : vector<16xf32> to vector<1x16xf32>
      tpu.vector_store %arg10[%swap3A_143, %swap3A_144], %swap3A_147 {strides = array<i32>} : memref<128x128xf32, #tpu.memory_space<vmem>>, vector<1x16xf32>,
      %swap3A_148 = arith.index_cast %scan3A_123 : i32 to index
      %swap3A_149 = arith.constant 80 : index
      %swap3A_150 = tpu.vector_load %arg10[%swap3A_148, %swap3A_149] {strides = array<i32>} : memref<128x128xf32, #tpu.memory_space<vmem>>, vector<1x16xf32>,
      %swap3A_151 = vector.shape_cast %swap3A_150 : vector<1x16xf32> to vector<16xf32>
      %swap3A_152 = vector.shape_cast %broadcast_in_dim3A_1 : vector<16xf32> to vector<1x16xf32>
      tpu.vector_store %arg10[%swap3A_148, %swap3A_149], %swap3A_152 {strides = array<i32>} : memref<128x128xf32, #tpu.memory_space<vmem>>, vector<1x16xf32>,
      %swap3A_153 = arith.index_cast %scan3A_123 : i32 to index
      %swap3A_154 = arith.constant 96 : index
      %swap3A_155 = tpu.vector_load %arg10[%swap3A_153, %swap3A_154] {strides = array<i32>} : memref<128x128xf32, #tpu.memory_space<vmem>>, vector<1x16xf32>,
      %swap3A_156 = vector.shape_cast %swap3A_155 : vector<1x16xf32> to vector<16xf32>
      %swap3A_157 = vector.shape_cast %broadcast_in_dim3A_1 : vector<16xf32> to vector<1x16xf32>
      tpu.vector_store %arg10[%swap3A_153, %swap3A_154], %swap3A_157 {strides = array<i32>} : memref<128x128xf32, #tpu.memory_space<vmem>>, vector<1x16xf32>,
      %swap3A_158 = arith.index_cast %scan3A_123 : i32 to index
      %swap3A_159 = arith.constant 112 : index
      %swap3A_160 = tpu.vector_load %arg10[%swap3A_158, %swap3A_159] {strides = array<i32>} : memref<128x128xf32, #tpu.memory_space<vmem>>, vector<1x16xf32>,
      %swap3A_161 = vector.shape_cast %swap3A_160 : vector<1x16xf32> to vector<16xf32>
      %swap3A_162 = vector.shape_cast %broadcast_in_dim3A_1 : vector<16xf32> to vector<1x16xf32>
      tpu.vector_store %arg10[%swap3A_158, %swap3A_159], %swap3A_162 {strides = array<i32>} : memref<128x128xf32, #tpu.memory_space<vmem>>, vector<1x16xf32>,
    }
    %scan3A_6 = arith.constant 128 : i32
    %mul3A_7 = arith.constant 640 : i32
    %mul3A_8 = arith.muli %arg1, %mul3A_7 : i32
    %add3A_9 = arith.constant 0 : i32
    %add3A_10 = arith.addi %mul3A_8, %add3A_9 : i32
    %dma_start3A = arith.constant 0 : i32
    %dma_start3A_11 = tpu.memref_slice %arg12[%add3A_10, %dma_start3A] : memref<10240x128xf32, #tpu.memory_space<vmem_shared>> -> memref<128x128xf32, #tpu.memory_space<vmem_shared>>
    %dma_start3A_12 = arith.constant 0 : i32
    %dma_start3A_13 = tpu.memref_slice %arg12[%add3A_10, %dma_start3A_12] : memref<10240x128xf32, #tpu.memory_space<vmem_shared>> -> memref<128x128xf32, #tpu.memory_space<vmem_shared>>
    tpu.enqueue_dma source(%arg10 : memref<128x128xf32, #tpu.memory_space<vmem>>) target(%dma_start3A_13 : memref<128x128xf32, #tpu.memory_space<vmem_shared>>) target_semaphore(%arg15 : memref<!tpu.dma_semaphore, #tpu.memory_space<semaphore_mem>>)
    %mul3A_14 = arith.constant 640 : i32
    %mul3A_15 = arith.muli %arg1, %mul3A_14 : i32
    %add3A_16 = arith.constant 128 : i32
    %add3A_17 = arith.addi %mul3A_15, %add3A_16 : i32
    %dma_start3A_18 = arith.constant 0 : i32
    %dma_start3A_19 = tpu.memref_slice %arg12[%add3A_17, %dma_start3A_18] : memref<10240x128xf32, #tpu.memory_space<vmem_shared>> -> memref<128x128xf32, #tpu.memory_space<vmem_shared>>
    %dma_start3A_20 = arith.constant 0 : i32
    %dma_start3A_21 = tpu.memref_slice %arg12[%add3A_17, %dma_start3A_20] : memref<10240x128xf32, #tpu.memory_space<vmem_shared>> -> memref<128x128xf32, #tpu.memory_space<vmem_shared>>
    tpu.enqueue_dma source(%arg10 : memref<128x128xf32, #tpu.memory_space<vmem>>) target(%dma_start3A_21 : memref<128x128xf32, #tpu.memory_space<vmem_shared>>) target_semaphore(%arg15 : memref<!tpu.dma_semaphore, #tpu.memory_space<semaphore_mem>>)
    %mul3A_22 = arith.constant 640 : i32
    %mul3A_23 = arith.muli %arg1, %mul3A_22 : i32
    %add3A_24 = arith.constant 256 : i32
    %add3A_25 = arith.addi %mul3A_23, %add3A_24 : i32
    %dma_start3A_26 = arith.constant 0 : i32
    %dma_start3A_27 = tpu.memref_slice %arg12[%add3A_25, %dma_start3A_26] : memref<10240x128xf32, #tpu.memory_space<vmem_shared>> -> memref<128x128xf32, #tpu.memory_space<vmem_shared>>
    %dma_start3A_28 = arith.constant 0 : i32
    %dma_start3A_29 = tpu.memref_slice %arg12[%add3A_25, %dma_start3A_28] : memref<10240x128xf32, #tpu.memory_space<vmem_shared>> -> memref<128x128xf32, #tpu.memory_space<vmem_shared>>
    tpu.enqueue_dma source(%arg10 : memref<128x128xf32, #tpu.memory_space<vmem>>) target(%dma_start3A_29 : memref<128x128xf32, #tpu.memory_space<vmem_shared>>) target_semaphore(%arg15 : memref<!tpu.dma_semaphore, #tpu.memory_space<semaphore_mem>>)
    %mul3A_30 = arith.constant 640 : i32
    %mul3A_31 = arith.muli %arg1, %mul3A_30 : i32
    %add3A_32 = arith.constant 384 : i32
    %add3A_33 = arith.addi %mul3A_31, %add3A_32 : i32
    %dma_start3A_34 = arith.constant 0 : i32
    %dma_start3A_35 = tpu.memref_slice %arg12[%add3A_33, %dma_start3A_34] : memref<10240x128xf32, #tpu.memory_space<vmem_shared>> -> memref<128x128xf32, #tpu.memory_space<vmem_shared>>
    %dma_start3A_36 = arith.constant 0 : i32
    %dma_start3A_37 = tpu.memref_slice %arg12[%add3A_33, %dma_start3A_36] : memref<10240x128xf32, #tpu.memory_space<vmem_shared>> -> memref<128x128xf32, #tpu.memory_space<vmem_shared>>
    tpu.enqueue_dma source(%arg10 : memref<128x128xf32, #tpu.memory_space<vmem>>) target(%dma_start3A_37 : memref<128x128xf32, #tpu.memory_space<vmem_shared>>) target_semaphore(%arg15 : memref<!tpu.dma_semaphore, #tpu.memory_space<semaphore_mem>>)
    %mul3A_38 = arith.constant 640 : i32
    %mul3A_39 = arith.muli %arg1, %mul3A_38 : i32
    %add3A_40 = arith.constant 512 : i32
    %add3A_41 = arith.addi %mul3A_39, %add3A_40 : i32
    %dma_start3A_42 = arith.constant 0 : i32
    %dma_start3A_43 = tpu.memref_slice %arg12[%add3A_41, %dma_start3A_42] : memref<10240x128xf32, #tpu.memory_space<vmem_shared>> -> memref<128x128xf32, #tpu.memory_space<vmem_shared>>
    %dma_start3A_44 = arith.constant 0 : i32
    %dma_start3A_45 = tpu.memref_slice %arg12[%add3A_41, %dma_start3A_44] : memref<10240x128xf32, #tpu.memory_space<vmem_shared>> -> memref<128x128xf32, #tpu.memory_space<vmem_shared>>
    tpu.enqueue_dma source(%arg10 : memref<128x128xf32, #tpu.memory_space<vmem>>) target(%dma_start3A_45 : memref<128x128xf32, #tpu.memory_space<vmem_shared>>) target_semaphore(%arg15 : memref<!tpu.dma_semaphore, #tpu.memory_space<semaphore_mem>>)
    "tpu.region"() ({
      %run_scoped3A = tpu.sem_alloc : memref<!tpu.dma_semaphore, #tpu.memory_space<semaphore_mem>>
      %dma_start3A_123 = arith.constant 0 : i32
      %dma_start3A_124 = arith.constant 0 : i32
      %dma_start3A_125 = tpu.memref_slice %arg3[%add3A, %dma_start3A_123, %dma_start3A_124] : memref<32x80x128xi32, #tpu.memory_space<hbm>> -> memref<1x8x128xi32, #tpu.memory_space<hbm>>
      %dma_start3A_126 = tpu.memref_squeeze %dma_start3A_125 : memref<1x8x128xi32, #tpu.memory_space<hbm>> -> memref<8x128xi32, #tpu.memory_space<hbm>>
      %dma_start3A_127 = arith.constant 0 : i32
      %dma_start3A_128 = arith.constant 0 : i32
      %dma_start3A_129 = tpu.memref_slice %arg3[%add3A, %dma_start3A_127, %dma_start3A_128] : memref<32x80x128xi32, #tpu.memory_space<hbm>> -> memref<1x8x128xi32, #tpu.memory_space<hbm>>
      %dma_start3A_130 = tpu.memref_squeeze %dma_start3A_129 : memref<1x8x128xi32, #tpu.memory_space<hbm>> -> memref<8x128xi32, #tpu.memory_space<hbm>>
      tpu.enqueue_dma source(%dma_start3A_130 : memref<8x128xi32, #tpu.memory_space<hbm>>) target(%arg6 : memref<8x128xi32, #tpu.memory_space<vmem>>) target_semaphore(%run_scoped3A : memref<!tpu.dma_semaphore, #tpu.memory_space<semaphore_mem>>)
      %dma_wait3A_131 = arith.constant 0 : i32
      %dma_wait3A_132 = arith.constant 0 : i32
      %dma_wait3A_133 = tpu.memref_slice %arg3[%add3A, %dma_wait3A_131, %dma_wait3A_132] : memref<32x80x128xi32, #tpu.memory_space<hbm>> -> memref<1x8x128xi32, #tpu.memory_space<hbm>>
      %dma_wait3A_134 = tpu.memref_squeeze %dma_wait3A_133 : memref<1x8x128xi32, #tpu.memory_space<hbm>> -> memref<8x128xi32, #tpu.memory_space<hbm>>
      %dma_wait3A_135 = arith.constant 0 : i32
      %dma_wait3A_136 = arith.constant 0 : i32
      %dma_wait3A_137 = tpu.memref_slice %arg3[%add3A, %dma_wait3A_135, %dma_wait3A_136] : memref<32x80x128xi32, #tpu.memory_space<hbm>> -> memref<1x8x128xi32, #tpu.memory_space<hbm>>
      %dma_wait3A_138 = tpu.memref_squeeze %dma_wait3A_137 : memref<1x8x128xi32, #tpu.memory_space<hbm>> -> memref<8x128xi32, #tpu.memory_space<hbm>>
      tpu.wait_dma2 semaphore(%run_scoped3A : memref<!tpu.dma_semaphore, #tpu.memory_space<semaphore_mem>>) src(%dma_wait3A_138 : memref<8x128xi32, #tpu.memory_space<hbm>>) dst(%arg6 : memref<8x128xi32, #tpu.memory_space<vmem>>)
      tpu.yield
    }) : () -> ()
    "tpu.region"() ({
      %run_scoped3A = tpu.sem_alloc : memref<!tpu.dma_semaphore, #tpu.memory_space<semaphore_mem>>
      %dma_start3A_123 = arith.constant 0 : i32
      %dma_start3A_124 = arith.constant 0 : i32
      %dma_start3A_125 = tpu.memref_slice %arg4[%add3A, %dma_start3A_123, %dma_start3A_124] : memref<32x80x128xi32, #tpu.memory_space<hbm>> -> memref<1x8x128xi32, #tpu.memory_space<hbm>>
      %dma_start3A_126 = tpu.memref_squeeze %dma_start3A_125 : memref<1x8x128xi32, #tpu.memory_space<hbm>> -> memref<8x128xi32, #tpu.memory_space<hbm>>
      %dma_start3A_127 = arith.constant 0 : i32
      %dma_start3A_128 = arith.constant 0 : i32
      %dma_start3A_129 = tpu.memref_slice %arg4[%add3A, %dma_start3A_127, %dma_start3A_128] : memref<32x80x128xi32, #tpu.memory_space<hbm>> -> memref<1x8x128xi32, #tpu.memory_space<hbm>>
      %dma_start3A_130 = tpu.memref_squeeze %dma_start3A_129 : memref<1x8x128xi32, #tpu.memory_space<hbm>> -> memref<8x128xi32, #tpu.memory_space<hbm>>
      tpu.enqueue_dma source(%dma_start3A_130 : memref<8x128xi32, #tpu.memory_space<hbm>>) target(%arg7 : memref<8x128xi32, #tpu.memory_space<vmem>>) target_semaphore(%run_scoped3A : memref<!tpu.dma_semaphore, #tpu.memory_space<semaphore_mem>>)
      %dma_wait3A_131 = arith.constant 0 : i32
      %dma_wait3A_132 = arith.constant 0 : i32
      %dma_wait3A_133 = tpu.memref_slice %arg4[%add3A, %dma_wait3A_131, %dma_wait3A_132] : memref<32x80x128xi32, #tpu.memory_space<hbm>> -> memref<1x8x128xi32, #tpu.memory_space<hbm>>
      %dma_wait3A_134 = tpu.memref_squeeze %dma_wait3A_133 : memref<1x8x128xi32, #tpu.memory_space<hbm>> -> memref<8x128xi32, #tpu.memory_space<hbm>>
      %dma_wait3A_135 = arith.constant 0 : i32
      %dma_wait3A_136 = arith.constant 0 : i32
      %dma_wait3A_137 = tpu.memref_slice %arg4[%add3A, %dma_wait3A_135, %dma_wait3A_136] : memref<32x80x128xi32, #tpu.memory_space<hbm>> -> memref<1x8x128xi32, #tpu.memory_space<hbm>>
      %dma_wait3A_138 = tpu.memref_squeeze %dma_wait3A_137 : memref<1x8x128xi32, #tpu.memory_space<hbm>> -> memref<8x128xi32, #tpu.memory_space<hbm>>
      tpu.wait_dma2 semaphore(%run_scoped3A : memref<!tpu.dma_semaphore, #tpu.memory_space<semaphore_mem>>) src(%dma_wait3A_138 : memref<8x128xi32, #tpu.memory_space<hbm>>) dst(%arg7 : memref<8x128xi32, #tpu.memory_space<vmem>>)
      tpu.yield
    }) : () -> ()
    %dma_start3A_46 = arith.constant 8 : i32
    %dma_start3A_47 = arith.constant 0 : i32
    %dma_start3A_48 = tpu.memref_slice %arg3[%add3A, %dma_start3A_46, %dma_start3A_47] : memref<32x80x128xi32, #tpu.memory_space<hbm>> -> memref<1x8x128xi32, #tpu.memory_space<hbm>>
    %dma_start3A_49 = tpu.memref_squeeze %dma_start3A_48 : memref<1x8x128xi32, #tpu.memory_space<hbm>> -> memref<8x128xi32, #tpu.memory_space<hbm>>
    %dma_start3A_50 = arith.constant 8 : i32
    %dma_start3A_51 = arith.constant 0 : i32
    %dma_start3A_52 = tpu.memref_slice %arg3[%add3A, %dma_start3A_50, %dma_start3A_51] : memref<32x80x128xi32, #tpu.memory_space<hbm>> -> memref<1x8x128xi32, #tpu.memory_space<hbm>>
    %dma_start3A_53 = tpu.memref_squeeze %dma_start3A_52 : memref<1x8x128xi32, #tpu.memory_space<hbm>> -> memref<8x128xi32, #tpu.memory_space<hbm>>
    tpu.enqueue_dma source(%dma_start3A_53 : memref<8x128xi32, #tpu.memory_space<hbm>>) target(%arg8 : memref<8x128xi32, #tpu.memory_space<vmem>>) target_semaphore(%arg16 : memref<!tpu.dma_semaphore, #tpu.memory_space<semaphore_mem>>)
    %dma_start3A_54 = arith.constant 8 : i32
    %dma_start3A_55 = arith.constant 0 : i32
    %dma_start3A_56 = tpu.memref_slice %arg4[%add3A, %dma_start3A_54, %dma_start3A_55] : memref<32x80x128xi32, #tpu.memory_space<hbm>> -> memref<1x8x128xi32, #tpu.memory_space<hbm>>
    %dma_start3A_57 = tpu.memref_squeeze %dma_start3A_56 : memref<1x8x128xi32, #tpu.memory_space<hbm>> -> memref<8x128xi32, #tpu.memory_space<hbm>>
    %dma_start3A_58 = arith.constant 8 : i32
    %dma_start3A_59 = arith.constant 0 : i32
    %dma_start3A_60 = tpu.memref_slice %arg4[%add3A, %dma_start3A_58, %dma_start3A_59] : memref<32x80x128xi32, #tpu.memory_space<hbm>> -> memref<1x8x128xi32, #tpu.memory_space<hbm>>
    %dma_start3A_61 = tpu.memref_squeeze %dma_start3A_60 : memref<1x8x128xi32, #tpu.memory_space<hbm>> -> memref<8x128xi32, #tpu.memory_space<hbm>>
    tpu.enqueue_dma source(%dma_start3A_61 : memref<8x128xi32, #tpu.memory_space<hbm>>) target(%arg9 : memref<8x128xi32, #tpu.memory_space<vmem>>) target_semaphore(%arg16 : memref<!tpu.dma_semaphore, #tpu.memory_space<semaphore_mem>>)
    %mul3A_62 = arith.constant 640 : i32
    %mul3A_63 = arith.muli %arg1, %mul3A_62 : i32
    %add3A_64 = arith.constant 0 : i32
    %add3A_65 = arith.addi %mul3A_63, %add3A_64 : i32
    %dma_wait3A = arith.constant 0 : i32
    %dma_wait3A_66 = tpu.memref_slice %arg12[%add3A_65, %dma_wait3A] : memref<10240x128xf32, #tpu.memory_space<vmem_shared>> -> memref<128x128xf32, #tpu.memory_space<vmem_shared>>
    %dma_wait3A_67 = arith.constant 0 : i32
    %dma_wait3A_68 = tpu.memref_slice %arg12[%add3A_65, %dma_wait3A_67] : memref<10240x128xf32, #tpu.memory_space<vmem_shared>> -> memref<128x128xf32, #tpu.memory_space<vmem_shared>>
    tpu.wait_dma2 semaphore(%arg15 : memref<!tpu.dma_semaphore, #tpu.memory_space<semaphore_mem>>) src(%arg10 : memref<128x128xf32, #tpu.memory_space<vmem>>) dst(%dma_wait3A_68 : memref<128x128xf32, #tpu.memory_space<vmem_shared>>)
    %mul3A_69 = arith.constant 640 : i32
    %mul3A_70 = arith.muli %arg1, %mul3A_69 : i32
    %add3A_71 = arith.constant 128 : i32
    %add3A_72 = arith.addi %mul3A_70, %add3A_71 : i32
    %dma_wait3A_73 = arith.constant 0 : i32
    %dma_wait3A_74 = tpu.memref_slice %arg12[%add3A_72, %dma_wait3A_73] : memref<10240x128xf32, #tpu.memory_space<vmem_shared>> -> memref<128x128xf32, #tpu.memory_space<vmem_shared>>
    %dma_wait3A_75 = arith.constant 0 : i32
    %dma_wait3A_76 = tpu.memref_slice %arg12[%add3A_72, %dma_wait3A_75] : memref<10240x128xf32, #tpu.memory_space<vmem_shared>> -> memref<128x128xf32, #tpu.memory_space<vmem_shared>>
    tpu.wait_dma2 semaphore(%arg15 : memref<!tpu.dma_semaphore, #tpu.memory_space<semaphore_mem>>) src(%arg10 : memref<128x128xf32, #tpu.memory_space<vmem>>) dst(%dma_wait3A_76 : memref<128x128xf32, #tpu.memory_space<vmem_shared>>)
    %mul3A_77 = arith.constant 640 : i32
    %mul3A_78 = arith.muli %arg1, %mul3A_77 : i32
    %add3A_79 = arith.constant 256 : i32
    %add3A_80 = arith.addi %mul3A_78, %add3A_79 : i32
    %dma_wait3A_81 = arith.constant 0 : i32
    %dma_wait3A_82 = tpu.memref_slice %arg12[%add3A_80, %dma_wait3A_81] : memref<10240x128xf32, #tpu.memory_space<vmem_shared>> -> memref<128x128xf32, #tpu.memory_space<vmem_shared>>
    %dma_wait3A_83 = arith.constant 0 : i32
    %dma_wait3A_84 = tpu.memref_slice %arg12[%add3A_80, %dma_wait3A_83] : memref<10240x128xf32, #tpu.memory_space<vmem_shared>> -> memref<128x128xf32, #tpu.memory_space<vmem_shared>>
    tpu.wait_dma2 semaphore(%arg15 : memref<!tpu.dma_semaphore, #tpu.memory_space<semaphore_mem>>) src(%arg10 : memref<128x128xf32, #tpu.memory_space<vmem>>) dst(%dma_wait3A_84 : memref<128x128xf32, #tpu.memory_space<vmem_shared>>)
    %mul3A_85 = arith.constant 640 : i32
    %mul3A_86 = arith.muli %arg1, %mul3A_85 : i32
    %add3A_87 = arith.constant 384 : i32
    %add3A_88 = arith.addi %mul3A_86, %add3A_87 : i32
    %dma_wait3A_89 = arith.constant 0 : i32
    %dma_wait3A_90 = tpu.memref_slice %arg12[%add3A_88, %dma_wait3A_89] : memref<10240x128xf32, #tpu.memory_space<vmem_shared>> -> memref<128x128xf32, #tpu.memory_space<vmem_shared>>
    %dma_wait3A_91 = arith.constant 0 : i32
    %dma_wait3A_92 = tpu.memref_slice %arg12[%add3A_88, %dma_wait3A_91] : memref<10240x128xf32, #tpu.memory_space<vmem_shared>> -> memref<128x128xf32, #tpu.memory_space<vmem_shared>>
    tpu.wait_dma2 semaphore(%arg15 : memref<!tpu.dma_semaphore, #tpu.memory_space<semaphore_mem>>) src(%arg10 : memref<128x128xf32, #tpu.memory_space<vmem>>) dst(%dma_wait3A_92 : memref<128x128xf32, #tpu.memory_space<vmem_shared>>)
    %mul3A_93 = arith.constant 640 : i32
    %mul3A_94 = arith.muli %arg1, %mul3A_93 : i32
    %add3A_95 = arith.constant 512 : i32
    %add3A_96 = arith.addi %mul3A_94, %add3A_95 : i32
    %dma_wait3A_97 = arith.constant 0 : i32
    %dma_wait3A_98 = tpu.memref_slice %arg12[%add3A_96, %dma_wait3A_97] : memref<10240x128xf32, #tpu.memory_space<vmem_shared>> -> memref<128x128xf32, #tpu.memory_space<vmem_shared>>
    %dma_wait3A_99 = arith.constant 0 : i32
    %dma_wait3A_100 = tpu.memref_slice %arg12[%add3A_96, %dma_wait3A_99] : memref<10240x128xf32, #tpu.memory_space<vmem_shared>> -> memref<128x128xf32, #tpu.memory_space<vmem_shared>>
    tpu.wait_dma2 semaphore(%arg15 : memref<!tpu.dma_semaphore, #tpu.memory_space<semaphore_mem>>) src(%arg10 : memref<128x128xf32, #tpu.memory_space<vmem>>) dst(%dma_wait3A_100 : memref<128x128xf32, #tpu.memory_space<vmem_shared>>)
    %dma_start3A_101 = arith.constant 0 : i32
    %dma_start3A_102 = arith.constant 0 : i32
    %dma_start3A_103 = tpu.memref_slice %arg6[%dma_start3A_101, %dma_start3A_102] : memref<8x128xi32, #tpu.memory_space<vmem>> -> memref<1x128xi32, #tpu.memory_space<vmem>>
    %dma_start3A_104 = tpu.memref_squeeze %dma_start3A_103 : memref<1x128xi32, #tpu.memory_space<vmem>> -> memref<128xi32, #tpu.memory_space<vmem>>
    %dma_start3A_105 = arith.constant 0 : i32
    %dma_start3A_106 = arith.constant 0 : i32
    %dma_start3A_107 = tpu.memref_slice %arg2[%dma_start3A_105, %dma_start3A_106] : memref<10000x128xf32, #tpu.memory_space<hbm>> -> memref<10000x128xf32, #tpu.memory_space<hbm>>
    tpu.enqueue_indirect_dma source(%dma_start3A_107 : memref<10000x128xf32, #tpu.memory_space<hbm>>) target(%arg10 : memref<128x128xf32, #tpu.memory_space<vmem>>) offsets(%dma_start3A_104 : memref<128xi32, #tpu.memory_space<vmem>>) semaphore(%arg13 : memref<!tpu.dma_semaphore, #tpu.memory_space<semaphore_mem>>)
    %barrier3A = arith.constant 0 : index
    tpu.barrier barrier_id(%barrier3A)
    %scan3A_108 = arith.constant 0 : i32
    %scan3A_109 = arith.constant 0 : i32
    %scan3A_110 = arith.constant 5 : i32
    %scan3A_111 = arith.addi %scan3A_109, %scan3A_110 : i32
    %scan3A_112 = arith.constant 1 : i32
    scf.for %scan3A_123 = %scan3A_109 to %scan3A_111 step %scan3A_112  : i32 {
      %dma_start3A_124 = arith.constant 1 : i32
      %dma_start3A_125 = arith.constant 0 : i32
      %dma_start3A_126 = tpu.memref_slice %arg6[%dma_start3A_124, %dma_start3A_125] : memref<8x128xi32, #tpu.memory_space<vmem>> -> memref<1x128xi32, #tpu.memory_space<vmem>>
      %dma_start3A_127 = tpu.memref_squeeze %dma_start3A_126 : memref<1x128xi32, #tpu.memory_space<vmem>> -> memref<128xi32, #tpu.memory_space<vmem>>
      %dma_start3A_128 = arith.constant 0 : i32
      %dma_start3A_129 = arith.constant 0 : i32
      %dma_start3A_130 = tpu.memref_slice %arg2[%dma_start3A_128, %dma_start3A_129] : memref<10000x128xf32, #tpu.memory_space<hbm>> -> memref<10000x128xf32, #tpu.memory_space<hbm>>
      tpu.enqueue_indirect_dma source(%dma_start3A_130 : memref<10000x128xf32, #tpu.memory_space<hbm>>) target(%arg11 : memref<128x128xf32, #tpu.memory_space<vmem>>) offsets(%dma_start3A_127 : memref<128xi32, #tpu.memory_space<vmem>>) semaphore(%arg14 : memref<!tpu.dma_semaphore, #tpu.memory_space<semaphore_mem>>)
      %dma_wait3A_131 = arith.constant 0 : i32
      %dma_wait3A_132 = arith.constant 0 : i32
      %dma_wait3A_133 = tpu.memref_slice %arg6[%dma_wait3A_131, %dma_wait3A_132] : memref<8x128xi32, #tpu.memory_space<vmem>> -> memref<1x128xi32, #tpu.memory_space<vmem>>
      %dma_wait3A_134 = tpu.memref_squeeze %dma_wait3A_133 : memref<1x128xi32, #tpu.memory_space<vmem>> -> memref<128xi32, #tpu.memory_space<vmem>>
      %dma_wait3A_135 = arith.constant 0 : i32
      %dma_wait3A_136 = arith.constant 0 : i32
      %dma_wait3A_137 = tpu.memref_slice %arg2[%dma_wait3A_135, %dma_wait3A_136] : memref<10000x128xf32, #tpu.memory_space<hbm>> -> memref<10000x128xf32, #tpu.memory_space<hbm>>
      tpu.wait_indirect_dma semaphore(%arg13 : memref<!tpu.dma_semaphore, #tpu.memory_space<semaphore_mem>>) src(%dma_wait3A_137 : memref<10000x128xf32, #tpu.memory_space<hbm>>) dst(%arg10 : memref<128x128xf32, #tpu.memory_space<vmem>>)
      %run_scoped3A = arith.constant 0 : i32
      "tpu.region"() ({
        %run_scoped3A_387 = tpu.sem_alloc : memref<!tpu.dma_semaphore, #tpu.memory_space<semaphore_mem>>
        %dma_start3A_388 = arith.constant 0 : i32
        %dma_start3A_389 = tpu.memref_slice %arg7[%run_scoped3A, %dma_start3A_388] : memref<8x128xi32, #tpu.memory_space<vmem>> -> memref<1x128xi32, #tpu.memory_space<vmem>>
        %dma_start3A_390 = tpu.memref_squeeze %dma_start3A_389 : memref<1x128xi32, #tpu.memory_space<vmem>> -> memref<128xi32, #tpu.memory_space<vmem>>
        %dma_start3A_391 = arith.constant 0 : i32
        %dma_start3A_392 = arith.constant 0 : i32
        %dma_start3A_393 = tpu.memref_slice %arg12[%dma_start3A_391, %dma_start3A_392] : memref<10240x128xf32, #tpu.memory_space<vmem_shared>> -> memref<10240x128xf32, #tpu.memory_space<vmem_shared>>
        tpu.enqueue_indirect_dma source(%arg10 : memref<128x128xf32, #tpu.memory_space<vmem>>) target(%dma_start3A_393 : memref<10240x128xf32, #tpu.memory_space<vmem_shared>>) offsets(%dma_start3A_390 : memref<128xi32, #tpu.memory_space<vmem>>) semaphore(%run_scoped3A_387 : memref<!tpu.dma_semaphore, #tpu.memory_space<semaphore_mem>>) {add = true}
        %dma_wait3A_394 = arith.constant 0 : i32
        %dma_wait3A_395 = tpu.memref_slice %arg7[%run_scoped3A, %dma_wait3A_394] : memref<8x128xi32, #tpu.memory_space<vmem>> -> memref<1x128xi32, #tpu.memory_space<vmem>>
        %dma_wait3A_396 = tpu.memref_squeeze %dma_wait3A_395 : memref<1x128xi32, #tpu.memory_space<vmem>> -> memref<128xi32, #tpu.memory_space<vmem>>
        %dma_wait3A_397 = arith.constant 0 : i32
        %dma_wait3A_398 = arith.constant 0 : i32
        %dma_wait3A_399 = tpu.memref_slice %arg12[%dma_wait3A_397, %dma_wait3A_398] : memref<10240x128xf32, #tpu.memory_space<vmem_shared>> -> memref<10240x128xf32, #tpu.memory_space<vmem_shared>>
        tpu.wait_indirect_dma semaphore(%run_scoped3A_387 : memref<!tpu.dma_semaphore, #tpu.memory_space<semaphore_mem>>) src(%arg10 : memref<128x128xf32, #tpu.memory_space<vmem>>) dst(%dma_wait3A_399 : memref<10240x128xf32, #tpu.memory_space<vmem_shared>>)
        tpu.yield
      }) : () -> ()
      %dma_start3A_138 = arith.constant 2 : i32
      %dma_start3A_139 = arith.constant 0 : i32
      %dma_start3A_140 = tpu.memref_slice %arg6[%dma_start3A_138, %dma_start3A_139] : memref<8x128xi32, #tpu.memory_space<vmem>> -> memref<1x128xi32, #tpu.memory_space<vmem>>
      %dma_start3A_141 = tpu.memref_squeeze %dma_start3A_140 : memref<1x128xi32, #tpu.memory_space<vmem>> -> memref<128xi32, #tpu.memory_space<vmem>>
      %dma_start3A_142 = arith.constant 0 : i32
      %dma_start3A_143 = arith.constant 0 : i32
      %dma_start3A_144 = tpu.memref_slice %arg2[%dma_start3A_142, %dma_start3A_143] : memref<10000x128xf32, #tpu.memory_space<hbm>> -> memref<10000x128xf32, #tpu.memory_space<hbm>>
      tpu.enqueue_indirect_dma source(%dma_start3A_144 : memref<10000x128xf32, #tpu.memory_space<hbm>>) target(%arg10 : memref<128x128xf32, #tpu.memory_space<vmem>>) offsets(%dma_start3A_141 : memref<128xi32, #tpu.memory_space<vmem>>) semaphore(%arg13 : memref<!tpu.dma_semaphore, #tpu.memory_space<semaphore_mem>>)
      %dma_wait3A_145 = arith.constant 1 : i32
      %dma_wait3A_146 = arith.constant 0 : i32
      %dma_wait3A_147 = tpu.memref_slice %arg6[%dma_wait3A_145, %dma_wait3A_146] : memref<8x128xi32, #tpu.memory_space<vmem>> -> memref<1x128xi32, #tpu.memory_space<vmem>>
      %dma_wait3A_148 = tpu.memref_squeeze %dma_wait3A_147 : memref<1x128xi32, #tpu.memory_space<vmem>> -> memref<128xi32, #tpu.memory_space<vmem>>
      %dma_wait3A_149 = arith.constant 0 : i32
      %dma_wait3A_150 = arith.constant 0 : i32
      %dma_wait3A_151 = tpu.memref_slice %arg2[%dma_wait3A_149, %dma_wait3A_150] : memref<10000x128xf32, #tpu.memory_space<hbm>> -> memref<10000x128xf32, #tpu.memory_space<hbm>>
      tpu.wait_indirect_dma semaphore(%arg14 : memref<!tpu.dma_semaphore, #tpu.memory_space<semaphore_mem>>) src(%dma_wait3A_151 : memref<10000x128xf32, #tpu.memory_space<hbm>>) dst(%arg11 : memref<128x128xf32, #tpu.memory_space<vmem>>)
      %run_scoped3A_152 = arith.constant 1 : i32
      "tpu.region"() ({
        %run_scoped3A_387 = tpu.sem_alloc : memref<!tpu.dma_semaphore, #tpu.memory_space<semaphore_mem>>
        %dma_start3A_388 = arith.constant 0 : i32
        %dma_start3A_389 = tpu.memref_slice %arg7[%run_scoped3A_152, %dma_start3A_388] : memref<8x128xi32, #tpu.memory_space<vmem>> -> memref<1x128xi32, #tpu.memory_space<vmem>>
        %dma_start3A_390 = tpu.memref_squeeze %dma_start3A_389 : memref<1x128xi32, #tpu.memory_space<vmem>> -> memref<128xi32, #tpu.memory_space<vmem>>
        %dma_start3A_391 = arith.constant 0 : i32
        %dma_start3A_392 = arith.constant 0 : i32
        %dma_start3A_393 = tpu.memref_slice %arg12[%dma_start3A_391, %dma_start3A_392] : memref<10240x128xf32, #tpu.memory_space<vmem_shared>> -> memref<10240x128xf32, #tpu.memory_space<vmem_shared>>
        tpu.enqueue_indirect_dma source(%arg11 : memref<128x128xf32, #tpu.memory_space<vmem>>) target(%dma_start3A_393 : memref<10240x128xf32, #tpu.memory_space<vmem_shared>>) offsets(%dma_start3A_390 : memref<128xi32, #tpu.memory_space<vmem>>) semaphore(%run_scoped3A_387 : memref<!tpu.dma_semaphore, #tpu.memory_space<semaphore_mem>>) {add = true}
        %dma_wait3A_394 = arith.constant 0 : i32
        %dma_wait3A_395 = tpu.memref_slice %arg7[%run_scoped3A_152, %dma_wait3A_394] : memref<8x128xi32, #tpu.memory_space<vmem>> -> memref<1x128xi32, #tpu.memory_space<vmem>>
        %dma_wait3A_396 = tpu.memref_squeeze %dma_wait3A_395 : memref<1x128xi32, #tpu.memory_space<vmem>> -> memref<128xi32, #tpu.memory_space<vmem>>
        %dma_wait3A_397 = arith.constant 0 : i32
        %dma_wait3A_398 = arith.constant 0 : i32
        %dma_wait3A_399 = tpu.memref_slice %arg12[%dma_wait3A_397, %dma_wait3A_398] : memref<10240x128xf32, #tpu.memory_space<vmem_shared>> -> memref<10240x128xf32, #tpu.memory_space<vmem_shared>>
        tpu.wait_indirect_dma semaphore(%run_scoped3A_387 : memref<!tpu.dma_semaphore, #tpu.memory_space<semaphore_mem>>) src(%arg11 : memref<128x128xf32, #tpu.memory_space<vmem>>) dst(%dma_wait3A_399 : memref<10240x128xf32, #tpu.memory_space<vmem_shared>>)
        tpu.yield
      }) : () -> ()
      %dma_start3A_153 = arith.constant 3 : i32
      %dma_start3A_154 = arith.constant 0 : i32
      %dma_start3A_155 = tpu.memref_slice %arg6[%dma_start3A_153, %dma_start3A_154] : memref<8x128xi32, #tpu.memory_space<vmem>> -> memref<1x128xi32, #tpu.memory_space<vmem>>
      %dma_start3A_156 = tpu.memref_squeeze %dma_start3A_155 : memref<1x128xi32, #tpu.memory_space<vmem>> -> memref<128xi32, #tpu.memory_space<vmem>>
      %dma_start3A_157 = arith.constant 0 : i32
      %dma_start3A_158 = arith.constant 0 : i32
      %dma_start3A_159 = tpu.memref_slice %arg2[%dma_start3A_157, %dma_start3A_158] : memref<10000x128xf32, #tpu.memory_space<hbm>> -> memref<10000x128xf32, #tpu.memory_space<hbm>>
      tpu.enqueue_indirect_dma source(%dma_start3A_159 : memref<10000x128xf32, #tpu.memory_space<hbm>>) target(%arg11 : memref<128x128xf32, #tpu.memory_space<vmem>>) offsets(%dma_start3A_156 : memref<128xi32, #tpu.memory_space<vmem>>) semaphore(%arg14 : memref<!tpu.dma_semaphore, #tpu.memory_space<semaphore_mem>>)
      %dma_wait3A_160 = arith.constant 2 : i32
      %dma_wait3A_161 = arith.constant 0 : i32
      %dma_wait3A_162 = tpu.memref_slice %arg6[%dma_wait3A_160, %dma_wait3A_161] : memref<8x128xi32, #tpu.memory_space<vmem>> -> memref<1x128xi32, #tpu.memory_space<vmem>>
      %dma_wait3A_163 = tpu.memref_squeeze %dma_wait3A_162 : memref<1x128xi32, #tpu.memory_space<vmem>> -> memref<128xi32, #tpu.memory_space<vmem>>
      %dma_wait3A_164 = arith.constant 0 : i32
      %dma_wait3A_165 = arith.constant 0 : i32
      %dma_wait3A_166 = tpu.memref_slice %arg2[%dma_wait3A_164, %dma_wait3A_165] : memref<10000x128xf32, #tpu.memory_space<hbm>> -> memref<10000x128xf32, #tpu.memory_space<hbm>>
      tpu.wait_indirect_dma semaphore(%arg13 : memref<!tpu.dma_semaphore, #tpu.memory_space<semaphore_mem>>) src(%dma_wait3A_166 : memref<10000x128xf32, #tpu.memory_space<hbm>>) dst(%arg10 : memref<128x128xf32, #tpu.memory_space<vmem>>)
      %run_scoped3A_167 = arith.constant 2 : i32
      "tpu.region"() ({
        %run_scoped3A_387 = tpu.sem_alloc : memref<!tpu.dma_semaphore, #tpu.memory_space<semaphore_mem>>
        %dma_start3A_388 = arith.constant 0 : i32
        %dma_start3A_389 = tpu.memref_slice %arg7[%run_scoped3A_167, %dma_start3A_388] : memref<8x128xi32, #tpu.memory_space<vmem>> -> memref<1x128xi32, #tpu.memory_space<vmem>>
        %dma_start3A_390 = tpu.memref_squeeze %dma_start3A_389 : memref<1x128xi32, #tpu.memory_space<vmem>> -> memref<128xi32, #tpu.memory_space<vmem>>
        %dma_start3A_391 = arith.constant 0 : i32
        %dma_start3A_392 = arith.constant 0 : i32
        %dma_start3A_393 = tpu.memref_slice %arg12[%dma_start3A_391, %dma_start3A_392] : memref<10240x128xf32, #tpu.memory_space<vmem_shared>> -> memref<10240x128xf32, #tpu.memory_space<vmem_shared>>
        tpu.enqueue_indirect_dma source(%arg10 : memref<128x128xf32, #tpu.memory_space<vmem>>) target(%dma_start3A_393 : memref<10240x128xf32, #tpu.memory_space<vmem_shared>>) offsets(%dma_start3A_390 : memref<128xi32, #tpu.memory_space<vmem>>) semaphore(%run_scoped3A_387 : memref<!tpu.dma_semaphore, #tpu.memory_space<semaphore_mem>>) {add = true}
        %dma_wait3A_394 = arith.constant 0 : i32
        %dma_wait3A_395 = tpu.memref_slice %arg7[%run_scoped3A_167, %dma_wait3A_394] : memref<8x128xi32, #tpu.memory_space<vmem>> -> memref<1x128xi32, #tpu.memory_space<vmem>>
        %dma_wait3A_396 = tpu.memref_squeeze %dma_wait3A_395 : memref<1x128xi32, #tpu.memory_space<vmem>> -> memref<128xi32, #tpu.memory_space<vmem>>
        %dma_wait3A_397 = arith.constant 0 : i32
        %dma_wait3A_398 = arith.constant 0 : i32
        %dma_wait3A_399 = tpu.memref_slice %arg12[%dma_wait3A_397, %dma_wait3A_398] : memref<10240x128xf32, #tpu.memory_space<vmem_shared>> -> memref<10240x128xf32, #tpu.memory_space<vmem_shared>>
        tpu.wait_indirect_dma semaphore(%run_scoped3A_387 : memref<!tpu.dma_semaphore, #tpu.memory_space<semaphore_mem>>) src(%arg10 : memref<128x128xf32, #tpu.memory_space<vmem>>) dst(%dma_wait3A_399 : memref<10240x128xf32, #tpu.memory_space<vmem_shared>>)
        tpu.yield
      }) : () -> ()
      %dma_start3A_168 = arith.constant 4 : i32
      %dma_start3A_169 = arith.constant 0 : i32
      %dma_start3A_170 = tpu.memref_slice %arg6[%dma_start3A_168, %dma_start3A_169] : memref<8x128xi32, #tpu.memory_space<vmem>> -> memref<1x128xi32, #tpu.memory_space<vmem>>
      %dma_start3A_171 = tpu.memref_squeeze %dma_start3A_170 : memref<1x128xi32, #tpu.memory_space<vmem>> -> memref<128xi32, #tpu.memory_space<vmem>>
      %dma_start3A_172 = arith.constant 0 : i32
      %dma_start3A_173 = arith.constant 0 : i32
      %dma_start3A_174 = tpu.memref_slice %arg2[%dma_start3A_172, %dma_start3A_173] : memref<10000x128xf32, #tpu.memory_space<hbm>> -> memref<10000x128xf32, #tpu.memory_space<hbm>>
      tpu.enqueue_indirect_dma source(%dma_start3A_174 : memref<10000x128xf32, #tpu.memory_space<hbm>>) target(%arg10 : memref<128x128xf32, #tpu.memory_space<vmem>>) offsets(%dma_start3A_171 : memref<128xi32, #tpu.memory_space<vmem>>) semaphore(%arg13 : memref<!tpu.dma_semaphore, #tpu.memory_space<semaphore_mem>>)
      %dma_wait3A_175 = arith.constant 3 : i32
      %dma_wait3A_176 = arith.constant 0 : i32
      %dma_wait3A_177 = tpu.memref_slice %arg6[%dma_wait3A_175, %dma_wait3A_176] : memref<8x128xi32, #tpu.memory_space<vmem>> -> memref<1x128xi32, #tpu.memory_space<vmem>>
      %dma_wait3A_178 = tpu.memref_squeeze %dma_wait3A_177 : memref<1x128xi32, #tpu.memory_space<vmem>> -> memref<128xi32, #tpu.memory_space<vmem>>
      %dma_wait3A_179 = arith.constant 0 : i32
      %dma_wait3A_180 = arith.constant 0 : i32
      %dma_wait3A_181 = tpu.memref_slice %arg2[%dma_wait3A_179, %dma_wait3A_180] : memref<10000x128xf32, #tpu.memory_space<hbm>> -> memref<10000x128xf32, #tpu.memory_space<hbm>>
      tpu.wait_indirect_dma semaphore(%arg14 : memref<!tpu.dma_semaphore, #tpu.memory_space<semaphore_mem>>) src(%dma_wait3A_181 : memref<10000x128xf32, #tpu.memory_space<hbm>>) dst(%arg11 : memref<128x128xf32, #tpu.memory_space<vmem>>)
      %run_scoped3A_182 = arith.constant 3 : i32
      "tpu.region"() ({
        %run_scoped3A_387 = tpu.sem_alloc : memref<!tpu.dma_semaphore, #tpu.memory_space<semaphore_mem>>
        %dma_start3A_388 = arith.constant 0 : i32
        %dma_start3A_389 = tpu.memref_slice %arg7[%run_scoped3A_182, %dma_start3A_388] : memref<8x128xi32, #tpu.memory_space<vmem>> -> memref<1x128xi32, #tpu.memory_space<vmem>>
        %dma_start3A_390 = tpu.memref_squeeze %dma_start3A_389 : memref<1x128xi32, #tpu.memory_space<vmem>> -> memref<128xi32, #tpu.memory_space<vmem>>
        %dma_start3A_391 = arith.constant 0 : i32
        %dma_start3A_392 = arith.constant 0 : i32
        %dma_start3A_393 = tpu.memref_slice %arg12[%dma_start3A_391, %dma_start3A_392] : memref<10240x128xf32, #tpu.memory_space<vmem_shared>> -> memref<10240x128xf32, #tpu.memory_space<vmem_shared>>
        tpu.enqueue_indirect_dma source(%arg11 : memref<128x128xf32, #tpu.memory_space<vmem>>) target(%dma_start3A_393 : memref<10240x128xf32, #tpu.memory_space<vmem_shared>>) offsets(%dma_start3A_390 : memref<128xi32, #tpu.memory_space<vmem>>) semaphore(%run_scoped3A_387 : memref<!tpu.dma_semaphore, #tpu.memory_space<semaphore_mem>>) {add = true}
        %dma_wait3A_394 = arith.constant 0 : i32
        %dma_wait3A_395 = tpu.memref_slice %arg7[%run_scoped3A_182, %dma_wait3A_394] : memref<8x128xi32, #tpu.memory_space<vmem>> -> memref<1x128xi32, #tpu.memory_space<vmem>>
        %dma_wait3A_396 = tpu.memref_squeeze %dma_wait3A_395 : memref<1x128xi32, #tpu.memory_space<vmem>> -> memref<128xi32, #tpu.memory_space<vmem>>
        %dma_wait3A_397 = arith.constant 0 : i32
        %dma_wait3A_398 = arith.constant 0 : i32
        %dma_wait3A_399 = tpu.memref_slice %arg12[%dma_wait3A_397, %dma_wait3A_398] : memref<10240x128xf32, #tpu.memory_space<vmem_shared>> -> memref<10240x128xf32, #tpu.memory_space<vmem_shared>>
        tpu.wait_indirect_dma semaphore(%run_scoped3A_387 : memref<!tpu.dma_semaphore, #tpu.memory_space<semaphore_mem>>) src(%arg11 : memref<128x128xf32, #tpu.memory_space<vmem>>) dst(%dma_wait3A_399 : memref<10240x128xf32, #tpu.memory_space<vmem_shared>>)
        tpu.yield
      }) : () -> ()
      %dma_start3A_183 = arith.constant 5 : i32
      %dma_start3A_184 = arith.constant 0 : i32
      %dma_start3A_185 = tpu.memref_slice %arg6[%dma_start3A_183, %dma_start3A_184] : memref<8x128xi32, #tpu.memory_space<vmem>> -> memref<1x128xi32, #tpu.memory_space<vmem>>
      %dma_start3A_186 = tpu.memref_squeeze %dma_start3A_185 : memref<1x128xi32, #tpu.memory_space<vmem>> -> memref<128xi32, #tpu.memory_space<vmem>>
      %dma_start3A_187 = arith.constant 0 : i32
      %dma_start3A_188 = arith.constant 0 : i32
      %dma_start3A_189 = tpu.memref_slice %arg2[%dma_start3A_187, %dma_start3A_188] : memref<10000x128xf32, #tpu.memory_space<hbm>> -> memref<10000x128xf32, #tpu.memory_space<hbm>>
      tpu.enqueue_indirect_dma source(%dma_start3A_189 : memref<10000x128xf32, #tpu.memory_space<hbm>>) target(%arg11 : memref<128x128xf32, #tpu.memory_space<vmem>>) offsets(%dma_start3A_186 : memref<128xi32, #tpu.memory_space<vmem>>) semaphore(%arg14 : memref<!tpu.dma_semaphore, #tpu.memory_space<semaphore_mem>>)
      %dma_wait3A_190 = arith.constant 4 : i32
      %dma_wait3A_191 = arith.constant 0 : i32
      %dma_wait3A_192 = tpu.memref_slice %arg6[%dma_wait3A_190, %dma_wait3A_191] : memref<8x128xi32, #tpu.memory_space<vmem>> -> memref<1x128xi32, #tpu.memory_space<vmem>>
      %dma_wait3A_193 = tpu.memref_squeeze %dma_wait3A_192 : memref<1x128xi32, #tpu.memory_space<vmem>> -> memref<128xi32, #tpu.memory_space<vmem>>
      %dma_wait3A_194 = arith.constant 0 : i32
      %dma_wait3A_195 = arith.constant 0 : i32
      %dma_wait3A_196 = tpu.memref_slice %arg2[%dma_wait3A_194, %dma_wait3A_195] : memref<10000x128xf32, #tpu.memory_space<hbm>> -> memref<10000x128xf32, #tpu.memory_space<hbm>>
      tpu.wait_indirect_dma semaphore(%arg13 : memref<!tpu.dma_semaphore, #tpu.memory_space<semaphore_mem>>) src(%dma_wait3A_196 : memref<10000x128xf32, #tpu.memory_space<hbm>>) dst(%arg10 : memref<128x128xf32, #tpu.memory_space<vmem>>)
      %run_scoped3A_197 = arith.constant 4 : i32
      "tpu.region"() ({
        %run_scoped3A_387 = tpu.sem_alloc : memref<!tpu.dma_semaphore, #tpu.memory_space<semaphore_mem>>
        %dma_start3A_388 = arith.constant 0 : i32
        %dma_start3A_389 = tpu.memref_slice %arg7[%run_scoped3A_197, %dma_start3A_388] : memref<8x128xi32, #tpu.memory_space<vmem>> -> memref<1x128xi32, #tpu.memory_space<vmem>>
        %dma_start3A_390 = tpu.memref_squeeze %dma_start3A_389 : memref<1x128xi32, #tpu.memory_space<vmem>> -> memref<128xi32, #tpu.memory_space<vmem>>
        %dma_start3A_391 = arith.constant 0 : i32
        %dma_start3A_392 = arith.constant 0 : i32
        %dma_start3A_393 = tpu.memref_slice %arg12[%dma_start3A_391, %dma_start3A_392] : memref<10240x128xf32, #tpu.memory_space<vmem_shared>> -> memref<10240x128xf32, #tpu.memory_space<vmem_shared>>
        tpu.enqueue_indirect_dma source(%arg10 : memref<128x128xf32, #tpu.memory_space<vmem>>) target(%dma_start3A_393 : memref<10240x128xf32, #tpu.memory_space<vmem_shared>>) offsets(%dma_start3A_390 : memref<128xi32, #tpu.memory_space<vmem>>) semaphore(%run_scoped3A_387 : memref<!tpu.dma_semaphore, #tpu.memory_space<semaphore_mem>>) {add = true}
        %dma_wait3A_394 = arith.constant 0 : i32
        %dma_wait3A_395 = tpu.memref_slice %arg7[%run_scoped3A_197, %dma_wait3A_394] : memref<8x128xi32, #tpu.memory_space<vmem>> -> memref<1x128xi32, #tpu.memory_space<vmem>>
        %dma_wait3A_396 = tpu.memref_squeeze %dma_wait3A_395 : memref<1x128xi32, #tpu.memory_space<vmem>> -> memref<128xi32, #tpu.memory_space<vmem>>
        %dma_wait3A_397 = arith.constant 0 : i32
        %dma_wait3A_398 = arith.constant 0 : i32
        %dma_wait3A_399 = tpu.memref_slice %arg12[%dma_wait3A_397, %dma_wait3A_398] : memref<10240x128xf32, #tpu.memory_space<vmem_shared>> -> memref<10240x128xf32, #tpu.memory_space<vmem_shared>>
        tpu.wait_indirect_dma semaphore(%run_scoped3A_387 : memref<!tpu.dma_semaphore, #tpu.memory_space<semaphore_mem>>) src(%arg10 : memref<128x128xf32, #tpu.memory_space<vmem>>) dst(%dma_wait3A_399 : memref<10240x128xf32, #tpu.memory_space<vmem_shared>>)
        tpu.yield
      }) : () -> ()
      %dma_start3A_198 = arith.constant 6 : i32
      %dma_start3A_199 = arith.constant 0 : i32
      %dma_start3A_200 = tpu.memref_slice %arg6[%dma_start3A_198, %dma_start3A_199] : memref<8x128xi32, #tpu.memory_space<vmem>> -> memref<1x128xi32, #tpu.memory_space<vmem>>
      %dma_start3A_201 = tpu.memref_squeeze %dma_start3A_200 : memref<1x128xi32, #tpu.memory_space<vmem>> -> memref<128xi32, #tpu.memory_space<vmem>>
      %dma_start3A_202 = arith.constant 0 : i32
      %dma_start3A_203 = arith.constant 0 : i32
      %dma_start3A_204 = tpu.memref_slice %arg2[%dma_start3A_202, %dma_start3A_203] : memref<10000x128xf32, #tpu.memory_space<hbm>> -> memref<10000x128xf32, #tpu.memory_space<hbm>>
      tpu.enqueue_indirect_dma source(%dma_start3A_204 : memref<10000x128xf32, #tpu.memory_space<hbm>>) target(%arg10 : memref<128x128xf32, #tpu.memory_space<vmem>>) offsets(%dma_start3A_201 : memref<128xi32, #tpu.memory_space<vmem>>) semaphore(%arg13 : memref<!tpu.dma_semaphore, #tpu.memory_space<semaphore_mem>>)
      %dma_wait3A_205 = arith.constant 5 : i32
      %dma_wait3A_206 = arith.constant 0 : i32
      %dma_wait3A_207 = tpu.memref_slice %arg6[%dma_wait3A_205, %dma_wait3A_206] : memref<8x128xi32, #tpu.memory_space<vmem>> -> memref<1x128xi32, #tpu.memory_space<vmem>>
      %dma_wait3A_208 = tpu.memref_squeeze %dma_wait3A_207 : memref<1x128xi32, #tpu.memory_space<vmem>> -> memref<128xi32, #tpu.memory_space<vmem>>
      %dma_wait3A_209 = arith.constant 0 : i32
      %dma_wait3A_210 = arith.constant 0 : i32
      %dma_wait3A_211 = tpu.memref_slice %arg2[%dma_wait3A_209, %dma_wait3A_210] : memref<10000x128xf32, #tpu.memory_space<hbm>> -> memref<10000x128xf32, #tpu.memory_space<hbm>>
      tpu.wait_indirect_dma semaphore(%arg14 : memref<!tpu.dma_semaphore, #tpu.memory_space<semaphore_mem>>) src(%dma_wait3A_211 : memref<10000x128xf32, #tpu.memory_space<hbm>>) dst(%arg11 : memref<128x128xf32, #tpu.memory_space<vmem>>)
      %run_scoped3A_212 = arith.constant 5 : i32
      "tpu.region"() ({
        %run_scoped3A_387 = tpu.sem_alloc : memref<!tpu.dma_semaphore, #tpu.memory_space<semaphore_mem>>
        %dma_start3A_388 = arith.constant 0 : i32
        %dma_start3A_389 = tpu.memref_slice %arg7[%run_scoped3A_212, %dma_start3A_388] : memref<8x128xi32, #tpu.memory_space<vmem>> -> memref<1x128xi32, #tpu.memory_space<vmem>>
        %dma_start3A_390 = tpu.memref_squeeze %dma_start3A_389 : memref<1x128xi32, #tpu.memory_space<vmem>> -> memref<128xi32, #tpu.memory_space<vmem>>
        %dma_start3A_391 = arith.constant 0 : i32
        %dma_start3A_392 = arith.constant 0 : i32
        %dma_start3A_393 = tpu.memref_slice %arg12[%dma_start3A_391, %dma_start3A_392] : memref<10240x128xf32, #tpu.memory_space<vmem_shared>> -> memref<10240x128xf32, #tpu.memory_space<vmem_shared>>
        tpu.enqueue_indirect_dma source(%arg11 : memref<128x128xf32, #tpu.memory_space<vmem>>) target(%dma_start3A_393 : memref<10240x128xf32, #tpu.memory_space<vmem_shared>>) offsets(%dma_start3A_390 : memref<128xi32, #tpu.memory_space<vmem>>) semaphore(%run_scoped3A_387 : memref<!tpu.dma_semaphore, #tpu.memory_space<semaphore_mem>>) {add = true}
        %dma_wait3A_394 = arith.constant 0 : i32
        %dma_wait3A_395 = tpu.memref_slice %arg7[%run_scoped3A_212, %dma_wait3A_394] : memref<8x128xi32, #tpu.memory_space<vmem>> -> memref<1x128xi32, #tpu.memory_space<vmem>>
        %dma_wait3A_396 = tpu.memref_squeeze %dma_wait3A_395 : memref<1x128xi32, #tpu.memory_space<vmem>> -> memref<128xi32, #tpu.memory_space<vmem>>
        %dma_wait3A_397 = arith.constant 0 : i32
        %dma_wait3A_398 = arith.constant 0 : i32
        %dma_wait3A_399 = tpu.memref_slice %arg12[%dma_wait3A_397, %dma_wait3A_398] : memref<10240x128xf32, #tpu.memory_space<vmem_shared>> -> memref<10240x128xf32, #tpu.memory_space<vmem_shared>>
        tpu.wait_indirect_dma semaphore(%run_scoped3A_387 : memref<!tpu.dma_semaphore, #tpu.memory_space<semaphore_mem>>) src(%arg11 : memref<128x128xf32, #tpu.memory_space<vmem>>) dst(%dma_wait3A_399 : memref<10240x128xf32, #tpu.memory_space<vmem_shared>>)
        tpu.yield
      }) : () -> ()
      %dma_start3A_213 = arith.constant 7 : i32
      %dma_start3A_214 = arith.constant 0 : i32
      %dma_start3A_215 = tpu.memref_slice %arg6[%dma_start3A_213, %dma_start3A_214] : memref<8x128xi32, #tpu.memory_space<vmem>> -> memref<1x128xi32, #tpu.memory_space<vmem>>
      %dma_start3A_216 = tpu.memref_squeeze %dma_start3A_215 : memref<1x128xi32, #tpu.memory_space<vmem>> -> memref<128xi32, #tpu.memory_space<vmem>>
      %dma_start3A_217 = arith.constant 0 : i32
      %dma_start3A_218 = arith.constant 0 : i32
      %dma_start3A_219 = tpu.memref_slice %arg2[%dma_start3A_217, %dma_start3A_218] : memref<10000x128xf32, #tpu.memory_space<hbm>> -> memref<10000x128xf32, #tpu.memory_space<hbm>>
      tpu.enqueue_indirect_dma source(%dma_start3A_219 : memref<10000x128xf32, #tpu.memory_space<hbm>>) target(%arg11 : memref<128x128xf32, #tpu.memory_space<vmem>>) offsets(%dma_start3A_216 : memref<128xi32, #tpu.memory_space<vmem>>) semaphore(%arg14 : memref<!tpu.dma_semaphore, #tpu.memory_space<semaphore_mem>>)
      %dma_wait3A_220 = arith.constant 6 : i32
      %dma_wait3A_221 = arith.constant 0 : i32
      %dma_wait3A_222 = tpu.memref_slice %arg6[%dma_wait3A_220, %dma_wait3A_221] : memref<8x128xi32, #tpu.memory_space<vmem>> -> memref<1x128xi32, #tpu.memory_space<vmem>>
      %dma_wait3A_223 = tpu.memref_squeeze %dma_wait3A_222 : memref<1x128xi32, #tpu.memory_space<vmem>> -> memref<128xi32, #tpu.memory_space<vmem>>
      %dma_wait3A_224 = arith.constant 0 : i32
      %dma_wait3A_225 = arith.constant 0 : i32
      %dma_wait3A_226 = tpu.memref_slice %arg2[%dma_wait3A_224, %dma_wait3A_225] : memref<10000x128xf32, #tpu.memory_space<hbm>> -> memref<10000x128xf32, #tpu.memory_space<hbm>>
      tpu.wait_indirect_dma semaphore(%arg13 : memref<!tpu.dma_semaphore, #tpu.memory_space<semaphore_mem>>) src(%dma_wait3A_226 : memref<10000x128xf32, #tpu.memory_space<hbm>>) dst(%arg10 : memref<128x128xf32, #tpu.memory_space<vmem>>)
      %run_scoped3A_227 = arith.constant 6 : i32
      "tpu.region"() ({
        %run_scoped3A_387 = tpu.sem_alloc : memref<!tpu.dma_semaphore, #tpu.memory_space<semaphore_mem>>
        %dma_start3A_388 = arith.constant 0 : i32
        %dma_start3A_389 = tpu.memref_slice %arg7[%run_scoped3A_227, %dma_start3A_388] : memref<8x128xi32, #tpu.memory_space<vmem>> -> memref<1x128xi32, #tpu.memory_space<vmem>>
        %dma_start3A_390 = tpu.memref_squeeze %dma_start3A_389 : memref<1x128xi32, #tpu.memory_space<vmem>> -> memref<128xi32, #tpu.memory_space<vmem>>
        %dma_start3A_391 = arith.constant 0 : i32
        %dma_start3A_392 = arith.constant 0 : i32
        %dma_start3A_393 = tpu.memref_slice %arg12[%dma_start3A_391, %dma_start3A_392] : memref<10240x128xf32, #tpu.memory_space<vmem_shared>> -> memref<10240x128xf32, #tpu.memory_space<vmem_shared>>
        tpu.enqueue_indirect_dma source(%arg10 : memref<128x128xf32, #tpu.memory_space<vmem>>) target(%dma_start3A_393 : memref<10240x128xf32, #tpu.memory_space<vmem_shared>>) offsets(%dma_start3A_390 : memref<128xi32, #tpu.memory_space<vmem>>) semaphore(%run_scoped3A_387 : memref<!tpu.dma_semaphore, #tpu.memory_space<semaphore_mem>>) {add = true}
        %dma_wait3A_394 = arith.constant 0 : i32
        %dma_wait3A_395 = tpu.memref_slice %arg7[%run_scoped3A_227, %dma_wait3A_394] : memref<8x128xi32, #tpu.memory_space<vmem>> -> memref<1x128xi32, #tpu.memory_space<vmem>>
        %dma_wait3A_396 = tpu.memref_squeeze %dma_wait3A_395 : memref<1x128xi32, #tpu.memory_space<vmem>> -> memref<128xi32, #tpu.memory_space<vmem>>
        %dma_wait3A_397 = arith.constant 0 : i32
        %dma_wait3A_398 = arith.constant 0 : i32
        %dma_wait3A_399 = tpu.memref_slice %arg12[%dma_wait3A_397, %dma_wait3A_398] : memref<10240x128xf32, #tpu.memory_space<vmem_shared>> -> memref<10240x128xf32, #tpu.memory_space<vmem_shared>>
        tpu.wait_indirect_dma semaphore(%run_scoped3A_387 : memref<!tpu.dma_semaphore, #tpu.memory_space<semaphore_mem>>) src(%arg10 : memref<128x128xf32, #tpu.memory_space<vmem>>) dst(%dma_wait3A_399 : memref<10240x128xf32, #tpu.memory_space<vmem_shared>>)
        tpu.yield
      }) : () -> ()
      %dma_wait3A_228 = arith.constant 0 : i32
      %dma_wait3A_229 = arith.constant 0 : i32
      %dma_wait3A_230 = tpu.memref_slice %arg3[%add3A, %dma_wait3A_228, %dma_wait3A_229] : memref<32x80x128xi32, #tpu.memory_space<hbm>> -> memref<1x8x128xi32, #tpu.memory_space<hbm>>
      %dma_wait3A_231 = tpu.memref_squeeze %dma_wait3A_230 : memref<1x8x128xi32, #tpu.memory_space<hbm>> -> memref<8x128xi32, #tpu.memory_space<hbm>>
      %dma_wait3A_232 = arith.constant 0 : i32
      %dma_wait3A_233 = arith.constant 0 : i32
      %dma_wait3A_234 = tpu.memref_slice %arg3[%add3A, %dma_wait3A_232, %dma_wait3A_233] : memref<32x80x128xi32, #tpu.memory_space<hbm>> -> memref<1x8x128xi32, #tpu.memory_space<hbm>>
      %dma_wait3A_235 = tpu.memref_squeeze %dma_wait3A_234 : memref<1x8x128xi32, #tpu.memory_space<hbm>> -> memref<8x128xi32, #tpu.memory_space<hbm>>
      tpu.wait_dma2 semaphore(%arg16 : memref<!tpu.dma_semaphore, #tpu.memory_space<semaphore_mem>>) src(%dma_wait3A_235 : memref<8x128xi32, #tpu.memory_space<hbm>>) dst(%arg8 : memref<8x128xi32, #tpu.memory_space<vmem>>)
      %dma_wait3A_236 = arith.constant 0 : i32
      %dma_wait3A_237 = arith.constant 0 : i32
      %dma_wait3A_238 = tpu.memref_slice %arg4[%add3A, %dma_wait3A_236, %dma_wait3A_237] : memref<32x80x128xi32, #tpu.memory_space<hbm>> -> memref<1x8x128xi32, #tpu.memory_space<hbm>>
      %dma_wait3A_239 = tpu.memref_squeeze %dma_wait3A_238 : memref<1x8x128xi32, #tpu.memory_space<hbm>> -> memref<8x128xi32, #tpu.memory_space<hbm>>
      %dma_wait3A_240 = arith.constant 0 : i32
      %dma_wait3A_241 = arith.constant 0 : i32
      %dma_wait3A_242 = tpu.memref_slice %arg4[%add3A, %dma_wait3A_240, %dma_wait3A_241] : memref<32x80x128xi32, #tpu.memory_space<hbm>> -> memref<1x8x128xi32, #tpu.memory_space<hbm>>
      %dma_wait3A_243 = tpu.memref_squeeze %dma_wait3A_242 : memref<1x8x128xi32, #tpu.memory_space<hbm>> -> memref<8x128xi32, #tpu.memory_space<hbm>>
      tpu.wait_dma2 semaphore(%arg16 : memref<!tpu.dma_semaphore, #tpu.memory_space<semaphore_mem>>) src(%dma_wait3A_243 : memref<8x128xi32, #tpu.memory_space<hbm>>) dst(%arg9 : memref<8x128xi32, #tpu.memory_space<vmem>>)
      %dma_start3A_244 = arith.constant 0 : i32
      %dma_start3A_245 = arith.constant 0 : i32
      %dma_start3A_246 = tpu.memref_slice %arg8[%dma_start3A_244, %dma_start3A_245] : memref<8x128xi32, #tpu.memory_space<vmem>> -> memref<1x128xi32, #tpu.memory_space<vmem>>
      %dma_start3A_247 = tpu.memref_squeeze %dma_start3A_246 : memref<1x128xi32, #tpu.memory_space<vmem>> -> memref<128xi32, #tpu.memory_space<vmem>>
      %dma_start3A_248 = arith.constant 0 : i32
      %dma_start3A_249 = arith.constant 0 : i32
      %dma_start3A_250 = tpu.memref_slice %arg2[%dma_start3A_248, %dma_start3A_249] : memref<10000x128xf32, #tpu.memory_space<hbm>> -> memref<10000x128xf32, #tpu.memory_space<hbm>>
      tpu.enqueue_indirect_dma source(%dma_start3A_250 : memref<10000x128xf32, #tpu.memory_space<hbm>>) target(%arg10 : memref<128x128xf32, #tpu.memory_space<vmem>>) offsets(%dma_start3A_247 : memref<128xi32, #tpu.memory_space<vmem>>) semaphore(%arg13 : memref<!tpu.dma_semaphore, #tpu.memory_space<semaphore_mem>>)
      %dma_wait3A_251 = arith.constant 7 : i32
      %dma_wait3A_252 = arith.constant 0 : i32
      %dma_wait3A_253 = tpu.memref_slice %arg6[%dma_wait3A_251, %dma_wait3A_252] : memref<8x128xi32, #tpu.memory_space<vmem>> -> memref<1x128xi32, #tpu.memory_space<vmem>>
      %dma_wait3A_254 = tpu.memref_squeeze %dma_wait3A_253 : memref<1x128xi32, #tpu.memory_space<vmem>> -> memref<128xi32, #tpu.memory_space<vmem>>
      %dma_wait3A_255 = arith.constant 0 : i32
      %dma_wait3A_256 = arith.constant 0 : i32
      %dma_wait3A_257 = tpu.memref_slice %arg2[%dma_wait3A_255, %dma_wait3A_256] : memref<10000x128xf32, #tpu.memory_space<hbm>> -> memref<10000x128xf32, #tpu.memory_space<hbm>>
      tpu.wait_indirect_dma semaphore(%arg14 : memref<!tpu.dma_semaphore, #tpu.memory_space<semaphore_mem>>) src(%dma_wait3A_257 : memref<10000x128xf32, #tpu.memory_space<hbm>>) dst(%arg11 : memref<128x128xf32, #tpu.memory_space<vmem>>)
      %run_scoped3A_258 = arith.constant 7 : i32
      "tpu.region"() ({
        %run_scoped3A_387 = tpu.sem_alloc : memref<!tpu.dma_semaphore, #tpu.memory_space<semaphore_mem>>
        %dma_start3A_388 = arith.constant 0 : i32
        %dma_start3A_389 = tpu.memref_slice %arg7[%run_scoped3A_258, %dma_start3A_388] : memref<8x128xi32, #tpu.memory_space<vmem>> -> memref<1x128xi32, #tpu.memory_space<vmem>>
        %dma_start3A_390 = tpu.memref_squeeze %dma_start3A_389 : memref<1x128xi32, #tpu.memory_space<vmem>> -> memref<128xi32, #tpu.memory_space<vmem>>
        %dma_start3A_391 = arith.constant 0 : i32
        %dma_start3A_392 = arith.constant 0 : i32
        %dma_start3A_393 = tpu.memref_slice %arg12[%dma_start3A_391, %dma_start3A_392] : memref<10240x128xf32, #tpu.memory_space<vmem_shared>> -> memref<10240x128xf32, #tpu.memory_space<vmem_shared>>
        tpu.enqueue_indirect_dma source(%arg11 : memref<128x128xf32, #tpu.memory_space<vmem>>) target(%dma_start3A_393 : memref<10240x128xf32, #tpu.memory_space<vmem_shared>>) offsets(%dma_start3A_390 : memref<128xi32, #tpu.memory_space<vmem>>) semaphore(%run_scoped3A_387 : memref<!tpu.dma_semaphore, #tpu.memory_space<semaphore_mem>>) {add = true}
        %dma_wait3A_394 = arith.constant 0 : i32
        %dma_wait3A_395 = tpu.memref_slice %arg7[%run_scoped3A_258, %dma_wait3A_394] : memref<8x128xi32, #tpu.memory_space<vmem>> -> memref<1x128xi32, #tpu.memory_space<vmem>>
        %dma_wait3A_396 = tpu.memref_squeeze %dma_wait3A_395 : memref<1x128xi32, #tpu.memory_space<vmem>> -> memref<128xi32, #tpu.memory_space<vmem>>
        %dma_wait3A_397 = arith.constant 0 : i32
        %dma_wait3A_398 = arith.constant 0 : i32
        %dma_wait3A_399 = tpu.memref_slice %arg12[%dma_wait3A_397, %dma_wait3A_398] : memref<10240x128xf32, #tpu.memory_space<vmem_shared>> -> memref<10240x128xf32, #tpu.memory_space<vmem_shared>>
        tpu.wait_indirect_dma semaphore(%run_scoped3A_387 : memref<!tpu.dma_semaphore, #tpu.memory_space<semaphore_mem>>) src(%arg11 : memref<128x128xf32, #tpu.memory_space<vmem>>) dst(%dma_wait3A_399 : memref<10240x128xf32, #tpu.memory_space<vmem_shared>>)
        tpu.yield
      }) : () -> ()
      %lt3A_259 = arith.constant 4 : i32
      %lt3A_260 = arith.cmpi slt, %scan3A_123, %lt3A_259 : i32
      %convert_element_type3A_261 = arith.extui %lt3A_260 : i1 to i32
      %cond3A_262 = arith.constant 0 : i32
      %cond3A_263 = arith.cmpi ne, %convert_element_type3A_261, %cond3A_262 : i32
      scf.if %cond3A_263 {
        %add3A_387 = arith.constant 1 : i32
        %add3A_388 = arith.addi %scan3A_123, %add3A_387 : i32
        %mul3A_389 = arith.constant 2 : i32
        %mul3A_390 = arith.muli %add3A_388, %mul3A_389 : i32
        %mul3A_391 = arith.constant 8 : i32
        %mul3A_392 = arith.muli %mul3A_390, %mul3A_391 : i32
        %dma_start3A_393 = arith.constant 0 : i32
        %dma_start3A_394 = tpu.memref_slice %arg3[%add3A, %mul3A_392, %dma_start3A_393] : memref<32x80x128xi32, #tpu.memory_space<hbm>> -> memref<1x8x128xi32, #tpu.memory_space<hbm>>
        %dma_start3A_395 = tpu.memref_squeeze %dma_start3A_394 : memref<1x8x128xi32, #tpu.memory_space<hbm>> -> memref<8x128xi32, #tpu.memory_space<hbm>>
        %dma_start3A_396 = arith.constant 0 : i32
        %dma_start3A_397 = tpu.memref_slice %arg3[%add3A, %mul3A_392, %dma_start3A_396] : memref<32x80x128xi32, #tpu.memory_space<hbm>> -> memref<1x8x128xi32, #tpu.memory_space<hbm>>
        %dma_start3A_398 = tpu.memref_squeeze %dma_start3A_397 : memref<1x8x128xi32, #tpu.memory_space<hbm>> -> memref<8x128xi32, #tpu.memory_space<hbm>>
        tpu.enqueue_dma source(%dma_start3A_398 : memref<8x128xi32, #tpu.memory_space<hbm>>) target(%arg6 : memref<8x128xi32, #tpu.memory_space<vmem>>) target_semaphore(%arg15 : memref<!tpu.dma_semaphore, #tpu.memory_space<semaphore_mem>>)
        %mul3A_399 = arith.constant 8 : i32
        %mul3A_400 = arith.muli %mul3A_390, %mul3A_399 : i32
        %dma_start3A_401 = arith.constant 0 : i32
        %dma_start3A_402 = tpu.memref_slice %arg4[%add3A, %mul3A_400, %dma_start3A_401] : memref<32x80x128xi32, #tpu.memory_space<hbm>> -> memref<1x8x128xi32, #tpu.memory_space<hbm>>
        %dma_start3A_403 = tpu.memref_squeeze %dma_start3A_402 : memref<1x8x128xi32, #tpu.memory_space<hbm>> -> memref<8x128xi32, #tpu.memory_space<hbm>>
        %dma_start3A_404 = arith.constant 0 : i32
        %dma_start3A_405 = tpu.memref_slice %arg4[%add3A, %mul3A_400, %dma_start3A_404] : memref<32x80x128xi32, #tpu.memory_space<hbm>> -> memref<1x8x128xi32, #tpu.memory_space<hbm>>
        %dma_start3A_406 = tpu.memref_squeeze %dma_start3A_405 : memref<1x8x128xi32, #tpu.memory_space<hbm>> -> memref<8x128xi32, #tpu.memory_space<hbm>>
        tpu.enqueue_dma source(%dma_start3A_406 : memref<8x128xi32, #tpu.memory_space<hbm>>) target(%arg7 : memref<8x128xi32, #tpu.memory_space<vmem>>) target_semaphore(%arg15 : memref<!tpu.dma_semaphore, #tpu.memory_space<semaphore_mem>>)
      } else {
      }
      %dma_start3A_264 = arith.constant 1 : i32
      %dma_start3A_265 = arith.constant 0 : i32
      %dma_start3A_266 = tpu.memref_slice %arg8[%dma_start3A_264, %dma_start3A_265] : memref<8x128xi32, #tpu.memory_space<vmem>> -> memref<1x128xi32, #tpu.memory_space<vmem>>
      %dma_start3A_267 = tpu.memref_squeeze %dma_start3A_266 : memref<1x128xi32, #tpu.memory_space<vmem>> -> memref<128xi32, #tpu.memory_space<vmem>>
      %dma_start3A_268 = arith.constant 0 : i32
      %dma_start3A_269 = arith.constant 0 : i32
      %dma_start3A_270 = tpu.memref_slice %arg2[%dma_start3A_268, %dma_start3A_269] : memref<10000x128xf32, #tpu.memory_space<hbm>> -> memref<10000x128xf32, #tpu.memory_space<hbm>>
      tpu.enqueue_indirect_dma source(%dma_start3A_270 : memref<10000x128xf32, #tpu.memory_space<hbm>>) target(%arg11 : memref<128x128xf32, #tpu.memory_space<vmem>>) offsets(%dma_start3A_267 : memref<128xi32, #tpu.memory_space<vmem>>) semaphore(%arg14 : memref<!tpu.dma_semaphore, #tpu.memory_space<semaphore_mem>>)
      %dma_wait3A_271 = arith.constant 0 : i32
      %dma_wait3A_272 = arith.constant 0 : i32
      %dma_wait3A_273 = tpu.memref_slice %arg8[%dma_wait3A_271, %dma_wait3A_272] : memref<8x128xi32, #tpu.memory_space<vmem>> -> memref<1x128xi32, #tpu.memory_space<vmem>>
      %dma_wait3A_274 = tpu.memref_squeeze %dma_wait3A_273 : memref<1x128xi32, #tpu.memory_space<vmem>> -> memref<128xi32, #tpu.memory_space<vmem>>
      %dma_wait3A_275 = arith.constant 0 : i32
      %dma_wait3A_276 = arith.constant 0 : i32
      %dma_wait3A_277 = tpu.memref_slice %arg2[%dma_wait3A_275, %dma_wait3A_276] : memref<10000x128xf32, #tpu.memory_space<hbm>> -> memref<10000x128xf32, #tpu.memory_space<hbm>>
      tpu.wait_indirect_dma semaphore(%arg13 : memref<!tpu.dma_semaphore, #tpu.memory_space<semaphore_mem>>) src(%dma_wait3A_277 : memref<10000x128xf32, #tpu.memory_space<hbm>>) dst(%arg10 : memref<128x128xf32, #tpu.memory_space<vmem>>)
      %run_scoped3A_278 = arith.constant 0 : i32
      "tpu.region"() ({
        %run_scoped3A_387 = tpu.sem_alloc : memref<!tpu.dma_semaphore, #tpu.memory_space<semaphore_mem>>
        %dma_start3A_388 = arith.constant 0 : i32
        %dma_start3A_389 = tpu.memref_slice %arg9[%run_scoped3A_278, %dma_start3A_388] : memref<8x128xi32, #tpu.memory_space<vmem>> -> memref<1x128xi32, #tpu.memory_space<vmem>>
        %dma_start3A_390 = tpu.memref_squeeze %dma_start3A_389 : memref<1x128xi32, #tpu.memory_space<vmem>> -> memref<128xi32, #tpu.memory_space<vmem>>
        %dma_start3A_391 = arith.constant 0 : i32
        %dma_start3A_392 = arith.constant 0 : i32
        %dma_start3A_393 = tpu.memref_slice %arg12[%dma_start3A_391, %dma_start3A_392] : memref<10240x128xf32, #tpu.memory_space<vmem_shared>> -> memref<10240x128xf32, #tpu.memory_space<vmem_shared>>
        tpu.enqueue_indirect_dma source(%arg10 : memref<128x128xf32, #tpu.memory_space<vmem>>) target(%dma_start3A_393 : memref<10240x128xf32, #tpu.memory_space<vmem_shared>>) offsets(%dma_start3A_390 : memref<128xi32, #tpu.memory_space<vmem>>) semaphore(%run_scoped3A_387 : memref<!tpu.dma_semaphore, #tpu.memory_space<semaphore_mem>>) {add = true}
        %dma_wait3A_394 = arith.constant 0 : i32
        %dma_wait3A_395 = tpu.memref_slice %arg9[%run_scoped3A_278, %dma_wait3A_394] : memref<8x128xi32, #tpu.memory_space<vmem>> -> memref<1x128xi32, #tpu.memory_space<vmem>>
        %dma_wait3A_396 = tpu.memref_squeeze %dma_wait3A_395 : memref<1x128xi32, #tpu.memory_space<vmem>> -> memref<128xi32, #tpu.memory_space<vmem>>
        %dma_wait3A_397 = arith.constant 0 : i32
        %dma_wait3A_398 = arith.constant 0 : i32
        %dma_wait3A_399 = tpu.memref_slice %arg12[%dma_wait3A_397, %dma_wait3A_398] : memref<10240x128xf32, #tpu.memory_space<vmem_shared>> -> memref<10240x128xf32, #tpu.memory_space<vmem_shared>>
        tpu.wait_indirect_dma semaphore(%run_scoped3A_387 : memref<!tpu.dma_semaphore, #tpu.memory_space<semaphore_mem>>) src(%arg10 : memref<128x128xf32, #tpu.memory_space<vmem>>) dst(%dma_wait3A_399 : memref<10240x128xf32, #tpu.memory_space<vmem_shared>>)
        tpu.yield
      }) : () -> ()
      %dma_start3A_279 = arith.constant 2 : i32
      %dma_start3A_280 = arith.constant 0 : i32
      %dma_start3A_281 = tpu.memref_slice %arg8[%dma_start3A_279, %dma_start3A_280] : memref<8x128xi32, #tpu.memory_space<vmem>> -> memref<1x128xi32, #tpu.memory_space<vmem>>
      %dma_start3A_282 = tpu.memref_squeeze %dma_start3A_281 : memref<1x128xi32, #tpu.memory_space<vmem>> -> memref<128xi32, #tpu.memory_space<vmem>>
      %dma_start3A_283 = arith.constant 0 : i32
      %dma_start3A_284 = arith.constant 0 : i32
      %dma_start3A_285 = tpu.memref_slice %arg2[%dma_start3A_283, %dma_start3A_284] : memref<10000x128xf32, #tpu.memory_space<hbm>> -> memref<10000x128xf32, #tpu.memory_space<hbm>>
      tpu.enqueue_indirect_dma source(%dma_start3A_285 : memref<10000x128xf32, #tpu.memory_space<hbm>>) target(%arg10 : memref<128x128xf32, #tpu.memory_space<vmem>>) offsets(%dma_start3A_282 : memref<128xi32, #tpu.memory_space<vmem>>) semaphore(%arg13 : memref<!tpu.dma_semaphore, #tpu.memory_space<semaphore_mem>>)
      %dma_wait3A_286 = arith.constant 1 : i32
      %dma_wait3A_287 = arith.constant 0 : i32
      %dma_wait3A_288 = tpu.memref_slice %arg8[%dma_wait3A_286, %dma_wait3A_287] : memref<8x128xi32, #tpu.memory_space<vmem>> -> memref<1x128xi32, #tpu.memory_space<vmem>>
      %dma_wait3A_289 = tpu.memref_squeeze %dma_wait3A_288 : memref<1x128xi32, #tpu.memory_space<vmem>> -> memref<128xi32, #tpu.memory_space<vmem>>
      %dma_wait3A_290 = arith.constant 0 : i32
      %dma_wait3A_291 = arith.constant 0 : i32
      %dma_wait3A_292 = tpu.memref_slice %arg2[%dma_wait3A_290, %dma_wait3A_291] : memref<10000x128xf32, #tpu.memory_space<hbm>> -> memref<10000x128xf32, #tpu.memory_space<hbm>>
      tpu.wait_indirect_dma semaphore(%arg14 : memref<!tpu.dma_semaphore, #tpu.memory_space<semaphore_mem>>) src(%dma_wait3A_292 : memref<10000x128xf32, #tpu.memory_space<hbm>>) dst(%arg11 : memref<128x128xf32, #tpu.memory_space<vmem>>)
      %run_scoped3A_293 = arith.constant 1 : i32
      "tpu.region"() ({
        %run_scoped3A_387 = tpu.sem_alloc : memref<!tpu.dma_semaphore, #tpu.memory_space<semaphore_mem>>
        %dma_start3A_388 = arith.constant 0 : i32
        %dma_start3A_389 = tpu.memref_slice %arg9[%run_scoped3A_293, %dma_start3A_388] : memref<8x128xi32, #tpu.memory_space<vmem>> -> memref<1x128xi32, #tpu.memory_space<vmem>>
        %dma_start3A_390 = tpu.memref_squeeze %dma_start3A_389 : memref<1x128xi32, #tpu.memory_space<vmem>> -> memref<128xi32, #tpu.memory_space<vmem>>
        %dma_start3A_391 = arith.constant 0 : i32
        %dma_start3A_392 = arith.constant 0 : i32
        %dma_start3A_393 = tpu.memref_slice %arg12[%dma_start3A_391, %dma_start3A_392] : memref<10240x128xf32, #tpu.memory_space<vmem_shared>> -> memref<10240x128xf32, #tpu.memory_space<vmem_shared>>
        tpu.enqueue_indirect_dma source(%arg11 : memref<128x128xf32, #tpu.memory_space<vmem>>) target(%dma_start3A_393 : memref<10240x128xf32, #tpu.memory_space<vmem_shared>>) offsets(%dma_start3A_390 : memref<128xi32, #tpu.memory_space<vmem>>) semaphore(%run_scoped3A_387 : memref<!tpu.dma_semaphore, #tpu.memory_space<semaphore_mem>>) {add = true}
        %dma_wait3A_394 = arith.constant 0 : i32
        %dma_wait3A_395 = tpu.memref_slice %arg9[%run_scoped3A_293, %dma_wait3A_394] : memref<8x128xi32, #tpu.memory_space<vmem>> -> memref<1x128xi32, #tpu.memory_space<vmem>>
        %dma_wait3A_396 = tpu.memref_squeeze %dma_wait3A_395 : memref<1x128xi32, #tpu.memory_space<vmem>> -> memref<128xi32, #tpu.memory_space<vmem>>
        %dma_wait3A_397 = arith.constant 0 : i32
        %dma_wait3A_398 = arith.constant 0 : i32
        %dma_wait3A_399 = tpu.memref_slice %arg12[%dma_wait3A_397, %dma_wait3A_398] : memref<10240x128xf32, #tpu.memory_space<vmem_shared>> -> memref<10240x128xf32, #tpu.memory_space<vmem_shared>>
        tpu.wait_indirect_dma semaphore(%run_scoped3A_387 : memref<!tpu.dma_semaphore, #tpu.memory_space<semaphore_mem>>) src(%arg11 : memref<128x128xf32, #tpu.memory_space<vmem>>) dst(%dma_wait3A_399 : memref<10240x128xf32, #tpu.memory_space<vmem_shared>>)
        tpu.yield
      }) : () -> ()
      %dma_start3A_294 = arith.constant 3 : i32
      %dma_start3A_295 = arith.constant 0 : i32
      %dma_start3A_296 = tpu.memref_slice %arg8[%dma_start3A_294, %dma_start3A_295] : memref<8x128xi32, #tpu.memory_space<vmem>> -> memref<1x128xi32, #tpu.memory_space<vmem>>
      %dma_start3A_297 = tpu.memref_squeeze %dma_start3A_296 : memref<1x128xi32, #tpu.memory_space<vmem>> -> memref<128xi32, #tpu.memory_space<vmem>>
      %dma_start3A_298 = arith.constant 0 : i32
      %dma_start3A_299 = arith.constant 0 : i32
      %dma_start3A_300 = tpu.memref_slice %arg2[%dma_start3A_298, %dma_start3A_299] : memref<10000x128xf32, #tpu.memory_space<hbm>> -> memref<10000x128xf32, #tpu.memory_space<hbm>>
      tpu.enqueue_indirect_dma source(%dma_start3A_300 : memref<10000x128xf32, #tpu.memory_space<hbm>>) target(%arg11 : memref<128x128xf32, #tpu.memory_space<vmem>>) offsets(%dma_start3A_297 : memref<128xi32, #tpu.memory_space<vmem>>) semaphore(%arg14 : memref<!tpu.dma_semaphore, #tpu.memory_space<semaphore_mem>>)
      %dma_wait3A_301 = arith.constant 2 : i32
      %dma_wait3A_302 = arith.constant 0 : i32
      %dma_wait3A_303 = tpu.memref_slice %arg8[%dma_wait3A_301, %dma_wait3A_302] : memref<8x128xi32, #tpu.memory_space<vmem>> -> memref<1x128xi32, #tpu.memory_space<vmem>>
      %dma_wait3A_304 = tpu.memref_squeeze %dma_wait3A_303 : memref<1x128xi32, #tpu.memory_space<vmem>> -> memref<128xi32, #tpu.memory_space<vmem>>
      %dma_wait3A_305 = arith.constant 0 : i32
      %dma_wait3A_306 = arith.constant 0 : i32
      %dma_wait3A_307 = tpu.memref_slice %arg2[%dma_wait3A_305, %dma_wait3A_306] : memref<10000x128xf32, #tpu.memory_space<hbm>> -> memref<10000x128xf32, #tpu.memory_space<hbm>>
      tpu.wait_indirect_dma semaphore(%arg13 : memref<!tpu.dma_semaphore, #tpu.memory_space<semaphore_mem>>) src(%dma_wait3A_307 : memref<10000x128xf32, #tpu.memory_space<hbm>>) dst(%arg10 : memref<128x128xf32, #tpu.memory_space<vmem>>)
      %run_scoped3A_308 = arith.constant 2 : i32
      "tpu.region"() ({
        %run_scoped3A_387 = tpu.sem_alloc : memref<!tpu.dma_semaphore, #tpu.memory_space<semaphore_mem>>
        %dma_start3A_388 = arith.constant 0 : i32
        %dma_start3A_389 = tpu.memref_slice %arg9[%run_scoped3A_308, %dma_start3A_388] : memref<8x128xi32, #tpu.memory_space<vmem>> -> memref<1x128xi32, #tpu.memory_space<vmem>>
        %dma_start3A_390 = tpu.memref_squeeze %dma_start3A_389 : memref<1x128xi32, #tpu.memory_space<vmem>> -> memref<128xi32, #tpu.memory_space<vmem>>
        %dma_start3A_391 = arith.constant 0 : i32
        %dma_start3A_392 = arith.constant 0 : i32
        %dma_start3A_393 = tpu.memref_slice %arg12[%dma_start3A_391, %dma_start3A_392] : memref<10240x128xf32, #tpu.memory_space<vmem_shared>> -> memref<10240x128xf32, #tpu.memory_space<vmem_shared>>
        tpu.enqueue_indirect_dma source(%arg10 : memref<128x128xf32, #tpu.memory_space<vmem>>) target(%dma_start3A_393 : memref<10240x128xf32, #tpu.memory_space<vmem_shared>>) offsets(%dma_start3A_390 : memref<128xi32, #tpu.memory_space<vmem>>) semaphore(%run_scoped3A_387 : memref<!tpu.dma_semaphore, #tpu.memory_space<semaphore_mem>>) {add = true}
        %dma_wait3A_394 = arith.constant 0 : i32
        %dma_wait3A_395 = tpu.memref_slice %arg9[%run_scoped3A_308, %dma_wait3A_394] : memref<8x128xi32, #tpu.memory_space<vmem>> -> memref<1x128xi32, #tpu.memory_space<vmem>>
        %dma_wait3A_396 = tpu.memref_squeeze %dma_wait3A_395 : memref<1x128xi32, #tpu.memory_space<vmem>> -> memref<128xi32, #tpu.memory_space<vmem>>
        %dma_wait3A_397 = arith.constant 0 : i32
        %dma_wait3A_398 = arith.constant 0 : i32
        %dma_wait3A_399 = tpu.memref_slice %arg12[%dma_wait3A_397, %dma_wait3A_398] : memref<10240x128xf32, #tpu.memory_space<vmem_shared>> -> memref<10240x128xf32, #tpu.memory_space<vmem_shared>>
        tpu.wait_indirect_dma semaphore(%run_scoped3A_387 : memref<!tpu.dma_semaphore, #tpu.memory_space<semaphore_mem>>) src(%arg10 : memref<128x128xf32, #tpu.memory_space<vmem>>) dst(%dma_wait3A_399 : memref<10240x128xf32, #tpu.memory_space<vmem_shared>>)
        tpu.yield
      }) : () -> ()
      %dma_start3A_309 = arith.constant 4 : i32
      %dma_start3A_310 = arith.constant 0 : i32
      %dma_start3A_311 = tpu.memref_slice %arg8[%dma_start3A_309, %dma_start3A_310] : memref<8x128xi32, #tpu.memory_space<vmem>> -> memref<1x128xi32, #tpu.memory_space<vmem>>
      %dma_start3A_312 = tpu.memref_squeeze %dma_start3A_311 : memref<1x128xi32, #tpu.memory_space<vmem>> -> memref<128xi32, #tpu.memory_space<vmem>>
      %dma_start3A_313 = arith.constant 0 : i32
      %dma_start3A_314 = arith.constant 0 : i32
      %dma_start3A_315 = tpu.memref_slice %arg2[%dma_start3A_313, %dma_start3A_314] : memref<10000x128xf32, #tpu.memory_space<hbm>> -> memref<10000x128xf32, #tpu.memory_space<hbm>>
      tpu.enqueue_indirect_dma source(%dma_start3A_315 : memref<10000x128xf32, #tpu.memory_space<hbm>>) target(%arg10 : memref<128x128xf32, #tpu.memory_space<vmem>>) offsets(%dma_start3A_312 : memref<128xi32, #tpu.memory_space<vmem>>) semaphore(%arg13 : memref<!tpu.dma_semaphore, #tpu.memory_space<semaphore_mem>>)
      %dma_wait3A_316 = arith.constant 3 : i32
      %dma_wait3A_317 = arith.constant 0 : i32
      %dma_wait3A_318 = tpu.memref_slice %arg8[%dma_wait3A_316, %dma_wait3A_317] : memref<8x128xi32, #tpu.memory_space<vmem>> -> memref<1x128xi32, #tpu.memory_space<vmem>>
      %dma_wait3A_319 = tpu.memref_squeeze %dma_wait3A_318 : memref<1x128xi32, #tpu.memory_space<vmem>> -> memref<128xi32, #tpu.memory_space<vmem>>
      %dma_wait3A_320 = arith.constant 0 : i32
      %dma_wait3A_321 = arith.constant 0 : i32
      %dma_wait3A_322 = tpu.memref_slice %arg2[%dma_wait3A_320, %dma_wait3A_321] : memref<10000x128xf32, #tpu.memory_space<hbm>> -> memref<10000x128xf32, #tpu.memory_space<hbm>>
      tpu.wait_indirect_dma semaphore(%arg14 : memref<!tpu.dma_semaphore, #tpu.memory_space<semaphore_mem>>) src(%dma_wait3A_322 : memref<10000x128xf32, #tpu.memory_space<hbm>>) dst(%arg11 : memref<128x128xf32, #tpu.memory_space<vmem>>)
      %run_scoped3A_323 = arith.constant 3 : i32
      "tpu.region"() ({
        %run_scoped3A_387 = tpu.sem_alloc : memref<!tpu.dma_semaphore, #tpu.memory_space<semaphore_mem>>
        %dma_start3A_388 = arith.constant 0 : i32
        %dma_start3A_389 = tpu.memref_slice %arg9[%run_scoped3A_323, %dma_start3A_388] : memref<8x128xi32, #tpu.memory_space<vmem>> -> memref<1x128xi32, #tpu.memory_space<vmem>>
        %dma_start3A_390 = tpu.memref_squeeze %dma_start3A_389 : memref<1x128xi32, #tpu.memory_space<vmem>> -> memref<128xi32, #tpu.memory_space<vmem>>
        %dma_start3A_391 = arith.constant 0 : i32
        %dma_start3A_392 = arith.constant 0 : i32
        %dma_start3A_393 = tpu.memref_slice %arg12[%dma_start3A_391, %dma_start3A_392] : memref<10240x128xf32, #tpu.memory_space<vmem_shared>> -> memref<10240x128xf32, #tpu.memory_space<vmem_shared>>
        tpu.enqueue_indirect_dma source(%arg11 : memref<128x128xf32, #tpu.memory_space<vmem>>) target(%dma_start3A_393 : memref<10240x128xf32, #tpu.memory_space<vmem_shared>>) offsets(%dma_start3A_390 : memref<128xi32, #tpu.memory_space<vmem>>) semaphore(%run_scoped3A_387 : memref<!tpu.dma_semaphore, #tpu.memory_space<semaphore_mem>>) {add = true}
        %dma_wait3A_394 = arith.constant 0 : i32
        %dma_wait3A_395 = tpu.memref_slice %arg9[%run_scoped3A_323, %dma_wait3A_394] : memref<8x128xi32, #tpu.memory_space<vmem>> -> memref<1x128xi32, #tpu.memory_space<vmem>>
        %dma_wait3A_396 = tpu.memref_squeeze %dma_wait3A_395 : memref<1x128xi32, #tpu.memory_space<vmem>> -> memref<128xi32, #tpu.memory_space<vmem>>
        %dma_wait3A_397 = arith.constant 0 : i32
        %dma_wait3A_398 = arith.constant 0 : i32
        %dma_wait3A_399 = tpu.memref_slice %arg12[%dma_wait3A_397, %dma_wait3A_398] : memref<10240x128xf32, #tpu.memory_space<vmem_shared>> -> memref<10240x128xf32, #tpu.memory_space<vmem_shared>>
        tpu.wait_indirect_dma semaphore(%run_scoped3A_387 : memref<!tpu.dma_semaphore, #tpu.memory_space<semaphore_mem>>) src(%arg11 : memref<128x128xf32, #tpu.memory_space<vmem>>) dst(%dma_wait3A_399 : memref<10240x128xf32, #tpu.memory_space<vmem_shared>>)
        tpu.yield
      }) : () -> ()
      %dma_start3A_324 = arith.constant 5 : i32
      %dma_start3A_325 = arith.constant 0 : i32
      %dma_start3A_326 = tpu.memref_slice %arg8[%dma_start3A_324, %dma_start3A_325] : memref<8x128xi32, #tpu.memory_space<vmem>> -> memref<1x128xi32, #tpu.memory_space<vmem>>
      %dma_start3A_327 = tpu.memref_squeeze %dma_start3A_326 : memref<1x128xi32, #tpu.memory_space<vmem>> -> memref<128xi32, #tpu.memory_space<vmem>>
      %dma_start3A_328 = arith.constant 0 : i32
      %dma_start3A_329 = arith.constant 0 : i32
      %dma_start3A_330 = tpu.memref_slice %arg2[%dma_start3A_328, %dma_start3A_329] : memref<10000x128xf32, #tpu.memory_space<hbm>> -> memref<10000x128xf32, #tpu.memory_space<hbm>>
      tpu.enqueue_indirect_dma source(%dma_start3A_330 : memref<10000x128xf32, #tpu.memory_space<hbm>>) target(%arg11 : memref<128x128xf32, #tpu.memory_space<vmem>>) offsets(%dma_start3A_327 : memref<128xi32, #tpu.memory_space<vmem>>) semaphore(%arg14 : memref<!tpu.dma_semaphore, #tpu.memory_space<semaphore_mem>>)
      %dma_wait3A_331 = arith.constant 4 : i32
      %dma_wait3A_332 = arith.constant 0 : i32
      %dma_wait3A_333 = tpu.memref_slice %arg8[%dma_wait3A_331, %dma_wait3A_332] : memref<8x128xi32, #tpu.memory_space<vmem>> -> memref<1x128xi32, #tpu.memory_space<vmem>>
      %dma_wait3A_334 = tpu.memref_squeeze %dma_wait3A_333 : memref<1x128xi32, #tpu.memory_space<vmem>> -> memref<128xi32, #tpu.memory_space<vmem>>
      %dma_wait3A_335 = arith.constant 0 : i32
      %dma_wait3A_336 = arith.constant 0 : i32
      %dma_wait3A_337 = tpu.memref_slice %arg2[%dma_wait3A_335, %dma_wait3A_336] : memref<10000x128xf32, #tpu.memory_space<hbm>> -> memref<10000x128xf32, #tpu.memory_space<hbm>>
      tpu.wait_indirect_dma semaphore(%arg13 : memref<!tpu.dma_semaphore, #tpu.memory_space<semaphore_mem>>) src(%dma_wait3A_337 : memref<10000x128xf32, #tpu.memory_space<hbm>>) dst(%arg10 : memref<128x128xf32, #tpu.memory_space<vmem>>)
      %run_scoped3A_338 = arith.constant 4 : i32
      "tpu.region"() ({
        %run_scoped3A_387 = tpu.sem_alloc : memref<!tpu.dma_semaphore, #tpu.memory_space<semaphore_mem>>
        %dma_start3A_388 = arith.constant 0 : i32
        %dma_start3A_389 = tpu.memref_slice %arg9[%run_scoped3A_338, %dma_start3A_388] : memref<8x128xi32, #tpu.memory_space<vmem>> -> memref<1x128xi32, #tpu.memory_space<vmem>>
        %dma_start3A_390 = tpu.memref_squeeze %dma_start3A_389 : memref<1x128xi32, #tpu.memory_space<vmem>> -> memref<128xi32, #tpu.memory_space<vmem>>
        %dma_start3A_391 = arith.constant 0 : i32
        %dma_start3A_392 = arith.constant 0 : i32
        %dma_start3A_393 = tpu.memref_slice %arg12[%dma_start3A_391, %dma_start3A_392] : memref<10240x128xf32, #tpu.memory_space<vmem_shared>> -> memref<10240x128xf32, #tpu.memory_space<vmem_shared>>
        tpu.enqueue_indirect_dma source(%arg10 : memref<128x128xf32, #tpu.memory_space<vmem>>) target(%dma_start3A_393 : memref<10240x128xf32, #tpu.memory_space<vmem_shared>>) offsets(%dma_start3A_390 : memref<128xi32, #tpu.memory_space<vmem>>) semaphore(%run_scoped3A_387 : memref<!tpu.dma_semaphore, #tpu.memory_space<semaphore_mem>>) {add = true}
        %dma_wait3A_394 = arith.constant 0 : i32
        %dma_wait3A_395 = tpu.memref_slice %arg9[%run_scoped3A_338, %dma_wait3A_394] : memref<8x128xi32, #tpu.memory_space<vmem>> -> memref<1x128xi32, #tpu.memory_space<vmem>>
        %dma_wait3A_396 = tpu.memref_squeeze %dma_wait3A_395 : memref<1x128xi32, #tpu.memory_space<vmem>> -> memref<128xi32, #tpu.memory_space<vmem>>
        %dma_wait3A_397 = arith.constant 0 : i32
        %dma_wait3A_398 = arith.constant 0 : i32
        %dma_wait3A_399 = tpu.memref_slice %arg12[%dma_wait3A_397, %dma_wait3A_398] : memref<10240x128xf32, #tpu.memory_space<vmem_shared>> -> memref<10240x128xf32, #tpu.memory_space<vmem_shared>>
        tpu.wait_indirect_dma semaphore(%run_scoped3A_387 : memref<!tpu.dma_semaphore, #tpu.memory_space<semaphore_mem>>) src(%arg10 : memref<128x128xf32, #tpu.memory_space<vmem>>) dst(%dma_wait3A_399 : memref<10240x128xf32, #tpu.memory_space<vmem_shared>>)
        tpu.yield
      }) : () -> ()
      %dma_start3A_339 = arith.constant 6 : i32
      %dma_start3A_340 = arith.constant 0 : i32
      %dma_start3A_341 = tpu.memref_slice %arg8[%dma_start3A_339, %dma_start3A_340] : memref<8x128xi32, #tpu.memory_space<vmem>> -> memref<1x128xi32, #tpu.memory_space<vmem>>
      %dma_start3A_342 = tpu.memref_squeeze %dma_start3A_341 : memref<1x128xi32, #tpu.memory_space<vmem>> -> memref<128xi32, #tpu.memory_space<vmem>>
      %dma_start3A_343 = arith.constant 0 : i32
      %dma_start3A_344 = arith.constant 0 : i32
      %dma_start3A_345 = tpu.memref_slice %arg2[%dma_start3A_343, %dma_start3A_344] : memref<10000x128xf32, #tpu.memory_space<hbm>> -> memref<10000x128xf32, #tpu.memory_space<hbm>>
      tpu.enqueue_indirect_dma source(%dma_start3A_345 : memref<10000x128xf32, #tpu.memory_space<hbm>>) target(%arg10 : memref<128x128xf32, #tpu.memory_space<vmem>>) offsets(%dma_start3A_342 : memref<128xi32, #tpu.memory_space<vmem>>) semaphore(%arg13 : memref<!tpu.dma_semaphore, #tpu.memory_space<semaphore_mem>>)
      %dma_wait3A_346 = arith.constant 5 : i32
      %dma_wait3A_347 = arith.constant 0 : i32
      %dma_wait3A_348 = tpu.memref_slice %arg8[%dma_wait3A_346, %dma_wait3A_347] : memref<8x128xi32, #tpu.memory_space<vmem>> -> memref<1x128xi32, #tpu.memory_space<vmem>>
      %dma_wait3A_349 = tpu.memref_squeeze %dma_wait3A_348 : memref<1x128xi32, #tpu.memory_space<vmem>> -> memref<128xi32, #tpu.memory_space<vmem>>
      %dma_wait3A_350 = arith.constant 0 : i32
      %dma_wait3A_351 = arith.constant 0 : i32
      %dma_wait3A_352 = tpu.memref_slice %arg2[%dma_wait3A_350, %dma_wait3A_351] : memref<10000x128xf32, #tpu.memory_space<hbm>> -> memref<10000x128xf32, #tpu.memory_space<hbm>>
      tpu.wait_indirect_dma semaphore(%arg14 : memref<!tpu.dma_semaphore, #tpu.memory_space<semaphore_mem>>) src(%dma_wait3A_352 : memref<10000x128xf32, #tpu.memory_space<hbm>>) dst(%arg11 : memref<128x128xf32, #tpu.memory_space<vmem>>)
      %run_scoped3A_353 = arith.constant 5 : i32
      "tpu.region"() ({
        %run_scoped3A_387 = tpu.sem_alloc : memref<!tpu.dma_semaphore, #tpu.memory_space<semaphore_mem>>
        %dma_start3A_388 = arith.constant 0 : i32
        %dma_start3A_389 = tpu.memref_slice %arg9[%run_scoped3A_353, %dma_start3A_388] : memref<8x128xi32, #tpu.memory_space<vmem>> -> memref<1x128xi32, #tpu.memory_space<vmem>>
        %dma_start3A_390 = tpu.memref_squeeze %dma_start3A_389 : memref<1x128xi32, #tpu.memory_space<vmem>> -> memref<128xi32, #tpu.memory_space<vmem>>
        %dma_start3A_391 = arith.constant 0 : i32
        %dma_start3A_392 = arith.constant 0 : i32
        %dma_start3A_393 = tpu.memref_slice %arg12[%dma_start3A_391, %dma_start3A_392] : memref<10240x128xf32, #tpu.memory_space<vmem_shared>> -> memref<10240x128xf32, #tpu.memory_space<vmem_shared>>
        tpu.enqueue_indirect_dma source(%arg11 : memref<128x128xf32, #tpu.memory_space<vmem>>) target(%dma_start3A_393 : memref<10240x128xf32, #tpu.memory_space<vmem_shared>>) offsets(%dma_start3A_390 : memref<128xi32, #tpu.memory_space<vmem>>) semaphore(%run_scoped3A_387 : memref<!tpu.dma_semaphore, #tpu.memory_space<semaphore_mem>>) {add = true}
        %dma_wait3A_394 = arith.constant 0 : i32
        %dma_wait3A_395 = tpu.memref_slice %arg9[%run_scoped3A_353, %dma_wait3A_394] : memref<8x128xi32, #tpu.memory_space<vmem>> -> memref<1x128xi32, #tpu.memory_space<vmem>>
        %dma_wait3A_396 = tpu.memref_squeeze %dma_wait3A_395 : memref<1x128xi32, #tpu.memory_space<vmem>> -> memref<128xi32, #tpu.memory_space<vmem>>
        %dma_wait3A_397 = arith.constant 0 : i32
        %dma_wait3A_398 = arith.constant 0 : i32
        %dma_wait3A_399 = tpu.memref_slice %arg12[%dma_wait3A_397, %dma_wait3A_398] : memref<10240x128xf32, #tpu.memory_space<vmem_shared>> -> memref<10240x128xf32, #tpu.memory_space<vmem_shared>>
        tpu.wait_indirect_dma semaphore(%run_scoped3A_387 : memref<!tpu.dma_semaphore, #tpu.memory_space<semaphore_mem>>) src(%arg11 : memref<128x128xf32, #tpu.memory_space<vmem>>) dst(%dma_wait3A_399 : memref<10240x128xf32, #tpu.memory_space<vmem_shared>>)
        tpu.yield
      }) : () -> ()
      %dma_start3A_354 = arith.constant 7 : i32
      %dma_start3A_355 = arith.constant 0 : i32
      %dma_start3A_356 = tpu.memref_slice %arg8[%dma_start3A_354, %dma_start3A_355] : memref<8x128xi32, #tpu.memory_space<vmem>> -> memref<1x128xi32, #tpu.memory_space<vmem>>
      %dma_start3A_357 = tpu.memref_squeeze %dma_start3A_356 : memref<1x128xi32, #tpu.memory_space<vmem>> -> memref<128xi32, #tpu.memory_space<vmem>>
      %dma_start3A_358 = arith.constant 0 : i32
      %dma_start3A_359 = arith.constant 0 : i32
      %dma_start3A_360 = tpu.memref_slice %arg2[%dma_start3A_358, %dma_start3A_359] : memref<10000x128xf32, #tpu.memory_space<hbm>> -> memref<10000x128xf32, #tpu.memory_space<hbm>>
      tpu.enqueue_indirect_dma source(%dma_start3A_360 : memref<10000x128xf32, #tpu.memory_space<hbm>>) target(%arg11 : memref<128x128xf32, #tpu.memory_space<vmem>>) offsets(%dma_start3A_357 : memref<128xi32, #tpu.memory_space<vmem>>) semaphore(%arg14 : memref<!tpu.dma_semaphore, #tpu.memory_space<semaphore_mem>>)
      %dma_wait3A_361 = arith.constant 6 : i32
      %dma_wait3A_362 = arith.constant 0 : i32
      %dma_wait3A_363 = tpu.memref_slice %arg8[%dma_wait3A_361, %dma_wait3A_362] : memref<8x128xi32, #tpu.memory_space<vmem>> -> memref<1x128xi32, #tpu.memory_space<vmem>>
      %dma_wait3A_364 = tpu.memref_squeeze %dma_wait3A_363 : memref<1x128xi32, #tpu.memory_space<vmem>> -> memref<128xi32, #tpu.memory_space<vmem>>
      %dma_wait3A_365 = arith.constant 0 : i32
      %dma_wait3A_366 = arith.constant 0 : i32
      %dma_wait3A_367 = tpu.memref_slice %arg2[%dma_wait3A_365, %dma_wait3A_366] : memref<10000x128xf32, #tpu.memory_space<hbm>> -> memref<10000x128xf32, #tpu.memory_space<hbm>>
      tpu.wait_indirect_dma semaphore(%arg13 : memref<!tpu.dma_semaphore, #tpu.memory_space<semaphore_mem>>) src(%dma_wait3A_367 : memref<10000x128xf32, #tpu.memory_space<hbm>>) dst(%arg10 : memref<128x128xf32, #tpu.memory_space<vmem>>)
      %run_scoped3A_368 = arith.constant 6 : i32
      "tpu.region"() ({
        %run_scoped3A_387 = tpu.sem_alloc : memref<!tpu.dma_semaphore, #tpu.memory_space<semaphore_mem>>
        %dma_start3A_388 = arith.constant 0 : i32
        %dma_start3A_389 = tpu.memref_slice %arg9[%run_scoped3A_368, %dma_start3A_388] : memref<8x128xi32, #tpu.memory_space<vmem>> -> memref<1x128xi32, #tpu.memory_space<vmem>>
        %dma_start3A_390 = tpu.memref_squeeze %dma_start3A_389 : memref<1x128xi32, #tpu.memory_space<vmem>> -> memref<128xi32, #tpu.memory_space<vmem>>
        %dma_start3A_391 = arith.constant 0 : i32
        %dma_start3A_392 = arith.constant 0 : i32
        %dma_start3A_393 = tpu.memref_slice %arg12[%dma_start3A_391, %dma_start3A_392] : memref<10240x128xf32, #tpu.memory_space<vmem_shared>> -> memref<10240x128xf32, #tpu.memory_space<vmem_shared>>
        tpu.enqueue_indirect_dma source(%arg10 : memref<128x128xf32, #tpu.memory_space<vmem>>) target(%dma_start3A_393 : memref<10240x128xf32, #tpu.memory_space<vmem_shared>>) offsets(%dma_start3A_390 : memref<128xi32, #tpu.memory_space<vmem>>) semaphore(%run_scoped3A_387 : memref<!tpu.dma_semaphore, #tpu.memory_space<semaphore_mem>>) {add = true}
        %dma_wait3A_394 = arith.constant 0 : i32
        %dma_wait3A_395 = tpu.memref_slice %arg9[%run_scoped3A_368, %dma_wait3A_394] : memref<8x128xi32, #tpu.memory_space<vmem>> -> memref<1x128xi32, #tpu.memory_space<vmem>>
        %dma_wait3A_396 = tpu.memref_squeeze %dma_wait3A_395 : memref<1x128xi32, #tpu.memory_space<vmem>> -> memref<128xi32, #tpu.memory_space<vmem>>
        %dma_wait3A_397 = arith.constant 0 : i32
        %dma_wait3A_398 = arith.constant 0 : i32
        %dma_wait3A_399 = tpu.memref_slice %arg12[%dma_wait3A_397, %dma_wait3A_398] : memref<10240x128xf32, #tpu.memory_space<vmem_shared>> -> memref<10240x128xf32, #tpu.memory_space<vmem_shared>>
        tpu.wait_indirect_dma semaphore(%run_scoped3A_387 : memref<!tpu.dma_semaphore, #tpu.memory_space<semaphore_mem>>) src(%arg10 : memref<128x128xf32, #tpu.memory_space<vmem>>) dst(%dma_wait3A_399 : memref<10240x128xf32, #tpu.memory_space<vmem_shared>>)
        tpu.yield
      }) : () -> ()
      %lt3A_369 = arith.constant 4 : i32
      %lt3A_370 = arith.cmpi slt, %scan3A_123, %lt3A_369 : i32
      %convert_element_type3A_371 = arith.extui %lt3A_370 : i1 to i32
      %cond3A_372 = arith.constant 0 : i32
      %cond3A_373 = arith.cmpi ne, %convert_element_type3A_371, %cond3A_372 : i32
      scf.if %cond3A_373 {
        %dma_wait3A_387 = arith.constant 0 : i32
        %dma_wait3A_388 = arith.constant 0 : i32
        %dma_wait3A_389 = tpu.memref_slice %arg3[%add3A, %dma_wait3A_387, %dma_wait3A_388] : memref<32x80x128xi32, #tpu.memory_space<hbm>> -> memref<1x8x128xi32, #tpu.memory_space<hbm>>
        %dma_wait3A_390 = tpu.memref_squeeze %dma_wait3A_389 : memref<1x8x128xi32, #tpu.memory_space<hbm>> -> memref<8x128xi32, #tpu.memory_space<hbm>>
        %dma_wait3A_391 = arith.constant 0 : i32
        %dma_wait3A_392 = arith.constant 0 : i32
        %dma_wait3A_393 = tpu.memref_slice %arg3[%add3A, %dma_wait3A_391, %dma_wait3A_392] : memref<32x80x128xi32, #tpu.memory_space<hbm>> -> memref<1x8x128xi32, #tpu.memory_space<hbm>>
        %dma_wait3A_394 = tpu.memref_squeeze %dma_wait3A_393 : memref<1x8x128xi32, #tpu.memory_space<hbm>> -> memref<8x128xi32, #tpu.memory_space<hbm>>
        tpu.wait_dma2 semaphore(%arg15 : memref<!tpu.dma_semaphore, #tpu.memory_space<semaphore_mem>>) src(%dma_wait3A_394 : memref<8x128xi32, #tpu.memory_space<hbm>>) dst(%arg6 : memref<8x128xi32, #tpu.memory_space<vmem>>)
        %dma_wait3A_395 = arith.constant 0 : i32
        %dma_wait3A_396 = arith.constant 0 : i32
        %dma_wait3A_397 = tpu.memref_slice %arg4[%add3A, %dma_wait3A_395, %dma_wait3A_396] : memref<32x80x128xi32, #tpu.memory_space<hbm>> -> memref<1x8x128xi32, #tpu.memory_space<hbm>>
        %dma_wait3A_398 = tpu.memref_squeeze %dma_wait3A_397 : memref<1x8x128xi32, #tpu.memory_space<hbm>> -> memref<8x128xi32, #tpu.memory_space<hbm>>
        %dma_wait3A_399 = arith.constant 0 : i32
        %dma_wait3A_400 = arith.constant 0 : i32
        %dma_wait3A_401 = tpu.memref_slice %arg4[%add3A, %dma_wait3A_399, %dma_wait3A_400] : memref<32x80x128xi32, #tpu.memory_space<hbm>> -> memref<1x8x128xi32, #tpu.memory_space<hbm>>
        %dma_wait3A_402 = tpu.memref_squeeze %dma_wait3A_401 : memref<1x8x128xi32, #tpu.memory_space<hbm>> -> memref<8x128xi32, #tpu.memory_space<hbm>>
        tpu.wait_dma2 semaphore(%arg15 : memref<!tpu.dma_semaphore, #tpu.memory_space<semaphore_mem>>) src(%dma_wait3A_402 : memref<8x128xi32, #tpu.memory_space<hbm>>) dst(%arg7 : memref<8x128xi32, #tpu.memory_space<vmem>>)
        %dma_start3A_403 = arith.constant 0 : i32
        %dma_start3A_404 = arith.constant 0 : i32
        %dma_start3A_405 = tpu.memref_slice %arg6[%dma_start3A_403, %dma_start3A_404] : memref<8x128xi32, #tpu.memory_space<vmem>> -> memref<1x128xi32, #tpu.memory_space<vmem>>
        %dma_start3A_406 = tpu.memref_squeeze %dma_start3A_405 : memref<1x128xi32, #tpu.memory_space<vmem>> -> memref<128xi32, #tpu.memory_space<vmem>>
        %dma_start3A_407 = arith.constant 0 : i32
        %dma_start3A_408 = arith.constant 0 : i32
        %dma_start3A_409 = tpu.memref_slice %arg2[%dma_start3A_407, %dma_start3A_408] : memref<10000x128xf32, #tpu.memory_space<hbm>> -> memref<10000x128xf32, #tpu.memory_space<hbm>>
        tpu.enqueue_indirect_dma source(%dma_start3A_409 : memref<10000x128xf32, #tpu.memory_space<hbm>>) target(%arg10 : memref<128x128xf32, #tpu.memory_space<vmem>>) offsets(%dma_start3A_406 : memref<128xi32, #tpu.memory_space<vmem>>) semaphore(%arg13 : memref<!tpu.dma_semaphore, #tpu.memory_space<semaphore_mem>>)
      } else {
      }
      %dma_wait3A_374 = arith.constant 7 : i32
      %dma_wait3A_375 = arith.constant 0 : i32
      %dma_wait3A_376 = tpu.memref_slice %arg8[%dma_wait3A_374, %dma_wait3A_375] : memref<8x128xi32, #tpu.memory_space<vmem>> -> memref<1x128xi32, #tpu.memory_space<vmem>>
      %dma_wait3A_377 = tpu.memref_squeeze %dma_wait3A_376 : memref<1x128xi32, #tpu.memory_space<vmem>> -> memref<128xi32, #tpu.memory_space<vmem>>
      %dma_wait3A_378 = arith.constant 0 : i32
      %dma_wait3A_379 = arith.constant 0 : i32
      %dma_wait3A_380 = tpu.memref_slice %arg2[%dma_wait3A_378, %dma_wait3A_379] : memref<10000x128xf32, #tpu.memory_space<hbm>> -> memref<10000x128xf32, #tpu.memory_space<hbm>>
      tpu.wait_indirect_dma semaphore(%arg14 : memref<!tpu.dma_semaphore, #tpu.memory_space<semaphore_mem>>) src(%dma_wait3A_380 : memref<10000x128xf32, #tpu.memory_space<hbm>>) dst(%arg11 : memref<128x128xf32, #tpu.memory_space<vmem>>)
      %run_scoped3A_381 = arith.constant 7 : i32
      "tpu.region"() ({
        %run_scoped3A_387 = tpu.sem_alloc : memref<!tpu.dma_semaphore, #tpu.memory_space<semaphore_mem>>
        %dma_start3A_388 = arith.constant 0 : i32
        %dma_start3A_389 = tpu.memref_slice %arg9[%run_scoped3A_381, %dma_start3A_388] : memref<8x128xi32, #tpu.memory_space<vmem>> -> memref<1x128xi32, #tpu.memory_space<vmem>>
        %dma_start3A_390 = tpu.memref_squeeze %dma_start3A_389 : memref<1x128xi32, #tpu.memory_space<vmem>> -> memref<128xi32, #tpu.memory_space<vmem>>
        %dma_start3A_391 = arith.constant 0 : i32
        %dma_start3A_392 = arith.constant 0 : i32
        %dma_start3A_393 = tpu.memref_slice %arg12[%dma_start3A_391, %dma_start3A_392] : memref<10240x128xf32, #tpu.memory_space<vmem_shared>> -> memref<10240x128xf32, #tpu.memory_space<vmem_shared>>
        tpu.enqueue_indirect_dma source(%arg11 : memref<128x128xf32, #tpu.memory_space<vmem>>) target(%dma_start3A_393 : memref<10240x128xf32, #tpu.memory_space<vmem_shared>>) offsets(%dma_start3A_390 : memref<128xi32, #tpu.memory_space<vmem>>) semaphore(%run_scoped3A_387 : memref<!tpu.dma_semaphore, #tpu.memory_space<semaphore_mem>>) {add = true}
        %dma_wait3A_394 = arith.constant 0 : i32
        %dma_wait3A_395 = tpu.memref_slice %arg9[%run_scoped3A_381, %dma_wait3A_394] : memref<8x128xi32, #tpu.memory_space<vmem>> -> memref<1x128xi32, #tpu.memory_space<vmem>>
        %dma_wait3A_396 = tpu.memref_squeeze %dma_wait3A_395 : memref<1x128xi32, #tpu.memory_space<vmem>> -> memref<128xi32, #tpu.memory_space<vmem>>
        %dma_wait3A_397 = arith.constant 0 : i32
        %dma_wait3A_398 = arith.constant 0 : i32
        %dma_wait3A_399 = tpu.memref_slice %arg12[%dma_wait3A_397, %dma_wait3A_398] : memref<10240x128xf32, #tpu.memory_space<vmem_shared>> -> memref<10240x128xf32, #tpu.memory_space<vmem_shared>>
        tpu.wait_indirect_dma semaphore(%run_scoped3A_387 : memref<!tpu.dma_semaphore, #tpu.memory_space<semaphore_mem>>) src(%arg11 : memref<128x128xf32, #tpu.memory_space<vmem>>) dst(%dma_wait3A_399 : memref<10240x128xf32, #tpu.memory_space<vmem_shared>>)
        tpu.yield
      }) : () -> ()
      %lt3A_382 = arith.constant 4 : i32
      %lt3A_383 = arith.cmpi slt, %scan3A_123, %lt3A_382 : i32
      %convert_element_type3A_384 = arith.extui %lt3A_383 : i1 to i32
      %cond3A_385 = arith.constant 0 : i32
      %cond3A_386 = arith.cmpi ne, %convert_element_type3A_384, %cond3A_385 : i32
      scf.if %cond3A_386 {
        %add3A_387 = arith.constant 1 : i32
        %add3A_388 = arith.addi %scan3A_123, %add3A_387 : i32
        %mul3A_389 = arith.constant 2 : i32
        %mul3A_390 = arith.muli %add3A_388, %mul3A_389 : i32
        %add3A_391 = arith.constant 1 : i32
        %add3A_392 = arith.addi %mul3A_390, %add3A_391 : i32
        %mul3A_393 = arith.constant 8 : i32
        %mul3A_394 = arith.muli %add3A_392, %mul3A_393 : i32
        %dma_start3A_395 = arith.constant 0 : i32
        %dma_start3A_396 = tpu.memref_slice %arg3[%add3A, %mul3A_394, %dma_start3A_395] : memref<32x80x128xi32, #tpu.memory_space<hbm>> -> memref<1x8x128xi32, #tpu.memory_space<hbm>>
        %dma_start3A_397 = tpu.memref_squeeze %dma_start3A_396 : memref<1x8x128xi32, #tpu.memory_space<hbm>> -> memref<8x128xi32, #tpu.memory_space<hbm>>
        %dma_start3A_398 = arith.constant 0 : i32
        %dma_start3A_399 = tpu.memref_slice %arg3[%add3A, %mul3A_394, %dma_start3A_398] : memref<32x80x128xi32, #tpu.memory_space<hbm>> -> memref<1x8x128xi32, #tpu.memory_space<hbm>>
        %dma_start3A_400 = tpu.memref_squeeze %dma_start3A_399 : memref<1x8x128xi32, #tpu.memory_space<hbm>> -> memref<8x128xi32, #tpu.memory_space<hbm>>
        tpu.enqueue_dma source(%dma_start3A_400 : memref<8x128xi32, #tpu.memory_space<hbm>>) target(%arg8 : memref<8x128xi32, #tpu.memory_space<vmem>>) target_semaphore(%arg16 : memref<!tpu.dma_semaphore, #tpu.memory_space<semaphore_mem>>)
        %mul3A_401 = arith.constant 8 : i32
        %mul3A_402 = arith.muli %add3A_392, %mul3A_401 : i32
        %dma_start3A_403 = arith.constant 0 : i32
        %dma_start3A_404 = tpu.memref_slice %arg4[%add3A, %mul3A_402, %dma_start3A_403] : memref<32x80x128xi32, #tpu.memory_space<hbm>> -> memref<1x8x128xi32, #tpu.memory_space<hbm>>
        %dma_start3A_405 = tpu.memref_squeeze %dma_start3A_404 : memref<1x8x128xi32, #tpu.memory_space<hbm>> -> memref<8x128xi32, #tpu.memory_space<hbm>>
        %dma_start3A_406 = arith.constant 0 : i32
        %dma_start3A_407 = tpu.memref_slice %arg4[%add3A, %mul3A_402, %dma_start3A_406] : memref<32x80x128xi32, #tpu.memory_space<hbm>> -> memref<1x8x128xi32, #tpu.memory_space<hbm>>
        %dma_start3A_408 = tpu.memref_squeeze %dma_start3A_407 : memref<1x8x128xi32, #tpu.memory_space<hbm>> -> memref<8x128xi32, #tpu.memory_space<hbm>>
        tpu.enqueue_dma source(%dma_start3A_408 : memref<8x128xi32, #tpu.memory_space<hbm>>) target(%arg9 : memref<8x128xi32, #tpu.memory_space<vmem>>) target_semaphore(%arg16 : memref<!tpu.dma_semaphore, #tpu.memory_space<semaphore_mem>>)
      } else {
      }
    }
    %scan3A_113 = arith.constant 5 : i32
    %barrier3A_114 = arith.constant 0 : index
    tpu.barrier barrier_id(%barrier3A_114)
    %mul3A_115 = arith.constant 624 : i32
    %mul3A_116 = arith.muli %arg1, %mul3A_115 : i32
    %multiple_of3A = tpu.assume_multiple %mul3A_116, 8 : i32
    %lt3A = arith.constant 15 : i32
    %lt3A_117 = arith.cmpi slt, %arg1, %lt3A : i32
    %convert_element_type3A = arith.extui %lt3A_117 : i1 to i32
    %cond3A = arith.constant 0 : i32
    %cond3A_118 = arith.cmpi ne, %convert_element_type3A, %cond3A : i32
    scf.if %cond3A_118 {
      "tpu.region"() ({
        %run_scoped3A = tpu.sem_alloc : memref<!tpu.dma_semaphore, #tpu.memory_space<semaphore_mem>>
        %dma_start3A_123 = arith.constant 0 : i32
        %dma_start3A_124 = tpu.memref_slice %arg5[%arg0, %multiple_of3A, %dma_start3A_123] : memref<2x10000x128xf32, #tpu.memory_space<hbm>> -> memref<1x624x128xf32, #tpu.memory_space<hbm>>
        %dma_start3A_125 = tpu.memref_squeeze %dma_start3A_124 : memref<1x624x128xf32, #tpu.memory_space<hbm>> -> memref<624x128xf32, #tpu.memory_space<hbm>>
        %dma_start3A_126 = arith.constant 0 : i32
        %dma_start3A_127 = tpu.memref_slice %arg12[%multiple_of3A, %dma_start3A_126] : memref<10240x128xf32, #tpu.memory_space<vmem_shared>> -> memref<624x128xf32, #tpu.memory_space<vmem_shared>>
        tpu.enqueue_dma source(%dma_start3A_127 : memref<624x128xf32, #tpu.memory_space<vmem_shared>>) target(%dma_start3A_125 : memref<624x128xf32, #tpu.memory_space<hbm>>) target_semaphore(%run_scoped3A : memref<!tpu.dma_semaphore, #tpu.memory_space<semaphore_mem>>)
        %dma_wait3A_128 = arith.constant 0 : i32
        %dma_wait3A_129 = tpu.memref_slice %arg5[%arg0, %multiple_of3A, %dma_wait3A_128] : memref<2x10000x128xf32, #tpu.memory_space<hbm>> -> memref<1x624x128xf32, #tpu.memory_space<hbm>>
        %dma_wait3A_130 = tpu.memref_squeeze %dma_wait3A_129 : memref<1x624x128xf32, #tpu.memory_space<hbm>> -> memref<624x128xf32, #tpu.memory_space<hbm>>
        %dma_wait3A_131 = arith.constant 0 : i32
        %dma_wait3A_132 = tpu.memref_slice %arg12[%multiple_of3A, %dma_wait3A_131] : memref<10240x128xf32, #tpu.memory_space<vmem_shared>> -> memref<624x128xf32, #tpu.memory_space<vmem_shared>>
        tpu.wait_dma2 semaphore(%run_scoped3A : memref<!tpu.dma_semaphore, #tpu.memory_space<semaphore_mem>>) src(%dma_wait3A_132 : memref<624x128xf32, #tpu.memory_space<vmem_shared>>) dst(%dma_wait3A_130 : memref<624x128xf32, #tpu.memory_space<hbm>>)
        tpu.yield
      }) : () -> ()
    } else {
    }
    %eq3A = arith.constant 15 : i32
    %eq3A_119 = arith.cmpi eq, %arg1, %eq3A : i32
    %convert_element_type3A_120 = arith.extui %eq3A_119 : i1 to i32
    %cond3A_121 = arith.constant 0 : i32
    %cond3A_122 = arith.cmpi ne, %convert_element_type3A_120, %cond3A_121 : i32
    scf.if %cond3A_122 {
      "tpu.region"() ({
        %run_scoped3A = tpu.sem_alloc : memref<!tpu.dma_semaphore, #tpu.memory_space<semaphore_mem>>
        %dma_start3A_123 = arith.constant 9360 : i32
        %dma_start3A_124 = arith.constant 0 : i32
        %dma_start3A_125 = tpu.memref_slice %arg5[%arg0, %dma_start3A_123, %dma_start3A_124] : memref<2x10000x128xf32, #tpu.memory_space<hbm>> -> memref<1x640x128xf32, #tpu.memory_space<hbm>>
        %dma_start3A_126 = tpu.memref_squeeze %dma_start3A_125 : memref<1x640x128xf32, #tpu.memory_space<hbm>> -> memref<640x128xf32, #tpu.memory_space<hbm>>
        %dma_start3A_127 = arith.constant 9360 : i32
        %dma_start3A_128 = arith.constant 0 : i32
        %dma_start3A_129 = tpu.memref_slice %arg12[%dma_start3A_127, %dma_start3A_128] : memref<10240x128xf32, #tpu.memory_space<vmem_shared>> -> memref<640x128xf32, #tpu.memory_space<vmem_shared>>
        tpu.enqueue_dma source(%dma_start3A_129 : memref<640x128xf32, #tpu.memory_space<vmem_shared>>) target(%dma_start3A_126 : memref<640x128xf32, #tpu.memory_space<hbm>>) target_semaphore(%run_scoped3A : memref<!tpu.dma_semaphore, #tpu.memory_space<semaphore_mem>>)
        %dma_wait3A_130 = arith.constant 9360 : i32
        %dma_wait3A_131 = arith.constant 0 : i32
        %dma_wait3A_132 = tpu.memref_slice %arg5[%arg0, %dma_wait3A_130, %dma_wait3A_131] : memref<2x10000x128xf32, #tpu.memory_space<hbm>> -> memref<1x640x128xf32, #tpu.memory_space<hbm>>
        %dma_wait3A_133 = tpu.memref_squeeze %dma_wait3A_132 : memref<1x640x128xf32, #tpu.memory_space<hbm>> -> memref<640x128xf32, #tpu.memory_space<hbm>>
        %dma_wait3A_134 = arith.constant 9360 : i32
        %dma_wait3A_135 = arith.constant 0 : i32
        %dma_wait3A_136 = tpu.memref_slice %arg12[%dma_wait3A_134, %dma_wait3A_135] : memref<10240x128xf32, #tpu.memory_space<vmem_shared>> -> memref<640x128xf32, #tpu.memory_space<vmem_shared>>
        tpu.wait_dma2 semaphore(%run_scoped3A : memref<!tpu.dma_semaphore, #tpu.memory_space<semaphore_mem>>) src(%dma_wait3A_136 : memref<640x128xf32, #tpu.memory_space<vmem_shared>>) dst(%dma_wait3A_133 : memref<640x128xf32, #tpu.memory_space<hbm>>)
        tpu.yield
      }) : () -> ()
    } else {
    }
    return
  }
}

#map = affine_map<(d0, d1) -> (0, 0)>
#map1 = affine_map<(d0, d1) -> (0, 0, 0)>
module attributes {stable_mosaic.version = 14 : i64} {
  func.func @_spmm_kernel(%arg0: i32, %arg1: i32, %arg2: memref<10000x128xf32, #tpu.memory_space<hbm>>, %arg3: memref<32x80x128xi32, #tpu.memory_space<hbm>>, %arg4: memref<32x80x128xi32, #tpu.memory_space<hbm>>, %arg5: memref<2x10000x128xf32, #tpu.memory_space<hbm>>, %arg6: memref<8x128xi32, #tpu.memory_space<vmem>>, %arg7: memref<8x128xi32, #tpu.memory_space<vmem>>, %arg8: memref<8x128xi32, #tpu.memory_space<vmem>>, %arg9: memref<8x128xi32, #tpu.memory_space<vmem>>, %arg10: memref<128x128xf32, #tpu.memory_space<vmem>>, %arg11: memref<128x128xf32, #tpu.memory_space<vmem>>, %arg12: memref<10240x128xf32, #tpu.memory_space<vmem_shared>>, %arg13: memref<!tpu.dma_semaphore, #tpu.memory_space<semaphore_mem>>, %arg14: memref<!tpu.dma_semaphore, #tpu.memory_space<semaphore_mem>>, %arg15: memref<!tpu.dma_semaphore, #tpu.memory_space<semaphore_mem>>, %arg16: memref<!tpu.dma_semaphore, #tpu.memory_space<semaphore_mem>>) attributes {dimension_semantics = [#tpu.dimension_semantics<core_parallel>, #tpu.dimension_semantics<subcore_parallel>], iteration_bounds = array<i64: 2, 16>, scalar_prefetch = 0 : i64, scratch_operands = 11 : i64, tpu.core_type = #tpu.core_type<sc_vector_subcore>, window_params = [{transform_indices = #map}, {transform_indices = #map1}, {transform_indices = #map1}, {transform_indices = #map1}]} {
    %mul3A = arith.constant 16 : i32
    %mul3A_0 = arith.muli %arg0, %mul3A : i32
    %add3A = arith.addi %mul3A_0, %arg1 : i32
    %broadcast_in_dim3A = arith.constant 0.000000e+00 : f32
    %broadcast_in_dim3A_1 = vector.broadcast %broadcast_in_dim3A : f32 to vector<16xf32>
    %scan3A = arith.constant 0 : i32
    %scan3A_2 = arith.constant 0 : i32
    %scan3A_3 = arith.constant 128 : i32
    %scan3A_4 = arith.addi %scan3A_2, %scan3A_3 : i32
    %scan3A_5 = arith.constant 1 : i32
    scf.for %scan3A_123 = %scan3A_2 to %scan3A_4 step %scan3A_5  : i32 {
      %swap3A = arith.index_cast %scan3A_123 : i32 to index
      %swap3A_124 = arith.constant 0 : index
      %swap3A_125 = tpu.vector_load %arg10[%swap3A, %swap3A_124] {strides = array<i32>} : memref<128x128xf32, #tpu.memory_space<vmem>>, vector<1x16xf32>,
      %swap3A_126 = vector.shape_cast %swap3A_125 : vector<1x16xf32> to vector<16xf32>
      %swap3A_127 = vector.shape_cast %broadcast_in_dim3A_1 : vector<16xf32> to vector<1x16xf32>
      tpu.vector_store %arg10[%swap3A, %swap3A_124], %swap3A_127 {strides = array<i32>} : memref<128x128xf32, #tpu.memory_space<vmem>>, vector<1x16xf32>,
      %swap3A_128 = arith.index_cast %scan3A_123 : i32 to index
      %swap3A_129 = arith.constant 16 : index
      %swap3A_130 = tpu.vector_load %arg10[%swap3A_128, %swap3A_129] {strides = array<i32>} : memref<128x128xf32, #tpu.memory_space<vmem>>, vector<1x16xf32>,
      %swap3A_131 = vector.shape_cast %swap3A_130 : vector<1x16xf32> to vector<16xf32>
      %swap3A_132 = vector.shape_cast %broadcast_in_dim3A_1 : vector<16xf32> to vector<1x16xf32>
      tpu.vector_store %arg10[%swap3A_128, %swap3A_129], %swap3A_132 {strides = array<i32>} : memref<128x128xf32, #tpu.memory_space<vmem>>, vector<1x16xf32>,
      %swap3A_133 = arith.index_cast %scan3A_123 : i32 to index
      %swap3A_134 = arith.constant 32 : index
      %swap3A_135 = tpu.vector_load %arg10[%swap3A_133, %swap3A_134] {strides = array<i32>} : memref<128x128xf32, #tpu.memory_space<vmem>>, vector<1x16xf32>,
      %swap3A_136 = vector.shape_cast %swap3A_135 : vector<1x16xf32> to vector<16xf32>
      %swap3A_137 = vector.shape_cast %broadcast_in_dim3A_1 : vector<16xf32> to vector<1x16xf32>
      tpu.vector_store %arg10[%swap3A_133, %swap3A_134], %swap3A_137 {strides = array<i32>} : memref<128x128xf32, #tpu.memory_space<vmem>>, vector<1x16xf32>,
      %swap3A_138 = arith.index_cast %scan3A_123 : i32 to index
      %swap3A_139 = arith.constant 48 : index
      %swap3A_140 = tpu.vector_load %arg10[%swap3A_138, %swap3A_139] {strides = array<i32>} : memref<128x128xf32, #tpu.memory_space<vmem>>, vector<1x16xf32>,
      %swap3A_141 = vector.shape_cast %swap3A_140 : vector<1x16xf32> to vector<16xf32>
      %swap3A_142 = vector.shape_cast %broadcast_in_dim3A_1 : vector<16xf32> to vector<1x16xf32>
      tpu.vector_store %arg10[%swap3A_138, %swap3A_139], %swap3A_142 {strides = array<i32>} : memref<128x128xf32, #tpu.memory_space<vmem>>, vector<1x16xf32>,
      %swap3A_143 = arith.index_cast %scan3A_123 : i32 to index
      %swap3A_144 = arith.constant 64 : index
      %swap3A_145 = tpu.vector_load %arg10[%swap3A_143, %swap3A_144] {strides = array<i32>} : memref<128x128xf32, #tpu.memory_space<vmem>>, vector<1x16xf32>,
      %swap3A_146 = vector.shape_cast %swap3A_145 : vector<1x16xf32> to vector<16xf32>
      %swap3A_147 = vector.shape_cast %broadcast_in_dim3A_1 : vector<16xf32> to vector<1x16xf32>
      tpu.vector_store %arg10[%swap3A_143, %swap3A_144], %swap3A_147 {strides = array<i32>} : memref<128x128xf32, #tpu.memory_space<vmem>>, vector<1x16xf32>,
      %swap3A_148 = arith.index_cast %scan3A_123 : i32 to index
      %swap3A_149 = arith.constant 80 : index
      %swap3A_150 = tpu.vector_load %arg10[%swap3A_148, %swap3A_149] {strides = array<i32>} : memref<128x128xf32, #tpu.memory_space<vmem>>, vector<1x16xf32>,
      %swap3A_151 = vector.shape_cast %swap3A_150 : vector<1x16xf32> to vector<16xf32>
      %swap3A_152 = vector.shape_cast %broadcast_in_dim3A_1 : vector<16xf32> to vector<1x16xf32>
      tpu.vector_store %arg10[%swap3A_148, %swap3A_149], %swap3A_152 {strides = array<i32>} : memref<128x128xf32, #tpu.memory_space<vmem>>, vector<1x16xf32>,
      %swap3A_153 = arith.index_cast %scan3A_123 : i32 to index
      %swap3A_154 = arith.constant 96 : index
      %swap3A_155 = tpu.vector_load %arg10[%swap3A_153, %swap3A_154] {strides = array<i32>} : memref<128x128xf32, #tpu.memory_space<vmem>>, vector<1x16xf32>,
      %swap3A_156 = vector.shape_cast %swap3A_155 : vector<1x16xf32> to vector<16xf32>
      %swap3A_157 = vector.shape_cast %broadcast_in_dim3A_1 : vector<16xf32> to vector<1x16xf32>
      tpu.vector_store %arg10[%swap3A_153, %swap3A_154], %swap3A_157 {strides = array<i32>} : memref<128x128xf32, #tpu.memory_space<vmem>>, vector<1x16xf32>,
      %swap3A_158 = arith.index_cast %scan3A_123 : i32 to index
      %swap3A_159 = arith.constant 112 : index
      %swap3A_160 = tpu.vector_load %arg10[%swap3A_158, %swap3A_159] {strides = array<i32>} : memref<128x128xf32, #tpu.memory_space<vmem>>, vector<1x16xf32>,
      %swap3A_161 = vector.shape_cast %swap3A_160 : vector<1x16xf32> to vector<16xf32>
      %swap3A_162 = vector.shape_cast %broadcast_in_dim3A_1 : vector<16xf32> to vector<1x16xf32>
      tpu.vector_store %arg10[%swap3A_158, %swap3A_159], %swap3A_162 {strides = array<i32>} : memref<128x128xf32, #tpu.memory_space<vmem>>, vector<1x16xf32>,
    }
    %scan3A_6 = arith.constant 128 : i32
    %mul3A_7 = arith.constant 640 : i32
    %mul3A_8 = arith.muli %arg1, %mul3A_7 : i32
    %add3A_9 = arith.constant 0 : i32
    %add3A_10 = arith.addi %mul3A_8, %add3A_9 : i32
    %dma_start3A = arith.constant 0 : i32
    %dma_start3A_11 = tpu.memref_slice %arg12[%add3A_10, %dma_start3A] : memref<10240x128xf32, #tpu.memory_space<vmem_shared>> -> memref<128x128xf32, #tpu.memory_space<vmem_shared>>
    %dma_start3A_12 = arith.constant 0 : i32
    %dma_start3A_13 = tpu.memref_slice %arg12[%add3A_10, %dma_start3A_12] : memref<10240x128xf32, #tpu.memory_space<vmem_shared>> -> memref<128x128xf32, #tpu.memory_space<vmem_shared>>
    tpu.enqueue_dma source(%arg10 : memref<128x128xf32, #tpu.memory_space<vmem>>) target(%dma_start3A_13 : memref<128x128xf32, #tpu.memory_space<vmem_shared>>) target_semaphore(%arg15 : memref<!tpu.dma_semaphore, #tpu.memory_space<semaphore_mem>>)
    %mul3A_14 = arith.constant 640 : i32
    %mul3A_15 = arith.muli %arg1, %mul3A_14 : i32
    %add3A_16 = arith.constant 128 : i32
    %add3A_17 = arith.addi %mul3A_15, %add3A_16 : i32
    %dma_start3A_18 = arith.constant 0 : i32
    %dma_start3A_19 = tpu.memref_slice %arg12[%add3A_17, %dma_start3A_18] : memref<10240x128xf32, #tpu.memory_space<vmem_shared>> -> memref<128x128xf32, #tpu.memory_space<vmem_shared>>
    %dma_start3A_20 = arith.constant 0 : i32
    %dma_start3A_21 = tpu.memref_slice %arg12[%add3A_17, %dma_start3A_20] : memref<10240x128xf32, #tpu.memory_space<vmem_shared>> -> memref<128x128xf32, #tpu.memory_space<vmem_shared>>
    tpu.enqueue_dma source(%arg10 : memref<128x128xf32, #tpu.memory_space<vmem>>) target(%dma_start3A_21 : memref<128x128xf32, #tpu.memory_space<vmem_shared>>) target_semaphore(%arg15 : memref<!tpu.dma_semaphore, #tpu.memory_space<semaphore_mem>>)
    %mul3A_22 = arith.constant 640 : i32
    %mul3A_23 = arith.muli %arg1, %mul3A_22 : i32
    %add3A_24 = arith.constant 256 : i32
    %add3A_25 = arith.addi %mul3A_23, %add3A_24 : i32
    %dma_start3A_26 = arith.constant 0 : i32
    %dma_start3A_27 = tpu.memref_slice %arg12[%add3A_25, %dma_start3A_26] : memref<10240x128xf32, #tpu.memory_space<vmem_shared>> -> memref<128x128xf32, #tpu.memory_space<vmem_shared>>
    %dma_start3A_28 = arith.constant 0 : i32
    %dma_start3A_29 = tpu.memref_slice %arg12[%add3A_25, %dma_start3A_28] : memref<10240x128xf32, #tpu.memory_space<vmem_shared>> -> memref<128x128xf32, #tpu.memory_space<vmem_shared>>
    tpu.enqueue_dma source(%arg10 : memref<128x128xf32, #tpu.memory_space<vmem>>) target(%dma_start3A_29 : memref<128x128xf32, #tpu.memory_space<vmem_shared>>) target_semaphore(%arg15 : memref<!tpu.dma_semaphore, #tpu.memory_space<semaphore_mem>>)
    %mul3A_30 = arith.constant 640 : i32
    %mul3A_31 = arith.muli %arg1, %mul3A_30 : i32
    %add3A_32 = arith.constant 384 : i32
    %add3A_33 = arith.addi %mul3A_31, %add3A_32 : i32
    %dma_start3A_34 = arith.constant 0 : i32
    %dma_start3A_35 = tpu.memref_slice %arg12[%add3A_33, %dma_start3A_34] : memref<10240x128xf32, #tpu.memory_space<vmem_shared>> -> memref<128x128xf32, #tpu.memory_space<vmem_shared>>
    %dma_start3A_36 = arith.constant 0 : i32
    %dma_start3A_37 = tpu.memref_slice %arg12[%add3A_33, %dma_start3A_36] : memref<10240x128xf32, #tpu.memory_space<vmem_shared>> -> memref<128x128xf32, #tpu.memory_space<vmem_shared>>
    tpu.enqueue_dma source(%arg10 : memref<128x128xf32, #tpu.memory_space<vmem>>) target(%dma_start3A_37 : memref<128x128xf32, #tpu.memory_space<vmem_shared>>) target_semaphore(%arg15 : memref<!tpu.dma_semaphore, #tpu.memory_space<semaphore_mem>>)
    %mul3A_38 = arith.constant 640 : i32
    %mul3A_39 = arith.muli %arg1, %mul3A_38 : i32
    %add3A_40 = arith.constant 512 : i32
    %add3A_41 = arith.addi %mul3A_39, %add3A_40 : i32
    %dma_start3A_42 = arith.constant 0 : i32
    %dma_start3A_43 = tpu.memref_slice %arg12[%add3A_41, %dma_start3A_42] : memref<10240x128xf32, #tpu.memory_space<vmem_shared>> -> memref<128x128xf32, #tpu.memory_space<vmem_shared>>
    %dma_start3A_44 = arith.constant 0 : i32
    %dma_start3A_45 = tpu.memref_slice %arg12[%add3A_41, %dma_start3A_44] : memref<10240x128xf32, #tpu.memory_space<vmem_shared>> -> memref<128x128xf32, #tpu.memory_space<vmem_shared>>
    tpu.enqueue_dma source(%arg10 : memref<128x128xf32, #tpu.memory_space<vmem>>) target(%dma_start3A_45 : memref<128x128xf32, #tpu.memory_space<vmem_shared>>) target_semaphore(%arg15 : memref<!tpu.dma_semaphore, #tpu.memory_space<semaphore_mem>>)
    "tpu.region"() ({
      %run_scoped3A = tpu.sem_alloc : memref<!tpu.dma_semaphore, #tpu.memory_space<semaphore_mem>>
      %dma_start3A_123 = arith.constant 0 : i32
      %dma_start3A_124 = arith.constant 0 : i32
      %dma_start3A_125 = tpu.memref_slice %arg3[%add3A, %dma_start3A_123, %dma_start3A_124] : memref<32x80x128xi32, #tpu.memory_space<hbm>> -> memref<1x8x128xi32, #tpu.memory_space<hbm>>
      %dma_start3A_126 = tpu.memref_squeeze %dma_start3A_125 : memref<1x8x128xi32, #tpu.memory_space<hbm>> -> memref<8x128xi32, #tpu.memory_space<hbm>>
      %dma_start3A_127 = arith.constant 0 : i32
      %dma_start3A_128 = arith.constant 0 : i32
      %dma_start3A_129 = tpu.memref_slice %arg3[%add3A, %dma_start3A_127, %dma_start3A_128] : memref<32x80x128xi32, #tpu.memory_space<hbm>> -> memref<1x8x128xi32, #tpu.memory_space<hbm>>
      %dma_start3A_130 = tpu.memref_squeeze %dma_start3A_129 : memref<1x8x128xi32, #tpu.memory_space<hbm>> -> memref<8x128xi32, #tpu.memory_space<hbm>>
      tpu.enqueue_dma source(%dma_start3A_130 : memref<8x128xi32, #tpu.memory_space<hbm>>) target(%arg6 : memref<8x128xi32, #tpu.memory_space<vmem>>) target_semaphore(%run_scoped3A : memref<!tpu.dma_semaphore, #tpu.memory_space<semaphore_mem>>)
      %dma_wait3A_131 = arith.constant 0 : i32
      %dma_wait3A_132 = arith.constant 0 : i32
      %dma_wait3A_133 = tpu.memref_slice %arg3[%add3A, %dma_wait3A_131, %dma_wait3A_132] : memref<32x80x128xi32, #tpu.memory_space<hbm>> -> memref<1x8x128xi32, #tpu.memory_space<hbm>>
      %dma_wait3A_134 = tpu.memref_squeeze %dma_wait3A_133 : memref<1x8x128xi32, #tpu.memory_space<hbm>> -> memref<8x128xi32, #tpu.memory_space<hbm>>
      %dma_wait3A_135 = arith.constant 0 : i32
      %dma_wait3A_136 = arith.constant 0 : i32
      %dma_wait3A_137 = tpu.memref_slice %arg3[%add3A, %dma_wait3A_135, %dma_wait3A_136] : memref<32x80x128xi32, #tpu.memory_space<hbm>> -> memref<1x8x128xi32, #tpu.memory_space<hbm>>
      %dma_wait3A_138 = tpu.memref_squeeze %dma_wait3A_137 : memref<1x8x128xi32, #tpu.memory_space<hbm>> -> memref<8x128xi32, #tpu.memory_space<hbm>>
      tpu.wait_dma2 semaphore(%run_scoped3A : memref<!tpu.dma_semaphore, #tpu.memory_space<semaphore_mem>>) src(%dma_wait3A_138 : memref<8x128xi32, #tpu.memory_space<hbm>>) dst(%arg6 : memref<8x128xi32, #tpu.memory_space<vmem>>)
      tpu.yield
    }) : () -> ()
    "tpu.region"() ({
      %run_scoped3A = tpu.sem_alloc : memref<!tpu.dma_semaphore, #tpu.memory_space<semaphore_mem>>
      %dma_start3A_123 = arith.constant 0 : i32
      %dma_start3A_124 = arith.constant 0 : i32
      %dma_start3A_125 = tpu.memref_slice %arg4[%add3A, %dma_start3A_123, %dma_start3A_124] : memref<32x80x128xi32, #tpu.memory_space<hbm>> -> memref<1x8x128xi32, #tpu.memory_space<hbm>>
      %dma_start3A_126 = tpu.memref_squeeze %dma_start3A_125 : memref<1x8x128xi32, #tpu.memory_space<hbm>> -> memref<8x128xi32, #tpu.memory_space<hbm>>
      %dma_start3A_127 = arith.constant 0 : i32
      %dma_start3A_128 = arith.constant 0 : i32
      %dma_start3A_129 = tpu.memref_slice %arg4[%add3A, %dma_start3A_127, %dma_start3A_128] : memref<32x80x128xi32, #tpu.memory_space<hbm>> -> memref<1x8x128xi32, #tpu.memory_space<hbm>>
      %dma_start3A_130 = tpu.memref_squeeze %dma_start3A_129 : memref<1x8x128xi32, #tpu.memory_space<hbm>> -> memref<8x128xi32, #tpu.memory_space<hbm>>
      tpu.enqueue_dma source(%dma_start3A_130 : memref<8x128xi32, #tpu.memory_space<hbm>>) target(%arg7 : memref<8x128xi32, #tpu.memory_space<vmem>>) target_semaphore(%run_scoped3A : memref<!tpu.dma_semaphore, #tpu.memory_space<semaphore_mem>>)
      %dma_wait3A_131 = arith.constant 0 : i32
      %dma_wait3A_132 = arith.constant 0 : i32
      %dma_wait3A_133 = tpu.memref_slice %arg4[%add3A, %dma_wait3A_131, %dma_wait3A_132] : memref<32x80x128xi32, #tpu.memory_space<hbm>> -> memref<1x8x128xi32, #tpu.memory_space<hbm>>
      %dma_wait3A_134 = tpu.memref_squeeze %dma_wait3A_133 : memref<1x8x128xi32, #tpu.memory_space<hbm>> -> memref<8x128xi32, #tpu.memory_space<hbm>>
      %dma_wait3A_135 = arith.constant 0 : i32
      %dma_wait3A_136 = arith.constant 0 : i32
      %dma_wait3A_137 = tpu.memref_slice %arg4[%add3A, %dma_wait3A_135, %dma_wait3A_136] : memref<32x80x128xi32, #tpu.memory_space<hbm>> -> memref<1x8x128xi32, #tpu.memory_space<hbm>>
      %dma_wait3A_138 = tpu.memref_squeeze %dma_wait3A_137 : memref<1x8x128xi32, #tpu.memory_space<hbm>> -> memref<8x128xi32, #tpu.memory_space<hbm>>
      tpu.wait_dma2 semaphore(%run_scoped3A : memref<!tpu.dma_semaphore, #tpu.memory_space<semaphore_mem>>) src(%dma_wait3A_138 : memref<8x128xi32, #tpu.memory_space<hbm>>) dst(%arg7 : memref<8x128xi32, #tpu.memory_space<vmem>>)
      tpu.yield
    }) : () -> ()
    %dma_start3A_46 = arith.constant 8 : i32
    %dma_start3A_47 = arith.constant 0 : i32
    %dma_start3A_48 = tpu.memref_slice %arg3[%add3A, %dma_start3A_46, %dma_start3A_47] : memref<32x80x128xi32, #tpu.memory_space<hbm>> -> memref<1x8x128xi32, #tpu.memory_space<hbm>>
    %dma_start3A_49 = tpu.memref_squeeze %dma_start3A_48 : memref<1x8x128xi32, #tpu.memory_space<hbm>> -> memref<8x128xi32, #tpu.memory_space<hbm>>
    %dma_start3A_50 = arith.constant 8 : i32
    %dma_start3A_51 = arith.constant 0 : i32
    %dma_start3A_52 = tpu.memref_slice %arg3[%add3A, %dma_start3A_50, %dma_start3A_51] : memref<32x80x128xi32, #tpu.memory_space<hbm>> -> memref<1x8x128xi32, #tpu.memory_space<hbm>>
    %dma_start3A_53 = tpu.memref_squeeze %dma_start3A_52 : memref<1x8x128xi32, #tpu.memory_space<hbm>> -> memref<8x128xi32, #tpu.memory_space<hbm>>
    tpu.enqueue_dma source(%dma_start3A_53 : memref<8x128xi32, #tpu.memory_space<hbm>>) target(%arg8 : memref<8x128xi32, #tpu.memory_space<vmem>>) target_semaphore(%arg16 : memref<!tpu.dma_semaphore, #tpu.memory_space<semaphore_mem>>)
    %dma_start3A_54 = arith.constant 8 : i32
    %dma_start3A_55 = arith.constant 0 : i32
    %dma_start3A_56 = tpu.memref_slice %arg4[%add3A, %dma_start3A_54, %dma_start3A_55] : memref<32x80x128xi32, #tpu.memory_space<hbm>> -> memref<1x8x128xi32, #tpu.memory_space<hbm>>
    %dma_start3A_57 = tpu.memref_squeeze %dma_start3A_56 : memref<1x8x128xi32, #tpu.memory_space<hbm>> -> memref<8x128xi32, #tpu.memory_space<hbm>>
    %dma_start3A_58 = arith.constant 8 : i32
    %dma_start3A_59 = arith.constant 0 : i32
    %dma_start3A_60 = tpu.memref_slice %arg4[%add3A, %dma_start3A_58, %dma_start3A_59] : memref<32x80x128xi32, #tpu.memory_space<hbm>> -> memref<1x8x128xi32, #tpu.memory_space<hbm>>
    %dma_start3A_61 = tpu.memref_squeeze %dma_start3A_60 : memref<1x8x128xi32, #tpu.memory_space<hbm>> -> memref<8x128xi32, #tpu.memory_space<hbm>>
    tpu.enqueue_dma source(%dma_start3A_61 : memref<8x128xi32, #tpu.memory_space<hbm>>) target(%arg9 : memref<8x128xi32, #tpu.memory_space<vmem>>) target_semaphore(%arg16 : memref<!tpu.dma_semaphore, #tpu.memory_space<semaphore_mem>>)
    %mul3A_62 = arith.constant 640 : i32
    %mul3A_63 = arith.muli %arg1, %mul3A_62 : i32
    %add3A_64 = arith.constant 0 : i32
    %add3A_65 = arith.addi %mul3A_63, %add3A_64 : i32
    %dma_wait3A = arith.constant 0 : i32
    %dma_wait3A_66 = tpu.memref_slice %arg12[%add3A_65, %dma_wait3A] : memref<10240x128xf32, #tpu.memory_space<vmem_shared>> -> memref<128x128xf32, #tpu.memory_space<vmem_shared>>
    %dma_wait3A_67 = arith.constant 0 : i32
    %dma_wait3A_68 = tpu.memref_slice %arg12[%add3A_65, %dma_wait3A_67] : memref<10240x128xf32, #tpu.memory_space<vmem_shared>> -> memref<128x128xf32, #tpu.memory_space<vmem_shared>>
    tpu.wait_dma2 semaphore(%arg15 : memref<!tpu.dma_semaphore, #tpu.memory_space<semaphore_mem>>) src(%arg10 : memref<128x128xf32, #tpu.memory_space<vmem>>) dst(%dma_wait3A_68 : memref<128x128xf32, #tpu.memory_space<vmem_shared>>)
    %mul3A_69 = arith.constant 640 : i32
    %mul3A_70 = arith.muli %arg1, %mul3A_69 : i32
    %add3A_71 = arith.constant 128 : i32
    %add3A_72 = arith.addi %mul3A_70, %add3A_71 : i32
    %dma_wait3A_73 = arith.constant 0 : i32
    %dma_wait3A_74 = tpu.memref_slice %arg12[%add3A_72, %dma_wait3A_73] : memref<10240x128xf32, #tpu.memory_space<vmem_shared>> -> memref<128x128xf32, #tpu.memory_space<vmem_shared>>
    %dma_wait3A_75 = arith.constant 0 : i32
    %dma_wait3A_76 = tpu.memref_slice %arg12[%add3A_72, %dma_wait3A_75] : memref<10240x128xf32, #tpu.memory_space<vmem_shared>> -> memref<128x128xf32, #tpu.memory_space<vmem_shared>>
    tpu.wait_dma2 semaphore(%arg15 : memref<!tpu.dma_semaphore, #tpu.memory_space<semaphore_mem>>) src(%arg10 : memref<128x128xf32, #tpu.memory_space<vmem>>) dst(%dma_wait3A_76 : memref<128x128xf32, #tpu.memory_space<vmem_shared>>)
    %mul3A_77 = arith.constant 640 : i32
    %mul3A_78 = arith.muli %arg1, %mul3A_77 : i32
    %add3A_79 = arith.constant 256 : i32
    %add3A_80 = arith.addi %mul3A_78, %add3A_79 : i32
    %dma_wait3A_81 = arith.constant 0 : i32
    %dma_wait3A_82 = tpu.memref_slice %arg12[%add3A_80, %dma_wait3A_81] : memref<10240x128xf32, #tpu.memory_space<vmem_shared>> -> memref<128x128xf32, #tpu.memory_space<vmem_shared>>
    %dma_wait3A_83 = arith.constant 0 : i32
    %dma_wait3A_84 = tpu.memref_slice %arg12[%add3A_80, %dma_wait3A_83] : memref<10240x128xf32, #tpu.memory_space<vmem_shared>> -> memref<128x128xf32, #tpu.memory_space<vmem_shared>>
    tpu.wait_dma2 semaphore(%arg15 : memref<!tpu.dma_semaphore, #tpu.memory_space<semaphore_mem>>) src(%arg10 : memref<128x128xf32, #tpu.memory_space<vmem>>) dst(%dma_wait3A_84 : memref<128x128xf32, #tpu.memory_space<vmem_shared>>)
    %mul3A_85 = arith.constant 640 : i32
    %mul3A_86 = arith.muli %arg1, %mul3A_85 : i32
    %add3A_87 = arith.constant 384 : i32
    %add3A_88 = arith.addi %mul3A_86, %add3A_87 : i32
    %dma_wait3A_89 = arith.constant 0 : i32
    %dma_wait3A_90 = tpu.memref_slice %arg12[%add3A_88, %dma_wait3A_89] : memref<10240x128xf32, #tpu.memory_space<vmem_shared>> -> memref<128x128xf32, #tpu.memory_space<vmem_shared>>
    %dma_wait3A_91 = arith.constant 0 : i32
    %dma_wait3A_92 = tpu.memref_slice %arg12[%add3A_88, %dma_wait3A_91] : memref<10240x128xf32, #tpu.memory_space<vmem_shared>> -> memref<128x128xf32, #tpu.memory_space<vmem_shared>>
    tpu.wait_dma2 semaphore(%arg15 : memref<!tpu.dma_semaphore, #tpu.memory_space<semaphore_mem>>) src(%arg10 : memref<128x128xf32, #tpu.memory_space<vmem>>) dst(%dma_wait3A_92 : memref<128x128xf32, #tpu.memory_space<vmem_shared>>)
    %mul3A_93 = arith.constant 640 : i32
    %mul3A_94 = arith.muli %arg1, %mul3A_93 : i32
    %add3A_95 = arith.constant 512 : i32
    %add3A_96 = arith.addi %mul3A_94, %add3A_95 : i32
    %dma_wait3A_97 = arith.constant 0 : i32
    %dma_wait3A_98 = tpu.memref_slice %arg12[%add3A_96, %dma_wait3A_97] : memref<10240x128xf32, #tpu.memory_space<vmem_shared>> -> memref<128x128xf32, #tpu.memory_space<vmem_shared>>
    %dma_wait3A_99 = arith.constant 0 : i32
    %dma_wait3A_100 = tpu.memref_slice %arg12[%add3A_96, %dma_wait3A_99] : memref<10240x128xf32, #tpu.memory_space<vmem_shared>> -> memref<128x128xf32, #tpu.memory_space<vmem_shared>>
    tpu.wait_dma2 semaphore(%arg15 : memref<!tpu.dma_semaphore, #tpu.memory_space<semaphore_mem>>) src(%arg10 : memref<128x128xf32, #tpu.memory_space<vmem>>) dst(%dma_wait3A_100 : memref<128x128xf32, #tpu.memory_space<vmem_shared>>)
    %dma_start3A_101 = arith.constant 0 : i32
    %dma_start3A_102 = arith.constant 0 : i32
    %dma_start3A_103 = tpu.memref_slice %arg6[%dma_start3A_101, %dma_start3A_102] : memref<8x128xi32, #tpu.memory_space<vmem>> -> memref<1x128xi32, #tpu.memory_space<vmem>>
    %dma_start3A_104 = tpu.memref_squeeze %dma_start3A_103 : memref<1x128xi32, #tpu.memory_space<vmem>> -> memref<128xi32, #tpu.memory_space<vmem>>
    %dma_start3A_105 = arith.constant 0 : i32
    %dma_start3A_106 = arith.constant 0 : i32
    %dma_start3A_107 = tpu.memref_slice %arg2[%dma_start3A_105, %dma_start3A_106] : memref<10000x128xf32, #tpu.memory_space<hbm>> -> memref<10000x128xf32, #tpu.memory_space<hbm>>
    tpu.enqueue_indirect_dma source(%dma_start3A_107 : memref<10000x128xf32, #tpu.memory_space<hbm>>) target(%arg10 : memref<128x128xf32, #tpu.memory_space<vmem>>) offsets(%dma_start3A_104 : memref<128xi32, #tpu.memory_space<vmem>>) semaphore(%arg13 : memref<!tpu.dma_semaphore, #tpu.memory_space<semaphore_mem>>)
    %barrier3A = arith.constant 0 : index
    tpu.barrier barrier_id(%barrier3A)
    %scan3A_108 = arith.constant 0 : i32
    %scan3A_109 = arith.constant 0 : i32
    %scan3A_110 = arith.constant 5 : i32
    %scan3A_111 = arith.addi %scan3A_109, %scan3A_110 : i32
    %scan3A_112 = arith.constant 1 : i32
    scf.for %scan3A_123 = %scan3A_109 to %scan3A_111 step %scan3A_112  : i32 {
      %dma_start3A_124 = arith.constant 1 : i32
      %dma_start3A_125 = arith.constant 0 : i32
      %dma_start3A_126 = tpu.memref_slice %arg6[%dma_start3A_124, %dma_start3A_125] : memref<8x128xi32, #tpu.memory_space<vmem>> -> memref<1x128xi32, #tpu.memory_space<vmem>>
      %dma_start3A_127 = tpu.memref_squeeze %dma_start3A_126 : memref<1x128xi32, #tpu.memory_space<vmem>> -> memref<128xi32, #tpu.memory_space<vmem>>
      %dma_start3A_128 = arith.constant 0 : i32
      %dma_start3A_129 = arith.constant 0 : i32
      %dma_start3A_130 = tpu.memref_slice %arg2[%dma_start3A_128, %dma_start3A_129] : memref<10000x128xf32, #tpu.memory_space<hbm>> -> memref<10000x128xf32, #tpu.memory_space<hbm>>
      tpu.enqueue_indirect_dma source(%dma_start3A_130 : memref<10000x128xf32, #tpu.memory_space<hbm>>) target(%arg11 : memref<128x128xf32, #tpu.memory_space<vmem>>) offsets(%dma_start3A_127 : memref<128xi32, #tpu.memory_space<vmem>>) semaphore(%arg14 : memref<!tpu.dma_semaphore, #tpu.memory_space<semaphore_mem>>)
      %dma_wait3A_131 = arith.constant 0 : i32
      %dma_wait3A_132 = arith.constant 0 : i32
      %dma_wait3A_133 = tpu.memref_slice %arg6[%dma_wait3A_131, %dma_wait3A_132] : memref<8x128xi32, #tpu.memory_space<vmem>> -> memref<1x128xi32, #tpu.memory_space<vmem>>
      %dma_wait3A_134 = tpu.memref_squeeze %dma_wait3A_133 : memref<1x128xi32, #tpu.memory_space<vmem>> -> memref<128xi32, #tpu.memory_space<vmem>>
      %dma_wait3A_135 = arith.constant 0 : i32
      %dma_wait3A_136 = arith.constant 0 : i32
      %dma_wait3A_137 = tpu.memref_slice %arg2[%dma_wait3A_135, %dma_wait3A_136] : memref<10000x128xf32, #tpu.memory_space<hbm>> -> memref<10000x128xf32, #tpu.memory_space<hbm>>
      tpu.wait_indirect_dma semaphore(%arg13 : memref<!tpu.dma_semaphore, #tpu.memory_space<semaphore_mem>>) src(%dma_wait3A_137 : memref<10000x128xf32, #tpu.memory_space<hbm>>) dst(%arg10 : memref<128x128xf32, #tpu.memory_space<vmem>>)
      %run_scoped3A = arith.constant 0 : i32
      "tpu.region"() ({
        %run_scoped3A_387 = tpu.sem_alloc : memref<!tpu.dma_semaphore, #tpu.memory_space<semaphore_mem>>
        %dma_start3A_388 = arith.constant 0 : i32
        %dma_start3A_389 = tpu.memref_slice %arg7[%run_scoped3A, %dma_start3A_388] : memref<8x128xi32, #tpu.memory_space<vmem>> -> memref<1x128xi32, #tpu.memory_space<vmem>>
        %dma_start3A_390 = tpu.memref_squeeze %dma_start3A_389 : memref<1x128xi32, #tpu.memory_space<vmem>> -> memref<128xi32, #tpu.memory_space<vmem>>
        %dma_start3A_391 = arith.constant 0 : i32
        %dma_start3A_392 = arith.constant 0 : i32
        %dma_start3A_393 = tpu.memref_slice %arg12[%dma_start3A_391, %dma_start3A_392] : memref<10240x128xf32, #tpu.memory_space<vmem_shared>> -> memref<10240x128xf32, #tpu.memory_space<vmem_shared>>
        tpu.enqueue_indirect_dma source(%arg10 : memref<128x128xf32, #tpu.memory_space<vmem>>) target(%dma_start3A_393 : memref<10240x128xf32, #tpu.memory_space<vmem_shared>>) offsets(%dma_start3A_390 : memref<128xi32, #tpu.memory_space<vmem>>) semaphore(%run_scoped3A_387 : memref<!tpu.dma_semaphore, #tpu.memory_space<semaphore_mem>>) {add = true}
        %dma_wait3A_394 = arith.constant 0 : i32
        %dma_wait3A_395 = tpu.memref_slice %arg7[%run_scoped3A, %dma_wait3A_394] : memref<8x128xi32, #tpu.memory_space<vmem>> -> memref<1x128xi32, #tpu.memory_space<vmem>>
        %dma_wait3A_396 = tpu.memref_squeeze %dma_wait3A_395 : memref<1x128xi32, #tpu.memory_space<vmem>> -> memref<128xi32, #tpu.memory_space<vmem>>
        %dma_wait3A_397 = arith.constant 0 : i32
        %dma_wait3A_398 = arith.constant 0 : i32
        %dma_wait3A_399 = tpu.memref_slice %arg12[%dma_wait3A_397, %dma_wait3A_398] : memref<10240x128xf32, #tpu.memory_space<vmem_shared>> -> memref<10240x128xf32, #tpu.memory_space<vmem_shared>>
        tpu.wait_indirect_dma semaphore(%run_scoped3A_387 : memref<!tpu.dma_semaphore, #tpu.memory_space<semaphore_mem>>) src(%arg10 : memref<128x128xf32, #tpu.memory_space<vmem>>) dst(%dma_wait3A_399 : memref<10240x128xf32, #tpu.memory_space<vmem_shared>>)
        tpu.yield
      }) : () -> ()
      %dma_start3A_138 = arith.constant 2 : i32
      %dma_start3A_139 = arith.constant 0 : i32
      %dma_start3A_140 = tpu.memref_slice %arg6[%dma_start3A_138, %dma_start3A_139] : memref<8x128xi32, #tpu.memory_space<vmem>> -> memref<1x128xi32, #tpu.memory_space<vmem>>
      %dma_start3A_141 = tpu.memref_squeeze %dma_start3A_140 : memref<1x128xi32, #tpu.memory_space<vmem>> -> memref<128xi32, #tpu.memory_space<vmem>>
      %dma_start3A_142 = arith.constant 0 : i32
      %dma_start3A_143 = arith.constant 0 : i32
      %dma_start3A_144 = tpu.memref_slice %arg2[%dma_start3A_142, %dma_start3A_143] : memref<10000x128xf32, #tpu.memory_space<hbm>> -> memref<10000x128xf32, #tpu.memory_space<hbm>>
      tpu.enqueue_indirect_dma source(%dma_start3A_144 : memref<10000x128xf32, #tpu.memory_space<hbm>>) target(%arg10 : memref<128x128xf32, #tpu.memory_space<vmem>>) offsets(%dma_start3A_141 : memref<128xi32, #tpu.memory_space<vmem>>) semaphore(%arg13 : memref<!tpu.dma_semaphore, #tpu.memory_space<semaphore_mem>>)
      %dma_wait3A_145 = arith.constant 1 : i32
      %dma_wait3A_146 = arith.constant 0 : i32
      %dma_wait3A_147 = tpu.memref_slice %arg6[%dma_wait3A_145, %dma_wait3A_146] : memref<8x128xi32, #tpu.memory_space<vmem>> -> memref<1x128xi32, #tpu.memory_space<vmem>>
      %dma_wait3A_148 = tpu.memref_squeeze %dma_wait3A_147 : memref<1x128xi32, #tpu.memory_space<vmem>> -> memref<128xi32, #tpu.memory_space<vmem>>
      %dma_wait3A_149 = arith.constant 0 : i32
      %dma_wait3A_150 = arith.constant 0 : i32
      %dma_wait3A_151 = tpu.memref_slice %arg2[%dma_wait3A_149, %dma_wait3A_150] : memref<10000x128xf32, #tpu.memory_space<hbm>> -> memref<10000x128xf32, #tpu.memory_space<hbm>>
      tpu.wait_indirect_dma semaphore(%arg14 : memref<!tpu.dma_semaphore, #tpu.memory_space<semaphore_mem>>) src(%dma_wait3A_151 : memref<10000x128xf32, #tpu.memory_space<hbm>>) dst(%arg11 : memref<128x128xf32, #tpu.memory_space<vmem>>)
      %run_scoped3A_152 = arith.constant 1 : i32
      "tpu.region"() ({
        %run_scoped3A_387 = tpu.sem_alloc : memref<!tpu.dma_semaphore, #tpu.memory_space<semaphore_mem>>
        %dma_start3A_388 = arith.constant 0 : i32
        %dma_start3A_389 = tpu.memref_slice %arg7[%run_scoped3A_152, %dma_start3A_388] : memref<8x128xi32, #tpu.memory_space<vmem>> -> memref<1x128xi32, #tpu.memory_space<vmem>>
        %dma_start3A_390 = tpu.memref_squeeze %dma_start3A_389 : memref<1x128xi32, #tpu.memory_space<vmem>> -> memref<128xi32, #tpu.memory_space<vmem>>
        %dma_start3A_391 = arith.constant 0 : i32
        %dma_start3A_392 = arith.constant 0 : i32
        %dma_start3A_393 = tpu.memref_slice %arg12[%dma_start3A_391, %dma_start3A_392] : memref<10240x128xf32, #tpu.memory_space<vmem_shared>> -> memref<10240x128xf32, #tpu.memory_space<vmem_shared>>
        tpu.enqueue_indirect_dma source(%arg11 : memref<128x128xf32, #tpu.memory_space<vmem>>) target(%dma_start3A_393 : memref<10240x128xf32, #tpu.memory_space<vmem_shared>>) offsets(%dma_start3A_390 : memref<128xi32, #tpu.memory_space<vmem>>) semaphore(%run_scoped3A_387 : memref<!tpu.dma_semaphore, #tpu.memory_space<semaphore_mem>>) {add = true}
        %dma_wait3A_394 = arith.constant 0 : i32
        %dma_wait3A_395 = tpu.memref_slice %arg7[%run_scoped3A_152, %dma_wait3A_394] : memref<8x128xi32, #tpu.memory_space<vmem>> -> memref<1x128xi32, #tpu.memory_space<vmem>>
        %dma_wait3A_396 = tpu.memref_squeeze %dma_wait3A_395 : memref<1x128xi32, #tpu.memory_space<vmem>> -> memref<128xi32, #tpu.memory_space<vmem>>
        %dma_wait3A_397 = arith.constant 0 : i32
        %dma_wait3A_398 = arith.constant 0 : i32
        %dma_wait3A_399 = tpu.memref_slice %arg12[%dma_wait3A_397, %dma_wait3A_398] : memref<10240x128xf32, #tpu.memory_space<vmem_shared>> -> memref<10240x128xf32, #tpu.memory_space<vmem_shared>>
        tpu.wait_indirect_dma semaphore(%run_scoped3A_387 : memref<!tpu.dma_semaphore, #tpu.memory_space<semaphore_mem>>) src(%arg11 : memref<128x128xf32, #tpu.memory_space<vmem>>) dst(%dma_wait3A_399 : memref<10240x128xf32, #tpu.memory_space<vmem_shared>>)
        tpu.yield
      }) : () -> ()
      %dma_start3A_153 = arith.constant 3 : i32
      %dma_start3A_154 = arith.constant 0 : i32
      %dma_start3A_155 = tpu.memref_slice %arg6[%dma_start3A_153, %dma_start3A_154] : memref<8x128xi32, #tpu.memory_space<vmem>> -> memref<1x128xi32, #tpu.memory_space<vmem>>
      %dma_start3A_156 = tpu.memref_squeeze %dma_start3A_155 : memref<1x128xi32, #tpu.memory_space<vmem>> -> memref<128xi32, #tpu.memory_space<vmem>>
      %dma_start3A_157 = arith.constant 0 : i32
      %dma_start3A_158 = arith.constant 0 : i32
      %dma_start3A_159 = tpu.memref_slice %arg2[%dma_start3A_157, %dma_start3A_158] : memref<10000x128xf32, #tpu.memory_space<hbm>> -> memref<10000x128xf32, #tpu.memory_space<hbm>>
      tpu.enqueue_indirect_dma source(%dma_start3A_159 : memref<10000x128xf32, #tpu.memory_space<hbm>>) target(%arg11 : memref<128x128xf32, #tpu.memory_space<vmem>>) offsets(%dma_start3A_156 : memref<128xi32, #tpu.memory_space<vmem>>) semaphore(%arg14 : memref<!tpu.dma_semaphore, #tpu.memory_space<semaphore_mem>>)
      %dma_wait3A_160 = arith.constant 2 : i32
      %dma_wait3A_161 = arith.constant 0 : i32
      %dma_wait3A_162 = tpu.memref_slice %arg6[%dma_wait3A_160, %dma_wait3A_161] : memref<8x128xi32, #tpu.memory_space<vmem>> -> memref<1x128xi32, #tpu.memory_space<vmem>>
      %dma_wait3A_163 = tpu.memref_squeeze %dma_wait3A_162 : memref<1x128xi32, #tpu.memory_space<vmem>> -> memref<128xi32, #tpu.memory_space<vmem>>
      %dma_wait3A_164 = arith.constant 0 : i32
      %dma_wait3A_165 = arith.constant 0 : i32
      %dma_wait3A_166 = tpu.memref_slice %arg2[%dma_wait3A_164, %dma_wait3A_165] : memref<10000x128xf32, #tpu.memory_space<hbm>> -> memref<10000x128xf32, #tpu.memory_space<hbm>>
      tpu.wait_indirect_dma semaphore(%arg13 : memref<!tpu.dma_semaphore, #tpu.memory_space<semaphore_mem>>) src(%dma_wait3A_166 : memref<10000x128xf32, #tpu.memory_space<hbm>>) dst(%arg10 : memref<128x128xf32, #tpu.memory_space<vmem>>)
      %run_scoped3A_167 = arith.constant 2 : i32
      "tpu.region"() ({
        %run_scoped3A_387 = tpu.sem_alloc : memref<!tpu.dma_semaphore, #tpu.memory_space<semaphore_mem>>
        %dma_start3A_388 = arith.constant 0 : i32
        %dma_start3A_389 = tpu.memref_slice %arg7[%run_scoped3A_167, %dma_start3A_388] : memref<8x128xi32, #tpu.memory_space<vmem>> -> memref<1x128xi32, #tpu.memory_space<vmem>>
        %dma_start3A_390 = tpu.memref_squeeze %dma_start3A_389 : memref<1x128xi32, #tpu.memory_space<vmem>> -> memref<128xi32, #tpu.memory_space<vmem>>
        %dma_start3A_391 = arith.constant 0 : i32
        %dma_start3A_392 = arith.constant 0 : i32
        %dma_start3A_393 = tpu.memref_slice %arg12[%dma_start3A_391, %dma_start3A_392] : memref<10240x128xf32, #tpu.memory_space<vmem_shared>> -> memref<10240x128xf32, #tpu.memory_space<vmem_shared>>
        tpu.enqueue_indirect_dma source(%arg10 : memref<128x128xf32, #tpu.memory_space<vmem>>) target(%dma_start3A_393 : memref<10240x128xf32, #tpu.memory_space<vmem_shared>>) offsets(%dma_start3A_390 : memref<128xi32, #tpu.memory_space<vmem>>) semaphore(%run_scoped3A_387 : memref<!tpu.dma_semaphore, #tpu.memory_space<semaphore_mem>>) {add = true}
        %dma_wait3A_394 = arith.constant 0 : i32
        %dma_wait3A_395 = tpu.memref_slice %arg7[%run_scoped3A_167, %dma_wait3A_394] : memref<8x128xi32, #tpu.memory_space<vmem>> -> memref<1x128xi32, #tpu.memory_space<vmem>>
        %dma_wait3A_396 = tpu.memref_squeeze %dma_wait3A_395 : memref<1x128xi32, #tpu.memory_space<vmem>> -> memref<128xi32, #tpu.memory_space<vmem>>
        %dma_wait3A_397 = arith.constant 0 : i32
        %dma_wait3A_398 = arith.constant 0 : i32
        %dma_wait3A_399 = tpu.memref_slice %arg12[%dma_wait3A_397, %dma_wait3A_398] : memref<10240x128xf32, #tpu.memory_space<vmem_shared>> -> memref<10240x128xf32, #tpu.memory_space<vmem_shared>>
        tpu.wait_indirect_dma semaphore(%run_scoped3A_387 : memref<!tpu.dma_semaphore, #tpu.memory_space<semaphore_mem>>) src(%arg10 : memref<128x128xf32, #tpu.memory_space<vmem>>) dst(%dma_wait3A_399 : memref<10240x128xf32, #tpu.memory_space<vmem_shared>>)
        tpu.yield
      }) : () -> ()
      %dma_start3A_168 = arith.constant 4 : i32
      %dma_start3A_169 = arith.constant 0 : i32
      %dma_start3A_170 = tpu.memref_slice %arg6[%dma_start3A_168, %dma_start3A_169] : memref<8x128xi32, #tpu.memory_space<vmem>> -> memref<1x128xi32, #tpu.memory_space<vmem>>
      %dma_start3A_171 = tpu.memref_squeeze %dma_start3A_170 : memref<1x128xi32, #tpu.memory_space<vmem>> -> memref<128xi32, #tpu.memory_space<vmem>>
      %dma_start3A_172 = arith.constant 0 : i32
      %dma_start3A_173 = arith.constant 0 : i32
      %dma_start3A_174 = tpu.memref_slice %arg2[%dma_start3A_172, %dma_start3A_173] : memref<10000x128xf32, #tpu.memory_space<hbm>> -> memref<10000x128xf32, #tpu.memory_space<hbm>>
      tpu.enqueue_indirect_dma source(%dma_start3A_174 : memref<10000x128xf32, #tpu.memory_space<hbm>>) target(%arg10 : memref<128x128xf32, #tpu.memory_space<vmem>>) offsets(%dma_start3A_171 : memref<128xi32, #tpu.memory_space<vmem>>) semaphore(%arg13 : memref<!tpu.dma_semaphore, #tpu.memory_space<semaphore_mem>>)
      %dma_wait3A_175 = arith.constant 3 : i32
      %dma_wait3A_176 = arith.constant 0 : i32
      %dma_wait3A_177 = tpu.memref_slice %arg6[%dma_wait3A_175, %dma_wait3A_176] : memref<8x128xi32, #tpu.memory_space<vmem>> -> memref<1x128xi32, #tpu.memory_space<vmem>>
      %dma_wait3A_178 = tpu.memref_squeeze %dma_wait3A_177 : memref<1x128xi32, #tpu.memory_space<vmem>> -> memref<128xi32, #tpu.memory_space<vmem>>
      %dma_wait3A_179 = arith.constant 0 : i32
      %dma_wait3A_180 = arith.constant 0 : i32
      %dma_wait3A_181 = tpu.memref_slice %arg2[%dma_wait3A_179, %dma_wait3A_180] : memref<10000x128xf32, #tpu.memory_space<hbm>> -> memref<10000x128xf32, #tpu.memory_space<hbm>>
      tpu.wait_indirect_dma semaphore(%arg14 : memref<!tpu.dma_semaphore, #tpu.memory_space<semaphore_mem>>) src(%dma_wait3A_181 : memref<10000x128xf32, #tpu.memory_space<hbm>>) dst(%arg11 : memref<128x128xf32, #tpu.memory_space<vmem>>)
      %run_scoped3A_182 = arith.constant 3 : i32
      "tpu.region"() ({
        %run_scoped3A_387 = tpu.sem_alloc : memref<!tpu.dma_semaphore, #tpu.memory_space<semaphore_mem>>
        %dma_start3A_388 = arith.constant 0 : i32
        %dma_start3A_389 = tpu.memref_slice %arg7[%run_scoped3A_182, %dma_start3A_388] : memref<8x128xi32, #tpu.memory_space<vmem>> -> memref<1x128xi32, #tpu.memory_space<vmem>>
        %dma_start3A_390 = tpu.memref_squeeze %dma_start3A_389 : memref<1x128xi32, #tpu.memory_space<vmem>> -> memref<128xi32, #tpu.memory_space<vmem>>
        %dma_start3A_391 = arith.constant 0 : i32
        %dma_start3A_392 = arith.constant 0 : i32
        %dma_start3A_393 = tpu.memref_slice %arg12[%dma_start3A_391, %dma_start3A_392] : memref<10240x128xf32, #tpu.memory_space<vmem_shared>> -> memref<10240x128xf32, #tpu.memory_space<vmem_shared>>
        tpu.enqueue_indirect_dma source(%arg11 : memref<128x128xf32, #tpu.memory_space<vmem>>) target(%dma_start3A_393 : memref<10240x128xf32, #tpu.memory_space<vmem_shared>>) offsets(%dma_start3A_390 : memref<128xi32, #tpu.memory_space<vmem>>) semaphore(%run_scoped3A_387 : memref<!tpu.dma_semaphore, #tpu.memory_space<semaphore_mem>>) {add = true}
        %dma_wait3A_394 = arith.constant 0 : i32
        %dma_wait3A_395 = tpu.memref_slice %arg7[%run_scoped3A_182, %dma_wait3A_394] : memref<8x128xi32, #tpu.memory_space<vmem>> -> memref<1x128xi32, #tpu.memory_space<vmem>>
        %dma_wait3A_396 = tpu.memref_squeeze %dma_wait3A_395 : memref<1x128xi32, #tpu.memory_space<vmem>> -> memref<128xi32, #tpu.memory_space<vmem>>
        %dma_wait3A_397 = arith.constant 0 : i32
        %dma_wait3A_398 = arith.constant 0 : i32
        %dma_wait3A_399 = tpu.memref_slice %arg12[%dma_wait3A_397, %dma_wait3A_398] : memref<10240x128xf32, #tpu.memory_space<vmem_shared>> -> memref<10240x128xf32, #tpu.memory_space<vmem_shared>>
        tpu.wait_indirect_dma semaphore(%run_scoped3A_387 : memref<!tpu.dma_semaphore, #tpu.memory_space<semaphore_mem>>) src(%arg11 : memref<128x128xf32, #tpu.memory_space<vmem>>) dst(%dma_wait3A_399 : memref<10240x128xf32, #tpu.memory_space<vmem_shared>>)
        tpu.yield
      }) : () -> ()
      %dma_start3A_183 = arith.constant 5 : i32
      %dma_start3A_184 = arith.constant 0 : i32
      %dma_start3A_185 = tpu.memref_slice %arg6[%dma_start3A_183, %dma_start3A_184] : memref<8x128xi32, #tpu.memory_space<vmem>> -> memref<1x128xi32, #tpu.memory_space<vmem>>
      %dma_start3A_186 = tpu.memref_squeeze %dma_start3A_185 : memref<1x128xi32, #tpu.memory_space<vmem>> -> memref<128xi32, #tpu.memory_space<vmem>>
      %dma_start3A_187 = arith.constant 0 : i32
      %dma_start3A_188 = arith.constant 0 : i32
      %dma_start3A_189 = tpu.memref_slice %arg2[%dma_start3A_187, %dma_start3A_188] : memref<10000x128xf32, #tpu.memory_space<hbm>> -> memref<10000x128xf32, #tpu.memory_space<hbm>>
      tpu.enqueue_indirect_dma source(%dma_start3A_189 : memref<10000x128xf32, #tpu.memory_space<hbm>>) target(%arg11 : memref<128x128xf32, #tpu.memory_space<vmem>>) offsets(%dma_start3A_186 : memref<128xi32, #tpu.memory_space<vmem>>) semaphore(%arg14 : memref<!tpu.dma_semaphore, #tpu.memory_space<semaphore_mem>>)
      %dma_wait3A_190 = arith.constant 4 : i32
      %dma_wait3A_191 = arith.constant 0 : i32
      %dma_wait3A_192 = tpu.memref_slice %arg6[%dma_wait3A_190, %dma_wait3A_191] : memref<8x128xi32, #tpu.memory_space<vmem>> -> memref<1x128xi32, #tpu.memory_space<vmem>>
      %dma_wait3A_193 = tpu.memref_squeeze %dma_wait3A_192 : memref<1x128xi32, #tpu.memory_space<vmem>> -> memref<128xi32, #tpu.memory_space<vmem>>
      %dma_wait3A_194 = arith.constant 0 : i32
      %dma_wait3A_195 = arith.constant 0 : i32
      %dma_wait3A_196 = tpu.memref_slice %arg2[%dma_wait3A_194, %dma_wait3A_195] : memref<10000x128xf32, #tpu.memory_space<hbm>> -> memref<10000x128xf32, #tpu.memory_space<hbm>>
      tpu.wait_indirect_dma semaphore(%arg13 : memref<!tpu.dma_semaphore, #tpu.memory_space<semaphore_mem>>) src(%dma_wait3A_196 : memref<10000x128xf32, #tpu.memory_space<hbm>>) dst(%arg10 : memref<128x128xf32, #tpu.memory_space<vmem>>)
      %run_scoped3A_197 = arith.constant 4 : i32
      "tpu.region"() ({
        %run_scoped3A_387 = tpu.sem_alloc : memref<!tpu.dma_semaphore, #tpu.memory_space<semaphore_mem>>
        %dma_start3A_388 = arith.constant 0 : i32
        %dma_start3A_389 = tpu.memref_slice %arg7[%run_scoped3A_197, %dma_start3A_388] : memref<8x128xi32, #tpu.memory_space<vmem>> -> memref<1x128xi32, #tpu.memory_space<vmem>>
        %dma_start3A_390 = tpu.memref_squeeze %dma_start3A_389 : memref<1x128xi32, #tpu.memory_space<vmem>> -> memref<128xi32, #tpu.memory_space<vmem>>
        %dma_start3A_391 = arith.constant 0 : i32
        %dma_start3A_392 = arith.constant 0 : i32
        %dma_start3A_393 = tpu.memref_slice %arg12[%dma_start3A_391, %dma_start3A_392] : memref<10240x128xf32, #tpu.memory_space<vmem_shared>> -> memref<10240x128xf32, #tpu.memory_space<vmem_shared>>
        tpu.enqueue_indirect_dma source(%arg10 : memref<128x128xf32, #tpu.memory_space<vmem>>) target(%dma_start3A_393 : memref<10240x128xf32, #tpu.memory_space<vmem_shared>>) offsets(%dma_start3A_390 : memref<128xi32, #tpu.memory_space<vmem>>) semaphore(%run_scoped3A_387 : memref<!tpu.dma_semaphore, #tpu.memory_space<semaphore_mem>>) {add = true}
        %dma_wait3A_394 = arith.constant 0 : i32
        %dma_wait3A_395 = tpu.memref_slice %arg7[%run_scoped3A_197, %dma_wait3A_394] : memref<8x128xi32, #tpu.memory_space<vmem>> -> memref<1x128xi32, #tpu.memory_space<vmem>>
        %dma_wait3A_396 = tpu.memref_squeeze %dma_wait3A_395 : memref<1x128xi32, #tpu.memory_space<vmem>> -> memref<128xi32, #tpu.memory_space<vmem>>
        %dma_wait3A_397 = arith.constant 0 : i32
        %dma_wait3A_398 = arith.constant 0 : i32
        %dma_wait3A_399 = tpu.memref_slice %arg12[%dma_wait3A_397, %dma_wait3A_398] : memref<10240x128xf32, #tpu.memory_space<vmem_shared>> -> memref<10240x128xf32, #tpu.memory_space<vmem_shared>>
        tpu.wait_indirect_dma semaphore(%run_scoped3A_387 : memref<!tpu.dma_semaphore, #tpu.memory_space<semaphore_mem>>) src(%arg10 : memref<128x128xf32, #tpu.memory_space<vmem>>) dst(%dma_wait3A_399 : memref<10240x128xf32, #tpu.memory_space<vmem_shared>>)
        tpu.yield
      }) : () -> ()
      %dma_start3A_198 = arith.constant 6 : i32
      %dma_start3A_199 = arith.constant 0 : i32
      %dma_start3A_200 = tpu.memref_slice %arg6[%dma_start3A_198, %dma_start3A_199] : memref<8x128xi32, #tpu.memory_space<vmem>> -> memref<1x128xi32, #tpu.memory_space<vmem>>
      %dma_start3A_201 = tpu.memref_squeeze %dma_start3A_200 : memref<1x128xi32, #tpu.memory_space<vmem>> -> memref<128xi32, #tpu.memory_space<vmem>>
      %dma_start3A_202 = arith.constant 0 : i32
      %dma_start3A_203 = arith.constant 0 : i32
      %dma_start3A_204 = tpu.memref_slice %arg2[%dma_start3A_202, %dma_start3A_203] : memref<10000x128xf32, #tpu.memory_space<hbm>> -> memref<10000x128xf32, #tpu.memory_space<hbm>>
      tpu.enqueue_indirect_dma source(%dma_start3A_204 : memref<10000x128xf32, #tpu.memory_space<hbm>>) target(%arg10 : memref<128x128xf32, #tpu.memory_space<vmem>>) offsets(%dma_start3A_201 : memref<128xi32, #tpu.memory_space<vmem>>) semaphore(%arg13 : memref<!tpu.dma_semaphore, #tpu.memory_space<semaphore_mem>>)
      %dma_wait3A_205 = arith.constant 5 : i32
      %dma_wait3A_206 = arith.constant 0 : i32
      %dma_wait3A_207 = tpu.memref_slice %arg6[%dma_wait3A_205, %dma_wait3A_206] : memref<8x128xi32, #tpu.memory_space<vmem>> -> memref<1x128xi32, #tpu.memory_space<vmem>>
      %dma_wait3A_208 = tpu.memref_squeeze %dma_wait3A_207 : memref<1x128xi32, #tpu.memory_space<vmem>> -> memref<128xi32, #tpu.memory_space<vmem>>
      %dma_wait3A_209 = arith.constant 0 : i32
      %dma_wait3A_210 = arith.constant 0 : i32
      %dma_wait3A_211 = tpu.memref_slice %arg2[%dma_wait3A_209, %dma_wait3A_210] : memref<10000x128xf32, #tpu.memory_space<hbm>> -> memref<10000x128xf32, #tpu.memory_space<hbm>>
      tpu.wait_indirect_dma semaphore(%arg14 : memref<!tpu.dma_semaphore, #tpu.memory_space<semaphore_mem>>) src(%dma_wait3A_211 : memref<10000x128xf32, #tpu.memory_space<hbm>>) dst(%arg11 : memref<128x128xf32, #tpu.memory_space<vmem>>)
      %run_scoped3A_212 = arith.constant 5 : i32
      "tpu.region"() ({
        %run_scoped3A_387 = tpu.sem_alloc : memref<!tpu.dma_semaphore, #tpu.memory_space<semaphore_mem>>
        %dma_start3A_388 = arith.constant 0 : i32
        %dma_start3A_389 = tpu.memref_slice %arg7[%run_scoped3A_212, %dma_start3A_388] : memref<8x128xi32, #tpu.memory_space<vmem>> -> memref<1x128xi32, #tpu.memory_space<vmem>>
        %dma_start3A_390 = tpu.memref_squeeze %dma_start3A_389 : memref<1x128xi32, #tpu.memory_space<vmem>> -> memref<128xi32, #tpu.memory_space<vmem>>
        %dma_start3A_391 = arith.constant 0 : i32
        %dma_start3A_392 = arith.constant 0 : i32
        %dma_start3A_393 = tpu.memref_slice %arg12[%dma_start3A_391, %dma_start3A_392] : memref<10240x128xf32, #tpu.memory_space<vmem_shared>> -> memref<10240x128xf32, #tpu.memory_space<vmem_shared>>
        tpu.enqueue_indirect_dma source(%arg11 : memref<128x128xf32, #tpu.memory_space<vmem>>) target(%dma_start3A_393 : memref<10240x128xf32, #tpu.memory_space<vmem_shared>>) offsets(%dma_start3A_390 : memref<128xi32, #tpu.memory_space<vmem>>) semaphore(%run_scoped3A_387 : memref<!tpu.dma_semaphore, #tpu.memory_space<semaphore_mem>>) {add = true}
        %dma_wait3A_394 = arith.constant 0 : i32
        %dma_wait3A_395 = tpu.memref_slice %arg7[%run_scoped3A_212, %dma_wait3A_394] : memref<8x128xi32, #tpu.memory_space<vmem>> -> memref<1x128xi32, #tpu.memory_space<vmem>>
        %dma_wait3A_396 = tpu.memref_squeeze %dma_wait3A_395 : memref<1x128xi32, #tpu.memory_space<vmem>> -> memref<128xi32, #tpu.memory_space<vmem>>
        %dma_wait3A_397 = arith.constant 0 : i32
        %dma_wait3A_398 = arith.constant 0 : i32
        %dma_wait3A_399 = tpu.memref_slice %arg12[%dma_wait3A_397, %dma_wait3A_398] : memref<10240x128xf32, #tpu.memory_space<vmem_shared>> -> memref<10240x128xf32, #tpu.memory_space<vmem_shared>>
        tpu.wait_indirect_dma semaphore(%run_scoped3A_387 : memref<!tpu.dma_semaphore, #tpu.memory_space<semaphore_mem>>) src(%arg11 : memref<128x128xf32, #tpu.memory_space<vmem>>) dst(%dma_wait3A_399 : memref<10240x128xf32, #tpu.memory_space<vmem_shared>>)
        tpu.yield
      }) : () -> ()
      %dma_start3A_213 = arith.constant 7 : i32
      %dma_start3A_214 = arith.constant 0 : i32
      %dma_start3A_215 = tpu.memref_slice %arg6[%dma_start3A_213, %dma_start3A_214] : memref<8x128xi32, #tpu.memory_space<vmem>> -> memref<1x128xi32, #tpu.memory_space<vmem>>
      %dma_start3A_216 = tpu.memref_squeeze %dma_start3A_215 : memref<1x128xi32, #tpu.memory_space<vmem>> -> memref<128xi32, #tpu.memory_space<vmem>>
      %dma_start3A_217 = arith.constant 0 : i32
      %dma_start3A_218 = arith.constant 0 : i32
      %dma_start3A_219 = tpu.memref_slice %arg2[%dma_start3A_217, %dma_start3A_218] : memref<10000x128xf32, #tpu.memory_space<hbm>> -> memref<10000x128xf32, #tpu.memory_space<hbm>>
      tpu.enqueue_indirect_dma source(%dma_start3A_219 : memref<10000x128xf32, #tpu.memory_space<hbm>>) target(%arg11 : memref<128x128xf32, #tpu.memory_space<vmem>>) offsets(%dma_start3A_216 : memref<128xi32, #tpu.memory_space<vmem>>) semaphore(%arg14 : memref<!tpu.dma_semaphore, #tpu.memory_space<semaphore_mem>>)
      %dma_wait3A_220 = arith.constant 6 : i32
      %dma_wait3A_221 = arith.constant 0 : i32
      %dma_wait3A_222 = tpu.memref_slice %arg6[%dma_wait3A_220, %dma_wait3A_221] : memref<8x128xi32, #tpu.memory_space<vmem>> -> memref<1x128xi32, #tpu.memory_space<vmem>>
      %dma_wait3A_223 = tpu.memref_squeeze %dma_wait3A_222 : memref<1x128xi32, #tpu.memory_space<vmem>> -> memref<128xi32, #tpu.memory_space<vmem>>
      %dma_wait3A_224 = arith.constant 0 : i32
      %dma_wait3A_225 = arith.constant 0 : i32
      %dma_wait3A_226 = tpu.memref_slice %arg2[%dma_wait3A_224, %dma_wait3A_225] : memref<10000x128xf32, #tpu.memory_space<hbm>> -> memref<10000x128xf32, #tpu.memory_space<hbm>>
      tpu.wait_indirect_dma semaphore(%arg13 : memref<!tpu.dma_semaphore, #tpu.memory_space<semaphore_mem>>) src(%dma_wait3A_226 : memref<10000x128xf32, #tpu.memory_space<hbm>>) dst(%arg10 : memref<128x128xf32, #tpu.memory_space<vmem>>)
      %run_scoped3A_227 = arith.constant 6 : i32
      "tpu.region"() ({
        %run_scoped3A_387 = tpu.sem_alloc : memref<!tpu.dma_semaphore, #tpu.memory_space<semaphore_mem>>
        %dma_start3A_388 = arith.constant 0 : i32
        %dma_start3A_389 = tpu.memref_slice %arg7[%run_scoped3A_227, %dma_start3A_388] : memref<8x128xi32, #tpu.memory_space<vmem>> -> memref<1x128xi32, #tpu.memory_space<vmem>>
        %dma_start3A_390 = tpu.memref_squeeze %dma_start3A_389 : memref<1x128xi32, #tpu.memory_space<vmem>> -> memref<128xi32, #tpu.memory_space<vmem>>
        %dma_start3A_391 = arith.constant 0 : i32
        %dma_start3A_392 = arith.constant 0 : i32
        %dma_start3A_393 = tpu.memref_slice %arg12[%dma_start3A_391, %dma_start3A_392] : memref<10240x128xf32, #tpu.memory_space<vmem_shared>> -> memref<10240x128xf32, #tpu.memory_space<vmem_shared>>
        tpu.enqueue_indirect_dma source(%arg10 : memref<128x128xf32, #tpu.memory_space<vmem>>) target(%dma_start3A_393 : memref<10240x128xf32, #tpu.memory_space<vmem_shared>>) offsets(%dma_start3A_390 : memref<128xi32, #tpu.memory_space<vmem>>) semaphore(%run_scoped3A_387 : memref<!tpu.dma_semaphore, #tpu.memory_space<semaphore_mem>>) {add = true}
        %dma_wait3A_394 = arith.constant 0 : i32
        %dma_wait3A_395 = tpu.memref_slice %arg7[%run_scoped3A_227, %dma_wait3A_394] : memref<8x128xi32, #tpu.memory_space<vmem>> -> memref<1x128xi32, #tpu.memory_space<vmem>>
        %dma_wait3A_396 = tpu.memref_squeeze %dma_wait3A_395 : memref<1x128xi32, #tpu.memory_space<vmem>> -> memref<128xi32, #tpu.memory_space<vmem>>
        %dma_wait3A_397 = arith.constant 0 : i32
        %dma_wait3A_398 = arith.constant 0 : i32
        %dma_wait3A_399 = tpu.memref_slice %arg12[%dma_wait3A_397, %dma_wait3A_398] : memref<10240x128xf32, #tpu.memory_space<vmem_shared>> -> memref<10240x128xf32, #tpu.memory_space<vmem_shared>>
        tpu.wait_indirect_dma semaphore(%run_scoped3A_387 : memref<!tpu.dma_semaphore, #tpu.memory_space<semaphore_mem>>) src(%arg10 : memref<128x128xf32, #tpu.memory_space<vmem>>) dst(%dma_wait3A_399 : memref<10240x128xf32, #tpu.memory_space<vmem_shared>>)
        tpu.yield
      }) : () -> ()
      %dma_wait3A_228 = arith.constant 0 : i32
      %dma_wait3A_229 = arith.constant 0 : i32
      %dma_wait3A_230 = tpu.memref_slice %arg3[%add3A, %dma_wait3A_228, %dma_wait3A_229] : memref<32x80x128xi32, #tpu.memory_space<hbm>> -> memref<1x8x128xi32, #tpu.memory_space<hbm>>
      %dma_wait3A_231 = tpu.memref_squeeze %dma_wait3A_230 : memref<1x8x128xi32, #tpu.memory_space<hbm>> -> memref<8x128xi32, #tpu.memory_space<hbm>>
      %dma_wait3A_232 = arith.constant 0 : i32
      %dma_wait3A_233 = arith.constant 0 : i32
      %dma_wait3A_234 = tpu.memref_slice %arg3[%add3A, %dma_wait3A_232, %dma_wait3A_233] : memref<32x80x128xi32, #tpu.memory_space<hbm>> -> memref<1x8x128xi32, #tpu.memory_space<hbm>>
      %dma_wait3A_235 = tpu.memref_squeeze %dma_wait3A_234 : memref<1x8x128xi32, #tpu.memory_space<hbm>> -> memref<8x128xi32, #tpu.memory_space<hbm>>
      tpu.wait_dma2 semaphore(%arg16 : memref<!tpu.dma_semaphore, #tpu.memory_space<semaphore_mem>>) src(%dma_wait3A_235 : memref<8x128xi32, #tpu.memory_space<hbm>>) dst(%arg8 : memref<8x128xi32, #tpu.memory_space<vmem>>)
      %dma_wait3A_236 = arith.constant 0 : i32
      %dma_wait3A_237 = arith.constant 0 : i32
      %dma_wait3A_238 = tpu.memref_slice %arg4[%add3A, %dma_wait3A_236, %dma_wait3A_237] : memref<32x80x128xi32, #tpu.memory_space<hbm>> -> memref<1x8x128xi32, #tpu.memory_space<hbm>>
      %dma_wait3A_239 = tpu.memref_squeeze %dma_wait3A_238 : memref<1x8x128xi32, #tpu.memory_space<hbm>> -> memref<8x128xi32, #tpu.memory_space<hbm>>
      %dma_wait3A_240 = arith.constant 0 : i32
      %dma_wait3A_241 = arith.constant 0 : i32
      %dma_wait3A_242 = tpu.memref_slice %arg4[%add3A, %dma_wait3A_240, %dma_wait3A_241] : memref<32x80x128xi32, #tpu.memory_space<hbm>> -> memref<1x8x128xi32, #tpu.memory_space<hbm>>
      %dma_wait3A_243 = tpu.memref_squeeze %dma_wait3A_242 : memref<1x8x128xi32, #tpu.memory_space<hbm>> -> memref<8x128xi32, #tpu.memory_space<hbm>>
      tpu.wait_dma2 semaphore(%arg16 : memref<!tpu.dma_semaphore, #tpu.memory_space<semaphore_mem>>) src(%dma_wait3A_243 : memref<8x128xi32, #tpu.memory_space<hbm>>) dst(%arg9 : memref<8x128xi32, #tpu.memory_space<vmem>>)
      %dma_start3A_244 = arith.constant 0 : i32
      %dma_start3A_245 = arith.constant 0 : i32
      %dma_start3A_246 = tpu.memref_slice %arg8[%dma_start3A_244, %dma_start3A_245] : memref<8x128xi32, #tpu.memory_space<vmem>> -> memref<1x128xi32, #tpu.memory_space<vmem>>
      %dma_start3A_247 = tpu.memref_squeeze %dma_start3A_246 : memref<1x128xi32, #tpu.memory_space<vmem>> -> memref<128xi32, #tpu.memory_space<vmem>>
      %dma_start3A_248 = arith.constant 0 : i32
      %dma_start3A_249 = arith.constant 0 : i32
      %dma_start3A_250 = tpu.memref_slice %arg2[%dma_start3A_248, %dma_start3A_249] : memref<10000x128xf32, #tpu.memory_space<hbm>> -> memref<10000x128xf32, #tpu.memory_space<hbm>>
      tpu.enqueue_indirect_dma source(%dma_start3A_250 : memref<10000x128xf32, #tpu.memory_space<hbm>>) target(%arg10 : memref<128x128xf32, #tpu.memory_space<vmem>>) offsets(%dma_start3A_247 : memref<128xi32, #tpu.memory_space<vmem>>) semaphore(%arg13 : memref<!tpu.dma_semaphore, #tpu.memory_space<semaphore_mem>>)
      %dma_wait3A_251 = arith.constant 7 : i32
      %dma_wait3A_252 = arith.constant 0 : i32
      %dma_wait3A_253 = tpu.memref_slice %arg6[%dma_wait3A_251, %dma_wait3A_252] : memref<8x128xi32, #tpu.memory_space<vmem>> -> memref<1x128xi32, #tpu.memory_space<vmem>>
      %dma_wait3A_254 = tpu.memref_squeeze %dma_wait3A_253 : memref<1x128xi32, #tpu.memory_space<vmem>> -> memref<128xi32, #tpu.memory_space<vmem>>
      %dma_wait3A_255 = arith.constant 0 : i32
      %dma_wait3A_256 = arith.constant 0 : i32
      %dma_wait3A_257 = tpu.memref_slice %arg2[%dma_wait3A_255, %dma_wait3A_256] : memref<10000x128xf32, #tpu.memory_space<hbm>> -> memref<10000x128xf32, #tpu.memory_space<hbm>>
      tpu.wait_indirect_dma semaphore(%arg14 : memref<!tpu.dma_semaphore, #tpu.memory_space<semaphore_mem>>) src(%dma_wait3A_257 : memref<10000x128xf32, #tpu.memory_space<hbm>>) dst(%arg11 : memref<128x128xf32, #tpu.memory_space<vmem>>)
      %run_scoped3A_258 = arith.constant 7 : i32
      "tpu.region"() ({
        %run_scoped3A_387 = tpu.sem_alloc : memref<!tpu.dma_semaphore, #tpu.memory_space<semaphore_mem>>
        %dma_start3A_388 = arith.constant 0 : i32
        %dma_start3A_389 = tpu.memref_slice %arg7[%run_scoped3A_258, %dma_start3A_388] : memref<8x128xi32, #tpu.memory_space<vmem>> -> memref<1x128xi32, #tpu.memory_space<vmem>>
        %dma_start3A_390 = tpu.memref_squeeze %dma_start3A_389 : memref<1x128xi32, #tpu.memory_space<vmem>> -> memref<128xi32, #tpu.memory_space<vmem>>
        %dma_start3A_391 = arith.constant 0 : i32
        %dma_start3A_392 = arith.constant 0 : i32
        %dma_start3A_393 = tpu.memref_slice %arg12[%dma_start3A_391, %dma_start3A_392] : memref<10240x128xf32, #tpu.memory_space<vmem_shared>> -> memref<10240x128xf32, #tpu.memory_space<vmem_shared>>
        tpu.enqueue_indirect_dma source(%arg11 : memref<128x128xf32, #tpu.memory_space<vmem>>) target(%dma_start3A_393 : memref<10240x128xf32, #tpu.memory_space<vmem_shared>>) offsets(%dma_start3A_390 : memref<128xi32, #tpu.memory_space<vmem>>) semaphore(%run_scoped3A_387 : memref<!tpu.dma_semaphore, #tpu.memory_space<semaphore_mem>>) {add = true}
        %dma_wait3A_394 = arith.constant 0 : i32
        %dma_wait3A_395 = tpu.memref_slice %arg7[%run_scoped3A_258, %dma_wait3A_394] : memref<8x128xi32, #tpu.memory_space<vmem>> -> memref<1x128xi32, #tpu.memory_space<vmem>>
        %dma_wait3A_396 = tpu.memref_squeeze %dma_wait3A_395 : memref<1x128xi32, #tpu.memory_space<vmem>> -> memref<128xi32, #tpu.memory_space<vmem>>
        %dma_wait3A_397 = arith.constant 0 : i32
        %dma_wait3A_398 = arith.constant 0 : i32
        %dma_wait3A_399 = tpu.memref_slice %arg12[%dma_wait3A_397, %dma_wait3A_398] : memref<10240x128xf32, #tpu.memory_space<vmem_shared>> -> memref<10240x128xf32, #tpu.memory_space<vmem_shared>>
        tpu.wait_indirect_dma semaphore(%run_scoped3A_387 : memref<!tpu.dma_semaphore, #tpu.memory_space<semaphore_mem>>) src(%arg11 : memref<128x128xf32, #tpu.memory_space<vmem>>) dst(%dma_wait3A_399 : memref<10240x128xf32, #tpu.memory_space<vmem_shared>>)
        tpu.yield
      }) : () -> ()
      %lt3A_259 = arith.constant 4 : i32
      %lt3A_260 = arith.cmpi slt, %scan3A_123, %lt3A_259 : i32
      %convert_element_type3A_261 = arith.extui %lt3A_260 : i1 to i32
      %cond3A_262 = arith.constant 0 : i32
      %cond3A_263 = arith.cmpi ne, %convert_element_type3A_261, %cond3A_262 : i32
      scf.if %cond3A_263 {
        %add3A_387 = arith.constant 1 : i32
        %add3A_388 = arith.addi %scan3A_123, %add3A_387 : i32
        %mul3A_389 = arith.constant 2 : i32
        %mul3A_390 = arith.muli %add3A_388, %mul3A_389 : i32
        %mul3A_391 = arith.constant 8 : i32
        %mul3A_392 = arith.muli %mul3A_390, %mul3A_391 : i32
        %dma_start3A_393 = arith.constant 0 : i32
        %dma_start3A_394 = tpu.memref_slice %arg3[%add3A, %mul3A_392, %dma_start3A_393] : memref<32x80x128xi32, #tpu.memory_space<hbm>> -> memref<1x8x128xi32, #tpu.memory_space<hbm>>
        %dma_start3A_395 = tpu.memref_squeeze %dma_start3A_394 : memref<1x8x128xi32, #tpu.memory_space<hbm>> -> memref<8x128xi32, #tpu.memory_space<hbm>>
        %dma_start3A_396 = arith.constant 0 : i32
        %dma_start3A_397 = tpu.memref_slice %arg3[%add3A, %mul3A_392, %dma_start3A_396] : memref<32x80x128xi32, #tpu.memory_space<hbm>> -> memref<1x8x128xi32, #tpu.memory_space<hbm>>
        %dma_start3A_398 = tpu.memref_squeeze %dma_start3A_397 : memref<1x8x128xi32, #tpu.memory_space<hbm>> -> memref<8x128xi32, #tpu.memory_space<hbm>>
        tpu.enqueue_dma source(%dma_start3A_398 : memref<8x128xi32, #tpu.memory_space<hbm>>) target(%arg6 : memref<8x128xi32, #tpu.memory_space<vmem>>) target_semaphore(%arg15 : memref<!tpu.dma_semaphore, #tpu.memory_space<semaphore_mem>>)
        %mul3A_399 = arith.constant 8 : i32
        %mul3A_400 = arith.muli %mul3A_390, %mul3A_399 : i32
        %dma_start3A_401 = arith.constant 0 : i32
        %dma_start3A_402 = tpu.memref_slice %arg4[%add3A, %mul3A_400, %dma_start3A_401] : memref<32x80x128xi32, #tpu.memory_space<hbm>> -> memref<1x8x128xi32, #tpu.memory_space<hbm>>
        %dma_start3A_403 = tpu.memref_squeeze %dma_start3A_402 : memref<1x8x128xi32, #tpu.memory_space<hbm>> -> memref<8x128xi32, #tpu.memory_space<hbm>>
        %dma_start3A_404 = arith.constant 0 : i32
        %dma_start3A_405 = tpu.memref_slice %arg4[%add3A, %mul3A_400, %dma_start3A_404] : memref<32x80x128xi32, #tpu.memory_space<hbm>> -> memref<1x8x128xi32, #tpu.memory_space<hbm>>
        %dma_start3A_406 = tpu.memref_squeeze %dma_start3A_405 : memref<1x8x128xi32, #tpu.memory_space<hbm>> -> memref<8x128xi32, #tpu.memory_space<hbm>>
        tpu.enqueue_dma source(%dma_start3A_406 : memref<8x128xi32, #tpu.memory_space<hbm>>) target(%arg7 : memref<8x128xi32, #tpu.memory_space<vmem>>) target_semaphore(%arg15 : memref<!tpu.dma_semaphore, #tpu.memory_space<semaphore_mem>>)
      } else {
      }
      %dma_start3A_264 = arith.constant 1 : i32
      %dma_start3A_265 = arith.constant 0 : i32
      %dma_start3A_266 = tpu.memref_slice %arg8[%dma_start3A_264, %dma_start3A_265] : memref<8x128xi32, #tpu.memory_space<vmem>> -> memref<1x128xi32, #tpu.memory_space<vmem>>
      %dma_start3A_267 = tpu.memref_squeeze %dma_start3A_266 : memref<1x128xi32, #tpu.memory_space<vmem>> -> memref<128xi32, #tpu.memory_space<vmem>>
      %dma_start3A_268 = arith.constant 0 : i32
      %dma_start3A_269 = arith.constant 0 : i32
      %dma_start3A_270 = tpu.memref_slice %arg2[%dma_start3A_268, %dma_start3A_269] : memref<10000x128xf32, #tpu.memory_space<hbm>> -> memref<10000x128xf32, #tpu.memory_space<hbm>>
      tpu.enqueue_indirect_dma source(%dma_start3A_270 : memref<10000x128xf32, #tpu.memory_space<hbm>>) target(%arg11 : memref<128x128xf32, #tpu.memory_space<vmem>>) offsets(%dma_start3A_267 : memref<128xi32, #tpu.memory_space<vmem>>) semaphore(%arg14 : memref<!tpu.dma_semaphore, #tpu.memory_space<semaphore_mem>>)
      %dma_wait3A_271 = arith.constant 0 : i32
      %dma_wait3A_272 = arith.constant 0 : i32
      %dma_wait3A_273 = tpu.memref_slice %arg8[%dma_wait3A_271, %dma_wait3A_272] : memref<8x128xi32, #tpu.memory_space<vmem>> -> memref<1x128xi32, #tpu.memory_space<vmem>>
      %dma_wait3A_274 = tpu.memref_squeeze %dma_wait3A_273 : memref<1x128xi32, #tpu.memory_space<vmem>> -> memref<128xi32, #tpu.memory_space<vmem>>
      %dma_wait3A_275 = arith.constant 0 : i32
      %dma_wait3A_276 = arith.constant 0 : i32
      %dma_wait3A_277 = tpu.memref_slice %arg2[%dma_wait3A_275, %dma_wait3A_276] : memref<10000x128xf32, #tpu.memory_space<hbm>> -> memref<10000x128xf32, #tpu.memory_space<hbm>>
      tpu.wait_indirect_dma semaphore(%arg13 : memref<!tpu.dma_semaphore, #tpu.memory_space<semaphore_mem>>) src(%dma_wait3A_277 : memref<10000x128xf32, #tpu.memory_space<hbm>>) dst(%arg10 : memref<128x128xf32, #tpu.memory_space<vmem>>)
      %run_scoped3A_278 = arith.constant 0 : i32
      "tpu.region"() ({
        %run_scoped3A_387 = tpu.sem_alloc : memref<!tpu.dma_semaphore, #tpu.memory_space<semaphore_mem>>
        %dma_start3A_388 = arith.constant 0 : i32
        %dma_start3A_389 = tpu.memref_slice %arg9[%run_scoped3A_278, %dma_start3A_388] : memref<8x128xi32, #tpu.memory_space<vmem>> -> memref<1x128xi32, #tpu.memory_space<vmem>>
        %dma_start3A_390 = tpu.memref_squeeze %dma_start3A_389 : memref<1x128xi32, #tpu.memory_space<vmem>> -> memref<128xi32, #tpu.memory_space<vmem>>
        %dma_start3A_391 = arith.constant 0 : i32
        %dma_start3A_392 = arith.constant 0 : i32
        %dma_start3A_393 = tpu.memref_slice %arg12[%dma_start3A_391, %dma_start3A_392] : memref<10240x128xf32, #tpu.memory_space<vmem_shared>> -> memref<10240x128xf32, #tpu.memory_space<vmem_shared>>
        tpu.enqueue_indirect_dma source(%arg10 : memref<128x128xf32, #tpu.memory_space<vmem>>) target(%dma_start3A_393 : memref<10240x128xf32, #tpu.memory_space<vmem_shared>>) offsets(%dma_start3A_390 : memref<128xi32, #tpu.memory_space<vmem>>) semaphore(%run_scoped3A_387 : memref<!tpu.dma_semaphore, #tpu.memory_space<semaphore_mem>>) {add = true}
        %dma_wait3A_394 = arith.constant 0 : i32
        %dma_wait3A_395 = tpu.memref_slice %arg9[%run_scoped3A_278, %dma_wait3A_394] : memref<8x128xi32, #tpu.memory_space<vmem>> -> memref<1x128xi32, #tpu.memory_space<vmem>>
        %dma_wait3A_396 = tpu.memref_squeeze %dma_wait3A_395 : memref<1x128xi32, #tpu.memory_space<vmem>> -> memref<128xi32, #tpu.memory_space<vmem>>
        %dma_wait3A_397 = arith.constant 0 : i32
        %dma_wait3A_398 = arith.constant 0 : i32
        %dma_wait3A_399 = tpu.memref_slice %arg12[%dma_wait3A_397, %dma_wait3A_398] : memref<10240x128xf32, #tpu.memory_space<vmem_shared>> -> memref<10240x128xf32, #tpu.memory_space<vmem_shared>>
        tpu.wait_indirect_dma semaphore(%run_scoped3A_387 : memref<!tpu.dma_semaphore, #tpu.memory_space<semaphore_mem>>) src(%arg10 : memref<128x128xf32, #tpu.memory_space<vmem>>) dst(%dma_wait3A_399 : memref<10240x128xf32, #tpu.memory_space<vmem_shared>>)
        tpu.yield
      }) : () -> ()
      %dma_start3A_279 = arith.constant 2 : i32
      %dma_start3A_280 = arith.constant 0 : i32
      %dma_start3A_281 = tpu.memref_slice %arg8[%dma_start3A_279, %dma_start3A_280] : memref<8x128xi32, #tpu.memory_space<vmem>> -> memref<1x128xi32, #tpu.memory_space<vmem>>
      %dma_start3A_282 = tpu.memref_squeeze %dma_start3A_281 : memref<1x128xi32, #tpu.memory_space<vmem>> -> memref<128xi32, #tpu.memory_space<vmem>>
      %dma_start3A_283 = arith.constant 0 : i32
      %dma_start3A_284 = arith.constant 0 : i32
      %dma_start3A_285 = tpu.memref_slice %arg2[%dma_start3A_283, %dma_start3A_284] : memref<10000x128xf32, #tpu.memory_space<hbm>> -> memref<10000x128xf32, #tpu.memory_space<hbm>>
      tpu.enqueue_indirect_dma source(%dma_start3A_285 : memref<10000x128xf32, #tpu.memory_space<hbm>>) target(%arg10 : memref<128x128xf32, #tpu.memory_space<vmem>>) offsets(%dma_start3A_282 : memref<128xi32, #tpu.memory_space<vmem>>) semaphore(%arg13 : memref<!tpu.dma_semaphore, #tpu.memory_space<semaphore_mem>>)
      %dma_wait3A_286 = arith.constant 1 : i32
      %dma_wait3A_287 = arith.constant 0 : i32
      %dma_wait3A_288 = tpu.memref_slice %arg8[%dma_wait3A_286, %dma_wait3A_287] : memref<8x128xi32, #tpu.memory_space<vmem>> -> memref<1x128xi32, #tpu.memory_space<vmem>>
      %dma_wait3A_289 = tpu.memref_squeeze %dma_wait3A_288 : memref<1x128xi32, #tpu.memory_space<vmem>> -> memref<128xi32, #tpu.memory_space<vmem>>
      %dma_wait3A_290 = arith.constant 0 : i32
      %dma_wait3A_291 = arith.constant 0 : i32
      %dma_wait3A_292 = tpu.memref_slice %arg2[%dma_wait3A_290, %dma_wait3A_291] : memref<10000x128xf32, #tpu.memory_space<hbm>> -> memref<10000x128xf32, #tpu.memory_space<hbm>>
      tpu.wait_indirect_dma semaphore(%arg14 : memref<!tpu.dma_semaphore, #tpu.memory_space<semaphore_mem>>) src(%dma_wait3A_292 : memref<10000x128xf32, #tpu.memory_space<hbm>>) dst(%arg11 : memref<128x128xf32, #tpu.memory_space<vmem>>)
      %run_scoped3A_293 = arith.constant 1 : i32
      "tpu.region"() ({
        %run_scoped3A_387 = tpu.sem_alloc : memref<!tpu.dma_semaphore, #tpu.memory_space<semaphore_mem>>
        %dma_start3A_388 = arith.constant 0 : i32
        %dma_start3A_389 = tpu.memref_slice %arg9[%run_scoped3A_293, %dma_start3A_388] : memref<8x128xi32, #tpu.memory_space<vmem>> -> memref<1x128xi32, #tpu.memory_space<vmem>>
        %dma_start3A_390 = tpu.memref_squeeze %dma_start3A_389 : memref<1x128xi32, #tpu.memory_space<vmem>> -> memref<128xi32, #tpu.memory_space<vmem>>
        %dma_start3A_391 = arith.constant 0 : i32
        %dma_start3A_392 = arith.constant 0 : i32
        %dma_start3A_393 = tpu.memref_slice %arg12[%dma_start3A_391, %dma_start3A_392] : memref<10240x128xf32, #tpu.memory_space<vmem_shared>> -> memref<10240x128xf32, #tpu.memory_space<vmem_shared>>
        tpu.enqueue_indirect_dma source(%arg11 : memref<128x128xf32, #tpu.memory_space<vmem>>) target(%dma_start3A_393 : memref<10240x128xf32, #tpu.memory_space<vmem_shared>>) offsets(%dma_start3A_390 : memref<128xi32, #tpu.memory_space<vmem>>) semaphore(%run_scoped3A_387 : memref<!tpu.dma_semaphore, #tpu.memory_space<semaphore_mem>>) {add = true}
        %dma_wait3A_394 = arith.constant 0 : i32
        %dma_wait3A_395 = tpu.memref_slice %arg9[%run_scoped3A_293, %dma_wait3A_394] : memref<8x128xi32, #tpu.memory_space<vmem>> -> memref<1x128xi32, #tpu.memory_space<vmem>>
        %dma_wait3A_396 = tpu.memref_squeeze %dma_wait3A_395 : memref<1x128xi32, #tpu.memory_space<vmem>> -> memref<128xi32, #tpu.memory_space<vmem>>
        %dma_wait3A_397 = arith.constant 0 : i32
        %dma_wait3A_398 = arith.constant 0 : i32
        %dma_wait3A_399 = tpu.memref_slice %arg12[%dma_wait3A_397, %dma_wait3A_398] : memref<10240x128xf32, #tpu.memory_space<vmem_shared>> -> memref<10240x128xf32, #tpu.memory_space<vmem_shared>>
        tpu.wait_indirect_dma semaphore(%run_scoped3A_387 : memref<!tpu.dma_semaphore, #tpu.memory_space<semaphore_mem>>) src(%arg11 : memref<128x128xf32, #tpu.memory_space<vmem>>) dst(%dma_wait3A_399 : memref<10240x128xf32, #tpu.memory_space<vmem_shared>>)
        tpu.yield
      }) : () -> ()
      %dma_start3A_294 = arith.constant 3 : i32
      %dma_start3A_295 = arith.constant 0 : i32
      %dma_start3A_296 = tpu.memref_slice %arg8[%dma_start3A_294, %dma_start3A_295] : memref<8x128xi32, #tpu.memory_space<vmem>> -> memref<1x128xi32, #tpu.memory_space<vmem>>
      %dma_start3A_297 = tpu.memref_squeeze %dma_start3A_296 : memref<1x128xi32, #tpu.memory_space<vmem>> -> memref<128xi32, #tpu.memory_space<vmem>>
      %dma_start3A_298 = arith.constant 0 : i32
      %dma_start3A_299 = arith.constant 0 : i32
      %dma_start3A_300 = tpu.memref_slice %arg2[%dma_start3A_298, %dma_start3A_299] : memref<10000x128xf32, #tpu.memory_space<hbm>> -> memref<10000x128xf32, #tpu.memory_space<hbm>>
      tpu.enqueue_indirect_dma source(%dma_start3A_300 : memref<10000x128xf32, #tpu.memory_space<hbm>>) target(%arg11 : memref<128x128xf32, #tpu.memory_space<vmem>>) offsets(%dma_start3A_297 : memref<128xi32, #tpu.memory_space<vmem>>) semaphore(%arg14 : memref<!tpu.dma_semaphore, #tpu.memory_space<semaphore_mem>>)
      %dma_wait3A_301 = arith.constant 2 : i32
      %dma_wait3A_302 = arith.constant 0 : i32
      %dma_wait3A_303 = tpu.memref_slice %arg8[%dma_wait3A_301, %dma_wait3A_302] : memref<8x128xi32, #tpu.memory_space<vmem>> -> memref<1x128xi32, #tpu.memory_space<vmem>>
      %dma_wait3A_304 = tpu.memref_squeeze %dma_wait3A_303 : memref<1x128xi32, #tpu.memory_space<vmem>> -> memref<128xi32, #tpu.memory_space<vmem>>
      %dma_wait3A_305 = arith.constant 0 : i32
      %dma_wait3A_306 = arith.constant 0 : i32
      %dma_wait3A_307 = tpu.memref_slice %arg2[%dma_wait3A_305, %dma_wait3A_306] : memref<10000x128xf32, #tpu.memory_space<hbm>> -> memref<10000x128xf32, #tpu.memory_space<hbm>>
      tpu.wait_indirect_dma semaphore(%arg13 : memref<!tpu.dma_semaphore, #tpu.memory_space<semaphore_mem>>) src(%dma_wait3A_307 : memref<10000x128xf32, #tpu.memory_space<hbm>>) dst(%arg10 : memref<128x128xf32, #tpu.memory_space<vmem>>)
      %run_scoped3A_308 = arith.constant 2 : i32
      "tpu.region"() ({
        %run_scoped3A_387 = tpu.sem_alloc : memref<!tpu.dma_semaphore, #tpu.memory_space<semaphore_mem>>
        %dma_start3A_388 = arith.constant 0 : i32
        %dma_start3A_389 = tpu.memref_slice %arg9[%run_scoped3A_308, %dma_start3A_388] : memref<8x128xi32, #tpu.memory_space<vmem>> -> memref<1x128xi32, #tpu.memory_space<vmem>>
        %dma_start3A_390 = tpu.memref_squeeze %dma_start3A_389 : memref<1x128xi32, #tpu.memory_space<vmem>> -> memref<128xi32, #tpu.memory_space<vmem>>
        %dma_start3A_391 = arith.constant 0 : i32
        %dma_start3A_392 = arith.constant 0 : i32
        %dma_start3A_393 = tpu.memref_slice %arg12[%dma_start3A_391, %dma_start3A_392] : memref<10240x128xf32, #tpu.memory_space<vmem_shared>> -> memref<10240x128xf32, #tpu.memory_space<vmem_shared>>
        tpu.enqueue_indirect_dma source(%arg10 : memref<128x128xf32, #tpu.memory_space<vmem>>) target(%dma_start3A_393 : memref<10240x128xf32, #tpu.memory_space<vmem_shared>>) offsets(%dma_start3A_390 : memref<128xi32, #tpu.memory_space<vmem>>) semaphore(%run_scoped3A_387 : memref<!tpu.dma_semaphore, #tpu.memory_space<semaphore_mem>>) {add = true}
        %dma_wait3A_394 = arith.constant 0 : i32
        %dma_wait3A_395 = tpu.memref_slice %arg9[%run_scoped3A_308, %dma_wait3A_394] : memref<8x128xi32, #tpu.memory_space<vmem>> -> memref<1x128xi32, #tpu.memory_space<vmem>>
        %dma_wait3A_396 = tpu.memref_squeeze %dma_wait3A_395 : memref<1x128xi32, #tpu.memory_space<vmem>> -> memref<128xi32, #tpu.memory_space<vmem>>
        %dma_wait3A_397 = arith.constant 0 : i32
        %dma_wait3A_398 = arith.constant 0 : i32
        %dma_wait3A_399 = tpu.memref_slice %arg12[%dma_wait3A_397, %dma_wait3A_398] : memref<10240x128xf32, #tpu.memory_space<vmem_shared>> -> memref<10240x128xf32, #tpu.memory_space<vmem_shared>>
        tpu.wait_indirect_dma semaphore(%run_scoped3A_387 : memref<!tpu.dma_semaphore, #tpu.memory_space<semaphore_mem>>) src(%arg10 : memref<128x128xf32, #tpu.memory_space<vmem>>) dst(%dma_wait3A_399 : memref<10240x128xf32, #tpu.memory_space<vmem_shared>>)
        tpu.yield
      }) : () -> ()
      %dma_start3A_309 = arith.constant 4 : i32
      %dma_start3A_310 = arith.constant 0 : i32
      %dma_start3A_311 = tpu.memref_slice %arg8[%dma_start3A_309, %dma_start3A_310] : memref<8x128xi32, #tpu.memory_space<vmem>> -> memref<1x128xi32, #tpu.memory_space<vmem>>
      %dma_start3A_312 = tpu.memref_squeeze %dma_start3A_311 : memref<1x128xi32, #tpu.memory_space<vmem>> -> memref<128xi32, #tpu.memory_space<vmem>>
      %dma_start3A_313 = arith.constant 0 : i32
      %dma_start3A_314 = arith.constant 0 : i32
      %dma_start3A_315 = tpu.memref_slice %arg2[%dma_start3A_313, %dma_start3A_314] : memref<10000x128xf32, #tpu.memory_space<hbm>> -> memref<10000x128xf32, #tpu.memory_space<hbm>>
      tpu.enqueue_indirect_dma source(%dma_start3A_315 : memref<10000x128xf32, #tpu.memory_space<hbm>>) target(%arg10 : memref<128x128xf32, #tpu.memory_space<vmem>>) offsets(%dma_start3A_312 : memref<128xi32, #tpu.memory_space<vmem>>) semaphore(%arg13 : memref<!tpu.dma_semaphore, #tpu.memory_space<semaphore_mem>>)
      %dma_wait3A_316 = arith.constant 3 : i32
      %dma_wait3A_317 = arith.constant 0 : i32
      %dma_wait3A_318 = tpu.memref_slice %arg8[%dma_wait3A_316, %dma_wait3A_317] : memref<8x128xi32, #tpu.memory_space<vmem>> -> memref<1x128xi32, #tpu.memory_space<vmem>>
      %dma_wait3A_319 = tpu.memref_squeeze %dma_wait3A_318 : memref<1x128xi32, #tpu.memory_space<vmem>> -> memref<128xi32, #tpu.memory_space<vmem>>
      %dma_wait3A_320 = arith.constant 0 : i32
      %dma_wait3A_321 = arith.constant 0 : i32
      %dma_wait3A_322 = tpu.memref_slice %arg2[%dma_wait3A_320, %dma_wait3A_321] : memref<10000x128xf32, #tpu.memory_space<hbm>> -> memref<10000x128xf32, #tpu.memory_space<hbm>>
      tpu.wait_indirect_dma semaphore(%arg14 : memref<!tpu.dma_semaphore, #tpu.memory_space<semaphore_mem>>) src(%dma_wait3A_322 : memref<10000x128xf32, #tpu.memory_space<hbm>>) dst(%arg11 : memref<128x128xf32, #tpu.memory_space<vmem>>)
      %run_scoped3A_323 = arith.constant 3 : i32
      "tpu.region"() ({
        %run_scoped3A_387 = tpu.sem_alloc : memref<!tpu.dma_semaphore, #tpu.memory_space<semaphore_mem>>
        %dma_start3A_388 = arith.constant 0 : i32
        %dma_start3A_389 = tpu.memref_slice %arg9[%run_scoped3A_323, %dma_start3A_388] : memref<8x128xi32, #tpu.memory_space<vmem>> -> memref<1x128xi32, #tpu.memory_space<vmem>>
        %dma_start3A_390 = tpu.memref_squeeze %dma_start3A_389 : memref<1x128xi32, #tpu.memory_space<vmem>> -> memref<128xi32, #tpu.memory_space<vmem>>
        %dma_start3A_391 = arith.constant 0 : i32
        %dma_start3A_392 = arith.constant 0 : i32
        %dma_start3A_393 = tpu.memref_slice %arg12[%dma_start3A_391, %dma_start3A_392] : memref<10240x128xf32, #tpu.memory_space<vmem_shared>> -> memref<10240x128xf32, #tpu.memory_space<vmem_shared>>
        tpu.enqueue_indirect_dma source(%arg11 : memref<128x128xf32, #tpu.memory_space<vmem>>) target(%dma_start3A_393 : memref<10240x128xf32, #tpu.memory_space<vmem_shared>>) offsets(%dma_start3A_390 : memref<128xi32, #tpu.memory_space<vmem>>) semaphore(%run_scoped3A_387 : memref<!tpu.dma_semaphore, #tpu.memory_space<semaphore_mem>>) {add = true}
        %dma_wait3A_394 = arith.constant 0 : i32
        %dma_wait3A_395 = tpu.memref_slice %arg9[%run_scoped3A_323, %dma_wait3A_394] : memref<8x128xi32, #tpu.memory_space<vmem>> -> memref<1x128xi32, #tpu.memory_space<vmem>>
        %dma_wait3A_396 = tpu.memref_squeeze %dma_wait3A_395 : memref<1x128xi32, #tpu.memory_space<vmem>> -> memref<128xi32, #tpu.memory_space<vmem>>
        %dma_wait3A_397 = arith.constant 0 : i32
        %dma_wait3A_398 = arith.constant 0 : i32
        %dma_wait3A_399 = tpu.memref_slice %arg12[%dma_wait3A_397, %dma_wait3A_398] : memref<10240x128xf32, #tpu.memory_space<vmem_shared>> -> memref<10240x128xf32, #tpu.memory_space<vmem_shared>>
        tpu.wait_indirect_dma semaphore(%run_scoped3A_387 : memref<!tpu.dma_semaphore, #tpu.memory_space<semaphore_mem>>) src(%arg11 : memref<128x128xf32, #tpu.memory_space<vmem>>) dst(%dma_wait3A_399 : memref<10240x128xf32, #tpu.memory_space<vmem_shared>>)
        tpu.yield
      }) : () -> ()
      %dma_start3A_324 = arith.constant 5 : i32
      %dma_start3A_325 = arith.constant 0 : i32
      %dma_start3A_326 = tpu.memref_slice %arg8[%dma_start3A_324, %dma_start3A_325] : memref<8x128xi32, #tpu.memory_space<vmem>> -> memref<1x128xi32, #tpu.memory_space<vmem>>
      %dma_start3A_327 = tpu.memref_squeeze %dma_start3A_326 : memref<1x128xi32, #tpu.memory_space<vmem>> -> memref<128xi32, #tpu.memory_space<vmem>>
      %dma_start3A_328 = arith.constant 0 : i32
      %dma_start3A_329 = arith.constant 0 : i32
      %dma_start3A_330 = tpu.memref_slice %arg2[%dma_start3A_328, %dma_start3A_329] : memref<10000x128xf32, #tpu.memory_space<hbm>> -> memref<10000x128xf32, #tpu.memory_space<hbm>>
      tpu.enqueue_indirect_dma source(%dma_start3A_330 : memref<10000x128xf32, #tpu.memory_space<hbm>>) target(%arg11 : memref<128x128xf32, #tpu.memory_space<vmem>>) offsets(%dma_start3A_327 : memref<128xi32, #tpu.memory_space<vmem>>) semaphore(%arg14 : memref<!tpu.dma_semaphore, #tpu.memory_space<semaphore_mem>>)
      %dma_wait3A_331 = arith.constant 4 : i32
      %dma_wait3A_332 = arith.constant 0 : i32
      %dma_wait3A_333 = tpu.memref_slice %arg8[%dma_wait3A_331, %dma_wait3A_332] : memref<8x128xi32, #tpu.memory_space<vmem>> -> memref<1x128xi32, #tpu.memory_space<vmem>>
      %dma_wait3A_334 = tpu.memref_squeeze %dma_wait3A_333 : memref<1x128xi32, #tpu.memory_space<vmem>> -> memref<128xi32, #tpu.memory_space<vmem>>
      %dma_wait3A_335 = arith.constant 0 : i32
      %dma_wait3A_336 = arith.constant 0 : i32
      %dma_wait3A_337 = tpu.memref_slice %arg2[%dma_wait3A_335, %dma_wait3A_336] : memref<10000x128xf32, #tpu.memory_space<hbm>> -> memref<10000x128xf32, #tpu.memory_space<hbm>>
      tpu.wait_indirect_dma semaphore(%arg13 : memref<!tpu.dma_semaphore, #tpu.memory_space<semaphore_mem>>) src(%dma_wait3A_337 : memref<10000x128xf32, #tpu.memory_space<hbm>>) dst(%arg10 : memref<128x128xf32, #tpu.memory_space<vmem>>)
      %run_scoped3A_338 = arith.constant 4 : i32
      "tpu.region"() ({
        %run_scoped3A_387 = tpu.sem_alloc : memref<!tpu.dma_semaphore, #tpu.memory_space<semaphore_mem>>
        %dma_start3A_388 = arith.constant 0 : i32
        %dma_start3A_389 = tpu.memref_slice %arg9[%run_scoped3A_338, %dma_start3A_388] : memref<8x128xi32, #tpu.memory_space<vmem>> -> memref<1x128xi32, #tpu.memory_space<vmem>>
        %dma_start3A_390 = tpu.memref_squeeze %dma_start3A_389 : memref<1x128xi32, #tpu.memory_space<vmem>> -> memref<128xi32, #tpu.memory_space<vmem>>
        %dma_start3A_391 = arith.constant 0 : i32
        %dma_start3A_392 = arith.constant 0 : i32
        %dma_start3A_393 = tpu.memref_slice %arg12[%dma_start3A_391, %dma_start3A_392] : memref<10240x128xf32, #tpu.memory_space<vmem_shared>> -> memref<10240x128xf32, #tpu.memory_space<vmem_shared>>
        tpu.enqueue_indirect_dma source(%arg10 : memref<128x128xf32, #tpu.memory_space<vmem>>) target(%dma_start3A_393 : memref<10240x128xf32, #tpu.memory_space<vmem_shared>>) offsets(%dma_start3A_390 : memref<128xi32, #tpu.memory_space<vmem>>) semaphore(%run_scoped3A_387 : memref<!tpu.dma_semaphore, #tpu.memory_space<semaphore_mem>>) {add = true}
        %dma_wait3A_394 = arith.constant 0 : i32
        %dma_wait3A_395 = tpu.memref_slice %arg9[%run_scoped3A_338, %dma_wait3A_394] : memref<8x128xi32, #tpu.memory_space<vmem>> -> memref<1x128xi32, #tpu.memory_space<vmem>>
        %dma_wait3A_396 = tpu.memref_squeeze %dma_wait3A_395 : memref<1x128xi32, #tpu.memory_space<vmem>> -> memref<128xi32, #tpu.memory_space<vmem>>
        %dma_wait3A_397 = arith.constant 0 : i32
        %dma_wait3A_398 = arith.constant 0 : i32
        %dma_wait3A_399 = tpu.memref_slice %arg12[%dma_wait3A_397, %dma_wait3A_398] : memref<10240x128xf32, #tpu.memory_space<vmem_shared>> -> memref<10240x128xf32, #tpu.memory_space<vmem_shared>>
        tpu.wait_indirect_dma semaphore(%run_scoped3A_387 : memref<!tpu.dma_semaphore, #tpu.memory_space<semaphore_mem>>) src(%arg10 : memref<128x128xf32, #tpu.memory_space<vmem>>) dst(%dma_wait3A_399 : memref<10240x128xf32, #tpu.memory_space<vmem_shared>>)
        tpu.yield
      }) : () -> ()
      %dma_start3A_339 = arith.constant 6 : i32
      %dma_start3A_340 = arith.constant 0 : i32
      %dma_start3A_341 = tpu.memref_slice %arg8[%dma_start3A_339, %dma_start3A_340] : memref<8x128xi32, #tpu.memory_space<vmem>> -> memref<1x128xi32, #tpu.memory_space<vmem>>
      %dma_start3A_342 = tpu.memref_squeeze %dma_start3A_341 : memref<1x128xi32, #tpu.memory_space<vmem>> -> memref<128xi32, #tpu.memory_space<vmem>>
      %dma_start3A_343 = arith.constant 0 : i32
      %dma_start3A_344 = arith.constant 0 : i32
      %dma_start3A_345 = tpu.memref_slice %arg2[%dma_start3A_343, %dma_start3A_344] : memref<10000x128xf32, #tpu.memory_space<hbm>> -> memref<10000x128xf32, #tpu.memory_space<hbm>>
      tpu.enqueue_indirect_dma source(%dma_start3A_345 : memref<10000x128xf32, #tpu.memory_space<hbm>>) target(%arg10 : memref<128x128xf32, #tpu.memory_space<vmem>>) offsets(%dma_start3A_342 : memref<128xi32, #tpu.memory_space<vmem>>) semaphore(%arg13 : memref<!tpu.dma_semaphore, #tpu.memory_space<semaphore_mem>>)
      %dma_wait3A_346 = arith.constant 5 : i32
      %dma_wait3A_347 = arith.constant 0 : i32
      %dma_wait3A_348 = tpu.memref_slice %arg8[%dma_wait3A_346, %dma_wait3A_347] : memref<8x128xi32, #tpu.memory_space<vmem>> -> memref<1x128xi32, #tpu.memory_space<vmem>>
      %dma_wait3A_349 = tpu.memref_squeeze %dma_wait3A_348 : memref<1x128xi32, #tpu.memory_space<vmem>> -> memref<128xi32, #tpu.memory_space<vmem>>
      %dma_wait3A_350 = arith.constant 0 : i32
      %dma_wait3A_351 = arith.constant 0 : i32
      %dma_wait3A_352 = tpu.memref_slice %arg2[%dma_wait3A_350, %dma_wait3A_351] : memref<10000x128xf32, #tpu.memory_space<hbm>> -> memref<10000x128xf32, #tpu.memory_space<hbm>>
      tpu.wait_indirect_dma semaphore(%arg14 : memref<!tpu.dma_semaphore, #tpu.memory_space<semaphore_mem>>) src(%dma_wait3A_352 : memref<10000x128xf32, #tpu.memory_space<hbm>>) dst(%arg11 : memref<128x128xf32, #tpu.memory_space<vmem>>)
      %run_scoped3A_353 = arith.constant 5 : i32
      "tpu.region"() ({
        %run_scoped3A_387 = tpu.sem_alloc : memref<!tpu.dma_semaphore, #tpu.memory_space<semaphore_mem>>
        %dma_start3A_388 = arith.constant 0 : i32
        %dma_start3A_389 = tpu.memref_slice %arg9[%run_scoped3A_353, %dma_start3A_388] : memref<8x128xi32, #tpu.memory_space<vmem>> -> memref<1x128xi32, #tpu.memory_space<vmem>>
        %dma_start3A_390 = tpu.memref_squeeze %dma_start3A_389 : memref<1x128xi32, #tpu.memory_space<vmem>> -> memref<128xi32, #tpu.memory_space<vmem>>
        %dma_start3A_391 = arith.constant 0 : i32
        %dma_start3A_392 = arith.constant 0 : i32
        %dma_start3A_393 = tpu.memref_slice %arg12[%dma_start3A_391, %dma_start3A_392] : memref<10240x128xf32, #tpu.memory_space<vmem_shared>> -> memref<10240x128xf32, #tpu.memory_space<vmem_shared>>
        tpu.enqueue_indirect_dma source(%arg11 : memref<128x128xf32, #tpu.memory_space<vmem>>) target(%dma_start3A_393 : memref<10240x128xf32, #tpu.memory_space<vmem_shared>>) offsets(%dma_start3A_390 : memref<128xi32, #tpu.memory_space<vmem>>) semaphore(%run_scoped3A_387 : memref<!tpu.dma_semaphore, #tpu.memory_space<semaphore_mem>>) {add = true}
        %dma_wait3A_394 = arith.constant 0 : i32
        %dma_wait3A_395 = tpu.memref_slice %arg9[%run_scoped3A_353, %dma_wait3A_394] : memref<8x128xi32, #tpu.memory_space<vmem>> -> memref<1x128xi32, #tpu.memory_space<vmem>>
        %dma_wait3A_396 = tpu.memref_squeeze %dma_wait3A_395 : memref<1x128xi32, #tpu.memory_space<vmem>> -> memref<128xi32, #tpu.memory_space<vmem>>
        %dma_wait3A_397 = arith.constant 0 : i32
        %dma_wait3A_398 = arith.constant 0 : i32
        %dma_wait3A_399 = tpu.memref_slice %arg12[%dma_wait3A_397, %dma_wait3A_398] : memref<10240x128xf32, #tpu.memory_space<vmem_shared>> -> memref<10240x128xf32, #tpu.memory_space<vmem_shared>>
        tpu.wait_indirect_dma semaphore(%run_scoped3A_387 : memref<!tpu.dma_semaphore, #tpu.memory_space<semaphore_mem>>) src(%arg11 : memref<128x128xf32, #tpu.memory_space<vmem>>) dst(%dma_wait3A_399 : memref<10240x128xf32, #tpu.memory_space<vmem_shared>>)
        tpu.yield
      }) : () -> ()
      %dma_start3A_354 = arith.constant 7 : i32
      %dma_start3A_355 = arith.constant 0 : i32
      %dma_start3A_356 = tpu.memref_slice %arg8[%dma_start3A_354, %dma_start3A_355] : memref<8x128xi32, #tpu.memory_space<vmem>> -> memref<1x128xi32, #tpu.memory_space<vmem>>
      %dma_start3A_357 = tpu.memref_squeeze %dma_start3A_356 : memref<1x128xi32, #tpu.memory_space<vmem>> -> memref<128xi32, #tpu.memory_space<vmem>>
      %dma_start3A_358 = arith.constant 0 : i32
      %dma_start3A_359 = arith.constant 0 : i32
      %dma_start3A_360 = tpu.memref_slice %arg2[%dma_start3A_358, %dma_start3A_359] : memref<10000x128xf32, #tpu.memory_space<hbm>> -> memref<10000x128xf32, #tpu.memory_space<hbm>>
      tpu.enqueue_indirect_dma source(%dma_start3A_360 : memref<10000x128xf32, #tpu.memory_space<hbm>>) target(%arg11 : memref<128x128xf32, #tpu.memory_space<vmem>>) offsets(%dma_start3A_357 : memref<128xi32, #tpu.memory_space<vmem>>) semaphore(%arg14 : memref<!tpu.dma_semaphore, #tpu.memory_space<semaphore_mem>>)
      %dma_wait3A_361 = arith.constant 6 : i32
      %dma_wait3A_362 = arith.constant 0 : i32
      %dma_wait3A_363 = tpu.memref_slice %arg8[%dma_wait3A_361, %dma_wait3A_362] : memref<8x128xi32, #tpu.memory_space<vmem>> -> memref<1x128xi32, #tpu.memory_space<vmem>>
      %dma_wait3A_364 = tpu.memref_squeeze %dma_wait3A_363 : memref<1x128xi32, #tpu.memory_space<vmem>> -> memref<128xi32, #tpu.memory_space<vmem>>
      %dma_wait3A_365 = arith.constant 0 : i32
      %dma_wait3A_366 = arith.constant 0 : i32
      %dma_wait3A_367 = tpu.memref_slice %arg2[%dma_wait3A_365, %dma_wait3A_366] : memref<10000x128xf32, #tpu.memory_space<hbm>> -> memref<10000x128xf32, #tpu.memory_space<hbm>>
      tpu.wait_indirect_dma semaphore(%arg13 : memref<!tpu.dma_semaphore, #tpu.memory_space<semaphore_mem>>) src(%dma_wait3A_367 : memref<10000x128xf32, #tpu.memory_space<hbm>>) dst(%arg10 : memref<128x128xf32, #tpu.memory_space<vmem>>)
      %run_scoped3A_368 = arith.constant 6 : i32
      "tpu.region"() ({
        %run_scoped3A_387 = tpu.sem_alloc : memref<!tpu.dma_semaphore, #tpu.memory_space<semaphore_mem>>
        %dma_start3A_388 = arith.constant 0 : i32
        %dma_start3A_389 = tpu.memref_slice %arg9[%run_scoped3A_368, %dma_start3A_388] : memref<8x128xi32, #tpu.memory_space<vmem>> -> memref<1x128xi32, #tpu.memory_space<vmem>>
        %dma_start3A_390 = tpu.memref_squeeze %dma_start3A_389 : memref<1x128xi32, #tpu.memory_space<vmem>> -> memref<128xi32, #tpu.memory_space<vmem>>
        %dma_start3A_391 = arith.constant 0 : i32
        %dma_start3A_392 = arith.constant 0 : i32
        %dma_start3A_393 = tpu.memref_slice %arg12[%dma_start3A_391, %dma_start3A_392] : memref<10240x128xf32, #tpu.memory_space<vmem_shared>> -> memref<10240x128xf32, #tpu.memory_space<vmem_shared>>
        tpu.enqueue_indirect_dma source(%arg10 : memref<128x128xf32, #tpu.memory_space<vmem>>) target(%dma_start3A_393 : memref<10240x128xf32, #tpu.memory_space<vmem_shared>>) offsets(%dma_start3A_390 : memref<128xi32, #tpu.memory_space<vmem>>) semaphore(%run_scoped3A_387 : memref<!tpu.dma_semaphore, #tpu.memory_space<semaphore_mem>>) {add = true}
        %dma_wait3A_394 = arith.constant 0 : i32
        %dma_wait3A_395 = tpu.memref_slice %arg9[%run_scoped3A_368, %dma_wait3A_394] : memref<8x128xi32, #tpu.memory_space<vmem>> -> memref<1x128xi32, #tpu.memory_space<vmem>>
        %dma_wait3A_396 = tpu.memref_squeeze %dma_wait3A_395 : memref<1x128xi32, #tpu.memory_space<vmem>> -> memref<128xi32, #tpu.memory_space<vmem>>
        %dma_wait3A_397 = arith.constant 0 : i32
        %dma_wait3A_398 = arith.constant 0 : i32
        %dma_wait3A_399 = tpu.memref_slice %arg12[%dma_wait3A_397, %dma_wait3A_398] : memref<10240x128xf32, #tpu.memory_space<vmem_shared>> -> memref<10240x128xf32, #tpu.memory_space<vmem_shared>>
        tpu.wait_indirect_dma semaphore(%run_scoped3A_387 : memref<!tpu.dma_semaphore, #tpu.memory_space<semaphore_mem>>) src(%arg10 : memref<128x128xf32, #tpu.memory_space<vmem>>) dst(%dma_wait3A_399 : memref<10240x128xf32, #tpu.memory_space<vmem_shared>>)
        tpu.yield
      }) : () -> ()
      %lt3A_369 = arith.constant 4 : i32
      %lt3A_370 = arith.cmpi slt, %scan3A_123, %lt3A_369 : i32
      %convert_element_type3A_371 = arith.extui %lt3A_370 : i1 to i32
      %cond3A_372 = arith.constant 0 : i32
      %cond3A_373 = arith.cmpi ne, %convert_element_type3A_371, %cond3A_372 : i32
      scf.if %cond3A_373 {
        %dma_wait3A_387 = arith.constant 0 : i32
        %dma_wait3A_388 = arith.constant 0 : i32
        %dma_wait3A_389 = tpu.memref_slice %arg3[%add3A, %dma_wait3A_387, %dma_wait3A_388] : memref<32x80x128xi32, #tpu.memory_space<hbm>> -> memref<1x8x128xi32, #tpu.memory_space<hbm>>
        %dma_wait3A_390 = tpu.memref_squeeze %dma_wait3A_389 : memref<1x8x128xi32, #tpu.memory_space<hbm>> -> memref<8x128xi32, #tpu.memory_space<hbm>>
        %dma_wait3A_391 = arith.constant 0 : i32
        %dma_wait3A_392 = arith.constant 0 : i32
        %dma_wait3A_393 = tpu.memref_slice %arg3[%add3A, %dma_wait3A_391, %dma_wait3A_392] : memref<32x80x128xi32, #tpu.memory_space<hbm>> -> memref<1x8x128xi32, #tpu.memory_space<hbm>>
        %dma_wait3A_394 = tpu.memref_squeeze %dma_wait3A_393 : memref<1x8x128xi32, #tpu.memory_space<hbm>> -> memref<8x128xi32, #tpu.memory_space<hbm>>
        tpu.wait_dma2 semaphore(%arg15 : memref<!tpu.dma_semaphore, #tpu.memory_space<semaphore_mem>>) src(%dma_wait3A_394 : memref<8x128xi32, #tpu.memory_space<hbm>>) dst(%arg6 : memref<8x128xi32, #tpu.memory_space<vmem>>)
        %dma_wait3A_395 = arith.constant 0 : i32
        %dma_wait3A_396 = arith.constant 0 : i32
        %dma_wait3A_397 = tpu.memref_slice %arg4[%add3A, %dma_wait3A_395, %dma_wait3A_396] : memref<32x80x128xi32, #tpu.memory_space<hbm>> -> memref<1x8x128xi32, #tpu.memory_space<hbm>>
        %dma_wait3A_398 = tpu.memref_squeeze %dma_wait3A_397 : memref<1x8x128xi32, #tpu.memory_space<hbm>> -> memref<8x128xi32, #tpu.memory_space<hbm>>
        %dma_wait3A_399 = arith.constant 0 : i32
        %dma_wait3A_400 = arith.constant 0 : i32
        %dma_wait3A_401 = tpu.memref_slice %arg4[%add3A, %dma_wait3A_399, %dma_wait3A_400] : memref<32x80x128xi32, #tpu.memory_space<hbm>> -> memref<1x8x128xi32, #tpu.memory_space<hbm>>
        %dma_wait3A_402 = tpu.memref_squeeze %dma_wait3A_401 : memref<1x8x128xi32, #tpu.memory_space<hbm>> -> memref<8x128xi32, #tpu.memory_space<hbm>>
        tpu.wait_dma2 semaphore(%arg15 : memref<!tpu.dma_semaphore, #tpu.memory_space<semaphore_mem>>) src(%dma_wait3A_402 : memref<8x128xi32, #tpu.memory_space<hbm>>) dst(%arg7 : memref<8x128xi32, #tpu.memory_space<vmem>>)
        %dma_start3A_403 = arith.constant 0 : i32
        %dma_start3A_404 = arith.constant 0 : i32
        %dma_start3A_405 = tpu.memref_slice %arg6[%dma_start3A_403, %dma_start3A_404] : memref<8x128xi32, #tpu.memory_space<vmem>> -> memref<1x128xi32, #tpu.memory_space<vmem>>
        %dma_start3A_406 = tpu.memref_squeeze %dma_start3A_405 : memref<1x128xi32, #tpu.memory_space<vmem>> -> memref<128xi32, #tpu.memory_space<vmem>>
        %dma_start3A_407 = arith.constant 0 : i32
        %dma_start3A_408 = arith.constant 0 : i32
        %dma_start3A_409 = tpu.memref_slice %arg2[%dma_start3A_407, %dma_start3A_408] : memref<10000x128xf32, #tpu.memory_space<hbm>> -> memref<10000x128xf32, #tpu.memory_space<hbm>>
        tpu.enqueue_indirect_dma source(%dma_start3A_409 : memref<10000x128xf32, #tpu.memory_space<hbm>>) target(%arg10 : memref<128x128xf32, #tpu.memory_space<vmem>>) offsets(%dma_start3A_406 : memref<128xi32, #tpu.memory_space<vmem>>) semaphore(%arg13 : memref<!tpu.dma_semaphore, #tpu.memory_space<semaphore_mem>>)
      } else {
      }
      %dma_wait3A_374 = arith.constant 7 : i32
      %dma_wait3A_375 = arith.constant 0 : i32
      %dma_wait3A_376 = tpu.memref_slice %arg8[%dma_wait3A_374, %dma_wait3A_375] : memref<8x128xi32, #tpu.memory_space<vmem>> -> memref<1x128xi32, #tpu.memory_space<vmem>>
      %dma_wait3A_377 = tpu.memref_squeeze %dma_wait3A_376 : memref<1x128xi32, #tpu.memory_space<vmem>> -> memref<128xi32, #tpu.memory_space<vmem>>
      %dma_wait3A_378 = arith.constant 0 : i32
      %dma_wait3A_379 = arith.constant 0 : i32
      %dma_wait3A_380 = tpu.memref_slice %arg2[%dma_wait3A_378, %dma_wait3A_379] : memref<10000x128xf32, #tpu.memory_space<hbm>> -> memref<10000x128xf32, #tpu.memory_space<hbm>>
      tpu.wait_indirect_dma semaphore(%arg14 : memref<!tpu.dma_semaphore, #tpu.memory_space<semaphore_mem>>) src(%dma_wait3A_380 : memref<10000x128xf32, #tpu.memory_space<hbm>>) dst(%arg11 : memref<128x128xf32, #tpu.memory_space<vmem>>)
      %run_scoped3A_381 = arith.constant 7 : i32
      "tpu.region"() ({
        %run_scoped3A_387 = tpu.sem_alloc : memref<!tpu.dma_semaphore, #tpu.memory_space<semaphore_mem>>
        %dma_start3A_388 = arith.constant 0 : i32
        %dma_start3A_389 = tpu.memref_slice %arg9[%run_scoped3A_381, %dma_start3A_388] : memref<8x128xi32, #tpu.memory_space<vmem>> -> memref<1x128xi32, #tpu.memory_space<vmem>>
        %dma_start3A_390 = tpu.memref_squeeze %dma_start3A_389 : memref<1x128xi32, #tpu.memory_space<vmem>> -> memref<128xi32, #tpu.memory_space<vmem>>
        %dma_start3A_391 = arith.constant 0 : i32
        %dma_start3A_392 = arith.constant 0 : i32
        %dma_start3A_393 = tpu.memref_slice %arg12[%dma_start3A_391, %dma_start3A_392] : memref<10240x128xf32, #tpu.memory_space<vmem_shared>> -> memref<10240x128xf32, #tpu.memory_space<vmem_shared>>
        tpu.enqueue_indirect_dma source(%arg11 : memref<128x128xf32, #tpu.memory_space<vmem>>) target(%dma_start3A_393 : memref<10240x128xf32, #tpu.memory_space<vmem_shared>>) offsets(%dma_start3A_390 : memref<128xi32, #tpu.memory_space<vmem>>) semaphore(%run_scoped3A_387 : memref<!tpu.dma_semaphore, #tpu.memory_space<semaphore_mem>>) {add = true}
        %dma_wait3A_394 = arith.constant 0 : i32
        %dma_wait3A_395 = tpu.memref_slice %arg9[%run_scoped3A_381, %dma_wait3A_394] : memref<8x128xi32, #tpu.memory_space<vmem>> -> memref<1x128xi32, #tpu.memory_space<vmem>>
        %dma_wait3A_396 = tpu.memref_squeeze %dma_wait3A_395 : memref<1x128xi32, #tpu.memory_space<vmem>> -> memref<128xi32, #tpu.memory_space<vmem>>
        %dma_wait3A_397 = arith.constant 0 : i32
        %dma_wait3A_398 = arith.constant 0 : i32
        %dma_wait3A_399 = tpu.memref_slice %arg12[%dma_wait3A_397, %dma_wait3A_398] : memref<10240x128xf32, #tpu.memory_space<vmem_shared>> -> memref<10240x128xf32, #tpu.memory_space<vmem_shared>>
        tpu.wait_indirect_dma semaphore(%run_scoped3A_387 : memref<!tpu.dma_semaphore, #tpu.memory_space<semaphore_mem>>) src(%arg11 : memref<128x128xf32, #tpu.memory_space<vmem>>) dst(%dma_wait3A_399 : memref<10240x128xf32, #tpu.memory_space<vmem_shared>>)
        tpu.yield
      }) : () -> ()
      %lt3A_382 = arith.constant 4 : i32
      %lt3A_383 = arith.cmpi slt, %scan3A_123, %lt3A_382 : i32
      %convert_element_type3A_384 = arith.extui %lt3A_383 : i1 to i32
      %cond3A_385 = arith.constant 0 : i32
      %cond3A_386 = arith.cmpi ne, %convert_element_type3A_384, %cond3A_385 : i32
      scf.if %cond3A_386 {
        %add3A_387 = arith.constant 1 : i32
        %add3A_388 = arith.addi %scan3A_123, %add3A_387 : i32
        %mul3A_389 = arith.constant 2 : i32
        %mul3A_390 = arith.muli %add3A_388, %mul3A_389 : i32
        %add3A_391 = arith.constant 1 : i32
        %add3A_392 = arith.addi %mul3A_390, %add3A_391 : i32
        %mul3A_393 = arith.constant 8 : i32
        %mul3A_394 = arith.muli %add3A_392, %mul3A_393 : i32
        %dma_start3A_395 = arith.constant 0 : i32
        %dma_start3A_396 = tpu.memref_slice %arg3[%add3A, %mul3A_394, %dma_start3A_395] : memref<32x80x128xi32, #tpu.memory_space<hbm>> -> memref<1x8x128xi32, #tpu.memory_space<hbm>>
        %dma_start3A_397 = tpu.memref_squeeze %dma_start3A_396 : memref<1x8x128xi32, #tpu.memory_space<hbm>> -> memref<8x128xi32, #tpu.memory_space<hbm>>
        %dma_start3A_398 = arith.constant 0 : i32
        %dma_start3A_399 = tpu.memref_slice %arg3[%add3A, %mul3A_394, %dma_start3A_398] : memref<32x80x128xi32, #tpu.memory_space<hbm>> -> memref<1x8x128xi32, #tpu.memory_space<hbm>>
        %dma_start3A_400 = tpu.memref_squeeze %dma_start3A_399 : memref<1x8x128xi32, #tpu.memory_space<hbm>> -> memref<8x128xi32, #tpu.memory_space<hbm>>
        tpu.enqueue_dma source(%dma_start3A_400 : memref<8x128xi32, #tpu.memory_space<hbm>>) target(%arg8 : memref<8x128xi32, #tpu.memory_space<vmem>>) target_semaphore(%arg16 : memref<!tpu.dma_semaphore, #tpu.memory_space<semaphore_mem>>)
        %mul3A_401 = arith.constant 8 : i32
        %mul3A_402 = arith.muli %add3A_392, %mul3A_401 : i32
        %dma_start3A_403 = arith.constant 0 : i32
        %dma_start3A_404 = tpu.memref_slice %arg4[%add3A, %mul3A_402, %dma_start3A_403] : memref<32x80x128xi32, #tpu.memory_space<hbm>> -> memref<1x8x128xi32, #tpu.memory_space<hbm>>
        %dma_start3A_405 = tpu.memref_squeeze %dma_start3A_404 : memref<1x8x128xi32, #tpu.memory_space<hbm>> -> memref<8x128xi32, #tpu.memory_space<hbm>>
        %dma_start3A_406 = arith.constant 0 : i32
        %dma_start3A_407 = tpu.memref_slice %arg4[%add3A, %mul3A_402, %dma_start3A_406] : memref<32x80x128xi32, #tpu.memory_space<hbm>> -> memref<1x8x128xi32, #tpu.memory_space<hbm>>
        %dma_start3A_408 = tpu.memref_squeeze %dma_start3A_407 : memref<1x8x128xi32, #tpu.memory_space<hbm>> -> memref<8x128xi32, #tpu.memory_space<hbm>>
        tpu.enqueue_dma source(%dma_start3A_408 : memref<8x128xi32, #tpu.memory_space<hbm>>) target(%arg9 : memref<8x128xi32, #tpu.memory_space<vmem>>) target_semaphore(%arg16 : memref<!tpu.dma_semaphore, #tpu.memory_space<semaphore_mem>>)
      } else {
      }
    }
    %scan3A_113 = arith.constant 5 : i32
    %barrier3A_114 = arith.constant 0 : index
    tpu.barrier barrier_id(%barrier3A_114)
    %mul3A_115 = arith.constant 624 : i32
    %mul3A_116 = arith.muli %arg1, %mul3A_115 : i32
    %multiple_of3A = tpu.assume_multiple %mul3A_116, 8 : i32
    %lt3A = arith.constant 15 : i32
    %lt3A_117 = arith.cmpi slt, %arg1, %lt3A : i32
    %convert_element_type3A = arith.extui %lt3A_117 : i1 to i32
    %cond3A = arith.constant 0 : i32
    %cond3A_118 = arith.cmpi ne, %convert_element_type3A, %cond3A : i32
    scf.if %cond3A_118 {
      "tpu.region"() ({
        %run_scoped3A = tpu.sem_alloc : memref<!tpu.dma_semaphore, #tpu.memory_space<semaphore_mem>>
        %dma_start3A_123 = arith.constant 0 : i32
        %dma_start3A_124 = tpu.memref_slice %arg5[%arg0, %multiple_of3A, %dma_start3A_123] : memref<2x10000x128xf32, #tpu.memory_space<hbm>> -> memref<1x624x128xf32, #tpu.memory_space<hbm>>
        %dma_start3A_125 = tpu.memref_squeeze %dma_start3A_124 : memref<1x624x128xf32, #tpu.memory_space<hbm>> -> memref<624x128xf32, #tpu.memory_space<hbm>>
        %dma_start3A_126 = arith.constant 0 : i32
        %dma_start3A_127 = tpu.memref_slice %arg12[%multiple_of3A, %dma_start3A_126] : memref<10240x128xf32, #tpu.memory_space<vmem_shared>> -> memref<624x128xf32, #tpu.memory_space<vmem_shared>>
        tpu.enqueue_dma source(%dma_start3A_127 : memref<624x128xf32, #tpu.memory_space<vmem_shared>>) target(%dma_start3A_125 : memref<624x128xf32, #tpu.memory_space<hbm>>) target_semaphore(%run_scoped3A : memref<!tpu.dma_semaphore, #tpu.memory_space<semaphore_mem>>)
        %dma_wait3A_128 = arith.constant 0 : i32
        %dma_wait3A_129 = tpu.memref_slice %arg5[%arg0, %multiple_of3A, %dma_wait3A_128] : memref<2x10000x128xf32, #tpu.memory_space<hbm>> -> memref<1x624x128xf32, #tpu.memory_space<hbm>>
        %dma_wait3A_130 = tpu.memref_squeeze %dma_wait3A_129 : memref<1x624x128xf32, #tpu.memory_space<hbm>> -> memref<624x128xf32, #tpu.memory_space<hbm>>
        %dma_wait3A_131 = arith.constant 0 : i32
        %dma_wait3A_132 = tpu.memref_slice %arg12[%multiple_of3A, %dma_wait3A_131] : memref<10240x128xf32, #tpu.memory_space<vmem_shared>> -> memref<624x128xf32, #tpu.memory_space<vmem_shared>>
        tpu.wait_dma2 semaphore(%run_scoped3A : memref<!tpu.dma_semaphore, #tpu.memory_space<semaphore_mem>>) src(%dma_wait3A_132 : memref<624x128xf32, #tpu.memory_space<vmem_shared>>) dst(%dma_wait3A_130 : memref<624x128xf32, #tpu.memory_space<hbm>>)
        tpu.yield
      }) : () -> ()
    } else {
    }
    %eq3A = arith.constant 15 : i32
    %eq3A_119 = arith.cmpi eq, %arg1, %eq3A : i32
    %convert_element_type3A_120 = arith.extui %eq3A_119 : i1 to i32
    %cond3A_121 = arith.constant 0 : i32
    %cond3A_122 = arith.cmpi ne, %convert_element_type3A_120, %cond3A_121 : i32
    scf.if %cond3A_122 {
      "tpu.region"() ({
        %run_scoped3A = tpu.sem_alloc : memref<!tpu.dma_semaphore, #tpu.memory_space<semaphore_mem>>
        %dma_start3A_123 = arith.constant 9360 : i32
        %dma_start3A_124 = arith.constant 0 : i32
        %dma_start3A_125 = tpu.memref_slice %arg5[%arg0, %dma_start3A_123, %dma_start3A_124] : memref<2x10000x128xf32, #tpu.memory_space<hbm>> -> memref<1x640x128xf32, #tpu.memory_space<hbm>>
        %dma_start3A_126 = tpu.memref_squeeze %dma_start3A_125 : memref<1x640x128xf32, #tpu.memory_space<hbm>> -> memref<640x128xf32, #tpu.memory_space<hbm>>
        %dma_start3A_127 = arith.constant 9360 : i32
        %dma_start3A_128 = arith.constant 0 : i32
        %dma_start3A_129 = tpu.memref_slice %arg12[%dma_start3A_127, %dma_start3A_128] : memref<10240x128xf32, #tpu.memory_space<vmem_shared>> -> memref<640x128xf32, #tpu.memory_space<vmem_shared>>
        tpu.enqueue_dma source(%dma_start3A_129 : memref<640x128xf32, #tpu.memory_space<vmem_shared>>) target(%dma_start3A_126 : memref<640x128xf32, #tpu.memory_space<hbm>>) target_semaphore(%run_scoped3A : memref<!tpu.dma_semaphore, #tpu.memory_space<semaphore_mem>>)
        %dma_wait3A_130 = arith.constant 9360 : i32
        %dma_wait3A_131 = arith.constant 0 : i32
        %dma_wait3A_132 = tpu.memref_slice %arg5[%arg0, %dma_wait3A_130, %dma_wait3A_131] : memref<2x10000x128xf32, #tpu.memory_space<hbm>> -> memref<1x640x128xf32, #tpu.memory_space<hbm>>
        %dma_wait3A_133 = tpu.memref_squeeze %dma_wait3A_132 : memref<1x640x128xf32, #tpu.memory_space<hbm>> -> memref<640x128xf32, #tpu.memory_space<hbm>>
        %dma_wait3A_134 = arith.constant 9360 : i32
        %dma_wait3A_135 = arith.constant 0 : i32
        %dma_wait3A_136 = tpu.memref_slice %arg12[%dma_wait3A_134, %dma_wait3A_135] : memref<10240x128xf32, #tpu.memory_space<vmem_shared>> -> memref<640x128xf32, #tpu.memory_space<vmem_shared>>
        tpu.wait_dma2 semaphore(%run_scoped3A : memref<!tpu.dma_semaphore, #tpu.memory_space<semaphore_mem>>) src(%dma_wait3A_136 : memref<640x128xf32, #tpu.memory_space<vmem_shared>>) dst(%dma_wait3A_133 : memref<640x128xf32, #tpu.memory_space<hbm>>)
        tpu.yield
      }) : () -> ()
    } else {
    }
    return
  }
}

module attributes {stable_mosaic.version = 14 : i64} {
  func.func @_prescale_body(%arg0: i32, %arg1: memref<2x1000x128xf32, #tpu.memory_space<vmem>>, %arg2: memref<1000x128xf32, #tpu.memory_space<vmem>>, %arg3: memref<1000x1xf32, #tpu.memory_space<vmem>>, %arg4: memref<1000x128xf32, #tpu.memory_space<vmem>>) attributes {dimension_semantics = [#tpu.dimension_semantics<arbitrary>], iteration_bounds = array<i64: 10>, scalar_prefetch = 0 : i64, scratch_operands = 0 : i64, tpu.core_type = #tpu.core_type<tc>, window_params = [{transform_indices = @transform_0, window_bounds = array<i64: 2, 1000, 128>}, {transform_indices = @transform_1, window_bounds = array<i64: 1000, 128>}, {transform_indices = @transform_2, window_bounds = array<i64: 1000, 1>}, {transform_indices = @transform_3, window_bounds = array<i64: 1000, 128>}]} {
    %get3A = arith.constant 0 : index
    %get3A_0 = arith.constant 0 : index
    %get3A_1 = arith.constant 0 : index
    %get3A_2 = vector.load %arg1[%get3A, %get3A_0, %get3A_1] : memref<2x1000x128xf32, #tpu.memory_space<vmem>>, vector<1x1000x1xf32>
    %get3A_3 = vector.shape_cast %get3A_2 : vector<1x1000x1xf32> to vector<1000x1xf32>
    %get3A_4 = arith.constant 1 : index
    %get3A_5 = arith.constant 0 : index
    %get3A_6 = arith.constant 0 : index
    %get3A_7 = vector.load %arg1[%get3A_4, %get3A_5, %get3A_6] : memref<2x1000x128xf32, #tpu.memory_space<vmem>>, vector<1x1000x1xf32>
    %get3A_8 = vector.shape_cast %get3A_7 : vector<1x1000x1xf32> to vector<1000x1xf32>
    %add3A = arith.addf %get3A_3, %get3A_8 : vector<1000x1xf32>
    %add3A_9 = arith.constant 1.000000e+00 : f32
    %add3A_10 = vector.broadcast %add3A_9 : f32 to vector<1000x1xf32>
    %add3A_11 = arith.addf %add3A, %add3A_10 : vector<1000x1xf32>
    %rsqrt3A = math.rsqrt %add3A_11 : vector<1000x1xf32>
    %swap3A = arith.constant 0 : index
    %swap3A_12 = arith.constant 0 : index
    %swap3A_13 = vector.load %arg3[%swap3A, %swap3A_12] : memref<1000x1xf32, #tpu.memory_space<vmem>>, vector<1000x1xf32>
    tpu.vector_store %arg3[%swap3A, %swap3A_12], %rsqrt3A {strides = array<i32>} : memref<1000x1xf32, #tpu.memory_space<vmem>>, vector<1000x1xf32>,
    %get3A_14 = arith.constant 0 : index
    %get3A_15 = arith.constant 0 : index
    %get3A_16 = vector.load %arg2[%get3A_14, %get3A_15] : memref<1000x128xf32, #tpu.memory_space<vmem>>, vector<1000x128xf32>
    %mul3A = vector.broadcast %rsqrt3A : vector<1000x1xf32> to vector<1000x128xf32>
    %mul3A_17 = arith.mulf %get3A_16, %mul3A : vector<1000x128xf32>
    %swap3A_18 = arith.constant 0 : index
    %swap3A_19 = arith.constant 0 : index
    %swap3A_20 = vector.load %arg4[%swap3A_18, %swap3A_19] : memref<1000x128xf32, #tpu.memory_space<vmem>>, vector<1000x128xf32>
    tpu.vector_store %arg4[%swap3A_18, %swap3A_19], %mul3A_17 {strides = array<i32>} : memref<1000x128xf32, #tpu.memory_space<vmem>>, vector<1000x128xf32>,
    return
  }
  func.func @transform_0(%arg0: i32) -> (i32, i32, i32) {
    %c0_i32 = arith.constant 0 : i32
    %c0_i32_0 = arith.constant 0 : i32
    %c0_i32_1 = arith.constant 0 : i32
    return %c0_i32, %arg0, %c0_i32_0 : i32, i32, i32
  }
  func.func @transform_1(%arg0: i32) -> (i32, i32) {
    %c0_i32 = arith.constant 0 : i32
    %c0_i32_0 = arith.constant 0 : i32
    return %arg0, %c0_i32 : i32, i32
  }
  func.func @transform_2(%arg0: i32) -> (i32, i32) {
    %c0_i32 = arith.constant 0 : i32
    %c0_i32_0 = arith.constant 0 : i32
    return %arg0, %c0_i32 : i32, i32
  }
  func.func @transform_3(%arg0: i32) -> (i32, i32) {
    %c0_i32 = arith.constant 0 : i32
    %c0_i32_0 = arith.constant 0 : i32
    return %arg0, %c0_i32 : i32, i32
  }
}

module attributes {stable_mosaic.version = 14 : i64} {
  func.func @_layer1_body(%arg0: i32, %arg1: memref<2x1000x128xf32, #tpu.memory_space<vmem>>, %arg2: memref<1000x128xf32, #tpu.memory_space<vmem>>, %arg3: memref<1000x1xf32, #tpu.memory_space<vmem>>, %arg4: memref<128x128xf32, #tpu.memory_space<vmem>>, %arg5: memref<1x128xf32, #tpu.memory_space<vmem>>, %arg6: memref<1000x128xf32, #tpu.memory_space<vmem>>) attributes {dimension_semantics = [#tpu.dimension_semantics<arbitrary>], iteration_bounds = array<i64: 10>, scalar_prefetch = 0 : i64, scratch_operands = 0 : i64, tpu.core_type = #tpu.core_type<tc>, window_params = [{transform_indices = @transform_0, window_bounds = array<i64: 2, 1000, 128>}, {transform_indices = @transform_1, window_bounds = array<i64: 1000, 128>}, {transform_indices = @transform_2, window_bounds = array<i64: 1000, 1>}, {pipeline_mode = #tpu.pipeline_mode<synchronous>, transform_indices = @transform_3, window_bounds = array<i64: 128, 128>}, {pipeline_mode = #tpu.pipeline_mode<synchronous>, transform_indices = @transform_4, window_bounds = array<i64: 1, 128>}, {transform_indices = @transform_5, window_bounds = array<i64: 1000, 128>}]} {
    %get3A = arith.constant 0 : index
    %get3A_0 = arith.constant 0 : index
    %get3A_1 = vector.load %arg3[%get3A, %get3A_0] : memref<1000x1xf32, #tpu.memory_space<vmem>>, vector<1000x1xf32>
    %get3A_2 = arith.constant 0 : index
    %get3A_3 = arith.constant 0 : index
    %get3A_4 = arith.constant 0 : index
    %get3A_5 = vector.load %arg1[%get3A_2, %get3A_3, %get3A_4] : memref<2x1000x128xf32, #tpu.memory_space<vmem>>, vector<1x1000x128xf32>
    %get3A_6 = vector.shape_cast %get3A_5 : vector<1x1000x128xf32> to vector<1000x128xf32>
    %get3A_7 = arith.constant 1 : index
    %get3A_8 = arith.constant 0 : index
    %get3A_9 = arith.constant 0 : index
    %get3A_10 = vector.load %arg1[%get3A_7, %get3A_8, %get3A_9] : memref<2x1000x128xf32, #tpu.memory_space<vmem>>, vector<1x1000x128xf32>
    %get3A_11 = vector.shape_cast %get3A_10 : vector<1x1000x128xf32> to vector<1000x128xf32>
    %add3A = arith.addf %get3A_6, %get3A_11 : vector<1000x128xf32>
    %get3A_12 = arith.constant 0 : index
    %get3A_13 = arith.constant 0 : index
    %get3A_14 = vector.load %arg2[%get3A_12, %get3A_13] : memref<1000x128xf32, #tpu.memory_space<vmem>>, vector<1000x128xf32>
    %add3A_15 = arith.addf %add3A, %get3A_14 : vector<1000x128xf32>
    %mul3A = vector.broadcast %get3A_1 : vector<1000x1xf32> to vector<1000x128xf32>
    %mul3A_16 = arith.mulf %add3A_15, %mul3A : vector<1000x128xf32>
    %get3A_17 = arith.constant 0 : index
    %get3A_18 = arith.constant 0 : index
    %get3A_19 = vector.load %arg4[%get3A_17, %get3A_18] : memref<128x128xf32, #tpu.memory_space<vmem>>, vector<128x128xf32>
    %dot_general3A = arith.constant dense<0.000000e+00> : vector<1000x128xf32>
    %dot_general3A_20 = tpu.matmul %mul3A_16, %get3A_19, %dot_general3A {dimension_numbers = #tpu.dot_dimension_numbers<[1], [0], [0], [1], [0, 0, 1, 1], [], []>, transpose_lhs_hint = false} : vector<1000x128xf32>, vector<128x128xf32>, vector<1000x128xf32> -> vector<1000x128xf32>
    %get3A_21 = arith.constant 0 : index
    %get3A_22 = arith.constant 0 : index
    %get3A_23 = vector.load %arg5[%get3A_21, %get3A_22] : memref<1x128xf32, #tpu.memory_space<vmem>>, vector<1x128xf32>
    %add3A_24 = vector.broadcast %get3A_23 : vector<1x128xf32> to vector<1000x128xf32>
    %add3A_25 = arith.addf %dot_general3A_20, %add3A_24 : vector<1000x128xf32>
    %max3A = arith.constant 0.000000e+00 : f32
    %max3A_26 = vector.broadcast %max3A : f32 to vector<1000x128xf32>
    %max3A_27 = arith.maximumf %add3A_25, %max3A_26 : vector<1000x128xf32>
    %mul3A_28 = vector.broadcast %get3A_1 : vector<1000x1xf32> to vector<1000x128xf32>
    %mul3A_29 = arith.mulf %max3A_27, %mul3A_28 : vector<1000x128xf32>
    %swap3A = arith.constant 0 : index
    %swap3A_30 = arith.constant 0 : index
    %swap3A_31 = vector.load %arg6[%swap3A, %swap3A_30] : memref<1000x128xf32, #tpu.memory_space<vmem>>, vector<1000x128xf32>
    tpu.vector_store %arg6[%swap3A, %swap3A_30], %mul3A_29 {strides = array<i32>} : memref<1000x128xf32, #tpu.memory_space<vmem>>, vector<1000x128xf32>,
    return
  }
  func.func @transform_0(%arg0: i32) -> (i32, i32, i32) {
    %c0_i32 = arith.constant 0 : i32
    %c0_i32_0 = arith.constant 0 : i32
    %c0_i32_1 = arith.constant 0 : i32
    return %c0_i32, %arg0, %c0_i32_0 : i32, i32, i32
  }
  func.func @transform_1(%arg0: i32) -> (i32, i32) {
    %c0_i32 = arith.constant 0 : i32
    %c0_i32_0 = arith.constant 0 : i32
    return %arg0, %c0_i32 : i32, i32
  }
  func.func @transform_2(%arg0: i32) -> (i32, i32) {
    %c0_i32 = arith.constant 0 : i32
    %c0_i32_0 = arith.constant 0 : i32
    return %arg0, %c0_i32 : i32, i32
  }
  func.func @transform_3(%arg0: i32) -> (i32, i32) {
    %c0_i32 = arith.constant 0 : i32
    %c0_i32_0 = arith.constant 0 : i32
    %c0_i32_1 = arith.constant 0 : i32
    return %c0_i32, %c0_i32_0 : i32, i32
  }
  func.func @transform_4(%arg0: i32) -> (i32, i32) {
    %c0_i32 = arith.constant 0 : i32
    %c0_i32_0 = arith.constant 0 : i32
    %c0_i32_1 = arith.constant 0 : i32
    return %c0_i32, %c0_i32_0 : i32, i32
  }
  func.func @transform_5(%arg0: i32) -> (i32, i32) {
    %c0_i32 = arith.constant 0 : i32
    %c0_i32_0 = arith.constant 0 : i32
    return %arg0, %c0_i32 : i32, i32
  }
}

module attributes {stable_mosaic.version = 14 : i64} {
  func.func @_layer2_body(%arg0: i32, %arg1: memref<2x1000x128xf32, #tpu.memory_space<vmem>>, %arg2: memref<1000x128xf32, #tpu.memory_space<vmem>>, %arg3: memref<1000x1xf32, #tpu.memory_space<vmem>>, %arg4: memref<128x128xf32, #tpu.memory_space<vmem>>, %arg5: memref<1x128xf32, #tpu.memory_space<vmem>>, %arg6: memref<128x128xf32, #tpu.memory_space<vmem>>, %arg7: memref<1x128xf32, #tpu.memory_space<vmem>>, %arg8: memref<1000x128xf32, #tpu.memory_space<vmem>>) attributes {dimension_semantics = [#tpu.dimension_semantics<arbitrary>], iteration_bounds = array<i64: 10>, scalar_prefetch = 0 : i64, scratch_operands = 0 : i64, tpu.core_type = #tpu.core_type<tc>, window_params = [{transform_indices = @transform_0, window_bounds = array<i64: 2, 1000, 128>}, {transform_indices = @transform_1, window_bounds = array<i64: 1000, 128>}, {transform_indices = @transform_2, window_bounds = array<i64: 1000, 1>}, {pipeline_mode = #tpu.pipeline_mode<synchronous>, transform_indices = @transform_3, window_bounds = array<i64: 128, 128>}, {pipeline_mode = #tpu.pipeline_mode<synchronous>, transform_indices = @transform_4, window_bounds = array<i64: 1, 128>}, {pipeline_mode = #tpu.pipeline_mode<synchronous>, transform_indices = @transform_5, window_bounds = array<i64: 128, 128>}, {pipeline_mode = #tpu.pipeline_mode<synchronous>, transform_indices = @transform_6, window_bounds = array<i64: 1, 128>}, {transform_indices = @transform_7, window_bounds = array<i64: 1000, 128>}]} {
    %get3A = arith.constant 0 : index
    %get3A_0 = arith.constant 0 : index
    %get3A_1 = vector.load %arg3[%get3A, %get3A_0] : memref<1000x1xf32, #tpu.memory_space<vmem>>, vector<1000x1xf32>
    %get3A_2 = arith.constant 0 : index
    %get3A_3 = arith.constant 0 : index
    %get3A_4 = arith.constant 0 : index
    %get3A_5 = vector.load %arg1[%get3A_2, %get3A_3, %get3A_4] : memref<2x1000x128xf32, #tpu.memory_space<vmem>>, vector<1x1000x128xf32>
    %get3A_6 = vector.shape_cast %get3A_5 : vector<1x1000x128xf32> to vector<1000x128xf32>
    %get3A_7 = arith.constant 1 : index
    %get3A_8 = arith.constant 0 : index
    %get3A_9 = arith.constant 0 : index
    %get3A_10 = vector.load %arg1[%get3A_7, %get3A_8, %get3A_9] : memref<2x1000x128xf32, #tpu.memory_space<vmem>>, vector<1x1000x128xf32>
    %get3A_11 = vector.shape_cast %get3A_10 : vector<1x1000x128xf32> to vector<1000x128xf32>
    %add3A = arith.addf %get3A_6, %get3A_11 : vector<1000x128xf32>
    %get3A_12 = arith.constant 0 : index
    %get3A_13 = arith.constant 0 : index
    %get3A_14 = vector.load %arg2[%get3A_12, %get3A_13] : memref<1000x128xf32, #tpu.memory_space<vmem>>, vector<1000x128xf32>
    %add3A_15 = arith.addf %add3A, %get3A_14 : vector<1000x128xf32>
    %mul3A = vector.broadcast %get3A_1 : vector<1000x1xf32> to vector<1000x128xf32>
    %mul3A_16 = arith.mulf %add3A_15, %mul3A : vector<1000x128xf32>
    %get3A_17 = arith.constant 0 : index
    %get3A_18 = arith.constant 0 : index
    %get3A_19 = vector.load %arg4[%get3A_17, %get3A_18] : memref<128x128xf32, #tpu.memory_space<vmem>>, vector<128x128xf32>
    %dot_general3A = arith.constant dense<0.000000e+00> : vector<1000x128xf32>
    %dot_general3A_20 = tpu.matmul %mul3A_16, %get3A_19, %dot_general3A {dimension_numbers = #tpu.dot_dimension_numbers<[1], [0], [0], [1], [0, 0, 1, 1], [], []>, transpose_lhs_hint = false} : vector<1000x128xf32>, vector<128x128xf32>, vector<1000x128xf32> -> vector<1000x128xf32>
    %get3A_21 = arith.constant 0 : index
    %get3A_22 = arith.constant 0 : index
    %get3A_23 = vector.load %arg5[%get3A_21, %get3A_22] : memref<1x128xf32, #tpu.memory_space<vmem>>, vector<1x128xf32>
    %add3A_24 = vector.broadcast %get3A_23 : vector<1x128xf32> to vector<1000x128xf32>
    %add3A_25 = arith.addf %dot_general3A_20, %add3A_24 : vector<1000x128xf32>
    %max3A = arith.constant 0.000000e+00 : f32
    %max3A_26 = vector.broadcast %max3A : f32 to vector<1000x128xf32>
    %max3A_27 = arith.maximumf %add3A_25, %max3A_26 : vector<1000x128xf32>
    %get3A_28 = arith.constant 0 : index
    %get3A_29 = arith.constant 0 : index
    %get3A_30 = vector.load %arg6[%get3A_28, %get3A_29] : memref<128x128xf32, #tpu.memory_space<vmem>>, vector<128x128xf32>
    %dot_general3A_31 = arith.constant dense<0.000000e+00> : vector<1000x128xf32>
    %dot_general3A_32 = tpu.matmul %max3A_27, %get3A_30, %dot_general3A_31 {dimension_numbers = #tpu.dot_dimension_numbers<[1], [0], [0], [1], [0, 0, 1, 1], [], []>, transpose_lhs_hint = false} : vector<1000x128xf32>, vector<128x128xf32>, vector<1000x128xf32> -> vector<1000x128xf32>
    %get3A_33 = arith.constant 0 : index
    %get3A_34 = arith.constant 0 : index
    %get3A_35 = vector.load %arg7[%get3A_33, %get3A_34] : memref<1x128xf32, #tpu.memory_space<vmem>>, vector<1x128xf32>
    %add3A_36 = vector.broadcast %get3A_35 : vector<1x128xf32> to vector<1000x128xf32>
    %add3A_37 = arith.addf %dot_general3A_32, %add3A_36 : vector<1000x128xf32>
    %swap3A = arith.constant 0 : index
    %swap3A_38 = arith.constant 0 : index
    %swap3A_39 = vector.load %arg8[%swap3A, %swap3A_38] : memref<1000x128xf32, #tpu.memory_space<vmem>>, vector<1000x128xf32>
    tpu.vector_store %arg8[%swap3A, %swap3A_38], %add3A_37 {strides = array<i32>} : memref<1000x128xf32, #tpu.memory_space<vmem>>, vector<1000x128xf32>,
    return
  }
  func.func @transform_0(%arg0: i32) -> (i32, i32, i32) {
    %c0_i32 = arith.constant 0 : i32
    %c0_i32_0 = arith.constant 0 : i32
    %c0_i32_1 = arith.constant 0 : i32
    return %c0_i32, %arg0, %c0_i32_0 : i32, i32, i32
  }
  func.func @transform_1(%arg0: i32) -> (i32, i32) {
    %c0_i32 = arith.constant 0 : i32
    %c0_i32_0 = arith.constant 0 : i32
    return %arg0, %c0_i32 : i32, i32
  }
  func.func @transform_2(%arg0: i32) -> (i32, i32) {
    %c0_i32 = arith.constant 0 : i32
    %c0_i32_0 = arith.constant 0 : i32
    return %arg0, %c0_i32 : i32, i32
  }
  func.func @transform_3(%arg0: i32) -> (i32, i32) {
    %c0_i32 = arith.constant 0 : i32
    %c0_i32_0 = arith.constant 0 : i32
    %c0_i32_1 = arith.constant 0 : i32
    return %c0_i32, %c0_i32_0 : i32, i32
  }
  func.func @transform_4(%arg0: i32) -> (i32, i32) {
    %c0_i32 = arith.constant 0 : i32
    %c0_i32_0 = arith.constant 0 : i32
    %c0_i32_1 = arith.constant 0 : i32
    return %c0_i32, %c0_i32_0 : i32, i32
  }
  func.func @transform_5(%arg0: i32) -> (i32, i32) {
    %c0_i32 = arith.constant 0 : i32
    %c0_i32_0 = arith.constant 0 : i32
    %c0_i32_1 = arith.constant 0 : i32
    return %c0_i32, %c0_i32_0 : i32, i32
  }
  func.func @transform_6(%arg0: i32) -> (i32, i32) {
    %c0_i32 = arith.constant 0 : i32
    %c0_i32_0 = arith.constant 0 : i32
    %c0_i32_1 = arith.constant 0 : i32
    return %c0_i32, %c0_i32_0 : i32, i32
  }
  func.func @transform_7(%arg0: i32) -> (i32, i32) {
    %c0_i32 = arith.constant 0 : i32
    %c0_i32_0 = arith.constant 0 : i32
    return %arg0, %c0_i32 : i32, i32
  }
}

</mosaic_0001>

<sc_bundles>
// kernel: kernel.11.cloned.1.call-start
scs
__scs_entry_jumppad:
0x0: {  	(pc) =	sbr.rel $0x88, $3  }
0x1: {  	(tag) =	ssettag $0x0;
	lr =	simm.s32 $0x1  }
0x2: {  	[smem:$0x3F99] =	sst lr;
	_ =	strace $0xD0000000  }
0x3: {  	_ = 	snop  }
0x4: {  	_ = 	snop  }
0x5: {  	_ = 	snop  }
0x6: {  	_ = 	snop  }
0x7: {  	_ = 	snop  }
__scs_overlays_trampoline_lowered:
0x8: {  	[smem:$0x3FA8] =	sst s0  }
0x9: {  	[smem:$0x3FA9] =	sst s1  }
0xa: {  	[smem:$0x3FAA] =	sst s2  }
0xb: {  	[smem:$0x3FAB] =	sst s3  }
0xc: {  	[smem:$0x3FAC] =	sst s4  }
0xd: {  	[smem:$0x3FAD] =	sst s5  }
0xe: {  	[smem:$0x3FAE] =	sst s6  }
0xf: {  	[smem:$0x3FAF] =	sst s7  }
0x10: {  	[smem:$0x3FB0] =	sst s8  }
0x11: {  	[smem:$0x3FB1] =	sst s9;
	s0 =	simm.s32 @!p0 $0x0  }
0x12: {  	s1 =	sld [smem:$0x3F97];
	s0 =	simm.s32 @p0 $0x1  }
0x13: {  	[smem:$0x3FB2] =	sst s0;
	s0 =	simm.s32 @!p1 $0x0  }
0x14: {  	s2 =	sld [smem:$0x3F96];
	s0 =	simm.s32 @p1 $0x1  }
0x15: {  	[smem:$0x3FB3] =	sst s0;
	s0 =	simm.s32 @!p2 $0x0  }
0x16: {  	s3 =	sld [smem:$0x3FDB];
	s0 =	simm.s32 @p2 $0x1  }
0x17: {  	s4 =	simm.s32 $0x1BF5;
	[smem:$0x3FB5] =	sst s0  }
0x18: {  	s0 =	sld [smem:$0x3F98];
	_ =	swait.ge [sflag:s4], $0x0  }
0x19: {  	s7 =	sld [smem:$0x3F99]  }
0x1a: {  	s8 =	sadd.s32 $0xFFFFE003, lr  }
0x1b: {  	s9 =	sadd.s32 $0xFFFFFEF7, lr;
	s5 =	simm.s32 $0xFFFFFFFF;
	p2 =	slt.u32 s8, $0xFFFFF086  }
0x1c: {  	p1 =	slt.u32 s9, $0xF7A;
	s5 =	simm.s32 @!p2 $0x0  }
0x1d: {  	s5 =	simm.s32 @p1 $0x1;
	p0 =	seq.s32 s7, s2  }
0x1e: {  	s7 =	smul.u32 @!p0 $0xF7A, s2;
	p2 =	seq.s32 @!p0 s5, $0x0  }
0x1f: {  	s9 =	smul.u32 $0xF7A, s1;
	s8 =	simm.s32 @!p0 $0x1BF5;
	p2 =	por !p2, p0  }
0x20: {  	[sflag:s8] =	ssyncset.s32 @!p0 $0xFFFFF086;
	s6 =	sadd.s32 @!p0 s3, s7;
	s7 =	simm.s32 @!p0 $0x108  }
0x21: {  	s3 =	sadd.s32 s3, s9;
	s6 =	sadd.s32 @!p0 $0x88, s6;
	s7 =	simm.s32 @p2 $0x1082  }
0x22: {  	[simem:s7], [sflag:s8] =	dma.local @!p0 [hbm:s6], $0xF7A  }
0x23: {  	s9 =	sor.u32 $0xD0000000, s2;
	s6 =	simm.s32 $0x108;
	_ =	swait.ge @!p0 [sflag:s8], $0x0  }
0x24: {  	s3 =	sadd.s32 $0x88, s3;
	s6 =	simm.s32 @!p1 $0x1082;
	[sflag:s4] =	ssyncset.s32 $0xFFFFF086  }
0x25: {  	[simem:s6], [sflag:s4] =	dma.local [hbm:s3], $0xF7A  }
0x26: {  	[smem:$0x3F99] =	sst s1;
	(tag) =	ssettag s2;
	_ =	strace s9  }
0x27: {  	s1 =	sld [smem:$0x3FA9]  }
0x28: {  	s2 =	sld [smem:$0x3FAA]  }
0x29: {  	s4 =	sld [smem:$0x3FAC]  }
0x2a: {  	p0 =	seq.s32 s5, $0x0;
	s5 =	sld [smem:$0x3FAD]  }
0x2b: {  	s6 =	sld [smem:$0x3FAE]  }
0x2c: {  	s7 =	sld [smem:$0x3FAF]  }
0x2d: {  	s3 =	simm.s32 $0x108;
	s8 =	sld [smem:$0x3FB0]  }
0x2e: {  	s3 =	simm.s32 @!p0 $0x1082;
	s9 =	sld [smem:$0x3FB1]  }
0x2f: {  	lr =	sadd.s32 s0, s3;
	s0 =	sld [smem:$0x3FA8]  }
0x30: {  	s3 =	sld [smem:$0x3FAB]  }
0x31: {  	[smem:$0x3FB4] =	sst s10  }
0x32: {  	s10 =	sld [smem:$0x3FB2];
	_ =	sdelay $0x3  }
0x33: {  	p0 =	seq.s32 s10, $0x1;
	s10 =	sld [smem:$0x3FB4];
	_ =	sdelay $0x3  }
0x34: {  	[smem:$0x3FB4] =	sst s10  }
0x35: {  	s10 =	sld [smem:$0x3FB3];
	_ =	sdelay $0x3  }
0x36: {  	p1 =	seq.s32 s10, $0x1;
	s10 =	sld [smem:$0x3FB4];
	_ =	sdelay $0x3  }
0x37: {  	[smem:$0x3FB4] =	sst s10  }
0x38: {  	s10 =	sld [smem:$0x3FB5]  }
0x39: {  	_ = 	snop;
	(pc) =	sbr.ind lr, $3  }
0x3a: {  	_ = 	snop  }
0x3b: {  	_ = 	snop  }
0x3c: {  	p2 =	seq.s32 s10, $0x1;
	s10 =	sld [smem:$0x3FB4]  }
0x3d: {  	_ =	shalt  }
0x3e: {  	_ =	shalt  }
0x3f: {  	_ =	shalt  }
0x40: {  	_ =	shalt  }
0x41: {  	_ =	shalt  }
0x42: {  	_ =	shalt  }
0x43: {  	_ =	shalt  }
0x44: {  	_ =	shalt  }
0x45: {  	_ =	shalt  }
0x46: {  	_ =	shalt  }
0x47: {  	_ =	shalt  }
0x48: {  	_ =	shalt  }
0x49: {  	_ =	shalt  }
0x4a: {  	_ =	shalt  }
0x4b: {  	_ =	shalt  }
0x4c: {  	_ =	shalt  }
0x4d: {  	_ =	shalt  }
0x4e: {  	_ =	shalt  }
0x4f: {  	_ =	shalt  }
0x50: {  	_ =	shalt  }
0x51: {  	_ =	shalt  }
0x52: {  	_ =	shalt  }
0x53: {  	_ =	shalt  }
0x54: {  	_ =	shalt  }
0x55: {  	_ =	shalt  }
0x56: {  	_ =	shalt  }
0x57: {  	_ =	shalt  }
0x58: {  	_ =	shalt  }
0x59: {  	_ =	shalt  }
0x5a: {  	_ =	shalt  }
0x5b: {  	_ =	shalt  }
0x5c: {  	_ =	shalt  }
0x5d: {  	_ =	shalt  }
0x5e: {  	_ =	shalt  }
0x5f: {  	_ =	shalt  }
0x60: {  	_ =	shalt  }
0x61: {  	_ =	shalt  }
0x62: {  	_ =	shalt  }
0x63: {  	_ =	shalt  }
0x64: {  	_ =	shalt  }
0x65: {  	_ =	shalt  }
0x66: {  	_ =	shalt  }
0x67: {  	_ =	shalt  }
0x68: {  	_ =	shalt  }
0x69: {  	_ =	shalt  }
0x6a: {  	_ =	shalt  }
0x6b: {  	_ =	shalt  }
0x6c: {  	_ =	shalt  }
0x6d: {  	_ =	shalt  }
0x6e: {  	_ =	shalt  }
0x6f: {  	_ =	shalt  }
0x70: {  	_ =	shalt  }
0x71: {  	_ =	shalt  }
0x72: {  	_ =	shalt  }
0x73: {  	_ =	shalt  }
0x74: {  	_ =	shalt  }
0x75: {  	_ =	shalt  }
0x76: {  	_ =	shalt  }
0x77: {  	_ =	shalt  }
0x78: {  	_ =	shalt  }
0x79: {  	_ =	shalt  }
0x7a: {  	_ =	shalt  }
0x7b: {  	_ =	shalt  }
0x7c: {  	_ =	shalt  }
0x7d: {  	_ =	shalt  }
0x7e: {  	_ =	shalt  }
0x7f: {  	_ =	shalt  }
0x80: {  	_ =	shalt  }
0x81: {  	_ =	shalt  }
0x82: {  	_ =	shalt  }
0x83: {  	_ =	shalt  }
0x84: {  	_ =	shalt  }
0x85: {  	_ =	shalt  }
0x86: {  	_ =	shalt  }
0x87: {  	_ =	shalt  }
.Lfunc_end0:
.L_simem_size_0:
called_computation.1_lowered:
.L_overlay_start_0:
0x88: {  	s2 =	sld [smem:$0x3FD9]  }
0x89: {  	s3 =	sld [smem:$0x3FFE];
	_ =	sdelay $0x1  }
0x8a: {  	s1 =	srdreg.scid  }
0x8b: {  	s0 =	sand.u32 $0x1, s1  }
0x8c: {  	s17 =	sshll.u32 s0, $0xA;
	s2 =	sadd.s32 s3, s2  }
0x8d: {  	s2 =	sadd.s32 s2, s17  }
0x8e: {  	[smem:$0x3FC0] =	sst s2  }
0x8f: {  	_ = 	snop  }
0x90: {  	s2 =	sld [smem:$0x3FD0];
	(tm) =	ssettm $0x1  }
0x91: {  	s18 =	sld [smem:$0x3FFB];
	_ =	sdelay $0x3  }
0x92: {  	_ =	strace s18  }
0x93: {  	s3 =	sld [smem:$0x3FFC];
	_ =	sdelay $0x3  }
0x94: {  	_ =	strace s3  }
0x95: {  	s3 =	sld [smem:$0x3FFD];
	_ =	sdelay $0x3  }
0x96: {  	_ =	strace s3  }
0x97: {  	_ =	strace $0x8FFFFFFF  }
0x98: {  	s19 =	sld [smem:$0x3FDB];
	_ =	sdelay $0x1  }
0x99: {  	s4 =	simm.s32 $_scs_section_size  }
0x9a: {  	s5 =	simm.s32 $_size__tile_overlayer_lowered;
	s6 =	simm.s32 $_tile_overlayer_lowered  }
0x9b: {  	s22 =	simm.s32 $0x1BFF;
	s21 =	sshll.u32 s6, $0x1;
	s3 =	sadd.s32 s4, s19  }
0x9c: {  	s7 =	simm.s32 $0x0;
	s20 =	sshll.u32 s5, $0x1;
	s5 =	sadd.s32 s21, s3  }
0x9d: {  	[timem:s7], [sflag:s22] =	dma.local [hbm:s5], s20  }
0x9e: {  	_ =	swait.ge [sflag:s22], s20  }
0x9f: {  	s4 =	ssub.s32 $0x0, s20;
	[sflag:s22] =	ssyncset.done $0x0  }
0xa0: {  	[sflag:s22] =	ssyncadd.s32 s4;
	_ =	sdelay $0x1  }
0xa1: {  	s23 =	simm.s32 $0x1B8B  }
0xa2: {  	_ =	swait.ge [sflag:s23], $0x1  }
0xa3: {  	[sflag:s23] =	ssyncset.done $0x0  }
0xa4: {  	s25 =	simm.s32 $0x1B8E;
	s24 =	sld [smem:$0x3FFE];
	[sflag:s23] =	ssyncadd.s32 $0xFFFFFFFF  }
0xa5: {  	s26 =	simm.s32 $execute0_lowered;
	[smem:$0x3FD2] =	sst s25  }
0xa6: {  	s5 =	sshll.u32 s26, $0x1;
	_ =	strace $0x80000049;
	[dreg:$0x1] =	wrdreg $0xFFFFFFFF  }
0xa7: {  	s28 =	simm.s32 $_size_execute0_lowered;
	s3 =	sadd.s32 s3, s5;
	[dreg:$0x0] =	wrdreg $0x0  }
0xa8: {  	s5 =	sshll.u32 s28, $0x1;
	[dreg:$0x2] =	wrdreg s3  }
0xa9: {  	[dreg:$0x3] =	wrdreg s5  }
0xaa: {  	[dreg:$0x4] =	wrdreg $0xC0  }
0xab: {  	_ =	task [dreg:s7], $0x5FFFF  }
0xac: {  	[dreg:$0x1] =	wrdreg $0xFFFFFFFF  }
0xad: {  	[dreg:$0x0] =	wrdreg $0x60  }
0xae: {  	[dreg:$0x2] =	wrdreg s2  }
0xaf: {  	[dreg:$0x3] =	wrdreg s24  }
0xb0: {  	[dreg:$0x4] =	wrdreg $0x90000  }
0xb1: {  	[dreg:$0x5] =	wrdreg $0x9  }
0xb2: {  	_ =	task.clear_ibuf [dreg:s7], $0x6FFFF;
	_ =	strace $0x90000049  }
0xb3: {  	s29 =	simm.s32 $0x9;
	_ =	strace $0x8000004B  }
0xb4: {  	_ =	swait.ge [sflag:s29], $0x1  }
0xb5: {  	[sflag:s29] =	ssyncadd.s32 $0xFFFFFFFF  }
0xb6: {  	_ =	strace $0x9000004B  }
0xb7: {  	_ =	sfence  }
0xb8: {  	s30 =	sld [smem:$0x0];
	_ =	sdelay $0x2  }
0xb9: {  	s31 =	sshll.u32 s1, $0xD;
	s1 =	sshrl.u32 s1, $0x2  }
0xba: {  	s3 =	sand.u32 $0x4000, s31;
	s1 =	sadd.s32 s1, s30  }
0xbb: {  	s0 =	sor.u32 s3, s0;
	s1 =	sshll.u32 s1, $0x11  }
0xbc: {  	s0 =	sor.u32 s1, s0  }
0xbd: {  	s0 =	sadd.s32 $0x8F2B, s0  }
0xbe: {  	[sflag:s0] =	ssyncadd.remote.s32 $0x1  }
0xbf: {  	_ =	sfence.sel $0xFFFF  }
0xc0: {  	[dreg:$0x0] =	wrdreg $0xFFFFFFFF;
	(pc) =	sbr.abs _section_cstart, $3  }
0xc1: {  	[dreg:$0x1] =	wrdreg $0xFFFFFFFF  }
0xc2: {  	_ =	task.clear_ibuf [dreg:s7], $0x2FFFF;
	_ =	strace $0x9FFFFFFF  }
0xc3: {  	(tm) =	ssettm $0x7FFFFFFF  }
tec
execute0_lowered:
.L_overlay_start_1:
0x0: {  	(tag) =	ssettag $0x1  }
0x1: {  	s1 =	rddreg [dreg:$0x0]  }
0x2: {  	s0 =	rddreg [dreg:$0x1]  }
0x3: {  	s2 =	rddreg [dreg:$0x2];
	s4 =	simm.s32 $0x0  }
0x4: {  	s13 =	stileid.u32;
	s3 =	srdreg.scid;
	s28 =	simm.s32 $0x800  }
0x5: {  	s29 =	simm.s32 $0xC00;
	s30 =	simm.s32 $0x3;
	s7 =	smul.u32 $0x50000, s13  }
0x6: {  	[smem:$0x7FF] =	sst s4;
	s5 =	sadd.s32 $0xCC00, s0;
	s17 =	smul.u32 $0x13800, s13  }
0x7: {  	s6 =	sadd.s32 $0x2C00, s0;
	s0 =	sadd.s32 $0x16C00, s0;
	s20 =	smul.u32 $0x4E000, s13  }
0x8: {  	s3 =	sand.u32 $0x1, s3;
	s21 =	smul.u32 $0x2800, s13;
	p0 =	seq.s32 s13, $0xF  }
0x9: {  	s31 =	simm.s32 $0x80;
	_ =	strace $0x8000004A;
	s15 =	smul.u32 $0x138800, s3  }
0xa: {  	s8 =	ssub.s32 $0x2, s3;
	s9 =	sshll.u32 s3, $0x4;
	s3 =	smul.u32 $0x28000, s3  }
0xb: {  	s7 =	sshrl.u32 s7, $0x2;
	s10 =	sshrl.u32 s8, $0x1;
	s9 =	sor.u32 s13, s9  }
0xc: {  	s24 =	sshrl.u32 s20, $0x2;
	s13 =	simm.s32 $0xA00;
	s11 =	sadd.s32 s7, s2  }
0xd: {  	s7 =	ssub.s32 s8, s10;
	s26 =	smul.u32 $0x2800, s9;
	s10 =	sadd.s32 s17, s15  }
0xe: {  	s23 =	sshrl.u32 s15, $0x3;
	s3 =	sadd.s32 s21, s3;
	s9 =	sadd.s32 $0x124800, s2  }
0xf: {  	s15 =	simm.s32 $0xA80;
	s25 =	sadd.s32 $0x4000, s11;
	[dreg:$0x4] =	wrdreg s11  }
0x10: {  	s17 =	simm.s32 $0xB00;
	s12 =	sadd.s32 $0x8000, s11;
	[dreg:$0x5] =	wrdreg s25  }
0x11: {  	s21 =	simm.s32 $0xB80;
	s14 =	sadd.s32 $0xC000, s11;
	[dreg:$0x6] =	wrdreg s12  }
0x12: {  	s16 =	sadd.s32 $0x10000, s11;
	s10 =	sshrl.u32 s10, $0x3;
	[dreg:$0x7] =	wrdreg s14  }
0x13: {  	s7 =	smax.u32 s7, $0x1;
	s11 =	simm.s32 $0x0;
	[dreg:$0x8] =	wrdreg s16  }
0x14: {  	s8 =	sshrl.u32 s26, $0x3;
	s22 =	sadd.s32 s0, s10;
	s0 =	sadd.s32 s0, s23  }
0x15: {  	s25 =	sadd.s32 $0xC00, s3;
	[dreg:$0xf] =	wrdreg s7;
	s26 =	sadd.s32 $0x800, s3  }
0x16: {  	s23 =	simm.s32 $0x5;
	s3 =	simm.s32 $0x1;
	s14 =	simm.s32 $0xD80  }
0x17: {  	s16 =	simm.s32 $0xE00;
	s7 =	simm.s32 $0xF80;
	[dreg:$0xd] =	wrdreg s22  }
0x18: {  	s18 =	sadd.s32 s5, s8;
	s19 =	sadd.s32 s6, s8;
	[dreg:$0x10] =	wrdreg s26  }
0x19: {  	s8 =	sor.u32 $0x80, s8;
	s0 =	sadd.s32 $0x24900, s0;
	[dreg:$0x9] =	wrdreg s18  }
0x1a: {  	s22 =	simm.s32 $0x1000;
	[dreg:$0xa] =	wrdreg s19;
	s12 =	sadd.s32 s5, s8  }
0x1b: {  	s8 =	sadd.s32 s6, s8;
	[dreg:$0xe] =	wrdreg s0;
	s0 =	sshrl.u32 s25, $0x3  }
.Ltmp0:
0x1c: {  	s25 =	simm.s32 $0x4;
	[dreg:$0xb] =	wrdreg s12;
	(pc) =	sbr.rel .LBB2_1-.Ltmp0, $4  }
0x1d: {  	s18 =	simm.s32 $0xE80;
	[dreg:$0xc] =	wrdreg s8;
	s8 =	sadd.s32 s24, s2  }
0x1e: {  	s19 =	sadd.s32 s0, s6;
	s20 =	sadd.s32 s0, s5;
	s0 =	sshrl.u32 @p0 s9, $0x3  }
0x1f: {  	s9 =	simm.s32 $0x2;
	[dreg:$0x11] =	wrdreg s0;
	s0 =	sshrl.u32 @!p0 s8, $0x3  }
0x20: {  	v0 =	vimm.f32 $0.0e+00;
	s24 =	simm.s32 $0xF00;
	[dreg:$0x12] =	wrdreg s0;
	s0 =	simm.s32 $0x5000  }
.LBB2_6:
0x21: {  	_ =	swait.ge [sflag:s9], $0x4000  }
0x22: {  	[sflag:s9] =	ssyncset.done $0x0  }
0x23: {  	[sflag:s9] =	ssyncadd.s32 $0xFFFFC000  }
0x24: {  	[spmem:s2] =	stream.indirect.scatter.add.f32 [tilespmem:s0], [sflag:$0x5], $0x80, s7, s31, $0xb8;
	[tilespmem:$0x1D000] =	vst v63  }
0x25: {  	_ =	swait.ge [sflag:s23], $0x4000  }
0x26: {  	[sflag:s23] =	ssyncset.done $0x0  }
0x27: {  	[sflag:s23] =	ssyncadd.s32 $0xFFFFC000  }
0x28: {  	[bflag:$0x0] =	sbarrier.arrive $0xFFFF  }
0x29: {  	s10 =	rddreg [dreg:$0xe]  }
0x2a: {  	s8 =	simm.s32 @p0 $0x1FC5;
	s11 =	rddreg [dreg:$0x11]  }
0x2b: {  	[hbm:s10], [sflag:s8] =	dma.local @p0 [spmem:s11], $0x2800  }
0x2c: {  	s8 =	simm.s32 @p0 $0x5  }
0x2d: {  	s10 =	stileid.u32;
	_ =	swait.ge @p0 [sflag:s8], $0x2800  }
0x2e: {  	s10 =	sshll.u32 @!p0 s10, $0x6;
	[sflag:s8] =	ssyncset.done @p0 $0x0;
	s11 =	rddreg [dreg:$0x12]  }
0x2f: {  	[sflag:s8] =	ssyncadd.s32 @p0 $0xFFFFD800;
	s8 =	sor.u32 @!p0 $0x1C05, s10;
	s10 =	rddreg [dreg:$0xd]  }
0x30: {  	[hbm:s10], [sflag:s8] =	dma.local @!p0 [spmem:s11], $0x2700  }
0x31: {  	s8 =	simm.s32 @!p0 $0x5  }
0x32: {  	_ =	swait.ge @!p0 [sflag:s8], $0x2700  }
0x33: {  	s12 =	rddreg [dreg:$0x13]  }
0x34: {  	s26 =	rddreg [dreg:$0xf];
	s11 =	sadd.s32 $0x1, s12  }
0x35: {  	p1 =	sne.s32 s11, s26  }
.Ltmp1:
0x36: {  	_ = 	snop;
	(pc) =	sbr.rel @!p1 .LBB2_7-.Ltmp1, $3  }
0x37: {  	_ =	sdelay $0x1  }
0x38: {  	[sflag:s8] =	ssyncset.done @!p0 $0x0  }
0x39: {  	[sflag:s8] =	ssyncadd.s32 @!p0 $0xFFFFD900  }
.LBB2_1:
0x3a: {  	[dreg:$0x13] =	wrdreg s11;
	s8 =	simm.s32 $0x0;
	s10 =	simm.s32 $0x200  }
.LBB2_2:
0x3b: {  	p1 =	sne.s32 s10, $0xFE00;
	[tilespmem:s8+$0x1070] =	vst v0  }
0x3c: {  	[tilespmem:s8+$0x1000] =	vst v0  }
0x3d: {  	[tilespmem:s8+$0x1010] =	vst v0  }
.Ltmp2:
0x3e: {  	[tilespmem:s8+$0x1020] =	vst v0;
	(pc) =	sbr.rel @p1 .LBB2_2-.Ltmp2, $4  }
0x3f: {  	[tilespmem:s8+$0x1030] =	vst v0  }
0x40: {  	[tilespmem:s8+$0x1040] =	vst v0  }
0x41: {  	[tilespmem:s8+$0x1050] =	vst v0  }
0x42: {  	[tilespmem:s8+$0x1060] =	vst v0;
	s8 =	sshra.s32 s10, $0x2;
	s10 =	sadd.s32 $0x200, s10  }
0x43: {  	[tilespmem:s8+$0x1070] =	vst v0  }
0x44: {  	[tilespmem:s8+$0x1000] =	vst v0  }
0x45: {  	[tilespmem:s8+$0x1010] =	vst v0  }
0x46: {  	[tilespmem:s8+$0x1020] =	vst v0  }
0x47: {  	[tilespmem:s8+$0x1030] =	vst v0  }
0x48: {  	[tilespmem:s8+$0x1040] =	vst v0  }
0x49: {  	[tilespmem:s8+$0x1050] =	vst v0  }
0x4a: {  	[tilespmem:s8+$0x1060] =	vst v0;
	s12 =	rddreg [dreg:$0x4]  }
0x4b: {  	[spmem:s12] =	stream.linear.scatter [tilespmem:s22], [sflag:$0x3], $0x4000, $0x38;
	[tilespmem:$0x1D000] =	vst v63  }
0x4c: {  	s26 =	rddreg [dreg:$0x5]  }
0x4d: {  	[spmem:s26] =	stream.linear.scatter [tilespmem:s22], [sflag:$0x3], $0x4000, $0x38;
	[tilespmem:$0x1D000] =	vst v63  }
0x4e: {  	s10 =	rddreg [dreg:$0x6]  }
0x4f: {  	[spmem:s10] =	stream.linear.scatter [tilespmem:s22], [sflag:$0x3], $0x4000, $0x38;
	[tilespmem:$0x1D000] =	vst v63  }
0x50: {  	s11 =	rddreg [dreg:$0x7]  }
0x51: {  	[spmem:s11] =	stream.linear.scatter [tilespmem:s22], [sflag:$0x3], $0x4000, $0x38;
	[tilespmem:$0x1D000] =	vst v63  }
0x52: {  	s12 =	rddreg [dreg:$0x8]  }
0x53: {  	[spmem:s12] =	stream.linear.scatter [tilespmem:s22], [sflag:$0x3], $0x4000, $0x38;
	[tilespmem:$0x1D000] =	vst v63  }
0x54: {  	s8 =	simm.s32 $0x0;
	s10 =	rddreg [dreg:$0x9]  }
0x55: {  	[tilespmem:s8], [sflag:$0x5] =	stream.linear.gather [hbm4b:s10+s8], $0x400, $0x38;
	[tilespmem:$0x1D000] =	vst v63  }
0x56: {  	_ =	swait.ge [sflag:s23], $0x400  }
0x57: {  	[sflag:s23] =	ssyncset.done $0x0  }
0x58: {  	s11 =	simm.s32 $0x400;
	s26 =	rddreg [dreg:$0xa];
	[sflag:s23] =	ssyncadd.s32 $0xFFFFFC00  }
0x59: {  	[tilespmem:s11], [sflag:$0x5] =	stream.linear.gather [hbm4b:s26+s8], $0x400, $0x38;
	[tilespmem:$0x1D000] =	vst v63  }
0x5a: {  	_ =	swait.ge [sflag:s23], $0x400  }
0x5b: {  	[sflag:s23] =	ssyncset.done $0x0  }
0x5c: {  	s12 =	rddreg [dreg:$0xb];
	[sflag:s23] =	ssyncadd.s32 $0xFFFFFC00  }
0x5d: {  	[tilespmem:s28], [sflag:$0x4] =	stream.linear.gather [hbm4b:s12+s8], $0x400, $0x38;
	[tilespmem:$0x1D000] =	vst v63  }
0x5e: {  	s26 =	rddreg [dreg:$0xc]  }
0x5f: {  	[tilespmem:s29], [sflag:$0x4] =	stream.linear.gather [hbm4b:s26+s8], $0x400, $0x38;
	[tilespmem:$0x1D000] =	vst v63  }
0x60: {  	_ =	swait.ge [sflag:s30], $0x4000  }
0x61: {  	[sflag:s30] =	ssyncset.done $0x0  }
0x62: {  	[sflag:s30] =	ssyncadd.s32 $0xFFFFC000  }
0x63: {  	_ =	swait.ge [sflag:s30], $0x4000  }
0x64: {  	[sflag:s30] =	ssyncset.done $0x0  }
0x65: {  	[sflag:s30] =	ssyncadd.s32 $0xFFFFC000  }
0x66: {  	_ =	swait.ge [sflag:s30], $0x4000  }
0x67: {  	[sflag:s30] =	ssyncset.done $0x0  }
0x68: {  	[sflag:s30] =	ssyncadd.s32 $0xFFFFC000  }
0x69: {  	_ =	swait.ge [sflag:s30], $0x4000  }
0x6a: {  	[sflag:s30] =	ssyncset.done $0x0  }
0x6b: {  	[sflag:s30] =	ssyncadd.s32 $0xFFFFC000  }
0x6c: {  	_ =	swait.ge [sflag:s30], $0x4000  }
0x6d: {  	[sflag:s30] =	ssyncset.done $0x0  }
0x6e: {  	[sflag:s30] =	ssyncadd.s32 $0xFFFFC000  }
0x6f: {  	[tilespmem:s22], [sflag:$0x1] =	stream.indirect.gather [hbm4b:s1+s31], $0x80, s8, s31, $0xb8;
	[tilespmem:$0x1D000] =	vst v63  }
0x70: {  	[bflag:$0x0] =	sbarrier.arrive $0xFFFF  }
0x71: {  	s10 =	rddreg [dreg:$0x10]  }
.LBB2_4:
0x72: {  	[tilespmem:s0], [sflag:$0x2] =	stream.indirect.gather [hbm4b:s1+s31], $0x80, s31, s31, $0xb8;
	[tilespmem:$0x1D000] =	vst v63  }
0x73: {  	_ =	swait.ge [sflag:s3], $0x4000  }
0x74: {  	[sflag:s3] =	ssyncset.done $0x0  }
0x75: {  	s11 =	simm.s32 $0x400;
	[sflag:s3] =	ssyncadd.s32 $0xFFFFC000  }
0x76: {  	[spmem:s2] =	stream.indirect.scatter.add.f32 [tilespmem:s22], [sflag:$0x5], $0x80, s11, s31, $0xb8;
	[tilespmem:$0x1D000] =	vst v63  }
0x77: {  	_ =	swait.ge [sflag:s23], $0x4000  }
0x78: {  	[sflag:s23] =	ssyncset.done $0x0  }
0x79: {  	s12 =	simm.s32 $0x100;
	[sflag:s23] =	ssyncadd.s32 $0xFFFFC000  }
0x7a: {  	[tilespmem:s22], [sflag:$0x1] =	stream.indirect.gather [hbm4b:s1+s31], $0x80, s12, s31, $0xb8;
	[tilespmem:$0x1D000] =	vst v63  }
0x7b: {  	_ =	swait.ge [sflag:s9], $0x4000  }
0x7c: {  	[sflag:s9] =	ssyncset.done $0x0  }
0x7d: {  	s26 =	simm.s32 $0x480;
	[sflag:s9] =	ssyncadd.s32 $0xFFFFC000  }
0x7e: {  	[spmem:s2] =	stream.indirect.scatter.add.f32 [tilespmem:s0], [sflag:$0x5], $0x80, s26, s31, $0xb8;
	[tilespmem:$0x1D000] =	vst v63  }
0x7f: {  	_ =	swait.ge [sflag:s23], $0x4000  }
0x80: {  	[sflag:s23] =	ssyncset.done $0x0  }
0x81: {  	s12 =	simm.s32 $0x180;
	[sflag:s23] =	ssyncadd.s32 $0xFFFFC000  }
0x82: {  	[tilespmem:s0], [sflag:$0x2] =	stream.indirect.gather [hbm4b:s1+s31], $0x80, s12, s31, $0xb8;
	[tilespmem:$0x1D000] =	vst v63  }
0x83: {  	_ =	swait.ge [sflag:s3], $0x4000  }
0x84: {  	[sflag:s3] =	ssyncset.done $0x0  }
0x85: {  	s26 =	simm.s32 $0x500;
	[sflag:s3] =	ssyncadd.s32 $0xFFFFC000  }
0x86: {  	[spmem:s2] =	stream.indirect.scatter.add.f32 [tilespmem:s22], [sflag:$0x5], $0x80, s26, s31, $0xb8;
	[tilespmem:$0x1D000] =	vst v63  }
0x87: {  	_ =	swait.ge [sflag:s23], $0x4000  }
0x88: {  	[sflag:s23] =	ssyncset.done $0x0  }
0x89: {  	s12 =	simm.s32 $0x200;
	[sflag:s23] =	ssyncadd.s32 $0xFFFFC000  }
0x8a: {  	[tilespmem:s22], [sflag:$0x1] =	stream.indirect.gather [hbm4b:s1+s31], $0x80, s12, s31, $0xb8;
	[tilespmem:$0x1D000] =	vst v63  }
0x8b: {  	_ =	swait.ge [sflag:s9], $0x4000  }
0x8c: {  	[sflag:s9] =	ssyncset.done $0x0  }
0x8d: {  	s26 =	simm.s32 $0x580;
	[sflag:s9] =	ssyncadd.s32 $0xFFFFC000  }
0x8e: {  	[spmem:s2] =	stream.indirect.scatter.add.f32 [tilespmem:s0], [sflag:$0x5], $0x80, s26, s31, $0xb8;
	[tilespmem:$0x1D000] =	vst v63  }
0x8f: {  	_ =	swait.ge [sflag:s23], $0x4000  }
0x90: {  	[sflag:s23] =	ssyncset.done $0x0  }
0x91: {  	s12 =	simm.s32 $0x280;
	[sflag:s23] =	ssyncadd.s32 $0xFFFFC000  }
0x92: {  	[tilespmem:s0], [sflag:$0x2] =	stream.indirect.gather [hbm4b:s1+s31], $0x80, s12, s31, $0xb8;
	[tilespmem:$0x1D000] =	vst v63  }
0x93: {  	_ =	swait.ge [sflag:s3], $0x4000  }
0x94: {  	[sflag:s3] =	ssyncset.done $0x0  }
0x95: {  	s26 =	simm.s32 $0x600;
	[sflag:s3] =	ssyncadd.s32 $0xFFFFC000  }
0x96: {  	[spmem:s2] =	stream.indirect.scatter.add.f32 [tilespmem:s22], [sflag:$0x5], $0x80, s26, s31, $0xb8;
	[tilespmem:$0x1D000] =	vst v63  }
0x97: {  	_ =	swait.ge [sflag:s23], $0x4000  }
0x98: {  	[sflag:s23] =	ssyncset.done $0x0  }
0x99: {  	s12 =	simm.s32 $0x300;
	[sflag:s23] =	ssyncadd.s32 $0xFFFFC000  }
0x9a: {  	[tilespmem:s22], [sflag:$0x1] =	stream.indirect.gather [hbm4b:s1+s31], $0x80, s12, s31, $0xb8;
	[tilespmem:$0x1D000] =	vst v63  }
0x9b: {  	_ =	swait.ge [sflag:s9], $0x4000  }
0x9c: {  	[sflag:s9] =	ssyncset.done $0x0  }
0x9d: {  	s26 =	simm.s32 $0x680;
	[sflag:s9] =	ssyncadd.s32 $0xFFFFC000  }
0x9e: {  	[spmem:s2] =	stream.indirect.scatter.add.f32 [tilespmem:s0], [sflag:$0x5], $0x80, s26, s31, $0xb8;
	[tilespmem:$0x1D000] =	vst v63  }
0x9f: {  	_ =	swait.ge [sflag:s23], $0x4000  }
0xa0: {  	[sflag:s23] =	ssyncset.done $0x0  }
0xa1: {  	s12 =	simm.s32 $0x380;
	[sflag:s23] =	ssyncadd.s32 $0xFFFFC000  }
0xa2: {  	[tilespmem:s0], [sflag:$0x2] =	stream.indirect.gather [hbm4b:s1+s31], $0x80, s12, s31, $0xb8;
	[tilespmem:$0x1D000] =	vst v63  }
0xa3: {  	_ =	swait.ge [sflag:s3], $0x4000  }
0xa4: {  	[sflag:s3] =	ssyncset.done $0x0  }
0xa5: {  	s26 =	simm.s32 $0x700;
	[sflag:s3] =	ssyncadd.s32 $0xFFFFC000  }
0xa6: {  	[spmem:s2] =	stream.indirect.scatter.add.f32 [tilespmem:s22], [sflag:$0x5], $0x80, s26, s31, $0xb8;
	[tilespmem:$0x1D000] =	vst v63  }
0xa7: {  	_ =	swait.ge [sflag:s23], $0x4000  }
0xa8: {  	[sflag:s23] =	ssyncset.done $0x0  }
0xa9: {  	[sflag:s23] =	ssyncadd.s32 $0xFFFFC000  }
0xaa: {  	_ =	swait.ge [sflag:s25], $0x400  }
0xab: {  	[sflag:s25] =	ssyncset.done $0x0  }
0xac: {  	[sflag:s25] =	ssyncadd.s32 $0xFFFFFC00  }
0xad: {  	_ =	swait.ge [sflag:s25], $0x400  }
0xae: {  	[sflag:s25] =	ssyncset.done $0x0  }
0xaf: {  	[sflag:s25] =	ssyncadd.s32 $0xFFFFFC00  }
0xb0: {  	[tilespmem:s22], [sflag:$0x1] =	stream.indirect.gather [hbm4b:s1+s31], $0x80, s28, s31, $0xb8;
	[tilespmem:$0x1D000] =	vst v63  }
0xb1: {  	_ =	swait.ge [sflag:s9], $0x4000  }
0xb2: {  	[sflag:s9] =	ssyncset.done $0x0  }
0xb3: {  	s12 =	simm.s32 $0x780;
	[sflag:s9] =	ssyncadd.s32 $0xFFFFC000  }
0xb4: {  	[spmem:s2] =	stream.indirect.scatter.add.f32 [tilespmem:s0], [sflag:$0x5], $0x80, s12, s31, $0xb8;
	[tilespmem:$0x1D000] =	vst v63  }
0xb5: {  	p1 =	seq.s32 s8, $0x400;
	_ =	swait.ge [sflag:s23], $0x4000  }
0xb6: {  	s26 =	sshrl.u32 @!p1 s10, $0x3;
	[sflag:s23] =	ssyncset.done $0x0  }
0xb7: {  	s11 =	sadd.s32 @!p1 s5, s26;
	s12 =	simm.s32 @!p1 $0x0;
	[sflag:s23] =	ssyncadd.s32 $0xFFFFC000  }
0xb8: {  	[tilespmem:s12], [sflag:$0x3] =	stream.linear.gather @!p1 [hbm4b:s11+s12], $0x400, $0x38;
	[tilespmem:$0x1D000] =	vst v63  }
0xb9: {  	s11 =	sadd.s32 @!p1 s6, s26;
	s26 =	simm.s32 @!p1 $0x400  }
0xba: {  	[tilespmem:s26], [sflag:$0x3] =	stream.linear.gather @!p1 [hbm4b:s11+s12], $0x400, $0x38;
	[tilespmem:$0x1D000] =	vst v63  }
0xbb: {  	s26 =	simm.s32 $0x880  }
0xbc: {  	[tilespmem:s0], [sflag:$0x2] =	stream.indirect.gather [hbm4b:s1+s31], $0x80, s26, s31, $0xb8;
	[tilespmem:$0x1D000] =	vst v63  }
0xbd: {  	_ =	swait.ge [sflag:s3], $0x4000  }
0xbe: {  	[sflag:s3] =	ssyncset.done $0x0  }
0xbf: {  	[sflag:s3] =	ssyncadd.s32 $0xFFFFC000  }
0xc0: {  	[spmem:s2] =	stream.indirect.scatter.add.f32 [tilespmem:s22], [sflag:$0x5], $0x80, s29, s31, $0xb8;
	[tilespmem:$0x1D000] =	vst v63  }
0xc1: {  	_ =	swait.ge [sflag:s23], $0x4000  }
0xc2: {  	[sflag:s23] =	ssyncset.done $0x0  }
0xc3: {  	s12 =	simm.s32 $0x900;
	[sflag:s23] =	ssyncadd.s32 $0xFFFFC000  }
0xc4: {  	[tilespmem:s22], [sflag:$0x1] =	stream.indirect.gather [hbm4b:s1+s31], $0x80, s12, s31, $0xb8;
	[tilespmem:$0x1D000] =	vst v63  }
0xc5: {  	_ =	swait.ge [sflag:s9], $0x4000  }
0xc6: {  	[sflag:s9] =	ssyncset.done $0x0  }
0xc7: {  	s26 =	simm.s32 $0xC80;
	[sflag:s9] =	ssyncadd.s32 $0xFFFFC000  }
0xc8: {  	[spmem:s2] =	stream.indirect.scatter.add.f32 [tilespmem:s0], [sflag:$0x5], $0x80, s26, s31, $0xb8;
	[tilespmem:$0x1D000] =	vst v63  }
0xc9: {  	_ =	swait.ge [sflag:s23], $0x4000  }
0xca: {  	[sflag:s23] =	ssyncset.done $0x0  }
0xcb: {  	s12 =	simm.s32 $0x980;
	[sflag:s23] =	ssyncadd.s32 $0xFFFFC000  }
0xcc: {  	[tilespmem:s0], [sflag:$0x2] =	stream.indirect.gather [hbm4b:s1+s31], $0x80, s12, s31, $0xb8;
	[tilespmem:$0x1D000] =	vst v63  }
0xcd: {  	_ =	swait.ge [sflag:s3], $0x4000  }
0xce: {  	[sflag:s3] =	ssyncset.done $0x0  }
0xcf: {  	s26 =	simm.s32 $0xD00;
	[sflag:s3] =	ssyncadd.s32 $0xFFFFC000  }
0xd0: {  	[spmem:s2] =	stream.indirect.scatter.add.f32 [tilespmem:s22], [sflag:$0x5], $0x80, s26, s31, $0xb8;
	[tilespmem:$0x1D000] =	vst v63  }
0xd1: {  	_ =	swait.ge [sflag:s23], $0x4000  }
0xd2: {  	[sflag:s23] =	ssyncset.done $0x0  }
0xd3: {  	[sflag:s23] =	ssyncadd.s32 $0xFFFFC000  }
0xd4: {  	[tilespmem:s22], [sflag:$0x1] =	stream.indirect.gather [hbm4b:s1+s31], $0x80, s13, s31, $0xb8;
	[tilespmem:$0x1D000] =	vst v63  }
0xd5: {  	_ =	swait.ge [sflag:s9], $0x4000  }
0xd6: {  	[sflag:s9] =	ssyncset.done $0x0  }
0xd7: {  	[sflag:s9] =	ssyncadd.s32 $0xFFFFC000  }
0xd8: {  	[spmem:s2] =	stream.indirect.scatter.add.f32 [tilespmem:s0], [sflag:$0x5], $0x80, s14, s31, $0xb8;
	[tilespmem:$0x1D000] =	vst v63  }
0xd9: {  	_ =	swait.ge [sflag:s23], $0x4000  }
0xda: {  	[sflag:s23] =	ssyncset.done $0x0  }
0xdb: {  	[sflag:s23] =	ssyncadd.s32 $0xFFFFC000  }
0xdc: {  	[tilespmem:s0], [sflag:$0x2] =	stream.indirect.gather [hbm4b:s1+s31], $0x80, s15, s31, $0xb8;
	[tilespmem:$0x1D000] =	vst v63  }
0xdd: {  	_ =	swait.ge [sflag:s3], $0x4000  }
0xde: {  	[sflag:s3] =	ssyncset.done $0x0  }
0xdf: {  	[sflag:s3] =	ssyncadd.s32 $0xFFFFC000  }
0xe0: {  	[spmem:s2] =	stream.indirect.scatter.add.f32 [tilespmem:s22], [sflag:$0x5], $0x80, s16, s31, $0xb8;
	[tilespmem:$0x1D000] =	vst v63  }
0xe1: {  	_ =	swait.ge [sflag:s23], $0x4000  }
0xe2: {  	[sflag:s23] =	ssyncset.done $0x0  }
0xe3: {  	[sflag:s23] =	ssyncadd.s32 $0xFFFFC000  }
0xe4: {  	[tilespmem:s22], [sflag:$0x1] =	stream.indirect.gather [hbm4b:s1+s31], $0x80, s17, s31, $0xb8;
	[tilespmem:$0x1D000] =	vst v63  }
0xe5: {  	_ =	swait.ge [sflag:s9], $0x4000  }
0xe6: {  	[sflag:s9] =	ssyncset.done $0x0  }
0xe7: {  	[sflag:s9] =	ssyncadd.s32 $0xFFFFC000  }
0xe8: {  	[spmem:s2] =	stream.indirect.scatter.add.f32 [tilespmem:s0], [sflag:$0x5], $0x80, s18, s31, $0xb8;
	[tilespmem:$0x1D000] =	vst v63  }
0xe9: {  	_ =	swait.ge [sflag:s23], $0x4000  }
0xea: {  	[sflag:s23] =	ssyncset.done $0x0  }
0xeb: {  	[sflag:s23] =	ssyncadd.s32 $0xFFFFC000  }
0xec: {  	[tilespmem:s0], [sflag:$0x2] =	stream.indirect.gather [hbm4b:s1+s31], $0x80, s21, s31, $0xb8;
	[tilespmem:$0x1D000] =	vst v63  }
0xed: {  	_ =	swait.ge [sflag:s3], $0x4000  }
0xee: {  	[sflag:s3] =	ssyncset.done $0x0  }
.Ltmp3:
0xef: {  	[sflag:s3] =	ssyncadd.s32 $0xFFFFC000;
	(pc) =	sbr.rel @p1 .LBB2_6-.Ltmp3, $4  }
0xf0: {  	[spmem:s2] =	stream.indirect.scatter.add.f32 [tilespmem:s22], [sflag:$0x5], $0x80, s24, s31, $0xb8;
	[tilespmem:$0x1D000] =	vst v63  }
0xf1: {  	_ =	swait.ge [sflag:s23], $0x4000  }
0xf2: {  	[sflag:s23] =	ssyncset.done $0x0  }
0xf3: {  	[sflag:s23] =	ssyncadd.s32 $0xFFFFC000  }
0xf4: {  	_ =	swait.ge [sflag:s30], $0x400  }
0xf5: {  	[sflag:s30] =	ssyncset.done $0x0  }
0xf6: {  	[sflag:s30] =	ssyncadd.s32 $0xFFFFFC00  }
0xf7: {  	_ =	swait.ge [sflag:s30], $0x400  }
0xf8: {  	[sflag:s30] =	ssyncset.done $0x0  }
0xf9: {  	[sflag:s30] =	ssyncadd.s32 $0xFFFFFC00  }
0xfa: {  	[tilespmem:s22], [sflag:$0x1] =	stream.indirect.gather [hbm4b:s1+s31], $0x80, s4, s31, $0xb8;
	[tilespmem:$0x1D000] =	vst v63  }
0xfb: {  	_ =	swait.ge [sflag:s9], $0x4000  }
0xfc: {  	[sflag:s9] =	ssyncset.done $0x0  }
0xfd: {  	[sflag:s9] =	ssyncadd.s32 $0xFFFFC000  }
0xfe: {  	[spmem:s2] =	stream.indirect.scatter.add.f32 [tilespmem:s0], [sflag:$0x5], $0x80, s7, s31, $0xb8;
	[tilespmem:$0x1D000] =	vst v63  }
0xff: {  	_ =	swait.ge [sflag:s23], $0x4000  }
.Ltmp4:
0x100: {  	[sflag:s23] =	ssyncset.done $0x0;
	(pc) =	sbr.rel .LBB2_4-.Ltmp4, $4  }
0x101: {  	s11 =	sadd.s32 s8, s20;
	[sflag:s23] =	ssyncadd.s32 $0xFFFFC000  }
0x102: {  	[tilespmem:s28], [sflag:$0x4] =	stream.linear.gather [hbm4b:s11+s4], $0x400, $0x38;
	[tilespmem:$0x1D000] =	vst v63  }
0x103: {  	s26 =	sadd.s32 s8, s19;
	s8 =	sadd.s32 $0x100, s8;
	s10 =	sadd.s32 $0x800, s10  }
0x104: {  	[tilespmem:s29], [sflag:$0x4] =	stream.linear.gather [hbm4b:s26+s4], $0x400, $0x38;
	[tilespmem:$0x1D000] =	vst v63  }
.LBB2_7:
0x105: {  	_ =	sfence.sel $0x180000  }
0x106: {  	[bflag:$0x0] =	sbarrier.arrive $0xFFFF  }
0x107: {  	_ =	strace $0x9000004A  }
0x108: {  	s0 =	stileid.u32;
	[bflag:$0x2] =	sbarrier.arrive $0xFFFF  }
0x109: {  	p0 =	sne.s32 s0, $0x0;
	s0 =	rddreg [dreg:$0x3]  }
0x10a: {  	s0 =	sadd.s32 @!p0 $0x100000, s0  }
0x10b: {  	[sflag:s0] =	ssyncadd.tile.s32 @!p0 $0x1;
	_ =	shalt  }
.Lfunc_end2:
_tile_overlayer_lowered:
.L_overlay_start_2:
0x10c: {  	(tag) =	ssettag $0x2  }
0x10d: {  	s0 =	rddreg [dreg:$0x0];
	s2 =	stileid.u32  }
0x10e: {  	s1 =	rddreg [dreg:$0x1];
	p0 =	sne.s32 s2, $0x0  }
0x10f: {  	s3 =	rddreg [dreg:$0x2];
	[bflag:$0x3] =	sbarrier.arrive $0xFFFF;
	s2 =	simm.s32 @!p0 $0x1C05  }
0x110: {  	[timem:s3], [sflag:s2] =	dma.local @!p0 [hbm:s0], s1  }
0x111: {  	s0 =	simm.s32 @!p0 $0x5  }
0x112: {  	_ =	swait.ge @!p0 [sflag:s0], s1  }
0x113: {  	s1 =	ssub.s32 @!p0 $0x0, s1;
	[sflag:s0] =	ssyncset.done @!p0 $0x0  }
0x114: {  	[sflag:s0] =	ssyncadd.s32 @!p0 s1  }
0x115: {  	[bflag:$0x3] =	sbarrier.arrive $0xFFFF  }
0x116: {  	_ =	shalt  }

// kernel: kernel.14.cloned.1.call-start
scs
__scs_entry_jumppad:
0x0: {  	(pc) =	sbr.rel $0x88, $3  }
0x1: {  	(tag) =	ssettag $0x0;
	lr =	simm.s32 $0x1  }
0x2: {  	[smem:$0x3F99] =	sst lr;
	_ =	strace $0xD0000000  }
0x3: {  	_ = 	snop  }
0x4: {  	_ = 	snop  }
0x5: {  	_ = 	snop  }
0x6: {  	_ = 	snop  }
0x7: {  	_ = 	snop  }
__scs_overlays_trampoline_lowered:
0x8: {  	[smem:$0x3FA8] =	sst s0  }
0x9: {  	[smem:$0x3FA9] =	sst s1  }
0xa: {  	[smem:$0x3FAA] =	sst s2  }
0xb: {  	[smem:$0x3FAB] =	sst s3  }
0xc: {  	[smem:$0x3FAC] =	sst s4  }
0xd: {  	[smem:$0x3FAD] =	sst s5  }
0xe: {  	[smem:$0x3FAE] =	sst s6  }
0xf: {  	[smem:$0x3FAF] =	sst s7  }
0x10: {  	[smem:$0x3FB0] =	sst s8  }
0x11: {  	[smem:$0x3FB1] =	sst s9;
	s0 =	simm.s32 @!p0 $0x0  }
0x12: {  	s1 =	sld [smem:$0x3F97];
	s0 =	simm.s32 @p0 $0x1  }
0x13: {  	[smem:$0x3FB2] =	sst s0;
	s0 =	simm.s32 @!p1 $0x0  }
0x14: {  	s2 =	sld [smem:$0x3F96];
	s0 =	simm.s32 @p1 $0x1  }
0x15: {  	[smem:$0x3FB3] =	sst s0;
	s0 =	simm.s32 @!p2 $0x0  }
0x16: {  	s3 =	sld [smem:$0x3FDB];
	s0 =	simm.s32 @p2 $0x1  }
0x17: {  	s4 =	simm.s32 $0x1BF5;
	[smem:$0x3FB5] =	sst s0  }
0x18: {  	s0 =	sld [smem:$0x3F98];
	_ =	swait.ge [sflag:s4], $0x0  }
0x19: {  	s7 =	sld [smem:$0x3F99]  }
0x1a: {  	s8 =	sadd.s32 $0xFFFFE003, lr  }
0x1b: {  	s9 =	sadd.s32 $0xFFFFFEF7, lr;
	s5 =	simm.s32 $0xFFFFFFFF;
	p2 =	slt.u32 s8, $0xFFFFF086  }
0x1c: {  	p1 =	slt.u32 s9, $0xF7A;
	s5 =	simm.s32 @!p2 $0x0  }
0x1d: {  	s5 =	simm.s32 @p1 $0x1;
	p0 =	seq.s32 s7, s2  }
0x1e: {  	s7 =	smul.u32 @!p0 $0xF7A, s2;
	p2 =	seq.s32 @!p0 s5, $0x0  }
0x1f: {  	s9 =	smul.u32 $0xF7A, s1;
	s8 =	simm.s32 @!p0 $0x1BF5;
	p2 =	por !p2, p0  }
0x20: {  	[sflag:s8] =	ssyncset.s32 @!p0 $0xFFFFF086;
	s6 =	sadd.s32 @!p0 s3, s7;
	s7 =	simm.s32 @!p0 $0x108  }
0x21: {  	s3 =	sadd.s32 s3, s9;
	s6 =	sadd.s32 @!p0 $0x88, s6;
	s7 =	simm.s32 @p2 $0x1082  }
0x22: {  	[simem:s7], [sflag:s8] =	dma.local @!p0 [hbm:s6], $0xF7A  }
0x23: {  	s9 =	sor.u32 $0xD0000000, s2;
	s6 =	simm.s32 $0x108;
	_ =	swait.ge @!p0 [sflag:s8], $0x0  }
0x24: {  	s3 =	sadd.s32 $0x88, s3;
	s6 =	simm.s32 @!p1 $0x1082;
	[sflag:s4] =	ssyncset.s32 $0xFFFFF086  }
0x25: {  	[simem:s6], [sflag:s4] =	dma.local [hbm:s3], $0xF7A  }
0x26: {  	[smem:$0x3F99] =	sst s1;
	(tag) =	ssettag s2;
	_ =	strace s9  }
0x27: {  	s1 =	sld [smem:$0x3FA9]  }
0x28: {  	s2 =	sld [smem:$0x3FAA]  }
0x29: {  	s4 =	sld [smem:$0x3FAC]  }
0x2a: {  	p0 =	seq.s32 s5, $0x0;
	s5 =	sld [smem:$0x3FAD]  }
0x2b: {  	s6 =	sld [smem:$0x3FAE]  }
0x2c: {  	s7 =	sld [smem:$0x3FAF]  }
0x2d: {  	s3 =	simm.s32 $0x108;
	s8 =	sld [smem:$0x3FB0]  }
0x2e: {  	s3 =	simm.s32 @!p0 $0x1082;
	s9 =	sld [smem:$0x3FB1]  }
0x2f: {  	lr =	sadd.s32 s0, s3;
	s0 =	sld [smem:$0x3FA8]  }
0x30: {  	s3 =	sld [smem:$0x3FAB]  }
0x31: {  	[smem:$0x3FB4] =	sst s10  }
0x32: {  	s10 =	sld [smem:$0x3FB2];
	_ =	sdelay $0x3  }
0x33: {  	p0 =	seq.s32 s10, $0x1;
	s10 =	sld [smem:$0x3FB4];
	_ =	sdelay $0x3  }
0x34: {  	[smem:$0x3FB4] =	sst s10  }
0x35: {  	s10 =	sld [smem:$0x3FB3];
	_ =	sdelay $0x3  }
0x36: {  	p1 =	seq.s32 s10, $0x1;
	s10 =	sld [smem:$0x3FB4];
	_ =	sdelay $0x3  }
0x37: {  	[smem:$0x3FB4] =	sst s10  }
0x38: {  	s10 =	sld [smem:$0x3FB5]  }
0x39: {  	_ = 	snop;
	(pc) =	sbr.ind lr, $3  }
0x3a: {  	_ = 	snop  }
0x3b: {  	_ = 	snop  }
0x3c: {  	p2 =	seq.s32 s10, $0x1;
	s10 =	sld [smem:$0x3FB4]  }
0x3d: {  	_ =	shalt  }
0x3e: {  	_ =	shalt  }
0x3f: {  	_ =	shalt  }
0x40: {  	_ =	shalt  }
0x41: {  	_ =	shalt  }
0x42: {  	_ =	shalt  }
0x43: {  	_ =	shalt  }
0x44: {  	_ =	shalt  }
0x45: {  	_ =	shalt  }
0x46: {  	_ =	shalt  }
0x47: {  	_ =	shalt  }
0x48: {  	_ =	shalt  }
0x49: {  	_ =	shalt  }
0x4a: {  	_ =	shalt  }
0x4b: {  	_ =	shalt  }
0x4c: {  	_ =	shalt  }
0x4d: {  	_ =	shalt  }
0x4e: {  	_ =	shalt  }
0x4f: {  	_ =	shalt  }
0x50: {  	_ =	shalt  }
0x51: {  	_ =	shalt  }
0x52: {  	_ =	shalt  }
0x53: {  	_ =	shalt  }
0x54: {  	_ =	shalt  }
0x55: {  	_ =	shalt  }
0x56: {  	_ =	shalt  }
0x57: {  	_ =	shalt  }
0x58: {  	_ =	shalt  }
0x59: {  	_ =	shalt  }
0x5a: {  	_ =	shalt  }
0x5b: {  	_ =	shalt  }
0x5c: {  	_ =	shalt  }
0x5d: {  	_ =	shalt  }
0x5e: {  	_ =	shalt  }
0x5f: {  	_ =	shalt  }
0x60: {  	_ =	shalt  }
0x61: {  	_ =	shalt  }
0x62: {  	_ =	shalt  }
0x63: {  	_ =	shalt  }
0x64: {  	_ =	shalt  }
0x65: {  	_ =	shalt  }
0x66: {  	_ =	shalt  }
0x67: {  	_ =	shalt  }
0x68: {  	_ =	shalt  }
0x69: {  	_ =	shalt  }
0x6a: {  	_ =	shalt  }
0x6b: {  	_ =	shalt  }
0x6c: {  	_ =	shalt  }
0x6d: {  	_ =	shalt  }
0x6e: {  	_ =	shalt  }
0x6f: {  	_ =	shalt  }
0x70: {  	_ =	shalt  }
0x71: {  	_ =	shalt  }
0x72: {  	_ =	shalt  }
0x73: {  	_ =	shalt  }
0x74: {  	_ =	shalt  }
0x75: {  	_ =	shalt  }
0x76: {  	_ =	shalt  }
0x77: {  	_ =	shalt  }
0x78: {  	_ =	shalt  }
0x79: {  	_ =	shalt  }
0x7a: {  	_ =	shalt  }
0x7b: {  	_ =	shalt  }
0x7c: {  	_ =	shalt  }
0x7d: {  	_ =	shalt  }
0x7e: {  	_ =	shalt  }
0x7f: {  	_ =	shalt  }
0x80: {  	_ =	shalt  }
0x81: {  	_ =	shalt  }
0x82: {  	_ =	shalt  }
0x83: {  	_ =	shalt  }
0x84: {  	_ =	shalt  }
0x85: {  	_ =	shalt  }
0x86: {  	_ =	shalt  }
0x87: {  	_ =	shalt  }
.Lfunc_end0:
.L_simem_size_0:
called_computation.2_lowered:
.L_overlay_start_0:
0x88: {  	s2 =	sld [smem:$0x3FD9]  }
0x89: {  	s3 =	sld [smem:$0x3FFE];
	_ =	sdelay $0x1  }
0x8a: {  	s1 =	srdreg.scid  }
0x8b: {  	s0 =	sand.u32 $0x1, s1  }
0x8c: {  	s17 =	sshll.u32 s0, $0xA;
	s2 =	sadd.s32 s3, s2  }
0x8d: {  	s2 =	sadd.s32 s2, s17  }
0x8e: {  	[smem:$0x3FC0] =	sst s2  }
0x8f: {  	_ = 	snop  }
0x90: {  	s2 =	sld [smem:$0x3FD0];
	(tm) =	ssettm $0x1  }
0x91: {  	s18 =	sld [smem:$0x3FFB];
	_ =	sdelay $0x3  }
0x92: {  	_ =	strace s18  }
0x93: {  	s3 =	sld [smem:$0x3FFC];
	_ =	sdelay $0x3  }
0x94: {  	_ =	strace s3  }
0x95: {  	s3 =	sld [smem:$0x3FFD];
	_ =	sdelay $0x3  }
0x96: {  	_ =	strace s3  }
0x97: {  	_ =	strace $0x8FFFFFFF  }
0x98: {  	s19 =	sld [smem:$0x3FDB];
	_ =	sdelay $0x1  }
0x99: {  	s4 =	simm.s32 $_scs_section_size  }
0x9a: {  	s5 =	simm.s32 $_size__tile_overlayer_lowered;
	s6 =	simm.s32 $_tile_overlayer_lowered  }
0x9b: {  	s22 =	simm.s32 $0x1BFF;
	s21 =	sshll.u32 s6, $0x1;
	s3 =	sadd.s32 s4, s19  }
0x9c: {  	s7 =	simm.s32 $0x0;
	s20 =	sshll.u32 s5, $0x1;
	s5 =	sadd.s32 s21, s3  }
0x9d: {  	[timem:s7], [sflag:s22] =	dma.local [hbm:s5], s20  }
0x9e: {  	_ =	swait.ge [sflag:s22], s20  }
0x9f: {  	s4 =	ssub.s32 $0x0, s20;
	[sflag:s22] =	ssyncset.done $0x0  }
0xa0: {  	[sflag:s22] =	ssyncadd.s32 s4;
	_ =	sdelay $0x1  }
0xa1: {  	s23 =	simm.s32 $0x1B8B  }
0xa2: {  	_ =	swait.ge [sflag:s23], $0x1  }
0xa3: {  	[sflag:s23] =	ssyncset.done $0x0  }
0xa4: {  	s25 =	simm.s32 $0x1B8E;
	s24 =	sld [smem:$0x3FFE];
	[sflag:s23] =	ssyncadd.s32 $0xFFFFFFFF  }
0xa5: {  	s26 =	simm.s32 $execute0_lowered;
	[smem:$0x3FD2] =	sst s25  }
0xa6: {  	s5 =	sshll.u32 s26, $0x1;
	_ =	strace $0x8000004C;
	[dreg:$0x1] =	wrdreg $0xFFFFFFFF  }
0xa7: {  	s28 =	simm.s32 $_size_execute0_lowered;
	s3 =	sadd.s32 s3, s5;
	[dreg:$0x0] =	wrdreg $0x0  }
0xa8: {  	s5 =	sshll.u32 s28, $0x1;
	[dreg:$0x2] =	wrdreg s3  }
0xa9: {  	[dreg:$0x3] =	wrdreg s5  }
0xaa: {  	[dreg:$0x4] =	wrdreg $0xC0  }
0xab: {  	_ =	task [dreg:s7], $0x5FFFF  }
0xac: {  	[dreg:$0x1] =	wrdreg $0xFFFFFFFF  }
0xad: {  	[dreg:$0x0] =	wrdreg $0x60  }
0xae: {  	[dreg:$0x2] =	wrdreg s2  }
0xaf: {  	[dreg:$0x3] =	wrdreg s24  }
0xb0: {  	[dreg:$0x4] =	wrdreg $0x90000  }
0xb1: {  	[dreg:$0x5] =	wrdreg $0x9  }
0xb2: {  	_ =	task.clear_ibuf [dreg:s7], $0x6FFFF;
	_ =	strace $0x9000004C  }
0xb3: {  	s29 =	simm.s32 $0x9;
	_ =	strace $0x8000004E  }
0xb4: {  	_ =	swait.ge [sflag:s29], $0x1  }
0xb5: {  	[sflag:s29] =	ssyncadd.s32 $0xFFFFFFFF  }
0xb6: {  	_ =	strace $0x9000004E  }
0xb7: {  	_ =	sfence  }
0xb8: {  	s30 =	sld [smem:$0x0];
	_ =	sdelay $0x2  }
0xb9: {  	s31 =	sshll.u32 s1, $0xD;
	s1 =	sshrl.u32 s1, $0x2  }
0xba: {  	s3 =	sand.u32 $0x4000, s31;
	s1 =	sadd.s32 s1, s30  }
0xbb: {  	s0 =	sor.u32 s3, s0;
	s1 =	sshll.u32 s1, $0x11  }
0xbc: {  	s0 =	sor.u32 s1, s0  }
0xbd: {  	s0 =	sadd.s32 $0x8F2B, s0  }
0xbe: {  	[sflag:s0] =	ssyncadd.remote.s32 $0x1  }
0xbf: {  	_ =	sfence.sel $0xFFFF  }
0xc0: {  	[dreg:$0x0] =	wrdreg $0xFFFFFFFF;
	(pc) =	sbr.abs _section_cstart, $3  }
0xc1: {  	[dreg:$0x1] =	wrdreg $0xFFFFFFFF  }
0xc2: {  	_ =	task.clear_ibuf [dreg:s7], $0x2FFFF;
	_ =	strace $0x9FFFFFFF  }
0xc3: {  	(tm) =	ssettm $0x7FFFFFFF  }
tec
execute0_lowered:
.L_overlay_start_1:
0x0: {  	(tag) =	ssettag $0x1  }
0x1: {  	s1 =	rddreg [dreg:$0x0]  }
0x2: {  	s0 =	rddreg [dreg:$0x1]  }
0x3: {  	s2 =	rddreg [dreg:$0x2];
	s4 =	simm.s32 $0x0  }
0x4: {  	s13 =	stileid.u32;
	s3 =	srdreg.scid;
	s28 =	simm.s32 $0x800  }
0x5: {  	s29 =	simm.s32 $0xC00;
	s30 =	simm.s32 $0x3;
	s7 =	smul.u32 $0x50000, s13  }
0x6: {  	[smem:$0x7FF] =	sst s4;
	s5 =	sadd.s32 $0xCC00, s0;
	s17 =	smul.u32 $0x13800, s13  }
0x7: {  	s6 =	sadd.s32 $0x2C00, s0;
	s0 =	sadd.s32 $0x16C00, s0;
	s20 =	smul.u32 $0x4E000, s13  }
0x8: {  	s3 =	sand.u32 $0x1, s3;
	s21 =	smul.u32 $0x2800, s13;
	p0 =	seq.s32 s13, $0xF  }
0x9: {  	s31 =	simm.s32 $0x80;
	_ =	strace $0x8000004D;
	s15 =	smul.u32 $0x138800, s3  }
0xa: {  	s8 =	ssub.s32 $0x2, s3;
	s9 =	sshll.u32 s3, $0x4;
	s3 =	smul.u32 $0x28000, s3  }
0xb: {  	s7 =	sshrl.u32 s7, $0x2;
	s10 =	sshrl.u32 s8, $0x1;
	s9 =	sor.u32 s13, s9  }
0xc: {  	s24 =	sshrl.u32 s20, $0x2;
	s13 =	simm.s32 $0xA00;
	s11 =	sadd.s32 s7, s2  }
0xd: {  	s7 =	ssub.s32 s8, s10;
	s26 =	smul.u32 $0x2800, s9;
	s10 =	sadd.s32 s17, s15  }
0xe: {  	s23 =	sshrl.u32 s15, $0x3;
	s3 =	sadd.s32 s21, s3;
	s9 =	sadd.s32 $0x124800, s2  }
0xf: {  	s15 =	simm.s32 $0xA80;
	s25 =	sadd.s32 $0x4000, s11;
	[dreg:$0x4] =	wrdreg s11  }
0x10: {  	s17 =	simm.s32 $0xB00;
	s12 =	sadd.s32 $0x8000, s11;
	[dreg:$0x5] =	wrdreg s25  }
0x11: {  	s21 =	simm.s32 $0xB80;
	s14 =	sadd.s32 $0xC000, s11;
	[dreg:$0x6] =	wrdreg s12  }
0x12: {  	s16 =	sadd.s32 $0x10000, s11;
	s10 =	sshrl.u32 s10, $0x3;
	[dreg:$0x7] =	wrdreg s14  }
0x13: {  	s7 =	smax.u32 s7, $0x1;
	s11 =	simm.s32 $0x0;
	[dreg:$0x8] =	wrdreg s16  }
0x14: {  	s8 =	sshrl.u32 s26, $0x3;
	s22 =	sadd.s32 s0, s10;
	s0 =	sadd.s32 s0, s23  }
0x15: {  	s25 =	sadd.s32 $0xC00, s3;
	[dreg:$0xf] =	wrdreg s7;
	s26 =	sadd.s32 $0x800, s3  }
0x16: {  	s23 =	simm.s32 $0x5;
	s3 =	simm.s32 $0x1;
	s14 =	simm.s32 $0xD80  }
0x17: {  	s16 =	simm.s32 $0xE00;
	s7 =	simm.s32 $0xF80;
	[dreg:$0xd] =	wrdreg s22  }
0x18: {  	s18 =	sadd.s32 s5, s8;
	s19 =	sadd.s32 s6, s8;
	[dreg:$0x10] =	wrdreg s26  }
0x19: {  	s8 =	sor.u32 $0x80, s8;
	s0 =	sadd.s32 $0x24900, s0;
	[dreg:$0x9] =	wrdreg s18  }
0x1a: {  	s22 =	simm.s32 $0x1000;
	[dreg:$0xa] =	wrdreg s19;
	s12 =	sadd.s32 s5, s8  }
0x1b: {  	s8 =	sadd.s32 s6, s8;
	[dreg:$0xe] =	wrdreg s0;
	s0 =	sshrl.u32 s25, $0x3  }
.Ltmp0:
0x1c: {  	s25 =	simm.s32 $0x4;
	[dreg:$0xb] =	wrdreg s12;
	(pc) =	sbr.rel .LBB2_1-.Ltmp0, $4  }
0x1d: {  	s18 =	simm.s32 $0xE80;
	[dreg:$0xc] =	wrdreg s8;
	s8 =	sadd.s32 s24, s2  }
0x1e: {  	s19 =	sadd.s32 s0, s6;
	s20 =	sadd.s32 s0, s5;
	s0 =	sshrl.u32 @p0 s9, $0x3  }
0x1f: {  	s9 =	simm.s32 $0x2;
	[dreg:$0x11] =	wrdreg s0;
	s0 =	sshrl.u32 @!p0 s8, $0x3  }
0x20: {  	v0 =	vimm.f32 $0.0e+00;
	s24 =	simm.s32 $0xF00;
	[dreg:$0x12] =	wrdreg s0;
	s0 =	simm.s32 $0x5000  }
.LBB2_6:
0x21: {  	_ =	swait.ge [sflag:s9], $0x4000  }
0x22: {  	[sflag:s9] =	ssyncset.done $0x0  }
0x23: {  	[sflag:s9] =	ssyncadd.s32 $0xFFFFC000  }
0x24: {  	[spmem:s2] =	stream.indirect.scatter.add.f32 [tilespmem:s0], [sflag:$0x5], $0x80, s7, s31, $0xb8;
	[tilespmem:$0x1D000] =	vst v63  }
0x25: {  	_ =	swait.ge [sflag:s23], $0x4000  }
0x26: {  	[sflag:s23] =	ssyncset.done $0x0  }
0x27: {  	[sflag:s23] =	ssyncadd.s32 $0xFFFFC000  }
0x28: {  	[bflag:$0x0] =	sbarrier.arrive $0xFFFF  }
0x29: {  	s10 =	rddreg [dreg:$0xe]  }
0x2a: {  	s8 =	simm.s32 @p0 $0x1FC5;
	s11 =	rddreg [dreg:$0x11]  }
0x2b: {  	[hbm:s10], [sflag:s8] =	dma.local @p0 [spmem:s11], $0x2800  }
0x2c: {  	s8 =	simm.s32 @p0 $0x5  }
0x2d: {  	s10 =	stileid.u32;
	_ =	swait.ge @p0 [sflag:s8], $0x2800  }
0x2e: {  	s10 =	sshll.u32 @!p0 s10, $0x6;
	[sflag:s8] =	ssyncset.done @p0 $0x0;
	s11 =	rddreg [dreg:$0x12]  }
0x2f: {  	[sflag:s8] =	ssyncadd.s32 @p0 $0xFFFFD800;
	s8 =	sor.u32 @!p0 $0x1C05, s10;
	s10 =	rddreg [dreg:$0xd]  }
0x30: {  	[hbm:s10], [sflag:s8] =	dma.local @!p0 [spmem:s11], $0x2700  }
0x31: {  	s8 =	simm.s32 @!p0 $0x5  }
0x32: {  	_ =	swait.ge @!p0 [sflag:s8], $0x2700  }
0x33: {  	s12 =	rddreg [dreg:$0x13]  }
0x34: {  	s26 =	rddreg [dreg:$0xf];
	s11 =	sadd.s32 $0x1, s12  }
0x35: {  	p1 =	sne.s32 s11, s26  }
.Ltmp1:
0x36: {  	_ = 	snop;
	(pc) =	sbr.rel @!p1 .LBB2_7-.Ltmp1, $3  }
0x37: {  	_ =	sdelay $0x1  }
0x38: {  	[sflag:s8] =	ssyncset.done @!p0 $0x0  }
0x39: {  	[sflag:s8] =	ssyncadd.s32 @!p0 $0xFFFFD900  }
.LBB2_1:
0x3a: {  	[dreg:$0x13] =	wrdreg s11;
	s8 =	simm.s32 $0x0;
	s10 =	simm.s32 $0x200  }
.LBB2_2:
0x3b: {  	p1 =	sne.s32 s10, $0xFE00;
	[tilespmem:s8+$0x1070] =	vst v0  }
0x3c: {  	[tilespmem:s8+$0x1000] =	vst v0  }
0x3d: {  	[tilespmem:s8+$0x1010] =	vst v0  }
.Ltmp2:
0x3e: {  	[tilespmem:s8+$0x1020] =	vst v0;
	(pc) =	sbr.rel @p1 .LBB2_2-.Ltmp2, $4  }
0x3f: {  	[tilespmem:s8+$0x1030] =	vst v0  }
0x40: {  	[tilespmem:s8+$0x1040] =	vst v0  }
0x41: {  	[tilespmem:s8+$0x1050] =	vst v0  }
0x42: {  	[tilespmem:s8+$0x1060] =	vst v0;
	s8 =	sshra.s32 s10, $0x2;
	s10 =	sadd.s32 $0x200, s10  }
0x43: {  	[tilespmem:s8+$0x1070] =	vst v0  }
0x44: {  	[tilespmem:s8+$0x1000] =	vst v0  }
0x45: {  	[tilespmem:s8+$0x1010] =	vst v0  }
0x46: {  	[tilespmem:s8+$0x1020] =	vst v0  }
0x47: {  	[tilespmem:s8+$0x1030] =	vst v0  }
0x48: {  	[tilespmem:s8+$0x1040] =	vst v0  }
0x49: {  	[tilespmem:s8+$0x1050] =	vst v0  }
0x4a: {  	[tilespmem:s8+$0x1060] =	vst v0;
	s12 =	rddreg [dreg:$0x4]  }
0x4b: {  	[spmem:s12] =	stream.linear.scatter [tilespmem:s22], [sflag:$0x3], $0x4000, $0x38;
	[tilespmem:$0x1D000] =	vst v63  }
0x4c: {  	s26 =	rddreg [dreg:$0x5]  }
0x4d: {  	[spmem:s26] =	stream.linear.scatter [tilespmem:s22], [sflag:$0x3], $0x4000, $0x38;
	[tilespmem:$0x1D000] =	vst v63  }
0x4e: {  	s10 =	rddreg [dreg:$0x6]  }
0x4f: {  	[spmem:s10] =	stream.linear.scatter [tilespmem:s22], [sflag:$0x3], $0x4000, $0x38;
	[tilespmem:$0x1D000] =	vst v63  }
0x50: {  	s11 =	rddreg [dreg:$0x7]  }
0x51: {  	[spmem:s11] =	stream.linear.scatter [tilespmem:s22], [sflag:$0x3], $0x4000, $0x38;
	[tilespmem:$0x1D000] =	vst v63  }
0x52: {  	s12 =	rddreg [dreg:$0x8]  }
0x53: {  	[spmem:s12] =	stream.linear.scatter [tilespmem:s22], [sflag:$0x3], $0x4000, $0x38;
	[tilespmem:$0x1D000] =	vst v63  }
0x54: {  	s8 =	simm.s32 $0x0;
	s10 =	rddreg [dreg:$0x9]  }
0x55: {  	[tilespmem:s8], [sflag:$0x5] =	stream.linear.gather [hbm4b:s10+s8], $0x400, $0x38;
	[tilespmem:$0x1D000] =	vst v63  }
0x56: {  	_ =	swait.ge [sflag:s23], $0x400  }
0x57: {  	[sflag:s23] =	ssyncset.done $0x0  }
0x58: {  	s11 =	simm.s32 $0x400;
	s26 =	rddreg [dreg:$0xa];
	[sflag:s23] =	ssyncadd.s32 $0xFFFFFC00  }
0x59: {  	[tilespmem:s11], [sflag:$0x5] =	stream.linear.gather [hbm4b:s26+s8], $0x400, $0x38;
	[tilespmem:$0x1D000] =	vst v63  }
0x5a: {  	_ =	swait.ge [sflag:s23], $0x400  }
0x5b: {  	[sflag:s23] =	ssyncset.done $0x0  }
0x5c: {  	s12 =	rddreg [dreg:$0xb];
	[sflag:s23] =	ssyncadd.s32 $0xFFFFFC00  }
0x5d: {  	[tilespmem:s28], [sflag:$0x4] =	stream.linear.gather [hbm4b:s12+s8], $0x400, $0x38;
	[tilespmem:$0x1D000] =	vst v63  }
0x5e: {  	s26 =	rddreg [dreg:$0xc]  }
0x5f: {  	[tilespmem:s29], [sflag:$0x4] =	stream.linear.gather [hbm4b:s26+s8], $0x400, $0x38;
	[tilespmem:$0x1D000] =	vst v63  }
0x60: {  	_ =	swait.ge [sflag:s30], $0x4000  }
0x61: {  	[sflag:s30] =	ssyncset.done $0x0  }
0x62: {  	[sflag:s30] =	ssyncadd.s32 $0xFFFFC000  }
0x63: {  	_ =	swait.ge [sflag:s30], $0x4000  }
0x64: {  	[sflag:s30] =	ssyncset.done $0x0  }
0x65: {  	[sflag:s30] =	ssyncadd.s32 $0xFFFFC000  }
0x66: {  	_ =	swait.ge [sflag:s30], $0x4000  }
0x67: {  	[sflag:s30] =	ssyncset.done $0x0  }
0x68: {  	[sflag:s30] =	ssyncadd.s32 $0xFFFFC000  }
0x69: {  	_ =	swait.ge [sflag:s30], $0x4000  }
0x6a: {  	[sflag:s30] =	ssyncset.done $0x0  }
0x6b: {  	[sflag:s30] =	ssyncadd.s32 $0xFFFFC000  }
0x6c: {  	_ =	swait.ge [sflag:s30], $0x4000  }
0x6d: {  	[sflag:s30] =	ssyncset.done $0x0  }
0x6e: {  	[sflag:s30] =	ssyncadd.s32 $0xFFFFC000  }
0x6f: {  	[tilespmem:s22], [sflag:$0x1] =	stream.indirect.gather [hbm4b:s1+s31], $0x80, s8, s31, $0xb8;
	[tilespmem:$0x1D000] =	vst v63  }
0x70: {  	[bflag:$0x0] =	sbarrier.arrive $0xFFFF  }
0x71: {  	s10 =	rddreg [dreg:$0x10]  }
.LBB2_4:
0x72: {  	[tilespmem:s0], [sflag:$0x2] =	stream.indirect.gather [hbm4b:s1+s31], $0x80, s31, s31, $0xb8;
	[tilespmem:$0x1D000] =	vst v63  }
0x73: {  	_ =	swait.ge [sflag:s3], $0x4000  }
0x74: {  	[sflag:s3] =	ssyncset.done $0x0  }
0x75: {  	s11 =	simm.s32 $0x400;
	[sflag:s3] =	ssyncadd.s32 $0xFFFFC000  }
0x76: {  	[spmem:s2] =	stream.indirect.scatter.add.f32 [tilespmem:s22], [sflag:$0x5], $0x80, s11, s31, $0xb8;
	[tilespmem:$0x1D000] =	vst v63  }
0x77: {  	_ =	swait.ge [sflag:s23], $0x4000  }
0x78: {  	[sflag:s23] =	ssyncset.done $0x0  }
0x79: {  	s12 =	simm.s32 $0x100;
	[sflag:s23] =	ssyncadd.s32 $0xFFFFC000  }
0x7a: {  	[tilespmem:s22], [sflag:$0x1] =	stream.indirect.gather [hbm4b:s1+s31], $0x80, s12, s31, $0xb8;
	[tilespmem:$0x1D000] =	vst v63  }
0x7b: {  	_ =	swait.ge [sflag:s9], $0x4000  }
0x7c: {  	[sflag:s9] =	ssyncset.done $0x0  }
0x7d: {  	s26 =	simm.s32 $0x480;
	[sflag:s9] =	ssyncadd.s32 $0xFFFFC000  }
0x7e: {  	[spmem:s2] =	stream.indirect.scatter.add.f32 [tilespmem:s0], [sflag:$0x5], $0x80, s26, s31, $0xb8;
	[tilespmem:$0x1D000] =	vst v63  }
0x7f: {  	_ =	swait.ge [sflag:s23], $0x4000  }
0x80: {  	[sflag:s23] =	ssyncset.done $0x0  }
0x81: {  	s12 =	simm.s32 $0x180;
	[sflag:s23] =	ssyncadd.s32 $0xFFFFC000  }
0x82: {  	[tilespmem:s0], [sflag:$0x2] =	stream.indirect.gather [hbm4b:s1+s31], $0x80, s12, s31, $0xb8;
	[tilespmem:$0x1D000] =	vst v63  }
0x83: {  	_ =	swait.ge [sflag:s3], $0x4000  }
0x84: {  	[sflag:s3] =	ssyncset.done $0x0  }
0x85: {  	s26 =	simm.s32 $0x500;
	[sflag:s3] =	ssyncadd.s32 $0xFFFFC000  }
0x86: {  	[spmem:s2] =	stream.indirect.scatter.add.f32 [tilespmem:s22], [sflag:$0x5], $0x80, s26, s31, $0xb8;
	[tilespmem:$0x1D000] =	vst v63  }
0x87: {  	_ =	swait.ge [sflag:s23], $0x4000  }
0x88: {  	[sflag:s23] =	ssyncset.done $0x0  }
0x89: {  	s12 =	simm.s32 $0x200;
	[sflag:s23] =	ssyncadd.s32 $0xFFFFC000  }
0x8a: {  	[tilespmem:s22], [sflag:$0x1] =	stream.indirect.gather [hbm4b:s1+s31], $0x80, s12, s31, $0xb8;
	[tilespmem:$0x1D000] =	vst v63  }
0x8b: {  	_ =	swait.ge [sflag:s9], $0x4000  }
0x8c: {  	[sflag:s9] =	ssyncset.done $0x0  }
0x8d: {  	s26 =	simm.s32 $0x580;
	[sflag:s9] =	ssyncadd.s32 $0xFFFFC000  }
0x8e: {  	[spmem:s2] =	stream.indirect.scatter.add.f32 [tilespmem:s0], [sflag:$0x5], $0x80, s26, s31, $0xb8;
	[tilespmem:$0x1D000] =	vst v63  }
0x8f: {  	_ =	swait.ge [sflag:s23], $0x4000  }
0x90: {  	[sflag:s23] =	ssyncset.done $0x0  }
0x91: {  	s12 =	simm.s32 $0x280;
	[sflag:s23] =	ssyncadd.s32 $0xFFFFC000  }
0x92: {  	[tilespmem:s0], [sflag:$0x2] =	stream.indirect.gather [hbm4b:s1+s31], $0x80, s12, s31, $0xb8;
	[tilespmem:$0x1D000] =	vst v63  }
0x93: {  	_ =	swait.ge [sflag:s3], $0x4000  }
0x94: {  	[sflag:s3] =	ssyncset.done $0x0  }
0x95: {  	s26 =	simm.s32 $0x600;
	[sflag:s3] =	ssyncadd.s32 $0xFFFFC000  }
0x96: {  	[spmem:s2] =	stream.indirect.scatter.add.f32 [tilespmem:s22], [sflag:$0x5], $0x80, s26, s31, $0xb8;
	[tilespmem:$0x1D000] =	vst v63  }
0x97: {  	_ =	swait.ge [sflag:s23], $0x4000  }
0x98: {  	[sflag:s23] =	ssyncset.done $0x0  }
0x99: {  	s12 =	simm.s32 $0x300;
	[sflag:s23] =	ssyncadd.s32 $0xFFFFC000  }
0x9a: {  	[tilespmem:s22], [sflag:$0x1] =	stream.indirect.gather [hbm4b:s1+s31], $0x80, s12, s31, $0xb8;
	[tilespmem:$0x1D000] =	vst v63  }
0x9b: {  	_ =	swait.ge [sflag:s9], $0x4000  }
0x9c: {  	[sflag:s9] =	ssyncset.done $0x0  }
0x9d: {  	s26 =	simm.s32 $0x680;
	[sflag:s9] =	ssyncadd.s32 $0xFFFFC000  }
0x9e: {  	[spmem:s2] =	stream.indirect.scatter.add.f32 [tilespmem:s0], [sflag:$0x5], $0x80, s26, s31, $0xb8;
	[tilespmem:$0x1D000] =	vst v63  }
0x9f: {  	_ =	swait.ge [sflag:s23], $0x4000  }
0xa0: {  	[sflag:s23] =	ssyncset.done $0x0  }
0xa1: {  	s12 =	simm.s32 $0x380;
	[sflag:s23] =	ssyncadd.s32 $0xFFFFC000  }
0xa2: {  	[tilespmem:s0], [sflag:$0x2] =	stream.indirect.gather [hbm4b:s1+s31], $0x80, s12, s31, $0xb8;
	[tilespmem:$0x1D000] =	vst v63  }
0xa3: {  	_ =	swait.ge [sflag:s3], $0x4000  }
0xa4: {  	[sflag:s3] =	ssyncset.done $0x0  }
0xa5: {  	s26 =	simm.s32 $0x700;
	[sflag:s3] =	ssyncadd.s32 $0xFFFFC000  }
0xa6: {  	[spmem:s2] =	stream.indirect.scatter.add.f32 [tilespmem:s22], [sflag:$0x5], $0x80, s26, s31, $0xb8;
	[tilespmem:$0x1D000] =	vst v63  }
0xa7: {  	_ =	swait.ge [sflag:s23], $0x4000  }
0xa8: {  	[sflag:s23] =	ssyncset.done $0x0  }
0xa9: {  	[sflag:s23] =	ssyncadd.s32 $0xFFFFC000  }
0xaa: {  	_ =	swait.ge [sflag:s25], $0x400  }
0xab: {  	[sflag:s25] =	ssyncset.done $0x0  }
0xac: {  	[sflag:s25] =	ssyncadd.s32 $0xFFFFFC00  }
0xad: {  	_ =	swait.ge [sflag:s25], $0x400  }
0xae: {  	[sflag:s25] =	ssyncset.done $0x0  }
0xaf: {  	[sflag:s25] =	ssyncadd.s32 $0xFFFFFC00  }
0xb0: {  	[tilespmem:s22], [sflag:$0x1] =	stream.indirect.gather [hbm4b:s1+s31], $0x80, s28, s31, $0xb8;
	[tilespmem:$0x1D000] =	vst v63  }
0xb1: {  	_ =	swait.ge [sflag:s9], $0x4000  }
0xb2: {  	[sflag:s9] =	ssyncset.done $0x0  }
0xb3: {  	s12 =	simm.s32 $0x780;
	[sflag:s9] =	ssyncadd.s32 $0xFFFFC000  }
0xb4: {  	[spmem:s2] =	stream.indirect.scatter.add.f32 [tilespmem:s0], [sflag:$0x5], $0x80, s12, s31, $0xb8;
	[tilespmem:$0x1D000] =	vst v63  }
0xb5: {  	p1 =	seq.s32 s8, $0x400;
	_ =	swait.ge [sflag:s23], $0x4000  }
0xb6: {  	s26 =	sshrl.u32 @!p1 s10, $0x3;
	[sflag:s23] =	ssyncset.done $0x0  }
0xb7: {  	s11 =	sadd.s32 @!p1 s5, s26;
	s12 =	simm.s32 @!p1 $0x0;
	[sflag:s23] =	ssyncadd.s32 $0xFFFFC000  }
0xb8: {  	[tilespmem:s12], [sflag:$0x3] =	stream.linear.gather @!p1 [hbm4b:s11+s12], $0x400, $0x38;
	[tilespmem:$0x1D000] =	vst v63  }
0xb9: {  	s11 =	sadd.s32 @!p1 s6, s26;
	s26 =	simm.s32 @!p1 $0x400  }
0xba: {  	[tilespmem:s26], [sflag:$0x3] =	stream.linear.gather @!p1 [hbm4b:s11+s12], $0x400, $0x38;
	[tilespmem:$0x1D000] =	vst v63  }
0xbb: {  	s26 =	simm.s32 $0x880  }
0xbc: {  	[tilespmem:s0], [sflag:$0x2] =	stream.indirect.gather [hbm4b:s1+s31], $0x80, s26, s31, $0xb8;
	[tilespmem:$0x1D000] =	vst v63  }
0xbd: {  	_ =	swait.ge [sflag:s3], $0x4000  }
0xbe: {  	[sflag:s3] =	ssyncset.done $0x0  }
0xbf: {  	[sflag:s3] =	ssyncadd.s32 $0xFFFFC000  }
0xc0: {  	[spmem:s2] =	stream.indirect.scatter.add.f32 [tilespmem:s22], [sflag:$0x5], $0x80, s29, s31, $0xb8;
	[tilespmem:$0x1D000] =	vst v63  }
0xc1: {  	_ =	swait.ge [sflag:s23], $0x4000  }
0xc2: {  	[sflag:s23] =	ssyncset.done $0x0  }
0xc3: {  	s12 =	simm.s32 $0x900;
	[sflag:s23] =	ssyncadd.s32 $0xFFFFC000  }
0xc4: {  	[tilespmem:s22], [sflag:$0x1] =	stream.indirect.gather [hbm4b:s1+s31], $0x80, s12, s31, $0xb8;
	[tilespmem:$0x1D000] =	vst v63  }
0xc5: {  	_ =	swait.ge [sflag:s9], $0x4000  }
0xc6: {  	[sflag:s9] =	ssyncset.done $0x0  }
0xc7: {  	s26 =	simm.s32 $0xC80;
	[sflag:s9] =	ssyncadd.s32 $0xFFFFC000  }
0xc8: {  	[spmem:s2] =	stream.indirect.scatter.add.f32 [tilespmem:s0], [sflag:$0x5], $0x80, s26, s31, $0xb8;
	[tilespmem:$0x1D000] =	vst v63  }
0xc9: {  	_ =	swait.ge [sflag:s23], $0x4000  }
0xca: {  	[sflag:s23] =	ssyncset.done $0x0  }
0xcb: {  	s12 =	simm.s32 $0x980;
	[sflag:s23] =	ssyncadd.s32 $0xFFFFC000  }
0xcc: {  	[tilespmem:s0], [sflag:$0x2] =	stream.indirect.gather [hbm4b:s1+s31], $0x80, s12, s31, $0xb8;
	[tilespmem:$0x1D000] =	vst v63  }
0xcd: {  	_ =	swait.ge [sflag:s3], $0x4000  }
0xce: {  	[sflag:s3] =	ssyncset.done $0x0  }
0xcf: {  	s26 =	simm.s32 $0xD00;
	[sflag:s3] =	ssyncadd.s32 $0xFFFFC000  }
0xd0: {  	[spmem:s2] =	stream.indirect.scatter.add.f32 [tilespmem:s22], [sflag:$0x5], $0x80, s26, s31, $0xb8;
	[tilespmem:$0x1D000] =	vst v63  }
0xd1: {  	_ =	swait.ge [sflag:s23], $0x4000  }
0xd2: {  	[sflag:s23] =	ssyncset.done $0x0  }
0xd3: {  	[sflag:s23] =	ssyncadd.s32 $0xFFFFC000  }
0xd4: {  	[tilespmem:s22], [sflag:$0x1] =	stream.indirect.gather [hbm4b:s1+s31], $0x80, s13, s31, $0xb8;
	[tilespmem:$0x1D000] =	vst v63  }
0xd5: {  	_ =	swait.ge [sflag:s9], $0x4000  }
0xd6: {  	[sflag:s9] =	ssyncset.done $0x0  }
0xd7: {  	[sflag:s9] =	ssyncadd.s32 $0xFFFFC000  }
0xd8: {  	[spmem:s2] =	stream.indirect.scatter.add.f32 [tilespmem:s0], [sflag:$0x5], $0x80, s14, s31, $0xb8;
	[tilespmem:$0x1D000] =	vst v63  }
0xd9: {  	_ =	swait.ge [sflag:s23], $0x4000  }
0xda: {  	[sflag:s23] =	ssyncset.done $0x0  }
0xdb: {  	[sflag:s23] =	ssyncadd.s32 $0xFFFFC000  }
0xdc: {  	[tilespmem:s0], [sflag:$0x2] =	stream.indirect.gather [hbm4b:s1+s31], $0x80, s15, s31, $0xb8;
	[tilespmem:$0x1D000] =	vst v63  }
0xdd: {  	_ =	swait.ge [sflag:s3], $0x4000  }
0xde: {  	[sflag:s3] =	ssyncset.done $0x0  }
0xdf: {  	[sflag:s3] =	ssyncadd.s32 $0xFFFFC000  }
0xe0: {  	[spmem:s2] =	stream.indirect.scatter.add.f32 [tilespmem:s22], [sflag:$0x5], $0x80, s16, s31, $0xb8;
	[tilespmem:$0x1D000] =	vst v63  }
0xe1: {  	_ =	swait.ge [sflag:s23], $0x4000  }
0xe2: {  	[sflag:s23] =	ssyncset.done $0x0  }
0xe3: {  	[sflag:s23] =	ssyncadd.s32 $0xFFFFC000  }
0xe4: {  	[tilespmem:s22], [sflag:$0x1] =	stream.indirect.gather [hbm4b:s1+s31], $0x80, s17, s31, $0xb8;
	[tilespmem:$0x1D000] =	vst v63  }
0xe5: {  	_ =	swait.ge [sflag:s9], $0x4000  }
0xe6: {  	[sflag:s9] =	ssyncset.done $0x0  }
0xe7: {  	[sflag:s9] =	ssyncadd.s32 $0xFFFFC000  }
0xe8: {  	[spmem:s2] =	stream.indirect.scatter.add.f32 [tilespmem:s0], [sflag:$0x5], $0x80, s18, s31, $0xb8;
	[tilespmem:$0x1D000] =	vst v63  }
0xe9: {  	_ =	swait.ge [sflag:s23], $0x4000  }
0xea: {  	[sflag:s23] =	ssyncset.done $0x0  }
0xeb: {  	[sflag:s23] =	ssyncadd.s32 $0xFFFFC000  }
0xec: {  	[tilespmem:s0], [sflag:$0x2] =	stream.indirect.gather [hbm4b:s1+s31], $0x80, s21, s31, $0xb8;
	[tilespmem:$0x1D000] =	vst v63  }
0xed: {  	_ =	swait.ge [sflag:s3], $0x4000  }
0xee: {  	[sflag:s3] =	ssyncset.done $0x0  }
.Ltmp3:
0xef: {  	[sflag:s3] =	ssyncadd.s32 $0xFFFFC000;
	(pc) =	sbr.rel @p1 .LBB2_6-.Ltmp3, $4  }
0xf0: {  	[spmem:s2] =	stream.indirect.scatter.add.f32 [tilespmem:s22], [sflag:$0x5], $0x80, s24, s31, $0xb8;
	[tilespmem:$0x1D000] =	vst v63  }
0xf1: {  	_ =	swait.ge [sflag:s23], $0x4000  }
0xf2: {  	[sflag:s23] =	ssyncset.done $0x0  }
0xf3: {  	[sflag:s23] =	ssyncadd.s32 $0xFFFFC000  }
0xf4: {  	_ =	swait.ge [sflag:s30], $0x400  }
0xf5: {  	[sflag:s30] =	ssyncset.done $0x0  }
0xf6: {  	[sflag:s30] =	ssyncadd.s32 $0xFFFFFC00  }
0xf7: {  	_ =	swait.ge [sflag:s30], $0x400  }
0xf8: {  	[sflag:s30] =	ssyncset.done $0x0  }
0xf9: {  	[sflag:s30] =	ssyncadd.s32 $0xFFFFFC00  }
0xfa: {  	[tilespmem:s22], [sflag:$0x1] =	stream.indirect.gather [hbm4b:s1+s31], $0x80, s4, s31, $0xb8;
	[tilespmem:$0x1D000] =	vst v63  }
0xfb: {  	_ =	swait.ge [sflag:s9], $0x4000  }
0xfc: {  	[sflag:s9] =	ssyncset.done $0x0  }
0xfd: {  	[sflag:s9] =	ssyncadd.s32 $0xFFFFC000  }
0xfe: {  	[spmem:s2] =	stream.indirect.scatter.add.f32 [tilespmem:s0], [sflag:$0x5], $0x80, s7, s31, $0xb8;
	[tilespmem:$0x1D000] =	vst v63  }
0xff: {  	_ =	swait.ge [sflag:s23], $0x4000  }
.Ltmp4:
0x100: {  	[sflag:s23] =	ssyncset.done $0x0;
	(pc) =	sbr.rel .LBB2_4-.Ltmp4, $4  }
0x101: {  	s11 =	sadd.s32 s8, s20;
	[sflag:s23] =	ssyncadd.s32 $0xFFFFC000  }
0x102: {  	[tilespmem:s28], [sflag:$0x4] =	stream.linear.gather [hbm4b:s11+s4], $0x400, $0x38;
	[tilespmem:$0x1D000] =	vst v63  }
0x103: {  	s26 =	sadd.s32 s8, s19;
	s8 =	sadd.s32 $0x100, s8;
	s10 =	sadd.s32 $0x800, s10  }
0x104: {  	[tilespmem:s29], [sflag:$0x4] =	stream.linear.gather [hbm4b:s26+s4], $0x400, $0x38;
	[tilespmem:$0x1D000] =	vst v63  }
.LBB2_7:
0x105: {  	_ =	sfence.sel $0x180000  }
0x106: {  	[bflag:$0x0] =	sbarrier.arrive $0xFFFF  }
0x107: {  	_ =	strace $0x9000004D  }
0x108: {  	s0 =	stileid.u32;
	[bflag:$0x2] =	sbarrier.arrive $0xFFFF  }
0x109: {  	p0 =	sne.s32 s0, $0x0;
	s0 =	rddreg [dreg:$0x3]  }
0x10a: {  	s0 =	sadd.s32 @!p0 $0x100000, s0  }
0x10b: {  	[sflag:s0] =	ssyncadd.tile.s32 @!p0 $0x1;
	_ =	shalt  }
.Lfunc_end2:
_tile_overlayer_lowered:
.L_overlay_start_2:
0x10c: {  	(tag) =	ssettag $0x2  }
0x10d: {  	s0 =	rddreg [dreg:$0x0];
	s2 =	stileid.u32  }
0x10e: {  	s1 =	rddreg [dreg:$0x1];
	p0 =	sne.s32 s2, $0x0  }
0x10f: {  	s3 =	rddreg [dreg:$0x2];
	[bflag:$0x3] =	sbarrier.arrive $0xFFFF;
	s2 =	simm.s32 @!p0 $0x1C05  }
0x110: {  	[timem:s3], [sflag:s2] =	dma.local @!p0 [hbm:s0], s1  }
0x111: {  	s0 =	simm.s32 @!p0 $0x5  }
0x112: {  	_ =	swait.ge @!p0 [sflag:s0], s1  }
0x113: {  	s1 =	ssub.s32 @!p0 $0x0, s1;
	[sflag:s0] =	ssyncset.done @!p0 $0x0  }
0x114: {  	[sflag:s0] =	ssyncadd.s32 @!p0 s1  }
0x115: {  	[bflag:$0x3] =	sbarrier.arrive $0xFFFF  }
0x116: {  	_ =	shalt  }

// kernel: kernel.8.cloned.1.call-start
scs
__scs_entry_jumppad:
0x0: {  	(pc) =	sbr.rel $0x88, $3  }
0x1: {  	(tag) =	ssettag $0x0;
	lr =	simm.s32 $0x1  }
0x2: {  	[smem:$0x3F99] =	sst lr;
	_ =	strace $0xD0000000  }
0x3: {  	_ = 	snop  }
0x4: {  	_ = 	snop  }
0x5: {  	_ = 	snop  }
0x6: {  	_ = 	snop  }
0x7: {  	_ = 	snop  }
__scs_overlays_trampoline_lowered:
0x8: {  	[smem:$0x3FA8] =	sst s0  }
0x9: {  	[smem:$0x3FA9] =	sst s1  }
0xa: {  	[smem:$0x3FAA] =	sst s2  }
0xb: {  	[smem:$0x3FAB] =	sst s3  }
0xc: {  	[smem:$0x3FAC] =	sst s4  }
0xd: {  	[smem:$0x3FAD] =	sst s5  }
0xe: {  	[smem:$0x3FAE] =	sst s6  }
0xf: {  	[smem:$0x3FAF] =	sst s7  }
0x10: {  	[smem:$0x3FB0] =	sst s8  }
0x11: {  	[smem:$0x3FB1] =	sst s9;
	s0 =	simm.s32 @!p0 $0x0  }
0x12: {  	s1 =	sld [smem:$0x3F97];
	s0 =	simm.s32 @p0 $0x1  }
0x13: {  	[smem:$0x3FB2] =	sst s0;
	s0 =	simm.s32 @!p1 $0x0  }
0x14: {  	s2 =	sld [smem:$0x3F96];
	s0 =	simm.s32 @p1 $0x1  }
0x15: {  	[smem:$0x3FB3] =	sst s0;
	s0 =	simm.s32 @!p2 $0x0  }
0x16: {  	s3 =	sld [smem:$0x3FDB];
	s0 =	simm.s32 @p2 $0x1  }
0x17: {  	s4 =	simm.s32 $0x1BF5;
	[smem:$0x3FB5] =	sst s0  }
0x18: {  	s0 =	sld [smem:$0x3F98];
	_ =	swait.ge [sflag:s4], $0x0  }
0x19: {  	s7 =	sld [smem:$0x3F99]  }
0x1a: {  	s8 =	sadd.s32 $0xFFFFE003, lr  }
0x1b: {  	s9 =	sadd.s32 $0xFFFFFEF7, lr;
	s5 =	simm.s32 $0xFFFFFFFF;
	p2 =	slt.u32 s8, $0xFFFFF086  }
0x1c: {  	p1 =	slt.u32 s9, $0xF7A;
	s5 =	simm.s32 @!p2 $0x0  }
0x1d: {  	s5 =	simm.s32 @p1 $0x1;
	p0 =	seq.s32 s7, s2  }
0x1e: {  	s7 =	smul.u32 @!p0 $0xF7A, s2;
	p2 =	seq.s32 @!p0 s5, $0x0  }
0x1f: {  	s9 =	smul.u32 $0xF7A, s1;
	s8 =	simm.s32 @!p0 $0x1BF5;
	p2 =	por !p2, p0  }
0x20: {  	[sflag:s8] =	ssyncset.s32 @!p0 $0xFFFFF086;
	s6 =	sadd.s32 @!p0 s3, s7;
	s7 =	simm.s32 @!p0 $0x108  }
0x21: {  	s3 =	sadd.s32 s3, s9;
	s6 =	sadd.s32 @!p0 $0x88, s6;
	s7 =	simm.s32 @p2 $0x1082  }
0x22: {  	[simem:s7], [sflag:s8] =	dma.local @!p0 [hbm:s6], $0xF7A  }
0x23: {  	s9 =	sor.u32 $0xD0000000, s2;
	s6 =	simm.s32 $0x108;
	_ =	swait.ge @!p0 [sflag:s8], $0x0  }
0x24: {  	s3 =	sadd.s32 $0x88, s3;
	s6 =	simm.s32 @!p1 $0x1082;
	[sflag:s4] =	ssyncset.s32 $0xFFFFF086  }
0x25: {  	[simem:s6], [sflag:s4] =	dma.local [hbm:s3], $0xF7A  }
0x26: {  	[smem:$0x3F99] =	sst s1;
	(tag) =	ssettag s2;
	_ =	strace s9  }
0x27: {  	s1 =	sld [smem:$0x3FA9]  }
0x28: {  	s2 =	sld [smem:$0x3FAA]  }
0x29: {  	s4 =	sld [smem:$0x3FAC]  }
0x2a: {  	p0 =	seq.s32 s5, $0x0;
	s5 =	sld [smem:$0x3FAD]  }
0x2b: {  	s6 =	sld [smem:$0x3FAE]  }
0x2c: {  	s7 =	sld [smem:$0x3FAF]  }
0x2d: {  	s3 =	simm.s32 $0x108;
	s8 =	sld [smem:$0x3FB0]  }
0x2e: {  	s3 =	simm.s32 @!p0 $0x1082;
	s9 =	sld [smem:$0x3FB1]  }
0x2f: {  	lr =	sadd.s32 s0, s3;
	s0 =	sld [smem:$0x3FA8]  }
0x30: {  	s3 =	sld [smem:$0x3FAB]  }
0x31: {  	[smem:$0x3FB4] =	sst s10  }
0x32: {  	s10 =	sld [smem:$0x3FB2];
	_ =	sdelay $0x3  }
0x33: {  	p0 =	seq.s32 s10, $0x1;
	s10 =	sld [smem:$0x3FB4];
	_ =	sdelay $0x3  }
0x34: {  	[smem:$0x3FB4] =	sst s10  }
0x35: {  	s10 =	sld [smem:$0x3FB3];
	_ =	sdelay $0x3  }
0x36: {  	p1 =	seq.s32 s10, $0x1;
	s10 =	sld [smem:$0x3FB4];
	_ =	sdelay $0x3  }
0x37: {  	[smem:$0x3FB4] =	sst s10  }
0x38: {  	s10 =	sld [smem:$0x3FB5]  }
0x39: {  	_ = 	snop;
	(pc) =	sbr.ind lr, $3  }
0x3a: {  	_ = 	snop  }
0x3b: {  	_ = 	snop  }
0x3c: {  	p2 =	seq.s32 s10, $0x1;
	s10 =	sld [smem:$0x3FB4]  }
0x3d: {  	_ =	shalt  }
0x3e: {  	_ =	shalt  }
0x3f: {  	_ =	shalt  }
0x40: {  	_ =	shalt  }
0x41: {  	_ =	shalt  }
0x42: {  	_ =	shalt  }
0x43: {  	_ =	shalt  }
0x44: {  	_ =	shalt  }
0x45: {  	_ =	shalt  }
0x46: {  	_ =	shalt  }
0x47: {  	_ =	shalt  }
0x48: {  	_ =	shalt  }
0x49: {  	_ =	shalt  }
0x4a: {  	_ =	shalt  }
0x4b: {  	_ =	shalt  }
0x4c: {  	_ =	shalt  }
0x4d: {  	_ =	shalt  }
0x4e: {  	_ =	shalt  }
0x4f: {  	_ =	shalt  }
0x50: {  	_ =	shalt  }
0x51: {  	_ =	shalt  }
0x52: {  	_ =	shalt  }
0x53: {  	_ =	shalt  }
0x54: {  	_ =	shalt  }
0x55: {  	_ =	shalt  }
0x56: {  	_ =	shalt  }
0x57: {  	_ =	shalt  }
0x58: {  	_ =	shalt  }
0x59: {  	_ =	shalt  }
0x5a: {  	_ =	shalt  }
0x5b: {  	_ =	shalt  }
0x5c: {  	_ =	shalt  }
0x5d: {  	_ =	shalt  }
0x5e: {  	_ =	shalt  }
0x5f: {  	_ =	shalt  }
0x60: {  	_ =	shalt  }
0x61: {  	_ =	shalt  }
0x62: {  	_ =	shalt  }
0x63: {  	_ =	shalt  }
0x64: {  	_ =	shalt  }
0x65: {  	_ =	shalt  }
0x66: {  	_ =	shalt  }
0x67: {  	_ =	shalt  }
0x68: {  	_ =	shalt  }
0x69: {  	_ =	shalt  }
0x6a: {  	_ =	shalt  }
0x6b: {  	_ =	shalt  }
0x6c: {  	_ =	shalt  }
0x6d: {  	_ =	shalt  }
0x6e: {  	_ =	shalt  }
0x6f: {  	_ =	shalt  }
0x70: {  	_ =	shalt  }
0x71: {  	_ =	shalt  }
0x72: {  	_ =	shalt  }
0x73: {  	_ =	shalt  }
0x74: {  	_ =	shalt  }
0x75: {  	_ =	shalt  }
0x76: {  	_ =	shalt  }
0x77: {  	_ =	shalt  }
0x78: {  	_ =	shalt  }
0x79: {  	_ =	shalt  }
0x7a: {  	_ =	shalt  }
0x7b: {  	_ =	shalt  }
0x7c: {  	_ =	shalt  }
0x7d: {  	_ =	shalt  }
0x7e: {  	_ =	shalt  }
0x7f: {  	_ =	shalt  }
0x80: {  	_ =	shalt  }
0x81: {  	_ =	shalt  }
0x82: {  	_ =	shalt  }
0x83: {  	_ =	shalt  }
0x84: {  	_ =	shalt  }
0x85: {  	_ =	shalt  }
0x86: {  	_ =	shalt  }
0x87: {  	_ =	shalt  }
.Lfunc_end0:
.L_simem_size_0:
called_computation_lowered:
.L_overlay_start_0:
0x88: {  	s2 =	sld [smem:$0x3FD9]  }
0x89: {  	s3 =	sld [smem:$0x3FFE];
	_ =	sdelay $0x1  }
0x8a: {  	s1 =	srdreg.scid  }
0x8b: {  	s0 =	sand.u32 $0x1, s1  }
0x8c: {  	s16 =	sshll.u32 s0, $0xA;
	s2 =	sadd.s32 s3, s2  }
0x8d: {  	s2 =	sadd.s32 s2, s16  }
0x8e: {  	[smem:$0x3FC0] =	sst s2  }
0x8f: {  	_ = 	snop  }
0x90: {  	(tm) =	ssettm $0x1  }
0x91: {  	s17 =	sld [smem:$0x3FFB];
	_ =	sdelay $0x3  }
0x92: {  	_ =	strace s17  }
0x93: {  	s2 =	sld [smem:$0x3FFC];
	_ =	sdelay $0x3  }
0x94: {  	_ =	strace s2  }
0x95: {  	s2 =	sld [smem:$0x3FFD];
	_ =	sdelay $0x3  }
0x96: {  	_ =	strace s2  }
0x97: {  	_ =	strace $0x8FFFFFFF  }
0x98: {  	s18 =	sld [smem:$0x3FDB];
	_ =	sdelay $0x1  }
0x99: {  	s19 =	simm.s32 $_scs_section_size  }
0x9a: {  	s4 =	simm.s32 $_size__tile_overlayer_lowered;
	s5 =	simm.s32 $_tile_overlayer_lowered  }
0x9b: {  	s22 =	simm.s32 $0x1BFF;
	s21 =	sshll.u32 s5, $0x1;
	s2 =	sadd.s32 s19, s18  }
0x9c: {  	s6 =	simm.s32 $0x0;
	s20 =	sshll.u32 s4, $0x1;
	s4 =	sadd.s32 s21, s2  }
0x9d: {  	[timem:s6], [sflag:s22] =	dma.local [hbm:s4], s20  }
0x9e: {  	_ =	swait.ge [sflag:s22], s20  }
0x9f: {  	s3 =	ssub.s32 $0x0, s20;
	[sflag:s22] =	ssyncset.done $0x0  }
0xa0: {  	[sflag:s22] =	ssyncadd.s32 s3;
	_ =	sdelay $0x1  }
0xa1: {  	s23 =	simm.s32 $0x1B8B  }
0xa2: {  	_ =	swait.ge [sflag:s23], $0x1  }
0xa3: {  	[sflag:s23] =	ssyncset.done $0x0  }
0xa4: {  	s25 =	simm.s32 $0x1B8E;
	s24 =	sld [smem:$0x3FFE];
	[sflag:s23] =	ssyncadd.s32 $0xFFFFFFFF  }
0xa5: {  	s26 =	simm.s32 $execute0_lowered;
	[smem:$0x3FD2] =	sst s25  }
0xa6: {  	s4 =	sshll.u32 s26, $0x1;
	_ =	strace $0x80000046;
	[dreg:$0x1] =	wrdreg $0xFFFFFFFF  }
0xa7: {  	s28 =	simm.s32 $_size_execute0_lowered;
	s2 =	sadd.s32 s2, s4;
	[dreg:$0x0] =	wrdreg $0x0  }
0xa8: {  	s4 =	sshll.u32 s28, $0x1;
	[dreg:$0x2] =	wrdreg s2  }
0xa9: {  	[dreg:$0x3] =	wrdreg s4  }
0xaa: {  	[dreg:$0x4] =	wrdreg $0xC0  }
0xab: {  	_ =	task [dreg:s6], $0x5FFFF  }
0xac: {  	[dreg:$0x1] =	wrdreg $0xFFFFFFFF  }
0xad: {  	[dreg:$0x0] =	wrdreg $0x60  }
0xae: {  	[dreg:$0x2] =	wrdreg s24  }
0xaf: {  	[dreg:$0x3] =	wrdreg $0xA8000  }
0xb0: {  	[dreg:$0x4] =	wrdreg $0x9  }
0xb1: {  	_ =	task.clear_ibuf [dreg:s6], $0x5FFFF;
	_ =	strace $0x90000046  }
0xb2: {  	s29 =	simm.s32 $0x9;
	_ =	strace $0x80000048  }
0xb3: {  	_ =	swait.ge [sflag:s29], $0x1  }
0xb4: {  	[sflag:s29] =	ssyncadd.s32 $0xFFFFFFFF  }
0xb5: {  	_ =	strace $0x90000048  }
0xb6: {  	_ =	sfence  }
0xb7: {  	s30 =	sld [smem:$0x0];
	_ =	sdelay $0x2  }
0xb8: {  	s31 =	sshll.u32 s1, $0xD;
	s1 =	sshrl.u32 s1, $0x2  }
0xb9: {  	s3 =	sand.u32 $0x4000, s31;
	s1 =	sadd.s32 s1, s30  }
0xba: {  	s0 =	sor.u32 s3, s0;
	s1 =	sshll.u32 s1, $0x11  }
0xbb: {  	s0 =	sor.u32 s1, s0  }
0xbc: {  	s0 =	sadd.s32 $0x8F2B, s0  }
0xbd: {  	[sflag:s0] =	ssyncadd.remote.s32 $0x1  }
0xbe: {  	_ =	sfence.sel $0xFFFF  }
0xbf: {  	[dreg:$0x0] =	wrdreg $0xFFFFFFFF;
	(pc) =	sbr.abs _section_cstart, $3  }
0xc0: {  	[dreg:$0x1] =	wrdreg $0xFFFFFFFF  }
0xc1: {  	_ =	task.clear_ibuf [dreg:s6], $0x2FFFF;
	_ =	strace $0x9FFFFFFF  }
0xc2: {  	(tm) =	ssettm $0x7FFFFFFF  }
0xc3: {  	_ =	shalt  }
tec
execute0_lowered:
.L_overlay_start_1:
0x0: {  	(tag) =	ssettag $0x1  }
0x1: {  	s0 =	srdreg.scid;
	s4 =	rddreg [dreg:$0x0]  }
0x2: {  	s2 =	rddreg [dreg:$0x1];
	s1 =	stileid.u32  }
0x3: {  	s3 =	simm.s32 $0x0;
	s16 =	simm.s32 $0x80;
	s17 =	simm.s32 $0x2800  }
0x4: {  	s5 =	sand.u32 $0x1, s0;
	s0 =	rddreg [dreg:$0x2];
	s7 =	smul.u32 $0x50000, s1  }
0x5: {  	[smem:$0x7FF] =	sst s3;
	s11 =	sadd.s32 $0x16C00, s4;
	s13 =	smul.u32 $0x13800, s1  }
0x6: {  	s14 =	smul.u32 $0x4E000, s1;
	s18 =	sadd.s32 $0x124800, s2;
	p0 =	seq.s32 s1, $0xF  }
0x7: {  	s6 =	sshll.u32 s5, $0x4;
	_ =	strace $0x80000047;
	s29 =	ssub.s32 $0x2, s5  }
0x8: {  	s10 =	smul.u32 $0x138800, s5;
	s18 =	sshrl.u32 @p0 s18, $0x3;
	s6 =	sor.u32 s1, s6  }
0x9: {  	s30 =	sshrl.u32 s29, $0x1;
	s7 =	sshrl.u32 s7, $0x2;
	s31 =	sshrl.u32 s14, $0x2  }
0xa: {  	s14 =	simm.s32 $0x2;
	s6 =	smul.u32 $0x500, s6;
	s12 =	ssub.s32 s29, s30  }
0xb: {  	s13 =	sadd.s32 s13, s10;
	s15 =	sshrl.u32 s10, $0x3;
	s19 =	sadd.s32 s31, s2  }
0xc: {  	s13 =	sshrl.u32 s13, $0x3;
	s12 =	smax.u32 s12, $0x1;
	s19 =	sshrl.u32 @!p0 s19, $0x3  }
0xd: {  	s9 =	sadd.s32 s6, s4;
	s4 =	sadd.s32 s7, s2;
	s10 =	sadd.s32 s11, s13  }
0xe: {  	s11 =	sadd.s32 s11, s15;
	s13 =	simm.s32 $0x6800;
	s15 =	simm.s32 $0x1  }
0xf: {  	s5 =	sadd.s32 $0x4000, s4;
	s6 =	sadd.s32 $0x8000, s4;
	s7 =	sadd.s32 $0xC000, s4  }
0x10: {  	v0 =	vimm.f32 $1.000000000e+00;
	v1 =	vimm.f32 $0.0e+00;
	s8 =	sadd.s32 $0x10000, s4;
	s9 =	sadd.s32 $0x2C00, s9;
	s11 =	sadd.s32 $0x24900, s11  }
.LBB2_1:
0x11: {  	s20 =	simm.s32 $0x0;
	s21 =	simm.s32 $0x200  }
.LBB2_2:
0x12: {  	p1 =	sne.s32 s21, $0xFE00;
	[tilespmem:s20+$0x2870] =	vst v0  }
0x13: {  	[tilespmem:s20+$0x2800] =	vst v0  }
0x14: {  	[tilespmem:s20+$0x2810] =	vst v0  }
.Ltmp0:
0x15: {  	[tilespmem:s20+$0x2820] =	vst v0;
	(pc) =	sbr.rel @p1 .LBB2_2-.Ltmp0, $4  }
0x16: {  	[tilespmem:s20+$0x2830] =	vst v0  }
0x17: {  	[tilespmem:s20+$0x2840] =	vst v0  }
0x18: {  	[tilespmem:s20+$0x2850] =	vst v0  }
0x19: {  	[tilespmem:s20+$0x2860] =	vst v0;
	s20 =	sshra.s32 s21, $0x2;
	s21 =	sadd.s32 $0x200, s21  }
0x1a: {  	[tilespmem:s20+$0x2870] =	vst v0  }
0x1b: {  	[tilespmem:s20+$0x2800] =	vst v0  }
0x1c: {  	[tilespmem:s20+$0x2810] =	vst v0  }
0x1d: {  	[tilespmem:s20+$0x2820] =	vst v0  }
0x1e: {  	[tilespmem:s20+$0x2830] =	vst v0  }
0x1f: {  	[tilespmem:s20+$0x2840] =	vst v0  }
0x20: {  	[tilespmem:s20+$0x2850] =	vst v0  }
0x21: {  	[tilespmem:s20+$0x2860] =	vst v0;
	s20 =	simm.s32 $0x0;
	s21 =	simm.s32 $0x200  }
.LBB2_4:
0x22: {  	p1 =	sne.s32 s21, $0xFE00;
	[tilespmem:s20+$0x6870] =	vst v1  }
0x23: {  	[tilespmem:s20+$0x6800] =	vst v1  }
0x24: {  	[tilespmem:s20+$0x6810] =	vst v1  }
.Ltmp1:
0x25: {  	[tilespmem:s20+$0x6820] =	vst v1;
	(pc) =	sbr.rel @p1 .LBB2_4-.Ltmp1, $4  }
0x26: {  	[tilespmem:s20+$0x6830] =	vst v1  }
0x27: {  	[tilespmem:s20+$0x6840] =	vst v1  }
0x28: {  	[tilespmem:s20+$0x6850] =	vst v1  }
0x29: {  	[tilespmem:s20+$0x6860] =	vst v1;
	s20 =	sshra.s32 s21, $0x2;
	s21 =	sadd.s32 $0x200, s21  }
0x2a: {  	[tilespmem:s20+$0x6870] =	vst v1  }
0x2b: {  	[tilespmem:s20+$0x6800] =	vst v1  }
0x2c: {  	[tilespmem:s20+$0x6810] =	vst v1  }
0x2d: {  	[tilespmem:s20+$0x6820] =	vst v1  }
0x2e: {  	[tilespmem:s20+$0x6830] =	vst v1  }
0x2f: {  	[tilespmem:s20+$0x6840] =	vst v1  }
0x30: {  	[tilespmem:s20+$0x6850] =	vst v1  }
0x31: {  	[tilespmem:s20+$0x6860] =	vst v1  }
0x32: {  	[spmem:s4] =	stream.linear.scatter [tilespmem:s13], [sflag:$0x1], $0x4000, $0x38;
	[tilespmem:$0x1E800] =	vst v63  }
0x33: {  	_ = 	snop  }
0x34: {  	[spmem:s5] =	stream.linear.scatter [tilespmem:s13], [sflag:$0x1], $0x4000, $0x38;
	[tilespmem:$0x1E800] =	vst v63  }
0x35: {  	_ = 	snop  }
0x36: {  	[spmem:s6] =	stream.linear.scatter [tilespmem:s13], [sflag:$0x1], $0x4000, $0x38;
	[tilespmem:$0x1E800] =	vst v63  }
0x37: {  	_ = 	snop  }
0x38: {  	[spmem:s7] =	stream.linear.scatter [tilespmem:s13], [sflag:$0x1], $0x4000, $0x38;
	[tilespmem:$0x1E800] =	vst v63  }
0x39: {  	_ = 	snop  }
0x3a: {  	[spmem:s8] =	stream.linear.scatter [tilespmem:s13], [sflag:$0x1], $0x4000, $0x38;
	[tilespmem:$0x1E800] =	vst v63  }
0x3b: {  	s20 =	simm.s32 $0x0  }
0x3c: {  	[tilespmem:s20], [sflag:$0x2] =	stream.linear.gather [hbm4b:s9+s20], $0x2800, $0x38;
	[tilespmem:$0x1E800] =	vst v63  }
0x3d: {  	_ =	swait.ge [sflag:s14], $0x2800  }
0x3e: {  	[sflag:s14] =	ssyncset.done $0x0  }
0x3f: {  	[sflag:s14] =	ssyncadd.s32 $0xFFFFD800  }
0x40: {  	_ =	swait.ge [sflag:s15], $0x4000  }
0x41: {  	[sflag:s15] =	ssyncset.done $0x0  }
0x42: {  	[sflag:s15] =	ssyncadd.s32 $0xFFFFC000  }
0x43: {  	_ =	swait.ge [sflag:s15], $0x4000  }
0x44: {  	[sflag:s15] =	ssyncset.done $0x0  }
0x45: {  	[sflag:s15] =	ssyncadd.s32 $0xFFFFC000  }
0x46: {  	_ =	swait.ge [sflag:s15], $0x4000  }
0x47: {  	[sflag:s15] =	ssyncset.done $0x0  }
0x48: {  	[sflag:s15] =	ssyncadd.s32 $0xFFFFC000  }
0x49: {  	_ =	swait.ge [sflag:s15], $0x4000  }
0x4a: {  	[sflag:s15] =	ssyncset.done $0x0  }
0x4b: {  	[sflag:s15] =	ssyncadd.s32 $0xFFFFC000  }
0x4c: {  	_ =	swait.ge [sflag:s15], $0x4000  }
0x4d: {  	[sflag:s15] =	ssyncset.done $0x0  }
0x4e: {  	[sflag:s15] =	ssyncadd.s32 $0xFFFFC000  }
0x4f: {  	[bflag:$0x0] =	sbarrier.arrive $0xFFFF  }
.LBB2_6:
0x50: {  	p1 =	sne.s32 s20, $0x9E00  }
.Ltmp2:
0x51: {  	_ = 	snop;
	(pc) =	sbr.rel @p1 .LBB2_6-.Ltmp2, $3  }
0x52: {  	_ =	sdelay $0x1  }
0x53: {  	s21 =	sshra.s32 s20, $0x2;
	s20 =	sadd.s32 $0x200, s20  }
0x54: {  	[spmem:s2] =	stream.indirect.scatter.add.f32 [tilespmem:s17], [sflag:$0x1], $0x80, s21, s16, $0xb8;
	[tilespmem:$0x1E800] =	vst v63  }
0x55: {  	_ =	swait.ge [sflag:s15], $0x4000  }
0x56: {  	s20 =	simm.s32 $0x4F;
	[sflag:s15] =	ssyncset.done $0x0  }
.LBB2_8:
0x57: {  	p1 =	sne.s32 s20, $0x1;
	s20 =	sadd.s32 $0xFFFFFFFF, s20;
	[sflag:s15] =	ssyncadd.s32 $0xFFFFC000  }
.Ltmp3:
0x58: {  	(pc) =	sbr.rel @p1 .LBB2_8-.Ltmp3, $3  }
0x59: {  	_ =	sdelay $0x1  }
0x5a: {  	_ =	swait.ge [sflag:s15], $0x4000  }
0x5b: {  	[sflag:s15] =	ssyncset.done $0x0  }
0x5c: {  	[sflag:s15] =	ssyncadd.s32 $0xFFFFC000  }
0x5d: {  	s20 =	simm.s32 @p0 $0x1FC2;
	[bflag:$0x0] =	sbarrier.arrive $0xFFFF  }
0x5e: {  	[hbm:s11], [sflag:s20] =	dma.local @p0 [spmem:s18], $0x2800  }
0x5f: {  	s20 =	simm.s32 @p0 $0x2  }
0x60: {  	_ =	swait.ge @p0 [sflag:s20], $0x2800  }
0x61: {  	s21 =	sshll.u32 @!p0 s1, $0x6;
	s3 =	sadd.s32 $0x1, s3;
	[sflag:s20] =	ssyncset.done @p0 $0x0  }
0x62: {  	p1 =	sne.s32 s3, s12;
	[sflag:s20] =	ssyncadd.s32 @p0 $0xFFFFD800;
	s20 =	sor.u32 @!p0 $0x1C02, s21  }
0x63: {  	[hbm:s10], [sflag:s20] =	dma.local @!p0 [spmem:s19], $0x2700  }
.Ltmp4:
0x64: {  	_ = 	snop;
	(pc) =	sbr.rel @p1 .LBB2_1-.Ltmp4, $4  }
0x65: {  	s20 =	simm.s32 @!p0 $0x2  }
0x66: {  	_ =	swait.ge @!p0 [sflag:s20], $0x2700  }
0x67: {  	[sflag:s20] =	ssyncset.done @!p0 $0x0  }
0x68: {  	[sflag:s20] =	ssyncadd.s32 @!p0 $0xFFFFD900  }
0x69: {  	_ =	sfence.sel $0x180000  }
0x6a: {  	[bflag:$0x0] =	sbarrier.arrive $0xFFFF  }
0x6b: {  	p0 =	sne.s32 s1, $0x0;
	_ =	strace $0x90000047  }
0x6c: {  	s0 =	sadd.s32 @!p0 $0x100000, s0;
	[bflag:$0x2] =	sbarrier.arrive $0xFFFF  }
0x6d: {  	[sflag:s0] =	ssyncadd.tile.s32 @!p0 $0x1;
	_ =	shalt  }
.Lfunc_end2:
_tile_overlayer_lowered:
.L_overlay_start_2:
0x6e: {  	(tag) =	ssettag $0x2  }
0x6f: {  	s0 =	rddreg [dreg:$0x0];
	s2 =	stileid.u32  }
0x70: {  	s1 =	rddreg [dreg:$0x1];
	p0 =	sne.s32 s2, $0x0  }
0x71: {  	s3 =	rddreg [dreg:$0x2];
	[bflag:$0x3] =	sbarrier.arrive $0xFFFF;
	s2 =	simm.s32 @!p0 $0x1C02  }
0x72: {  	[timem:s3], [sflag:s2] =	dma.local @!p0 [hbm:s0], s1  }
0x73: {  	s0 =	simm.s32 @!p0 $0x2  }
0x74: {  	_ =	swait.ge @!p0 [sflag:s0], s1  }
0x75: {  	s1 =	ssub.s32 @!p0 $0x0, s1;
	[sflag:s0] =	ssyncset.done @!p0 $0x0  }
0x76: {  	[sflag:s0] =	ssyncadd.s32 @!p0 s1  }
0x77: {  	[bflag:$0x3] =	sbarrier.arrive $0xFFFF  }
0x78: {  	_ =	shalt  }

</sc_bundles>
